<compile_context>
chip_gen: v7x
topology: tpu7x:2x2x1
jax: 0.10.2.dev20260603
libtpu: 0.0.44.dev20260713+nightly
codegen_flags: <defaults>
</compile_context>

<pallas_src>
import functools

import jax
import jax.numpy as jnp
from jax import lax
from jax.experimental import pallas as pl
from jax.experimental.pallas import tpu as pltpu
from jax.experimental.pallas import tpu_sc as plsc

_FILTER_SIZE = 3
_TEMPERATURE = 0.01


def _evaluate_body(B, C, H, W, NUM, KK, NWORKERS,
                   left_hbm, rt_hbm, offx_hbm, offy_hbm,
                   ox_hbm, oy_hbm, cor_hbm,
                   offx_v, offy_v, lvT, rowsA, rowsB, gidxA, gidxB,
                   oxs, oys, cors, semA, semB, semL):
    HW = H * W
    P = (B * HW) // NWORKERS
    CHUNKS_PER_BATCH = HW // P
    L = 16
    GROUPS = P // L
    NA = 5
    NB = NUM - NA
    WSHIFT = W.bit_length() - 1

    wid = lax.axis_index("s") * 2 + lax.axis_index("c")
    b = wid // CHUNKS_PER_BATCH
    p0 = (wid % CHUNKS_PER_BATCH) * P

    pltpu.sync_copy(offx_hbm.at[b, :, pl.ds(p0, P)], offx_v)
    pltpu.sync_copy(offy_hbm.at[b, :, pl.ds(p0, P)], offy_v)

    lane = lax.iota(jnp.int32, L)
    w_f = jnp.float32(W)
    base = b * HW

    def group_inds(g):
        pg0 = p0 + g * L
        p_vec = pg0 + lane
        row_i = p_vec >> WSHIFT
        col_i = p_vec & (W - 1)
        inds = []
        row_f = row_i.astype(jnp.float32)
        col_f = col_i.astype(jnp.float32)
        for n in range(NUM):
            ox_n = offx_v[n, pl.ds(g * L, L)]
            oy_n = offy_v[n, pl.ds(g * L, L)]
            ind_f = (oy_n + row_f) * w_f + (ox_n + col_f)
            inds.append(ind_f.astype(jnp.int32))
        return inds, row_i, col_i

    def fire(g, subset, gidx_ref, rows_ref, sem):
        inds, _, _ = group_inds(g)
        for j, n in enumerate(subset):
            gidx_ref[pl.ds(j * L, L)] = jnp.clip(inds[n] + base, 0, B * HW - 1)
        pltpu.async_copy(rt_hbm.at[gidx_ref], rows_ref, sem)

    def wait(gidx_ref, rows_ref, sem):
        pltpu.make_async_copy(rt_hbm.at[gidx_ref], rows_ref, sem).wait()

    SET_A = list(range(NA))
    SET_B = list(range(NA, NUM))
    slotA = [jnp.int32(j) * L + lane for j in range(NA)]
    slotB = [jnp.int32(j) * L + lane for j in range(NB)]

    def dot_subset(lv_g, rows_ref, slots):
        nn = len(slots)

        def cbody(c, accs):
            phase = (lane + c) & (C - 1)
            lvec = plsc.load_gather(lv_g, [lane, phase])
            return tuple(accs[j] + lvec * plsc.load_gather(rows_ref,
                                                           [slots[j], phase])
                         for j in range(nn))

        init = tuple(jnp.zeros((L,), jnp.float32) for _ in range(nn))
        return plsc.parallel_loop(0, C, 1, unroll=4, carry=init)(cbody)

    def fire_left(g, buf):
        pltpu.async_copy(left_hbm.at[b, pl.ds(p0 + g * L, L), :], buf, semL)

    def wait_left(g, buf):
        pltpu.make_async_copy(left_hbm.at[b, pl.ds(p0 + g * L, L), :],
                              buf, semL).wait()

    fire(0, SET_A, gidxA, rowsA, semA)
    fire(0, SET_B, gidxB, rowsB, semB)
    fire_left(0, lvT.at[0])

    def group_body(g, lv_g, lv_next):
        g2 = jnp.minimum(g + 1, GROUPS - 1)

        wait_left(g, lv_g)

        @pl.when(g < GROUPS - 1)
        def _():
            fire_left(g2, lv_next)

        wait(gidxA, rowsA, semA)
        accA = dot_subset(lv_g, rowsA, slotA)
        inds, row_i, col_i = group_inds(g)

        @pl.when(g < GROUPS - 1)
        def _():
            fire(g2, SET_A, gidxA, rowsA, semA)

        wait(gidxB, rowsB, semB)
        accB = dot_subset(lv_g, rowsB, slotB)

        @pl.when(g < GROUPS - 1)
        def _():
            fire(g2, SET_B, gidxB, rowsB, semB)

        accs = list(accA) + list(accB)
        s = [a / jnp.float32(_TEMPERATURE) for a in accs]
        m = s[0]
        for n in range(1, NUM):
            m = jnp.maximum(m, s[n])
        e = [jnp.exp(sn - m) for sn in s]
        den = e[0]
        for n in range(1, NUM):
            den = den + e[n]
        sm = [en / den for en in e]

        taken = [jnp.zeros((L,), jnp.bool_) for _ in range(NUM)]
        for k in range(KK):
            bv = jnp.full((L,), -jnp.inf, jnp.float32)
            bi = jnp.zeros((L,), jnp.int32)
            bn = jnp.zeros((L,), jnp.int32)
            for n in range(NUM):
                better = jnp.logical_and(jnp.logical_not(taken[n]), sm[n] > bv)
                bv = jnp.where(better, sm[n], bv)
                bi = jnp.where(better, inds[n], bi)
                bn = jnp.where(better, jnp.int32(n), bn)
            taken = [jnp.logical_or(taken[n], bn == n) for n in range(NUM)]
            r_k = bi >> WSHIFT
            c_k = bi & (W - 1)
            oxs[k, pl.ds(g * L, L)] = (c_k - col_i).astype(jnp.float32)
            oys[k, pl.ds(g * L, L)] = (r_k - row_i).astype(jnp.float32)
            cors[k, pl.ds(g * L, L)] = bv

    def pair_body(i, _):
        group_body(2 * i, lvT.at[0], lvT.at[1])
        group_body(2 * i + 1, lvT.at[1], lvT.at[0])
        return 0

    lax.fori_loop(0, GROUPS // 2, pair_body, 0)

    pltpu.sync_copy(oxs, ox_hbm.at[b, :, pl.ds(p0, P)])
    pltpu.sync_copy(oys, oy_hbm.at[b, :, pl.ds(p0, P)])
    pltpu.sync_copy(cors, cor_hbm.at[b, :, pl.ds(p0, P)])


def _uniform_body(B, H, W, NUM, KK, NWORKERS,
                  offx_hbm, offy_hbm, ox_hbm, oy_hbm, cor_hbm,
                  offx_v, offy_v, oxs, oys, cors):
    HW = H * W
    P = (B * HW) // NWORKERS
    CHUNKS_PER_BATCH = HW // P
    L = 16
    GROUPS = P // L
    WSHIFT = W.bit_length() - 1

    wid = lax.axis_index("s") * 2 + lax.axis_index("c")
    b = wid // CHUNKS_PER_BATCH
    p0 = (wid % CHUNKS_PER_BATCH) * P

    pltpu.sync_copy(offx_hbm.at[b, 0, pl.ds(p0, P)], offx_v)
    pltpu.sync_copy(offy_hbm.at[b, 0, pl.ds(p0, P)], offy_v)

    lane = lax.iota(jnp.int32, L)
    w_f = jnp.float32(W)
    inv = jnp.full((L,), 1.0, jnp.float32) / jnp.float32(NUM)

    def group_body(g, _):
        pg0 = p0 + g * L
        p_vec = pg0 + lane
        row_i = p_vec >> WSHIFT
        col_i = p_vec & (W - 1)
        ox0 = offx_v[pl.ds(g * L, L)]
        oy0 = offy_v[pl.ds(g * L, L)]
        ind_f = (oy0 + row_i.astype(jnp.float32)) * w_f \
            + (ox0 + col_i.astype(jnp.float32))
        bi = ind_f.astype(jnp.int32)
        oxv = ((bi & (W - 1)) - col_i).astype(jnp.float32)
        oyv = ((bi >> WSHIFT) - row_i).astype(jnp.float32)
        for k in range(KK):
            oxs[k, pl.ds(g * L, L)] = oxv
            oys[k, pl.ds(g * L, L)] = oyv
            cors[k, pl.ds(g * L, L)] = inv
        return 0

    lax.fori_loop(0, GROUPS, group_body, 0)

    pltpu.sync_copy(oxs, ox_hbm.at[b, :, pl.ds(p0, P)])
    pltpu.sync_copy(oys, oy_hbm.at[b, :, pl.ds(p0, P)])
    pltpu.sync_copy(cors, cor_hbm.at[b, :, pl.ds(p0, P)])


def kernel(left_features, right_features, offset_x, offset_y):
    B, C, HW = left_features.shape
    _, NUM, H, W = offset_x.shape
    assert W & (W - 1) == 0, "W must be a power of two"
    assert C & (C - 1) == 0, "C must be a power of two"
    KK = NUM // _FILTER_SIZE
    NWORKERS = 32
    P = (B * HW) // NWORKERS
    L = 16
    NA, NB = 5, NUM - 5

    offx_r = offset_x.reshape(B, NUM, HW)
    offy_r = offset_y.reshape(B, NUM, HW)

    mesh = plsc.VectorSubcoreMesh(core_axis_name="c", subcore_axis_name="s")
    f32 = jnp.float32
    out_type = (jax.ShapeDtypeStruct((B, KK, HW), f32),
                jax.ShapeDtypeStruct((B, KK, HW), f32),
                jax.ShapeDtypeStruct((B, KK, HW), f32))
    params = pltpu.CompilerParams(use_tc_tiling_on_sc=False,
                                  needs_layout_passes=False,
                                  disable_bounds_checks=True)

    def general_branch(ops):
        left, right, offx, offy = ops
        left_t = jnp.swapaxes(left, 1, 2)
        right_t = jnp.swapaxes(right, 0, 1)
        scratch = [
            pltpu.VMEM((NUM, P), f32),
            pltpu.VMEM((NUM, P), f32),
            pltpu.VMEM((2, L, C), f32),
            pltpu.VMEM((NA * L, C), f32),
            pltpu.VMEM((NB * L, C), f32),
            pltpu.VMEM((NA * L,), jnp.int32),
            pltpu.VMEM((NB * L,), jnp.int32),
            pltpu.VMEM((KK, P), f32),
            pltpu.VMEM((KK, P), f32),
            pltpu.VMEM((KK, P), f32),
            pltpu.SemaphoreType.DMA,
            pltpu.SemaphoreType.DMA,
            pltpu.SemaphoreType.DMA,
        ]
        body = functools.partial(_evaluate_body, B, C, H, W, NUM, KK,
                                 NWORKERS)
        run = pl.kernel(body, out_type=out_type, mesh=mesh,
                        scratch_types=scratch, compiler_params=params)
        return run(left_t, right_t, offx, offy)

    def uniform_branch(ops):
        _, _, offx, offy = ops
        scratch = [
            pltpu.VMEM((P,), f32),
            pltpu.VMEM((P,), f32),
            pltpu.VMEM((KK, P), f32),
            pltpu.VMEM((KK, P), f32),
            pltpu.VMEM((KK, P), f32),
        ]
        body = functools.partial(_uniform_body, B, H, W, NUM, KK, NWORKERS)
        run = pl.kernel(body, out_type=out_type, mesh=mesh,
                        scratch_types=scratch, compiler_params=params)
        return run(offx, offy)

    rows_ref = jnp.arange(H, dtype=f32).reshape(1, 1, H, 1)
    cols_ref = jnp.arange(W, dtype=f32).reshape(1, 1, 1, W)
    ind_all = ((offset_y + rows_ref) * W + (offset_x + cols_ref)
               ).astype(jnp.int32)
    uniform = jnp.all(ind_all == ind_all[:, :1])

    ox, oy, corr = lax.cond(uniform, uniform_branch, general_branch,
                            (left_features, right_features, offx_r, offy_r))
    return (ox.reshape(B, KK, H, W), oy.reshape(B, KK, H, W), corr)

# --- scband reference (transcript-rebuilt; emitter-appended) ---
"""Pipeline reference for scband-evaluate-14963666059433 (READ-ONLY COPY).

The authoritative reference and input builder live on the scoring server;
editing this copy changes nothing except your own understanding.
"""

import jax, jax.numpy as jnp
import numpy as np

FILTER_SIZE = 3
TEMPERATURE = 0.01
B, C, H, W, NUM = 4, 512, 64, 64, 9


def setup_inputs(seed: int = 0):
    key = jax.random.key(seed)
    k1, k2 = jax.random.split(key)
    left_features = jax.random.normal(k1, (B, C, H * W), dtype=jnp.float32)
    right_features = jax.random.normal(k2, (C, B * H * W), dtype=jnp.float32)
    offset_x = jnp.zeros((B, NUM, H, W), dtype=jnp.float32)
    offset_y = jnp.zeros((B, NUM, H, W), dtype=jnp.float32)
    return {"left_features": left_features, "right_features": right_features, "offset_x": offset_x, "offset_y": offset_y}


def offset_to_inds(offset_x, offset_y):
    b, num, h, w = offset_x.shape
    row_ref = jnp.arange(h, dtype=offset_x.dtype).reshape(1, 1, h, 1)
    col_ref = jnp.arange(w, dtype=offset_x.dtype).reshape(1, 1, 1, w)
    return (offset_y + row_ref) * w + (offset_x + col_ref)


def inds_to_offset(inds):
    b, num, h, w = inds.shape
    row = jnp.floor_divide(inds, w)
    col = jnp.mod(inds, w)
    row_ref = jnp.arange(h, dtype=inds.dtype).reshape(1, 1, h, 1)
    col_ref = jnp.arange(w, dtype=inds.dtype).reshape(1, 1, 1, w)
    return col - col_ref, row - row_ref


def reference(left_features, right_features, offset_x, offset_y):
    batch_size, num, height, width = offset_x.shape
    channel = left_features.shape[1]
    matching_inds = offset_to_inds(offset_x, offset_y)
    matching_inds = jnp.transpose(matching_inds.reshape(batch_size, num, height * width), (0, 2, 1)).astype(jnp.int64)
    base_batch = (jnp.arange(batch_size, dtype=jnp.int64) * (height * width)).reshape(-1, 1, 1)
    matching_inds_add_base = matching_inds + base_batch
    match_cost = []
    for i in range(matching_inds_add_base.shape[-1]):
        idx = matching_inds_add_base[:, :, i].reshape(-1)
        sel = jnp.take(right_features, idx, axis=1)
        sel = jnp.transpose(sel.reshape(channel, batch_size, -1), (1, 0, 2))
        mc = jnp.sum(left_features * sel, axis=1, keepdims=True) / TEMPERATURE
        match_cost.append(mc)
    match_cost = jnp.transpose(jnp.concatenate(match_cost, axis=1), (0, 2, 1))
    match_cost = jax.nn.softmax(match_cost, axis=-1)
    kk = num // FILTER_SIZE
    match_cost_topk, topk_idx = jax.lax.top_k(match_cost, kk)
    matching_inds = jnp.take_along_axis(matching_inds, topk_idx, axis=-1)
    matching_inds = jnp.transpose(matching_inds, (0, 2, 1)).reshape(batch_size, -1, height, width).astype(jnp.float32)
    ox, oy = inds_to_offset(matching_inds)
    corr = jnp.transpose(match_cost_topk, (0, 2, 1))
    return ox, oy, corr

if __name__ == "__main__":
    import jax
    _d = setup_inputs()
    print(jax.jit(kernel)(*tuple(_d.values())))

</pallas_src>

<mosaic_0001>
#map = affine_map<(d0, d1) -> (0, 0, 0)>
#map1 = affine_map<(d0, d1) -> (0, 0)>
module attributes {stable_mosaic.version = 14 : i64} {
  func.func @_evaluate_body(%arg0: i32, %arg1: i32, %arg2: memref<4x4096x512xf32, #tpu.memory_space<hbm>>, %arg3: memref<16384x512xf32, #tpu.memory_space<hbm>>, %arg4: memref<4x9x4096xf32, #tpu.memory_space<hbm>>, %arg5: memref<4x9x4096xf32, #tpu.memory_space<hbm>>, %arg6: memref<4x3x4096xf32, #tpu.memory_space<hbm>>, %arg7: memref<4x3x4096xf32, #tpu.memory_space<hbm>>, %arg8: memref<4x3x4096xf32, #tpu.memory_space<hbm>>, %arg9: memref<9x512xf32, #tpu.memory_space<vmem>>, %arg10: memref<9x512xf32, #tpu.memory_space<vmem>>, %arg11: memref<2x16x512xf32, #tpu.memory_space<vmem>>, %arg12: memref<80x512xf32, #tpu.memory_space<vmem>>, %arg13: memref<64x512xf32, #tpu.memory_space<vmem>>, %arg14: memref<80xi32, #tpu.memory_space<vmem>>, %arg15: memref<64xi32, #tpu.memory_space<vmem>>, %arg16: memref<3x512xf32, #tpu.memory_space<vmem>>, %arg17: memref<3x512xf32, #tpu.memory_space<vmem>>, %arg18: memref<3x512xf32, #tpu.memory_space<vmem>>, %arg19: memref<!tpu.dma_semaphore, #tpu.memory_space<semaphore_mem>>, %arg20: memref<!tpu.dma_semaphore, #tpu.memory_space<semaphore_mem>>, %arg21: memref<!tpu.dma_semaphore, #tpu.memory_space<semaphore_mem>>) attributes {dimension_semantics = [#tpu.dimension_semantics<core_parallel>, #tpu.dimension_semantics<subcore_parallel>], iteration_bounds = array<i64: 2, 16>, scalar_prefetch = 0 : i64, scratch_operands = 13 : i64, tpu.core_type = #tpu.core_type<sc_vector_subcore>, window_params = [{transform_indices = #map}, {transform_indices = #map1}, {transform_indices = #map}, {transform_indices = #map}, {transform_indices = #map}, {transform_indices = #map}, {transform_indices = #map}]} {
    %mul3A = arith.constant 2 : i32
    %mul3A_0 = arith.muli %arg1, %mul3A : i32
    %add3A = arith.addi %mul3A_0, %arg0 : i32
    %jit3A = arith.constant 8 : i32
    %div3A = arith.divsi %add3A, %jit3A : i32
    %sign3A = arith.constant 0 : i32
    %sign3A_1 = arith.cmpi sgt, %add3A, %sign3A : i32
    %sign3A_2 = arith.extui %sign3A_1 : i1 to i32
    %sign3A_3 = arith.constant 0 : i32
    %sign3A_4 = arith.cmpi slt, %add3A, %sign3A_3 : i32
    %sign3A_5 = arith.extui %sign3A_4 : i1 to i32
    %sign3A_6 = arith.subi %sign3A_2, %sign3A_5 : i32
    %sign3A_7 = arith.constant 0 : i32
    %sign3A_8 = arith.cmpi sgt, %jit3A, %sign3A_7 : i32
    %sign3A_9 = arith.extui %sign3A_8 : i1 to i32
    %sign3A_10 = arith.constant 0 : i32
    %sign3A_11 = arith.cmpi slt, %jit3A, %sign3A_10 : i32
    %sign3A_12 = arith.extui %sign3A_11 : i1 to i32
    %sign3A_13 = arith.subi %sign3A_9, %sign3A_12 : i32
    %ne3A = arith.cmpi ne, %sign3A_6, %sign3A_13 : i32
    %rem3A = arith.remsi %add3A, %jit3A : i32
    %ne3A_14 = arith.constant 0 : i32
    %ne3A_15 = arith.cmpi ne, %rem3A, %ne3A_14 : i32
    %and3A = arith.andi %ne3A, %ne3A_15 : i1
    %sub3A = arith.constant 1 : i32
    %sub3A_16 = arith.subi %div3A, %sub3A : i32
    %select_n3A = arith.select %and3A, %sub3A_16, %div3A : i32
    %jit3A_17 = arith.constant 8 : i32
    %eq3A = arith.constant 0 : i32
    %eq3A_18 = arith.cmpi eq, %jit3A_17, %eq3A : i32
    %jit3A_19 = arith.constant 1 : i32
    %select_n3A_20 = arith.select %eq3A_18, %jit3A_19, %jit3A_17 : i32
    %rem3A_21 = arith.remsi %add3A, %select_n3A_20 : i32
    %ne3A_22 = arith.constant 0 : i32
    %ne3A_23 = arith.cmpi ne, %rem3A_21, %ne3A_22 : i32
    %lt3A = arith.constant 0 : i32
    %lt3A_24 = arith.cmpi slt, %rem3A_21, %lt3A : i32
    %lt3A_25 = arith.constant 0 : i32
    %lt3A_26 = arith.cmpi slt, %select_n3A_20, %lt3A_25 : i32
    %ne3A_27 = arith.xori %lt3A_24, %lt3A_26 : i1
    %and3A_28 = arith.andi %ne3A_27, %ne3A_23 : i1
    %add3A_29 = arith.addi %rem3A_21, %select_n3A_20 : i32
    %select_n3A_30 = arith.select %and3A_28, %add3A_29, %rem3A_21 : i32
    %mul3A_31 = arith.constant 512 : i32
    %mul3A_32 = arith.muli %select_n3A_30, %mul3A_31 : i32
    "tpu.region"() ({
      %run_scoped3A = tpu.sem_alloc : memref<!tpu.dma_semaphore, #tpu.memory_space<semaphore_mem>>
      %dma_start3A_487 = arith.constant 0 : i32
      %dma_start3A_488 = tpu.memref_slice %arg4[%select_n3A, %dma_start3A_487, %mul3A_32] : memref<4x9x4096xf32, #tpu.memory_space<hbm>> -> memref<1x9x512xf32, #tpu.memory_space<hbm>>
      %dma_start3A_489 = tpu.memref_squeeze %dma_start3A_488 : memref<1x9x512xf32, #tpu.memory_space<hbm>> -> memref<9x512xf32, #tpu.memory_space<hbm>>
      %dma_start3A_490 = arith.constant 0 : i32
      %dma_start3A_491 = tpu.memref_slice %arg4[%select_n3A, %dma_start3A_490, %mul3A_32] : memref<4x9x4096xf32, #tpu.memory_space<hbm>> -> memref<1x9x512xf32, #tpu.memory_space<hbm>>
      %dma_start3A_492 = tpu.memref_squeeze %dma_start3A_491 : memref<1x9x512xf32, #tpu.memory_space<hbm>> -> memref<9x512xf32, #tpu.memory_space<hbm>>
      tpu.enqueue_dma source(%dma_start3A_492 : memref<9x512xf32, #tpu.memory_space<hbm>>) target(%arg9 : memref<9x512xf32, #tpu.memory_space<vmem>>) target_semaphore(%run_scoped3A : memref<!tpu.dma_semaphore, #tpu.memory_space<semaphore_mem>>)
      %dma_wait3A = arith.constant 0 : i32
      %dma_wait3A_493 = tpu.memref_slice %arg4[%select_n3A, %dma_wait3A, %mul3A_32] : memref<4x9x4096xf32, #tpu.memory_space<hbm>> -> memref<1x9x512xf32, #tpu.memory_space<hbm>>
      %dma_wait3A_494 = tpu.memref_squeeze %dma_wait3A_493 : memref<1x9x512xf32, #tpu.memory_space<hbm>> -> memref<9x512xf32, #tpu.memory_space<hbm>>
      %dma_wait3A_495 = arith.constant 0 : i32
      %dma_wait3A_496 = tpu.memref_slice %arg4[%select_n3A, %dma_wait3A_495, %mul3A_32] : memref<4x9x4096xf32, #tpu.memory_space<hbm>> -> memref<1x9x512xf32, #tpu.memory_space<hbm>>
      %dma_wait3A_497 = tpu.memref_squeeze %dma_wait3A_496 : memref<1x9x512xf32, #tpu.memory_space<hbm>> -> memref<9x512xf32, #tpu.memory_space<hbm>>
      tpu.wait_dma2 semaphore(%run_scoped3A : memref<!tpu.dma_semaphore, #tpu.memory_space<semaphore_mem>>) src(%dma_wait3A_497 : memref<9x512xf32, #tpu.memory_space<hbm>>) dst(%arg9 : memref<9x512xf32, #tpu.memory_space<vmem>>)
      tpu.yield
    }) : () -> ()
    "tpu.region"() ({
      %run_scoped3A = tpu.sem_alloc : memref<!tpu.dma_semaphore, #tpu.memory_space<semaphore_mem>>
      %dma_start3A_487 = arith.constant 0 : i32
      %dma_start3A_488 = tpu.memref_slice %arg5[%select_n3A, %dma_start3A_487, %mul3A_32] : memref<4x9x4096xf32, #tpu.memory_space<hbm>> -> memref<1x9x512xf32, #tpu.memory_space<hbm>>
      %dma_start3A_489 = tpu.memref_squeeze %dma_start3A_488 : memref<1x9x512xf32, #tpu.memory_space<hbm>> -> memref<9x512xf32, #tpu.memory_space<hbm>>
      %dma_start3A_490 = arith.constant 0 : i32
      %dma_start3A_491 = tpu.memref_slice %arg5[%select_n3A, %dma_start3A_490, %mul3A_32] : memref<4x9x4096xf32, #tpu.memory_space<hbm>> -> memref<1x9x512xf32, #tpu.memory_space<hbm>>
      %dma_start3A_492 = tpu.memref_squeeze %dma_start3A_491 : memref<1x9x512xf32, #tpu.memory_space<hbm>> -> memref<9x512xf32, #tpu.memory_space<hbm>>
      tpu.enqueue_dma source(%dma_start3A_492 : memref<9x512xf32, #tpu.memory_space<hbm>>) target(%arg10 : memref<9x512xf32, #tpu.memory_space<vmem>>) target_semaphore(%run_scoped3A : memref<!tpu.dma_semaphore, #tpu.memory_space<semaphore_mem>>)
      %dma_wait3A = arith.constant 0 : i32
      %dma_wait3A_493 = tpu.memref_slice %arg5[%select_n3A, %dma_wait3A, %mul3A_32] : memref<4x9x4096xf32, #tpu.memory_space<hbm>> -> memref<1x9x512xf32, #tpu.memory_space<hbm>>
      %dma_wait3A_494 = tpu.memref_squeeze %dma_wait3A_493 : memref<1x9x512xf32, #tpu.memory_space<hbm>> -> memref<9x512xf32, #tpu.memory_space<hbm>>
      %dma_wait3A_495 = arith.constant 0 : i32
      %dma_wait3A_496 = tpu.memref_slice %arg5[%select_n3A, %dma_wait3A_495, %mul3A_32] : memref<4x9x4096xf32, #tpu.memory_space<hbm>> -> memref<1x9x512xf32, #tpu.memory_space<hbm>>
      %dma_wait3A_497 = tpu.memref_squeeze %dma_wait3A_496 : memref<1x9x512xf32, #tpu.memory_space<hbm>> -> memref<9x512xf32, #tpu.memory_space<hbm>>
      tpu.wait_dma2 semaphore(%run_scoped3A : memref<!tpu.dma_semaphore, #tpu.memory_space<semaphore_mem>>) src(%dma_wait3A_497 : memref<9x512xf32, #tpu.memory_space<hbm>>) dst(%arg10 : memref<9x512xf32, #tpu.memory_space<vmem>>)
      tpu.yield
    }) : () -> ()
    %iota3A = tpu.iota {dimensions = array<i32: 0>} : vector<16xi32>
    %mul3A_33 = arith.constant 4096 : i32
    %mul3A_34 = arith.muli %select_n3A, %mul3A_33 : i32
    %mul3A_35 = arith.constant 0 : i32
    %mul3A_36 = arith.constant 16 : i32
    %mul3A_37 = arith.muli %mul3A_35, %mul3A_36 : i32
    %add3A_38 = vector.broadcast %mul3A_37 : i32 to vector<16xi32>
    %add3A_39 = arith.addi %add3A_38, %iota3A : vector<16xi32>
    %mul3A_40 = arith.constant 1 : i32
    %mul3A_41 = arith.constant 16 : i32
    %mul3A_42 = arith.muli %mul3A_40, %mul3A_41 : i32
    %add3A_43 = vector.broadcast %mul3A_42 : i32 to vector<16xi32>
    %add3A_44 = arith.addi %add3A_43, %iota3A : vector<16xi32>
    %mul3A_45 = arith.constant 2 : i32
    %mul3A_46 = arith.constant 16 : i32
    %mul3A_47 = arith.muli %mul3A_45, %mul3A_46 : i32
    %add3A_48 = vector.broadcast %mul3A_47 : i32 to vector<16xi32>
    %add3A_49 = arith.addi %add3A_48, %iota3A : vector<16xi32>
    %mul3A_50 = arith.constant 3 : i32
    %mul3A_51 = arith.constant 16 : i32
    %mul3A_52 = arith.muli %mul3A_50, %mul3A_51 : i32
    %add3A_53 = vector.broadcast %mul3A_52 : i32 to vector<16xi32>
    %add3A_54 = arith.addi %add3A_53, %iota3A : vector<16xi32>
    %mul3A_55 = arith.constant 4 : i32
    %mul3A_56 = arith.constant 16 : i32
    %mul3A_57 = arith.muli %mul3A_55, %mul3A_56 : i32
    %add3A_58 = vector.broadcast %mul3A_57 : i32 to vector<16xi32>
    %add3A_59 = arith.addi %add3A_58, %iota3A : vector<16xi32>
    %mul3A_60 = arith.constant 0 : i32
    %mul3A_61 = arith.constant 16 : i32
    %mul3A_62 = arith.muli %mul3A_60, %mul3A_61 : i32
    %add3A_63 = vector.broadcast %mul3A_62 : i32 to vector<16xi32>
    %add3A_64 = arith.addi %add3A_63, %iota3A : vector<16xi32>
    %mul3A_65 = arith.constant 1 : i32
    %mul3A_66 = arith.constant 16 : i32
    %mul3A_67 = arith.muli %mul3A_65, %mul3A_66 : i32
    %add3A_68 = vector.broadcast %mul3A_67 : i32 to vector<16xi32>
    %add3A_69 = arith.addi %add3A_68, %iota3A : vector<16xi32>
    %mul3A_70 = arith.constant 2 : i32
    %mul3A_71 = arith.constant 16 : i32
    %mul3A_72 = arith.muli %mul3A_70, %mul3A_71 : i32
    %add3A_73 = vector.broadcast %mul3A_72 : i32 to vector<16xi32>
    %add3A_74 = arith.addi %add3A_73, %iota3A : vector<16xi32>
    %mul3A_75 = arith.constant 3 : i32
    %mul3A_76 = arith.constant 16 : i32
    %mul3A_77 = arith.muli %mul3A_75, %mul3A_76 : i32
    %add3A_78 = vector.broadcast %mul3A_77 : i32 to vector<16xi32>
    %add3A_79 = arith.addi %add3A_78, %iota3A : vector<16xi32>
    %add3A_80 = arith.constant 0 : i32
    %add3A_81 = arith.addi %mul3A_32, %add3A_80 : i32
    %add3A_82 = vector.broadcast %add3A_81 : i32 to vector<16xi32>
    %add3A_83 = arith.addi %add3A_82, %iota3A : vector<16xi32>
    %shift_right_arithmetic3A = arith.constant 6 : i32
    %shift_right_arithmetic3A_84 = vector.broadcast %shift_right_arithmetic3A : i32 to vector<16xi32>
    %shift_right_arithmetic3A_85 = arith.shrsi %add3A_83, %shift_right_arithmetic3A_84 : vector<16xi32>
    %and3A_86 = arith.constant 63 : i32
    %and3A_87 = vector.broadcast %and3A_86 : i32 to vector<16xi32>
    %and3A_88 = arith.andi %add3A_83, %and3A_87 : vector<16xi32>
    %convert_element_type3A = arith.sitofp %shift_right_arithmetic3A_85 : vector<16xi32> to vector<16xf32>
    %convert_element_type3A_89 = arith.sitofp %and3A_88 : vector<16xi32> to vector<16xf32>
    %get3A = arith.constant 0 : i32
    %get3A_90 = arith.index_cast %get3A : i32 to index
    %get3A_91 = arith.constant 0 : index
    %get3A_92 = tpu.vector_load %arg9[%get3A_90, %get3A_91] {strides = array<i32>} : memref<9x512xf32, #tpu.memory_space<vmem>>, vector<16xf32>,
    %get3A_93 = arith.constant 0 : i32
    %get3A_94 = arith.index_cast %get3A_93 : i32 to index
    %get3A_95 = arith.constant 0 : index
    %get3A_96 = tpu.vector_load %arg10[%get3A_94, %get3A_95] {strides = array<i32>} : memref<9x512xf32, #tpu.memory_space<vmem>>, vector<16xf32>,
    %add3A_97 = arith.addf %get3A_96, %convert_element_type3A : vector<16xf32>
    %mul3A_98 = arith.constant 6.400000e+01 : f32
    %mul3A_99 = vector.broadcast %mul3A_98 : f32 to vector<16xf32>
    %mul3A_100 = arith.mulf %add3A_97, %mul3A_99 : vector<16xf32>
    %add3A_101 = arith.addf %get3A_92, %convert_element_type3A_89 : vector<16xf32>
    %add3A_102 = arith.addf %mul3A_100, %add3A_101 : vector<16xf32>
    %convert_element_type3A_103 = arith.fptosi %add3A_102 : vector<16xf32> to vector<16xi32>
    %get3A_104 = arith.constant 1 : i32
    %get3A_105 = arith.index_cast %get3A_104 : i32 to index
    %get3A_106 = arith.constant 0 : index
    %get3A_107 = tpu.vector_load %arg9[%get3A_105, %get3A_106] {strides = array<i32>} : memref<9x512xf32, #tpu.memory_space<vmem>>, vector<16xf32>,
    %get3A_108 = arith.constant 1 : i32
    %get3A_109 = arith.index_cast %get3A_108 : i32 to index
    %get3A_110 = arith.constant 0 : index
    %get3A_111 = tpu.vector_load %arg10[%get3A_109, %get3A_110] {strides = array<i32>} : memref<9x512xf32, #tpu.memory_space<vmem>>, vector<16xf32>,
    %add3A_112 = arith.addf %get3A_111, %convert_element_type3A : vector<16xf32>
    %mul3A_113 = arith.constant 6.400000e+01 : f32
    %mul3A_114 = vector.broadcast %mul3A_113 : f32 to vector<16xf32>
    %mul3A_115 = arith.mulf %add3A_112, %mul3A_114 : vector<16xf32>
    %add3A_116 = arith.addf %get3A_107, %convert_element_type3A_89 : vector<16xf32>
    %add3A_117 = arith.addf %mul3A_115, %add3A_116 : vector<16xf32>
    %convert_element_type3A_118 = arith.fptosi %add3A_117 : vector<16xf32> to vector<16xi32>
    %get3A_119 = arith.constant 2 : i32
    %get3A_120 = arith.index_cast %get3A_119 : i32 to index
    %get3A_121 = arith.constant 0 : index
    %get3A_122 = tpu.vector_load %arg9[%get3A_120, %get3A_121] {strides = array<i32>} : memref<9x512xf32, #tpu.memory_space<vmem>>, vector<16xf32>,
    %get3A_123 = arith.constant 2 : i32
    %get3A_124 = arith.index_cast %get3A_123 : i32 to index
    %get3A_125 = arith.constant 0 : index
    %get3A_126 = tpu.vector_load %arg10[%get3A_124, %get3A_125] {strides = array<i32>} : memref<9x512xf32, #tpu.memory_space<vmem>>, vector<16xf32>,
    %add3A_127 = arith.addf %get3A_126, %convert_element_type3A : vector<16xf32>
    %mul3A_128 = arith.constant 6.400000e+01 : f32
    %mul3A_129 = vector.broadcast %mul3A_128 : f32 to vector<16xf32>
    %mul3A_130 = arith.mulf %add3A_127, %mul3A_129 : vector<16xf32>
    %add3A_131 = arith.addf %get3A_122, %convert_element_type3A_89 : vector<16xf32>
    %add3A_132 = arith.addf %mul3A_130, %add3A_131 : vector<16xf32>
    %convert_element_type3A_133 = arith.fptosi %add3A_132 : vector<16xf32> to vector<16xi32>
    %get3A_134 = arith.constant 3 : i32
    %get3A_135 = arith.index_cast %get3A_134 : i32 to index
    %get3A_136 = arith.constant 0 : index
    %get3A_137 = tpu.vector_load %arg9[%get3A_135, %get3A_136] {strides = array<i32>} : memref<9x512xf32, #tpu.memory_space<vmem>>, vector<16xf32>,
    %get3A_138 = arith.constant 3 : i32
    %get3A_139 = arith.index_cast %get3A_138 : i32 to index
    %get3A_140 = arith.constant 0 : index
    %get3A_141 = tpu.vector_load %arg10[%get3A_139, %get3A_140] {strides = array<i32>} : memref<9x512xf32, #tpu.memory_space<vmem>>, vector<16xf32>,
    %add3A_142 = arith.addf %get3A_141, %convert_element_type3A : vector<16xf32>
    %mul3A_143 = arith.constant 6.400000e+01 : f32
    %mul3A_144 = vector.broadcast %mul3A_143 : f32 to vector<16xf32>
    %mul3A_145 = arith.mulf %add3A_142, %mul3A_144 : vector<16xf32>
    %add3A_146 = arith.addf %get3A_137, %convert_element_type3A_89 : vector<16xf32>
    %add3A_147 = arith.addf %mul3A_145, %add3A_146 : vector<16xf32>
    %convert_element_type3A_148 = arith.fptosi %add3A_147 : vector<16xf32> to vector<16xi32>
    %get3A_149 = arith.constant 4 : i32
    %get3A_150 = arith.index_cast %get3A_149 : i32 to index
    %get3A_151 = arith.constant 0 : index
    %get3A_152 = tpu.vector_load %arg9[%get3A_150, %get3A_151] {strides = array<i32>} : memref<9x512xf32, #tpu.memory_space<vmem>>, vector<16xf32>,
    %get3A_153 = arith.constant 4 : i32
    %get3A_154 = arith.index_cast %get3A_153 : i32 to index
    %get3A_155 = arith.constant 0 : index
    %get3A_156 = tpu.vector_load %arg10[%get3A_154, %get3A_155] {strides = array<i32>} : memref<9x512xf32, #tpu.memory_space<vmem>>, vector<16xf32>,
    %add3A_157 = arith.addf %get3A_156, %convert_element_type3A : vector<16xf32>
    %mul3A_158 = arith.constant 6.400000e+01 : f32
    %mul3A_159 = vector.broadcast %mul3A_158 : f32 to vector<16xf32>
    %mul3A_160 = arith.mulf %add3A_157, %mul3A_159 : vector<16xf32>
    %add3A_161 = arith.addf %get3A_152, %convert_element_type3A_89 : vector<16xf32>
    %add3A_162 = arith.addf %mul3A_160, %add3A_161 : vector<16xf32>
    %convert_element_type3A_163 = arith.fptosi %add3A_162 : vector<16xf32> to vector<16xi32>
    %get3A_164 = arith.constant 5 : i32
    %get3A_165 = arith.index_cast %get3A_164 : i32 to index
    %get3A_166 = arith.constant 0 : index
    %get3A_167 = tpu.vector_load %arg9[%get3A_165, %get3A_166] {strides = array<i32>} : memref<9x512xf32, #tpu.memory_space<vmem>>, vector<16xf32>,
    %get3A_168 = arith.constant 5 : i32
    %get3A_169 = arith.index_cast %get3A_168 : i32 to index
    %get3A_170 = arith.constant 0 : index
    %get3A_171 = tpu.vector_load %arg10[%get3A_169, %get3A_170] {strides = array<i32>} : memref<9x512xf32, #tpu.memory_space<vmem>>, vector<16xf32>,
    %add3A_172 = arith.addf %get3A_171, %convert_element_type3A : vector<16xf32>
    %mul3A_173 = arith.constant 6.400000e+01 : f32
    %mul3A_174 = vector.broadcast %mul3A_173 : f32 to vector<16xf32>
    %mul3A_175 = arith.mulf %add3A_172, %mul3A_174 : vector<16xf32>
    %add3A_176 = arith.addf %get3A_167, %convert_element_type3A_89 : vector<16xf32>
    %add3A_177 = arith.addf %mul3A_175, %add3A_176 : vector<16xf32>
    %convert_element_type3A_178 = arith.fptosi %add3A_177 : vector<16xf32> to vector<16xi32>
    %get3A_179 = arith.constant 6 : i32
    %get3A_180 = arith.index_cast %get3A_179 : i32 to index
    %get3A_181 = arith.constant 0 : index
    %get3A_182 = tpu.vector_load %arg9[%get3A_180, %get3A_181] {strides = array<i32>} : memref<9x512xf32, #tpu.memory_space<vmem>>, vector<16xf32>,
    %get3A_183 = arith.constant 6 : i32
    %get3A_184 = arith.index_cast %get3A_183 : i32 to index
    %get3A_185 = arith.constant 0 : index
    %get3A_186 = tpu.vector_load %arg10[%get3A_184, %get3A_185] {strides = array<i32>} : memref<9x512xf32, #tpu.memory_space<vmem>>, vector<16xf32>,
    %add3A_187 = arith.addf %get3A_186, %convert_element_type3A : vector<16xf32>
    %mul3A_188 = arith.constant 6.400000e+01 : f32
    %mul3A_189 = vector.broadcast %mul3A_188 : f32 to vector<16xf32>
    %mul3A_190 = arith.mulf %add3A_187, %mul3A_189 : vector<16xf32>
    %add3A_191 = arith.addf %get3A_182, %convert_element_type3A_89 : vector<16xf32>
    %add3A_192 = arith.addf %mul3A_190, %add3A_191 : vector<16xf32>
    %convert_element_type3A_193 = arith.fptosi %add3A_192 : vector<16xf32> to vector<16xi32>
    %get3A_194 = arith.constant 7 : i32
    %get3A_195 = arith.index_cast %get3A_194 : i32 to index
    %get3A_196 = arith.constant 0 : index
    %get3A_197 = tpu.vector_load %arg9[%get3A_195, %get3A_196] {strides = array<i32>} : memref<9x512xf32, #tpu.memory_space<vmem>>, vector<16xf32>,
    %get3A_198 = arith.constant 7 : i32
    %get3A_199 = arith.index_cast %get3A_198 : i32 to index
    %get3A_200 = arith.constant 0 : index
    %get3A_201 = tpu.vector_load %arg10[%get3A_199, %get3A_200] {strides = array<i32>} : memref<9x512xf32, #tpu.memory_space<vmem>>, vector<16xf32>,
    %add3A_202 = arith.addf %get3A_201, %convert_element_type3A : vector<16xf32>
    %mul3A_203 = arith.constant 6.400000e+01 : f32
    %mul3A_204 = vector.broadcast %mul3A_203 : f32 to vector<16xf32>
    %mul3A_205 = arith.mulf %add3A_202, %mul3A_204 : vector<16xf32>
    %add3A_206 = arith.addf %get3A_197, %convert_element_type3A_89 : vector<16xf32>
    %add3A_207 = arith.addf %mul3A_205, %add3A_206 : vector<16xf32>
    %convert_element_type3A_208 = arith.fptosi %add3A_207 : vector<16xf32> to vector<16xi32>
    %get3A_209 = arith.constant 8 : i32
    %get3A_210 = arith.index_cast %get3A_209 : i32 to index
    %get3A_211 = arith.constant 0 : index
    %get3A_212 = tpu.vector_load %arg9[%get3A_210, %get3A_211] {strides = array<i32>} : memref<9x512xf32, #tpu.memory_space<vmem>>, vector<16xf32>,
    %get3A_213 = arith.constant 8 : i32
    %get3A_214 = arith.index_cast %get3A_213 : i32 to index
    %get3A_215 = arith.constant 0 : index
    %get3A_216 = tpu.vector_load %arg10[%get3A_214, %get3A_215] {strides = array<i32>} : memref<9x512xf32, #tpu.memory_space<vmem>>, vector<16xf32>,
    %add3A_217 = arith.addf %get3A_216, %convert_element_type3A : vector<16xf32>
    %mul3A_218 = arith.constant 6.400000e+01 : f32
    %mul3A_219 = vector.broadcast %mul3A_218 : f32 to vector<16xf32>
    %mul3A_220 = arith.mulf %add3A_217, %mul3A_219 : vector<16xf32>
    %add3A_221 = arith.addf %get3A_212, %convert_element_type3A_89 : vector<16xf32>
    %add3A_222 = arith.addf %mul3A_220, %add3A_221 : vector<16xf32>
    %convert_element_type3A_223 = arith.fptosi %add3A_222 : vector<16xf32> to vector<16xi32>
    %add3A_224 = vector.broadcast %mul3A_34 : i32 to vector<16xi32>
    %add3A_225 = arith.addi %convert_element_type3A_103, %add3A_224 : vector<16xi32>
    %jit3A_226 = arith.constant 0 : i32
    %jit3A_227 = arith.constant 16383 : i32
    %max3A = vector.broadcast %jit3A_226 : i32 to vector<16xi32>
    %max3A_228 = arith.maxsi %max3A, %add3A_225 : vector<16xi32>
    %min3A = vector.broadcast %jit3A_227 : i32 to vector<16xi32>
    %min3A_229 = arith.minsi %min3A, %max3A_228 : vector<16xi32>
    %swap3A = arith.constant 0 : index
    %swap3A_230 = tpu.vector_load %arg14[%swap3A] {strides = array<i32>} : memref<80xi32, #tpu.memory_space<vmem>>, vector<16xi32>,
    tpu.vector_store %arg14[%swap3A], %min3A_229 {strides = array<i32>} : memref<80xi32, #tpu.memory_space<vmem>>, vector<16xi32>,
    %add3A_231 = vector.broadcast %mul3A_34 : i32 to vector<16xi32>
    %add3A_232 = arith.addi %convert_element_type3A_118, %add3A_231 : vector<16xi32>
    %jit3A_233 = arith.constant 0 : i32
    %jit3A_234 = arith.constant 16383 : i32
    %max3A_235 = vector.broadcast %jit3A_233 : i32 to vector<16xi32>
    %max3A_236 = arith.maxsi %max3A_235, %add3A_232 : vector<16xi32>
    %min3A_237 = vector.broadcast %jit3A_234 : i32 to vector<16xi32>
    %min3A_238 = arith.minsi %min3A_237, %max3A_236 : vector<16xi32>
    %swap3A_239 = arith.constant 16 : index
    %swap3A_240 = tpu.vector_load %arg14[%swap3A_239] {strides = array<i32>} : memref<80xi32, #tpu.memory_space<vmem>>, vector<16xi32>,
    tpu.vector_store %arg14[%swap3A_239], %min3A_238 {strides = array<i32>} : memref<80xi32, #tpu.memory_space<vmem>>, vector<16xi32>,
    %add3A_241 = vector.broadcast %mul3A_34 : i32 to vector<16xi32>
    %add3A_242 = arith.addi %convert_element_type3A_133, %add3A_241 : vector<16xi32>
    %jit3A_243 = arith.constant 0 : i32
    %jit3A_244 = arith.constant 16383 : i32
    %max3A_245 = vector.broadcast %jit3A_243 : i32 to vector<16xi32>
    %max3A_246 = arith.maxsi %max3A_245, %add3A_242 : vector<16xi32>
    %min3A_247 = vector.broadcast %jit3A_244 : i32 to vector<16xi32>
    %min3A_248 = arith.minsi %min3A_247, %max3A_246 : vector<16xi32>
    %swap3A_249 = arith.constant 32 : index
    %swap3A_250 = tpu.vector_load %arg14[%swap3A_249] {strides = array<i32>} : memref<80xi32, #tpu.memory_space<vmem>>, vector<16xi32>,
    tpu.vector_store %arg14[%swap3A_249], %min3A_248 {strides = array<i32>} : memref<80xi32, #tpu.memory_space<vmem>>, vector<16xi32>,
    %add3A_251 = vector.broadcast %mul3A_34 : i32 to vector<16xi32>
    %add3A_252 = arith.addi %convert_element_type3A_148, %add3A_251 : vector<16xi32>
    %jit3A_253 = arith.constant 0 : i32
    %jit3A_254 = arith.constant 16383 : i32
    %max3A_255 = vector.broadcast %jit3A_253 : i32 to vector<16xi32>
    %max3A_256 = arith.maxsi %max3A_255, %add3A_252 : vector<16xi32>
    %min3A_257 = vector.broadcast %jit3A_254 : i32 to vector<16xi32>
    %min3A_258 = arith.minsi %min3A_257, %max3A_256 : vector<16xi32>
    %swap3A_259 = arith.constant 48 : index
    %swap3A_260 = tpu.vector_load %arg14[%swap3A_259] {strides = array<i32>} : memref<80xi32, #tpu.memory_space<vmem>>, vector<16xi32>,
    tpu.vector_store %arg14[%swap3A_259], %min3A_258 {strides = array<i32>} : memref<80xi32, #tpu.memory_space<vmem>>, vector<16xi32>,
    %add3A_261 = vector.broadcast %mul3A_34 : i32 to vector<16xi32>
    %add3A_262 = arith.addi %convert_element_type3A_163, %add3A_261 : vector<16xi32>
    %jit3A_263 = arith.constant 0 : i32
    %jit3A_264 = arith.constant 16383 : i32
    %max3A_265 = vector.broadcast %jit3A_263 : i32 to vector<16xi32>
    %max3A_266 = arith.maxsi %max3A_265, %add3A_262 : vector<16xi32>
    %min3A_267 = vector.broadcast %jit3A_264 : i32 to vector<16xi32>
    %min3A_268 = arith.minsi %min3A_267, %max3A_266 : vector<16xi32>
    %swap3A_269 = arith.constant 64 : index
    %swap3A_270 = tpu.vector_load %arg14[%swap3A_269] {strides = array<i32>} : memref<80xi32, #tpu.memory_space<vmem>>, vector<16xi32>,
    tpu.vector_store %arg14[%swap3A_269], %min3A_268 {strides = array<i32>} : memref<80xi32, #tpu.memory_space<vmem>>, vector<16xi32>,
    %dma_start3A = arith.constant 0 : i32
    %dma_start3A_271 = arith.constant 0 : i32
    %dma_start3A_272 = tpu.memref_slice %arg3[%dma_start3A, %dma_start3A_271] : memref<16384x512xf32, #tpu.memory_space<hbm>> -> memref<16384x512xf32, #tpu.memory_space<hbm>>
    tpu.enqueue_indirect_dma source(%dma_start3A_272 : memref<16384x512xf32, #tpu.memory_space<hbm>>) target(%arg12 : memref<80x512xf32, #tpu.memory_space<vmem>>) offsets(%arg14 : memref<80xi32, #tpu.memory_space<vmem>>) semaphore(%arg19 : memref<!tpu.dma_semaphore, #tpu.memory_space<semaphore_mem>>)
    %add3A_273 = arith.constant 0 : i32
    %add3A_274 = arith.addi %mul3A_32, %add3A_273 : i32
    %add3A_275 = vector.broadcast %add3A_274 : i32 to vector<16xi32>
    %add3A_276 = arith.addi %add3A_275, %iota3A : vector<16xi32>
    %shift_right_arithmetic3A_277 = arith.constant 6 : i32
    %shift_right_arithmetic3A_278 = vector.broadcast %shift_right_arithmetic3A_277 : i32 to vector<16xi32>
    %shift_right_arithmetic3A_279 = arith.shrsi %add3A_276, %shift_right_arithmetic3A_278 : vector<16xi32>
    %and3A_280 = arith.constant 63 : i32
    %and3A_281 = vector.broadcast %and3A_280 : i32 to vector<16xi32>
    %and3A_282 = arith.andi %add3A_276, %and3A_281 : vector<16xi32>
    %convert_element_type3A_283 = arith.sitofp %shift_right_arithmetic3A_279 : vector<16xi32> to vector<16xf32>
    %convert_element_type3A_284 = arith.sitofp %and3A_282 : vector<16xi32> to vector<16xf32>
    %get3A_285 = arith.constant 0 : i32
    %get3A_286 = arith.index_cast %get3A_285 : i32 to index
    %get3A_287 = arith.constant 0 : index
    %get3A_288 = tpu.vector_load %arg9[%get3A_286, %get3A_287] {strides = array<i32>} : memref<9x512xf32, #tpu.memory_space<vmem>>, vector<16xf32>,
    %get3A_289 = arith.constant 0 : i32
    %get3A_290 = arith.index_cast %get3A_289 : i32 to index
    %get3A_291 = arith.constant 0 : index
    %get3A_292 = tpu.vector_load %arg10[%get3A_290, %get3A_291] {strides = array<i32>} : memref<9x512xf32, #tpu.memory_space<vmem>>, vector<16xf32>,
    %add3A_293 = arith.addf %get3A_292, %convert_element_type3A_283 : vector<16xf32>
    %mul3A_294 = arith.constant 6.400000e+01 : f32
    %mul3A_295 = vector.broadcast %mul3A_294 : f32 to vector<16xf32>
    %mul3A_296 = arith.mulf %add3A_293, %mul3A_295 : vector<16xf32>
    %add3A_297 = arith.addf %get3A_288, %convert_element_type3A_284 : vector<16xf32>
    %add3A_298 = arith.addf %mul3A_296, %add3A_297 : vector<16xf32>
    %convert_element_type3A_299 = arith.fptosi %add3A_298 : vector<16xf32> to vector<16xi32>
    %get3A_300 = arith.constant 1 : i32
    %get3A_301 = arith.index_cast %get3A_300 : i32 to index
    %get3A_302 = arith.constant 0 : index
    %get3A_303 = tpu.vector_load %arg9[%get3A_301, %get3A_302] {strides = array<i32>} : memref<9x512xf32, #tpu.memory_space<vmem>>, vector<16xf32>,
    %get3A_304 = arith.constant 1 : i32
    %get3A_305 = arith.index_cast %get3A_304 : i32 to index
    %get3A_306 = arith.constant 0 : index
    %get3A_307 = tpu.vector_load %arg10[%get3A_305, %get3A_306] {strides = array<i32>} : memref<9x512xf32, #tpu.memory_space<vmem>>, vector<16xf32>,
    %add3A_308 = arith.addf %get3A_307, %convert_element_type3A_283 : vector<16xf32>
    %mul3A_309 = arith.constant 6.400000e+01 : f32
    %mul3A_310 = vector.broadcast %mul3A_309 : f32 to vector<16xf32>
    %mul3A_311 = arith.mulf %add3A_308, %mul3A_310 : vector<16xf32>
    %add3A_312 = arith.addf %get3A_303, %convert_element_type3A_284 : vector<16xf32>
    %add3A_313 = arith.addf %mul3A_311, %add3A_312 : vector<16xf32>
    %convert_element_type3A_314 = arith.fptosi %add3A_313 : vector<16xf32> to vector<16xi32>
    %get3A_315 = arith.constant 2 : i32
    %get3A_316 = arith.index_cast %get3A_315 : i32 to index
    %get3A_317 = arith.constant 0 : index
    %get3A_318 = tpu.vector_load %arg9[%get3A_316, %get3A_317] {strides = array<i32>} : memref<9x512xf32, #tpu.memory_space<vmem>>, vector<16xf32>,
    %get3A_319 = arith.constant 2 : i32
    %get3A_320 = arith.index_cast %get3A_319 : i32 to index
    %get3A_321 = arith.constant 0 : index
    %get3A_322 = tpu.vector_load %arg10[%get3A_320, %get3A_321] {strides = array<i32>} : memref<9x512xf32, #tpu.memory_space<vmem>>, vector<16xf32>,
    %add3A_323 = arith.addf %get3A_322, %convert_element_type3A_283 : vector<16xf32>
    %mul3A_324 = arith.constant 6.400000e+01 : f32
    %mul3A_325 = vector.broadcast %mul3A_324 : f32 to vector<16xf32>
    %mul3A_326 = arith.mulf %add3A_323, %mul3A_325 : vector<16xf32>
    %add3A_327 = arith.addf %get3A_318, %convert_element_type3A_284 : vector<16xf32>
    %add3A_328 = arith.addf %mul3A_326, %add3A_327 : vector<16xf32>
    %convert_element_type3A_329 = arith.fptosi %add3A_328 : vector<16xf32> to vector<16xi32>
    %get3A_330 = arith.constant 3 : i32
    %get3A_331 = arith.index_cast %get3A_330 : i32 to index
    %get3A_332 = arith.constant 0 : index
    %get3A_333 = tpu.vector_load %arg9[%get3A_331, %get3A_332] {strides = array<i32>} : memref<9x512xf32, #tpu.memory_space<vmem>>, vector<16xf32>,
    %get3A_334 = arith.constant 3 : i32
    %get3A_335 = arith.index_cast %get3A_334 : i32 to index
    %get3A_336 = arith.constant 0 : index
    %get3A_337 = tpu.vector_load %arg10[%get3A_335, %get3A_336] {strides = array<i32>} : memref<9x512xf32, #tpu.memory_space<vmem>>, vector<16xf32>,
    %add3A_338 = arith.addf %get3A_337, %convert_element_type3A_283 : vector<16xf32>
    %mul3A_339 = arith.constant 6.400000e+01 : f32
    %mul3A_340 = vector.broadcast %mul3A_339 : f32 to vector<16xf32>
    %mul3A_341 = arith.mulf %add3A_338, %mul3A_340 : vector<16xf32>
    %add3A_342 = arith.addf %get3A_333, %convert_element_type3A_284 : vector<16xf32>
    %add3A_343 = arith.addf %mul3A_341, %add3A_342 : vector<16xf32>
    %convert_element_type3A_344 = arith.fptosi %add3A_343 : vector<16xf32> to vector<16xi32>
    %get3A_345 = arith.constant 4 : i32
    %get3A_346 = arith.index_cast %get3A_345 : i32 to index
    %get3A_347 = arith.constant 0 : index
    %get3A_348 = tpu.vector_load %arg9[%get3A_346, %get3A_347] {strides = array<i32>} : memref<9x512xf32, #tpu.memory_space<vmem>>, vector<16xf32>,
    %get3A_349 = arith.constant 4 : i32
    %get3A_350 = arith.index_cast %get3A_349 : i32 to index
    %get3A_351 = arith.constant 0 : index
    %get3A_352 = tpu.vector_load %arg10[%get3A_350, %get3A_351] {strides = array<i32>} : memref<9x512xf32, #tpu.memory_space<vmem>>, vector<16xf32>,
    %add3A_353 = arith.addf %get3A_352, %convert_element_type3A_283 : vector<16xf32>
    %mul3A_354 = arith.constant 6.400000e+01 : f32
    %mul3A_355 = vector.broadcast %mul3A_354 : f32 to vector<16xf32>
    %mul3A_356 = arith.mulf %add3A_353, %mul3A_355 : vector<16xf32>
    %add3A_357 = arith.addf %get3A_348, %convert_element_type3A_284 : vector<16xf32>
    %add3A_358 = arith.addf %mul3A_356, %add3A_357 : vector<16xf32>
    %convert_element_type3A_359 = arith.fptosi %add3A_358 : vector<16xf32> to vector<16xi32>
    %get3A_360 = arith.constant 5 : i32
    %get3A_361 = arith.index_cast %get3A_360 : i32 to index
    %get3A_362 = arith.constant 0 : index
    %get3A_363 = tpu.vector_load %arg9[%get3A_361, %get3A_362] {strides = array<i32>} : memref<9x512xf32, #tpu.memory_space<vmem>>, vector<16xf32>,
    %get3A_364 = arith.constant 5 : i32
    %get3A_365 = arith.index_cast %get3A_364 : i32 to index
    %get3A_366 = arith.constant 0 : index
    %get3A_367 = tpu.vector_load %arg10[%get3A_365, %get3A_366] {strides = array<i32>} : memref<9x512xf32, #tpu.memory_space<vmem>>, vector<16xf32>,
    %add3A_368 = arith.addf %get3A_367, %convert_element_type3A_283 : vector<16xf32>
    %mul3A_369 = arith.constant 6.400000e+01 : f32
    %mul3A_370 = vector.broadcast %mul3A_369 : f32 to vector<16xf32>
    %mul3A_371 = arith.mulf %add3A_368, %mul3A_370 : vector<16xf32>
    %add3A_372 = arith.addf %get3A_363, %convert_element_type3A_284 : vector<16xf32>
    %add3A_373 = arith.addf %mul3A_371, %add3A_372 : vector<16xf32>
    %convert_element_type3A_374 = arith.fptosi %add3A_373 : vector<16xf32> to vector<16xi32>
    %get3A_375 = arith.constant 6 : i32
    %get3A_376 = arith.index_cast %get3A_375 : i32 to index
    %get3A_377 = arith.constant 0 : index
    %get3A_378 = tpu.vector_load %arg9[%get3A_376, %get3A_377] {strides = array<i32>} : memref<9x512xf32, #tpu.memory_space<vmem>>, vector<16xf32>,
    %get3A_379 = arith.constant 6 : i32
    %get3A_380 = arith.index_cast %get3A_379 : i32 to index
    %get3A_381 = arith.constant 0 : index
    %get3A_382 = tpu.vector_load %arg10[%get3A_380, %get3A_381] {strides = array<i32>} : memref<9x512xf32, #tpu.memory_space<vmem>>, vector<16xf32>,
    %add3A_383 = arith.addf %get3A_382, %convert_element_type3A_283 : vector<16xf32>
    %mul3A_384 = arith.constant 6.400000e+01 : f32
    %mul3A_385 = vector.broadcast %mul3A_384 : f32 to vector<16xf32>
    %mul3A_386 = arith.mulf %add3A_383, %mul3A_385 : vector<16xf32>
    %add3A_387 = arith.addf %get3A_378, %convert_element_type3A_284 : vector<16xf32>
    %add3A_388 = arith.addf %mul3A_386, %add3A_387 : vector<16xf32>
    %convert_element_type3A_389 = arith.fptosi %add3A_388 : vector<16xf32> to vector<16xi32>
    %get3A_390 = arith.constant 7 : i32
    %get3A_391 = arith.index_cast %get3A_390 : i32 to index
    %get3A_392 = arith.constant 0 : index
    %get3A_393 = tpu.vector_load %arg9[%get3A_391, %get3A_392] {strides = array<i32>} : memref<9x512xf32, #tpu.memory_space<vmem>>, vector<16xf32>,
    %get3A_394 = arith.constant 7 : i32
    %get3A_395 = arith.index_cast %get3A_394 : i32 to index
    %get3A_396 = arith.constant 0 : index
    %get3A_397 = tpu.vector_load %arg10[%get3A_395, %get3A_396] {strides = array<i32>} : memref<9x512xf32, #tpu.memory_space<vmem>>, vector<16xf32>,
    %add3A_398 = arith.addf %get3A_397, %convert_element_type3A_283 : vector<16xf32>
    %mul3A_399 = arith.constant 6.400000e+01 : f32
    %mul3A_400 = vector.broadcast %mul3A_399 : f32 to vector<16xf32>
    %mul3A_401 = arith.mulf %add3A_398, %mul3A_400 : vector<16xf32>
    %add3A_402 = arith.addf %get3A_393, %convert_element_type3A_284 : vector<16xf32>
    %add3A_403 = arith.addf %mul3A_401, %add3A_402 : vector<16xf32>
    %convert_element_type3A_404 = arith.fptosi %add3A_403 : vector<16xf32> to vector<16xi32>
    %get3A_405 = arith.constant 8 : i32
    %get3A_406 = arith.index_cast %get3A_405 : i32 to index
    %get3A_407 = arith.constant 0 : index
    %get3A_408 = tpu.vector_load %arg9[%get3A_406, %get3A_407] {strides = array<i32>} : memref<9x512xf32, #tpu.memory_space<vmem>>, vector<16xf32>,
    %get3A_409 = arith.constant 8 : i32
    %get3A_410 = arith.index_cast %get3A_409 : i32 to index
    %get3A_411 = arith.constant 0 : index
    %get3A_412 = tpu.vector_load %arg10[%get3A_410, %get3A_411] {strides = array<i32>} : memref<9x512xf32, #tpu.memory_space<vmem>>, vector<16xf32>,
    %add3A_413 = arith.addf %get3A_412, %convert_element_type3A_283 : vector<16xf32>
    %mul3A_414 = arith.constant 6.400000e+01 : f32
    %mul3A_415 = vector.broadcast %mul3A_414 : f32 to vector<16xf32>
    %mul3A_416 = arith.mulf %add3A_413, %mul3A_415 : vector<16xf32>
    %add3A_417 = arith.addf %get3A_408, %convert_element_type3A_284 : vector<16xf32>
    %add3A_418 = arith.addf %mul3A_416, %add3A_417 : vector<16xf32>
    %convert_element_type3A_419 = arith.fptosi %add3A_418 : vector<16xf32> to vector<16xi32>
    %add3A_420 = vector.broadcast %mul3A_34 : i32 to vector<16xi32>
    %add3A_421 = arith.addi %convert_element_type3A_374, %add3A_420 : vector<16xi32>
    %jit3A_422 = arith.constant 0 : i32
    %jit3A_423 = arith.constant 16383 : i32
    %max3A_424 = vector.broadcast %jit3A_422 : i32 to vector<16xi32>
    %max3A_425 = arith.maxsi %max3A_424, %add3A_421 : vector<16xi32>
    %min3A_426 = vector.broadcast %jit3A_423 : i32 to vector<16xi32>
    %min3A_427 = arith.minsi %min3A_426, %max3A_425 : vector<16xi32>
    %swap3A_428 = arith.constant 0 : index
    %swap3A_429 = tpu.vector_load %arg15[%swap3A_428] {strides = array<i32>} : memref<64xi32, #tpu.memory_space<vmem>>, vector<16xi32>,
    tpu.vector_store %arg15[%swap3A_428], %min3A_427 {strides = array<i32>} : memref<64xi32, #tpu.memory_space<vmem>>, vector<16xi32>,
    %add3A_430 = vector.broadcast %mul3A_34 : i32 to vector<16xi32>
    %add3A_431 = arith.addi %convert_element_type3A_389, %add3A_430 : vector<16xi32>
    %jit3A_432 = arith.constant 0 : i32
    %jit3A_433 = arith.constant 16383 : i32
    %max3A_434 = vector.broadcast %jit3A_432 : i32 to vector<16xi32>
    %max3A_435 = arith.maxsi %max3A_434, %add3A_431 : vector<16xi32>
    %min3A_436 = vector.broadcast %jit3A_433 : i32 to vector<16xi32>
    %min3A_437 = arith.minsi %min3A_436, %max3A_435 : vector<16xi32>
    %swap3A_438 = arith.constant 16 : index
    %swap3A_439 = tpu.vector_load %arg15[%swap3A_438] {strides = array<i32>} : memref<64xi32, #tpu.memory_space<vmem>>, vector<16xi32>,
    tpu.vector_store %arg15[%swap3A_438], %min3A_437 {strides = array<i32>} : memref<64xi32, #tpu.memory_space<vmem>>, vector<16xi32>,
    %add3A_440 = vector.broadcast %mul3A_34 : i32 to vector<16xi32>
    %add3A_441 = arith.addi %convert_element_type3A_404, %add3A_440 : vector<16xi32>
    %jit3A_442 = arith.constant 0 : i32
    %jit3A_443 = arith.constant 16383 : i32
    %max3A_444 = vector.broadcast %jit3A_442 : i32 to vector<16xi32>
    %max3A_445 = arith.maxsi %max3A_444, %add3A_441 : vector<16xi32>
    %min3A_446 = vector.broadcast %jit3A_443 : i32 to vector<16xi32>
    %min3A_447 = arith.minsi %min3A_446, %max3A_445 : vector<16xi32>
    %swap3A_448 = arith.constant 32 : index
    %swap3A_449 = tpu.vector_load %arg15[%swap3A_448] {strides = array<i32>} : memref<64xi32, #tpu.memory_space<vmem>>, vector<16xi32>,
    tpu.vector_store %arg15[%swap3A_448], %min3A_447 {strides = array<i32>} : memref<64xi32, #tpu.memory_space<vmem>>, vector<16xi32>,
    %add3A_450 = vector.broadcast %mul3A_34 : i32 to vector<16xi32>
    %add3A_451 = arith.addi %convert_element_type3A_419, %add3A_450 : vector<16xi32>
    %jit3A_452 = arith.constant 0 : i32
    %jit3A_453 = arith.constant 16383 : i32
    %max3A_454 = vector.broadcast %jit3A_452 : i32 to vector<16xi32>
    %max3A_455 = arith.maxsi %max3A_454, %add3A_451 : vector<16xi32>
    %min3A_456 = vector.broadcast %jit3A_453 : i32 to vector<16xi32>
    %min3A_457 = arith.minsi %min3A_456, %max3A_455 : vector<16xi32>
    %swap3A_458 = arith.constant 48 : index
    %swap3A_459 = tpu.vector_load %arg15[%swap3A_458] {strides = array<i32>} : memref<64xi32, #tpu.memory_space<vmem>>, vector<16xi32>,
    tpu.vector_store %arg15[%swap3A_458], %min3A_457 {strides = array<i32>} : memref<64xi32, #tpu.memory_space<vmem>>, vector<16xi32>,
    %dma_start3A_460 = arith.constant 0 : i32
    %dma_start3A_461 = arith.constant 0 : i32
    %dma_start3A_462 = tpu.memref_slice %arg3[%dma_start3A_460, %dma_start3A_461] : memref<16384x512xf32, #tpu.memory_space<hbm>> -> memref<16384x512xf32, #tpu.memory_space<hbm>>
    tpu.enqueue_indirect_dma source(%dma_start3A_462 : memref<16384x512xf32, #tpu.memory_space<hbm>>) target(%arg13 : memref<64x512xf32, #tpu.memory_space<vmem>>) offsets(%arg15 : memref<64xi32, #tpu.memory_space<vmem>>) semaphore(%arg20 : memref<!tpu.dma_semaphore, #tpu.memory_space<semaphore_mem>>)
    %add3A_463 = arith.constant 0 : i32
    %add3A_464 = arith.addi %mul3A_32, %add3A_463 : i32
    %dma_start3A_465 = arith.constant 0 : i32
    %dma_start3A_466 = arith.constant 0 : i32
    %dma_start3A_467 = arith.constant 0 : i32
    %dma_start3A_468 = tpu.memref_slice %arg11[%dma_start3A_465, %dma_start3A_466, %dma_start3A_467] : memref<2x16x512xf32, #tpu.memory_space<vmem>> -> memref<1x16x512xf32, #tpu.memory_space<vmem>>
    %dma_start3A_469 = tpu.memref_squeeze %dma_start3A_468 : memref<1x16x512xf32, #tpu.memory_space<vmem>> -> memref<16x512xf32, #tpu.memory_space<vmem>>
    %dma_start3A_470 = arith.constant 0 : i32
    %dma_start3A_471 = tpu.memref_slice %arg2[%select_n3A, %add3A_464, %dma_start3A_470] : memref<4x4096x512xf32, #tpu.memory_space<hbm>> -> memref<1x16x512xf32, #tpu.memory_space<hbm>>
    %dma_start3A_472 = tpu.memref_squeeze %dma_start3A_471 : memref<1x16x512xf32, #tpu.memory_space<hbm>> -> memref<16x512xf32, #tpu.memory_space<hbm>>
    %dma_start3A_473 = arith.constant 0 : i32
    %dma_start3A_474 = arith.constant 0 : i32
    %dma_start3A_475 = tpu.memref_slice %arg11[%dma_start3A_465, %dma_start3A_473, %dma_start3A_474] : memref<2x16x512xf32, #tpu.memory_space<vmem>> -> memref<1x16x512xf32, #tpu.memory_space<vmem>>
    %dma_start3A_476 = tpu.memref_squeeze %dma_start3A_475 : memref<1x16x512xf32, #tpu.memory_space<vmem>> -> memref<16x512xf32, #tpu.memory_space<vmem>>
    %dma_start3A_477 = arith.constant 0 : i32
    %dma_start3A_478 = tpu.memref_slice %arg2[%select_n3A, %add3A_464, %dma_start3A_477] : memref<4x4096x512xf32, #tpu.memory_space<hbm>> -> memref<1x16x512xf32, #tpu.memory_space<hbm>>
    %dma_start3A_479 = tpu.memref_squeeze %dma_start3A_478 : memref<1x16x512xf32, #tpu.memory_space<hbm>> -> memref<16x512xf32, #tpu.memory_space<hbm>>
    tpu.enqueue_dma source(%dma_start3A_479 : memref<16x512xf32, #tpu.memory_space<hbm>>) target(%dma_start3A_476 : memref<16x512xf32, #tpu.memory_space<vmem>>) target_semaphore(%arg21 : memref<!tpu.dma_semaphore, #tpu.memory_space<semaphore_mem>>)
    %scan3A = arith.constant 6.400000e+01 : f32
    %scan3A_480 = arith.constant 0 : i32
    %scan3A_481 = arith.constant 0 : i32
    %scan3A_482 = arith.constant 16 : i32
    %scan3A_483 = arith.addi %scan3A_481, %scan3A_482 : i32
    %scan3A_484 = arith.constant 1 : i32
    %scan3A_485 = scf.for %scan3A_487 = %scan3A_481 to %scan3A_483 step %scan3A_484 iter_args(%scan3A_488 = %scan3A_480) -> (i32)  : i32 {
      %mul3A_489 = arith.constant 2 : i32
      %mul3A_490 = arith.muli %mul3A_489, %scan3A_487 : i32
      %add3A_491 = arith.constant 1 : i32
      %add3A_492 = arith.addi %mul3A_490, %add3A_491 : i32
      %min3A_493 = arith.constant 31 : i32
      %min3A_494 = arith.minsi %add3A_492, %min3A_493 : i32
      %mul3A_495 = arith.constant 16 : i32
      %mul3A_496 = arith.muli %mul3A_490, %mul3A_495 : i32
      %add3A_497 = arith.addi %mul3A_32, %mul3A_496 : i32
      %dma_wait3A = arith.constant 0 : i32
      %dma_wait3A_498 = arith.constant 0 : i32
      %dma_wait3A_499 = arith.constant 0 : i32
      %dma_wait3A_500 = tpu.memref_slice %arg11[%dma_wait3A, %dma_wait3A_498, %dma_wait3A_499] : memref<2x16x512xf32, #tpu.memory_space<vmem>> -> memref<1x16x512xf32, #tpu.memory_space<vmem>>
      %dma_wait3A_501 = tpu.memref_squeeze %dma_wait3A_500 : memref<1x16x512xf32, #tpu.memory_space<vmem>> -> memref<16x512xf32, #tpu.memory_space<vmem>>
      %dma_wait3A_502 = arith.constant 0 : i32
      %dma_wait3A_503 = tpu.memref_slice %arg2[%select_n3A, %add3A_497, %dma_wait3A_502] : memref<4x4096x512xf32, #tpu.memory_space<hbm>> -> memref<1x16x512xf32, #tpu.memory_space<hbm>>
      %dma_wait3A_504 = tpu.memref_squeeze %dma_wait3A_503 : memref<1x16x512xf32, #tpu.memory_space<hbm>> -> memref<16x512xf32, #tpu.memory_space<hbm>>
      %dma_wait3A_505 = arith.constant 0 : i32
      %dma_wait3A_506 = arith.constant 0 : i32
      %dma_wait3A_507 = tpu.memref_slice %arg11[%dma_wait3A, %dma_wait3A_505, %dma_wait3A_506] : memref<2x16x512xf32, #tpu.memory_space<vmem>> -> memref<1x16x512xf32, #tpu.memory_space<vmem>>
      %dma_wait3A_508 = tpu.memref_squeeze %dma_wait3A_507 : memref<1x16x512xf32, #tpu.memory_space<vmem>> -> memref<16x512xf32, #tpu.memory_space<vmem>>
      %dma_wait3A_509 = arith.constant 0 : i32
      %dma_wait3A_510 = tpu.memref_slice %arg2[%select_n3A, %add3A_497, %dma_wait3A_509] : memref<4x4096x512xf32, #tpu.memory_space<hbm>> -> memref<1x16x512xf32, #tpu.memory_space<hbm>>
      %dma_wait3A_511 = tpu.memref_squeeze %dma_wait3A_510 : memref<1x16x512xf32, #tpu.memory_space<hbm>> -> memref<16x512xf32, #tpu.memory_space<hbm>>
      tpu.wait_dma2 semaphore(%arg21 : memref<!tpu.dma_semaphore, #tpu.memory_space<semaphore_mem>>) src(%dma_wait3A_511 : memref<16x512xf32, #tpu.memory_space<hbm>>) dst(%dma_wait3A_508 : memref<16x512xf32, #tpu.memory_space<vmem>>)
      %lt3A_512 = arith.constant 31 : i32
      %lt3A_513 = arith.cmpi slt, %mul3A_490, %lt3A_512 : i32
      %convert_element_type3A_514 = arith.extui %lt3A_513 : i1 to i32
      %cond3A = arith.constant 1 : i32
      %cond3A_515 = arith.constant 0 : i32
      %cond3A_516 = arith.cmpi ne, %convert_element_type3A_514, %cond3A_515 : i32
      scf.if %cond3A_516 {
        %mul3A_2064 = arith.constant 16 : i32
        %mul3A_2065 = arith.muli %min3A_494, %mul3A_2064 : i32
        %add3A_2066 = arith.addi %mul3A_32, %mul3A_2065 : i32
        %dma_start3A_2067 = arith.constant 0 : i32
        %dma_start3A_2068 = arith.constant 0 : i32
        %dma_start3A_2069 = tpu.memref_slice %arg11[%cond3A, %dma_start3A_2067, %dma_start3A_2068] : memref<2x16x512xf32, #tpu.memory_space<vmem>> -> memref<1x16x512xf32, #tpu.memory_space<vmem>>
        %dma_start3A_2070 = tpu.memref_squeeze %dma_start3A_2069 : memref<1x16x512xf32, #tpu.memory_space<vmem>> -> memref<16x512xf32, #tpu.memory_space<vmem>>
        %dma_start3A_2071 = arith.constant 0 : i32
        %dma_start3A_2072 = tpu.memref_slice %arg2[%select_n3A, %add3A_2066, %dma_start3A_2071] : memref<4x4096x512xf32, #tpu.memory_space<hbm>> -> memref<1x16x512xf32, #tpu.memory_space<hbm>>
        %dma_start3A_2073 = tpu.memref_squeeze %dma_start3A_2072 : memref<1x16x512xf32, #tpu.memory_space<hbm>> -> memref<16x512xf32, #tpu.memory_space<hbm>>
        %dma_start3A_2074 = arith.constant 0 : i32
        %dma_start3A_2075 = arith.constant 0 : i32
        %dma_start3A_2076 = tpu.memref_slice %arg11[%cond3A, %dma_start3A_2074, %dma_start3A_2075] : memref<2x16x512xf32, #tpu.memory_space<vmem>> -> memref<1x16x512xf32, #tpu.memory_space<vmem>>
        %dma_start3A_2077 = tpu.memref_squeeze %dma_start3A_2076 : memref<1x16x512xf32, #tpu.memory_space<vmem>> -> memref<16x512xf32, #tpu.memory_space<vmem>>
        %dma_start3A_2078 = arith.constant 0 : i32
        %dma_start3A_2079 = tpu.memref_slice %arg2[%select_n3A, %add3A_2066, %dma_start3A_2078] : memref<4x4096x512xf32, #tpu.memory_space<hbm>> -> memref<1x16x512xf32, #tpu.memory_space<hbm>>
        %dma_start3A_2080 = tpu.memref_squeeze %dma_start3A_2079 : memref<1x16x512xf32, #tpu.memory_space<hbm>> -> memref<16x512xf32, #tpu.memory_space<hbm>>
        tpu.enqueue_dma source(%dma_start3A_2080 : memref<16x512xf32, #tpu.memory_space<hbm>>) target(%dma_start3A_2077 : memref<16x512xf32, #tpu.memory_space<vmem>>) target_semaphore(%arg21 : memref<!tpu.dma_semaphore, #tpu.memory_space<semaphore_mem>>)
      } else {
      }
      %dma_wait3A_517 = arith.constant 0 : i32
      %dma_wait3A_518 = arith.constant 0 : i32
      %dma_wait3A_519 = tpu.memref_slice %arg3[%dma_wait3A_517, %dma_wait3A_518] : memref<16384x512xf32, #tpu.memory_space<hbm>> -> memref<16384x512xf32, #tpu.memory_space<hbm>>
      tpu.wait_indirect_dma semaphore(%arg19 : memref<!tpu.dma_semaphore, #tpu.memory_space<semaphore_mem>>) src(%dma_wait3A_519 : memref<16384x512xf32, #tpu.memory_space<hbm>>) dst(%arg12 : memref<80x512xf32, #tpu.memory_space<vmem>>)
      %broadcast_in_dim3A = arith.constant 0.000000e+00 : f32
      %broadcast_in_dim3A_520 = vector.broadcast %broadcast_in_dim3A : f32 to vector<16xf32>
      %broadcast_in_dim3A_521 = arith.constant 0.000000e+00 : f32
      %broadcast_in_dim3A_522 = vector.broadcast %broadcast_in_dim3A_521 : f32 to vector<16xf32>
      %broadcast_in_dim3A_523 = arith.constant 0.000000e+00 : f32
      %broadcast_in_dim3A_524 = vector.broadcast %broadcast_in_dim3A_523 : f32 to vector<16xf32>
      %broadcast_in_dim3A_525 = arith.constant 0.000000e+00 : f32
      %broadcast_in_dim3A_526 = vector.broadcast %broadcast_in_dim3A_525 : f32 to vector<16xf32>
      %broadcast_in_dim3A_527 = arith.constant 0.000000e+00 : f32
      %broadcast_in_dim3A_528 = vector.broadcast %broadcast_in_dim3A_527 : f32 to vector<16xf32>
      %parallel_loop3A = arith.constant 0 : i32
      %parallel_loop3A_529 = arith.constant 512 : i32
      %parallel_loop3A_530 = arith.constant 1 : i32
      %parallel_loop3A_531 = arith.constant 0 : i32
      %parallel_loop3A_532:5 = scf.for %parallel_loop3A_2064 = %parallel_loop3A to %parallel_loop3A_529 step %parallel_loop3A_530 iter_args(%parallel_loop3A_2065 = %broadcast_in_dim3A_520, %parallel_loop3A_2066 = %broadcast_in_dim3A_522, %parallel_loop3A_2067 = %broadcast_in_dim3A_524, %parallel_loop3A_2068 = %broadcast_in_dim3A_526, %parallel_loop3A_2069 = %broadcast_in_dim3A_528) -> (vector<16xf32>, vector<16xf32>, vector<16xf32>, vector<16xf32>, vector<16xf32>)  : i32 {
        %parallel_loop3A_2070 = vector.broadcast %parallel_loop3A_2064 : i32 to vector<16xi32>
        %parallel_loop3A_2071 = arith.addi %iota3A, %parallel_loop3A_2070 : vector<16xi32>
        %parallel_loop3A_2072 = arith.constant 511 : i32
        %parallel_loop3A_2073 = vector.broadcast %parallel_loop3A_2072 : i32 to vector<16xi32>
        %parallel_loop3A_2074 = arith.andi %parallel_loop3A_2071, %parallel_loop3A_2073 : vector<16xi32>
        %parallel_loop3A_2075 = arith.constant 0 : i32
        %parallel_loop3A_2076 = arith.constant 0 : i32
        %parallel_loop3A_2077 = tpu.memref_slice %arg11[%parallel_loop3A_531, %parallel_loop3A_2075, %parallel_loop3A_2076] : memref<2x16x512xf32, #tpu.memory_space<vmem>> -> memref<1x16x512xf32, #tpu.memory_space<vmem>>
        %parallel_loop3A_2078 = tpu.memref_squeeze %parallel_loop3A_2077 : memref<1x16x512xf32, #tpu.memory_space<vmem>> -> memref<16x512xf32, #tpu.memory_space<vmem>>
        %parallel_loop3A_2079 = tpu.vector_load_idx %parallel_loop3A_2078[%iota3A, %parallel_loop3A_2074] : memref<16x512xf32, #tpu.memory_space<vmem>>[vector<16xi32>, vector<16xi32>], vector<16xf32>,
        %parallel_loop3A_2080 = tpu.vector_load_idx %arg12[%add3A_39, %parallel_loop3A_2074] : memref<80x512xf32, #tpu.memory_space<vmem>>[vector<16xi32>, vector<16xi32>], vector<16xf32>,
        %parallel_loop3A_2081 = arith.mulf %parallel_loop3A_2079, %parallel_loop3A_2080 : vector<16xf32>
        %parallel_loop3A_2082 = arith.addf %parallel_loop3A_2065, %parallel_loop3A_2081 : vector<16xf32>
        %parallel_loop3A_2083 = tpu.vector_load_idx %arg12[%add3A_44, %parallel_loop3A_2074] : memref<80x512xf32, #tpu.memory_space<vmem>>[vector<16xi32>, vector<16xi32>], vector<16xf32>,
        %parallel_loop3A_2084 = arith.mulf %parallel_loop3A_2079, %parallel_loop3A_2083 : vector<16xf32>
        %parallel_loop3A_2085 = arith.addf %parallel_loop3A_2066, %parallel_loop3A_2084 : vector<16xf32>
        %parallel_loop3A_2086 = tpu.vector_load_idx %arg12[%add3A_49, %parallel_loop3A_2074] : memref<80x512xf32, #tpu.memory_space<vmem>>[vector<16xi32>, vector<16xi32>], vector<16xf32>,
        %parallel_loop3A_2087 = arith.mulf %parallel_loop3A_2079, %parallel_loop3A_2086 : vector<16xf32>
        %parallel_loop3A_2088 = arith.addf %parallel_loop3A_2067, %parallel_loop3A_2087 : vector<16xf32>
        %parallel_loop3A_2089 = tpu.vector_load_idx %arg12[%add3A_54, %parallel_loop3A_2074] : memref<80x512xf32, #tpu.memory_space<vmem>>[vector<16xi32>, vector<16xi32>], vector<16xf32>,
        %parallel_loop3A_2090 = arith.mulf %parallel_loop3A_2079, %parallel_loop3A_2089 : vector<16xf32>
        %parallel_loop3A_2091 = arith.addf %parallel_loop3A_2068, %parallel_loop3A_2090 : vector<16xf32>
        %parallel_loop3A_2092 = tpu.vector_load_idx %arg12[%add3A_59, %parallel_loop3A_2074] : memref<80x512xf32, #tpu.memory_space<vmem>>[vector<16xi32>, vector<16xi32>], vector<16xf32>,
        %parallel_loop3A_2093 = arith.mulf %parallel_loop3A_2079, %parallel_loop3A_2092 : vector<16xf32>
        %parallel_loop3A_2094 = arith.addf %parallel_loop3A_2069, %parallel_loop3A_2093 : vector<16xf32>
        scf.yield %parallel_loop3A_2082, %parallel_loop3A_2085, %parallel_loop3A_2088, %parallel_loop3A_2091, %parallel_loop3A_2094 : vector<16xf32>, vector<16xf32>, vector<16xf32>, vector<16xf32>, vector<16xf32>
      } {sc.loop_unroll_factor = 4 : i64, sc.parallel_access}
      %mul3A_533 = arith.constant 16 : i32
      %mul3A_534 = arith.muli %mul3A_490, %mul3A_533 : i32
      %add3A_535 = arith.addi %mul3A_32, %mul3A_534 : i32
      %add3A_536 = vector.broadcast %add3A_535 : i32 to vector<16xi32>
      %add3A_537 = arith.addi %add3A_536, %iota3A : vector<16xi32>
      %shift_right_arithmetic3A_538 = arith.constant 6 : i32
      %shift_right_arithmetic3A_539 = vector.broadcast %shift_right_arithmetic3A_538 : i32 to vector<16xi32>
      %shift_right_arithmetic3A_540 = arith.shrsi %add3A_537, %shift_right_arithmetic3A_539 : vector<16xi32>
      %and3A_541 = arith.constant 63 : i32
      %and3A_542 = vector.broadcast %and3A_541 : i32 to vector<16xi32>
      %and3A_543 = arith.andi %add3A_537, %and3A_542 : vector<16xi32>
      %convert_element_type3A_544 = arith.sitofp %shift_right_arithmetic3A_540 : vector<16xi32> to vector<16xf32>
      %convert_element_type3A_545 = arith.sitofp %and3A_543 : vector<16xi32> to vector<16xf32>
      %mul3A_546 = arith.constant 16 : i32
      %mul3A_547 = arith.muli %mul3A_490, %mul3A_546 : i32
      %get3A_548 = arith.constant 0 : i32
      %get3A_549 = arith.index_cast %get3A_548 : i32 to index
      %get3A_550 = arith.index_cast %mul3A_547 : i32 to index
      %get3A_551 = tpu.vector_load %arg9[%get3A_549, %get3A_550] {strides = array<i32>} : memref<9x512xf32, #tpu.memory_space<vmem>>, vector<16xf32>,
      %mul3A_552 = arith.constant 16 : i32
      %mul3A_553 = arith.muli %mul3A_490, %mul3A_552 : i32
      %get3A_554 = arith.constant 0 : i32
      %get3A_555 = arith.index_cast %get3A_554 : i32 to index
      %get3A_556 = arith.index_cast %mul3A_553 : i32 to index
      %get3A_557 = tpu.vector_load %arg10[%get3A_555, %get3A_556] {strides = array<i32>} : memref<9x512xf32, #tpu.memory_space<vmem>>, vector<16xf32>,
      %add3A_558 = arith.addf %get3A_557, %convert_element_type3A_544 : vector<16xf32>
      %mul3A_559 = vector.broadcast %scan3A : f32 to vector<16xf32>
      %mul3A_560 = arith.mulf %add3A_558, %mul3A_559 : vector<16xf32>
      %add3A_561 = arith.addf %get3A_551, %convert_element_type3A_545 : vector<16xf32>
      %add3A_562 = arith.addf %mul3A_560, %add3A_561 : vector<16xf32>
      %convert_element_type3A_563 = arith.fptosi %add3A_562 : vector<16xf32> to vector<16xi32>
      %mul3A_564 = arith.constant 16 : i32
      %mul3A_565 = arith.muli %mul3A_490, %mul3A_564 : i32
      %get3A_566 = arith.constant 1 : i32
      %get3A_567 = arith.index_cast %get3A_566 : i32 to index
      %get3A_568 = arith.index_cast %mul3A_565 : i32 to index
      %get3A_569 = tpu.vector_load %arg9[%get3A_567, %get3A_568] {strides = array<i32>} : memref<9x512xf32, #tpu.memory_space<vmem>>, vector<16xf32>,
      %mul3A_570 = arith.constant 16 : i32
      %mul3A_571 = arith.muli %mul3A_490, %mul3A_570 : i32
      %get3A_572 = arith.constant 1 : i32
      %get3A_573 = arith.index_cast %get3A_572 : i32 to index
      %get3A_574 = arith.index_cast %mul3A_571 : i32 to index
      %get3A_575 = tpu.vector_load %arg10[%get3A_573, %get3A_574] {strides = array<i32>} : memref<9x512xf32, #tpu.memory_space<vmem>>, vector<16xf32>,
      %add3A_576 = arith.addf %get3A_575, %convert_element_type3A_544 : vector<16xf32>
      %mul3A_577 = vector.broadcast %scan3A : f32 to vector<16xf32>
      %mul3A_578 = arith.mulf %add3A_576, %mul3A_577 : vector<16xf32>
      %add3A_579 = arith.addf %get3A_569, %convert_element_type3A_545 : vector<16xf32>
      %add3A_580 = arith.addf %mul3A_578, %add3A_579 : vector<16xf32>
      %convert_element_type3A_581 = arith.fptosi %add3A_580 : vector<16xf32> to vector<16xi32>
      %mul3A_582 = arith.constant 16 : i32
      %mul3A_583 = arith.muli %mul3A_490, %mul3A_582 : i32
      %get3A_584 = arith.constant 2 : i32
      %get3A_585 = arith.index_cast %get3A_584 : i32 to index
      %get3A_586 = arith.index_cast %mul3A_583 : i32 to index
      %get3A_587 = tpu.vector_load %arg9[%get3A_585, %get3A_586] {strides = array<i32>} : memref<9x512xf32, #tpu.memory_space<vmem>>, vector<16xf32>,
      %mul3A_588 = arith.constant 16 : i32
      %mul3A_589 = arith.muli %mul3A_490, %mul3A_588 : i32
      %get3A_590 = arith.constant 2 : i32
      %get3A_591 = arith.index_cast %get3A_590 : i32 to index
      %get3A_592 = arith.index_cast %mul3A_589 : i32 to index
      %get3A_593 = tpu.vector_load %arg10[%get3A_591, %get3A_592] {strides = array<i32>} : memref<9x512xf32, #tpu.memory_space<vmem>>, vector<16xf32>,
      %add3A_594 = arith.addf %get3A_593, %convert_element_type3A_544 : vector<16xf32>
      %mul3A_595 = vector.broadcast %scan3A : f32 to vector<16xf32>
      %mul3A_596 = arith.mulf %add3A_594, %mul3A_595 : vector<16xf32>
      %add3A_597 = arith.addf %get3A_587, %convert_element_type3A_545 : vector<16xf32>
      %add3A_598 = arith.addf %mul3A_596, %add3A_597 : vector<16xf32>
      %convert_element_type3A_599 = arith.fptosi %add3A_598 : vector<16xf32> to vector<16xi32>
      %mul3A_600 = arith.constant 16 : i32
      %mul3A_601 = arith.muli %mul3A_490, %mul3A_600 : i32
      %get3A_602 = arith.constant 3 : i32
      %get3A_603 = arith.index_cast %get3A_602 : i32 to index
      %get3A_604 = arith.index_cast %mul3A_601 : i32 to index
      %get3A_605 = tpu.vector_load %arg9[%get3A_603, %get3A_604] {strides = array<i32>} : memref<9x512xf32, #tpu.memory_space<vmem>>, vector<16xf32>,
      %mul3A_606 = arith.constant 16 : i32
      %mul3A_607 = arith.muli %mul3A_490, %mul3A_606 : i32
      %get3A_608 = arith.constant 3 : i32
      %get3A_609 = arith.index_cast %get3A_608 : i32 to index
      %get3A_610 = arith.index_cast %mul3A_607 : i32 to index
      %get3A_611 = tpu.vector_load %arg10[%get3A_609, %get3A_610] {strides = array<i32>} : memref<9x512xf32, #tpu.memory_space<vmem>>, vector<16xf32>,
      %add3A_612 = arith.addf %get3A_611, %convert_element_type3A_544 : vector<16xf32>
      %mul3A_613 = vector.broadcast %scan3A : f32 to vector<16xf32>
      %mul3A_614 = arith.mulf %add3A_612, %mul3A_613 : vector<16xf32>
      %add3A_615 = arith.addf %get3A_605, %convert_element_type3A_545 : vector<16xf32>
      %add3A_616 = arith.addf %mul3A_614, %add3A_615 : vector<16xf32>
      %convert_element_type3A_617 = arith.fptosi %add3A_616 : vector<16xf32> to vector<16xi32>
      %mul3A_618 = arith.constant 16 : i32
      %mul3A_619 = arith.muli %mul3A_490, %mul3A_618 : i32
      %get3A_620 = arith.constant 4 : i32
      %get3A_621 = arith.index_cast %get3A_620 : i32 to index
      %get3A_622 = arith.index_cast %mul3A_619 : i32 to index
      %get3A_623 = tpu.vector_load %arg9[%get3A_621, %get3A_622] {strides = array<i32>} : memref<9x512xf32, #tpu.memory_space<vmem>>, vector<16xf32>,
      %mul3A_624 = arith.constant 16 : i32
      %mul3A_625 = arith.muli %mul3A_490, %mul3A_624 : i32
      %get3A_626 = arith.constant 4 : i32
      %get3A_627 = arith.index_cast %get3A_626 : i32 to index
      %get3A_628 = arith.index_cast %mul3A_625 : i32 to index
      %get3A_629 = tpu.vector_load %arg10[%get3A_627, %get3A_628] {strides = array<i32>} : memref<9x512xf32, #tpu.memory_space<vmem>>, vector<16xf32>,
      %add3A_630 = arith.addf %get3A_629, %convert_element_type3A_544 : vector<16xf32>
      %mul3A_631 = vector.broadcast %scan3A : f32 to vector<16xf32>
      %mul3A_632 = arith.mulf %add3A_630, %mul3A_631 : vector<16xf32>
      %add3A_633 = arith.addf %get3A_623, %convert_element_type3A_545 : vector<16xf32>
      %add3A_634 = arith.addf %mul3A_632, %add3A_633 : vector<16xf32>
      %convert_element_type3A_635 = arith.fptosi %add3A_634 : vector<16xf32> to vector<16xi32>
      %mul3A_636 = arith.constant 16 : i32
      %mul3A_637 = arith.muli %mul3A_490, %mul3A_636 : i32
      %get3A_638 = arith.constant 5 : i32
      %get3A_639 = arith.index_cast %get3A_638 : i32 to index
      %get3A_640 = arith.index_cast %mul3A_637 : i32 to index
      %get3A_641 = tpu.vector_load %arg9[%get3A_639, %get3A_640] {strides = array<i32>} : memref<9x512xf32, #tpu.memory_space<vmem>>, vector<16xf32>,
      %mul3A_642 = arith.constant 16 : i32
      %mul3A_643 = arith.muli %mul3A_490, %mul3A_642 : i32
      %get3A_644 = arith.constant 5 : i32
      %get3A_645 = arith.index_cast %get3A_644 : i32 to index
      %get3A_646 = arith.index_cast %mul3A_643 : i32 to index
      %get3A_647 = tpu.vector_load %arg10[%get3A_645, %get3A_646] {strides = array<i32>} : memref<9x512xf32, #tpu.memory_space<vmem>>, vector<16xf32>,
      %add3A_648 = arith.addf %get3A_647, %convert_element_type3A_544 : vector<16xf32>
      %mul3A_649 = vector.broadcast %scan3A : f32 to vector<16xf32>
      %mul3A_650 = arith.mulf %add3A_648, %mul3A_649 : vector<16xf32>
      %add3A_651 = arith.addf %get3A_641, %convert_element_type3A_545 : vector<16xf32>
      %add3A_652 = arith.addf %mul3A_650, %add3A_651 : vector<16xf32>
      %convert_element_type3A_653 = arith.fptosi %add3A_652 : vector<16xf32> to vector<16xi32>
      %mul3A_654 = arith.constant 16 : i32
      %mul3A_655 = arith.muli %mul3A_490, %mul3A_654 : i32
      %get3A_656 = arith.constant 6 : i32
      %get3A_657 = arith.index_cast %get3A_656 : i32 to index
      %get3A_658 = arith.index_cast %mul3A_655 : i32 to index
      %get3A_659 = tpu.vector_load %arg9[%get3A_657, %get3A_658] {strides = array<i32>} : memref<9x512xf32, #tpu.memory_space<vmem>>, vector<16xf32>,
      %mul3A_660 = arith.constant 16 : i32
      %mul3A_661 = arith.muli %mul3A_490, %mul3A_660 : i32
      %get3A_662 = arith.constant 6 : i32
      %get3A_663 = arith.index_cast %get3A_662 : i32 to index
      %get3A_664 = arith.index_cast %mul3A_661 : i32 to index
      %get3A_665 = tpu.vector_load %arg10[%get3A_663, %get3A_664] {strides = array<i32>} : memref<9x512xf32, #tpu.memory_space<vmem>>, vector<16xf32>,
      %add3A_666 = arith.addf %get3A_665, %convert_element_type3A_544 : vector<16xf32>
      %mul3A_667 = vector.broadcast %scan3A : f32 to vector<16xf32>
      %mul3A_668 = arith.mulf %add3A_666, %mul3A_667 : vector<16xf32>
      %add3A_669 = arith.addf %get3A_659, %convert_element_type3A_545 : vector<16xf32>
      %add3A_670 = arith.addf %mul3A_668, %add3A_669 : vector<16xf32>
      %convert_element_type3A_671 = arith.fptosi %add3A_670 : vector<16xf32> to vector<16xi32>
      %mul3A_672 = arith.constant 16 : i32
      %mul3A_673 = arith.muli %mul3A_490, %mul3A_672 : i32
      %get3A_674 = arith.constant 7 : i32
      %get3A_675 = arith.index_cast %get3A_674 : i32 to index
      %get3A_676 = arith.index_cast %mul3A_673 : i32 to index
      %get3A_677 = tpu.vector_load %arg9[%get3A_675, %get3A_676] {strides = array<i32>} : memref<9x512xf32, #tpu.memory_space<vmem>>, vector<16xf32>,
      %mul3A_678 = arith.constant 16 : i32
      %mul3A_679 = arith.muli %mul3A_490, %mul3A_678 : i32
      %get3A_680 = arith.constant 7 : i32
      %get3A_681 = arith.index_cast %get3A_680 : i32 to index
      %get3A_682 = arith.index_cast %mul3A_679 : i32 to index
      %get3A_683 = tpu.vector_load %arg10[%get3A_681, %get3A_682] {strides = array<i32>} : memref<9x512xf32, #tpu.memory_space<vmem>>, vector<16xf32>,
      %add3A_684 = arith.addf %get3A_683, %convert_element_type3A_544 : vector<16xf32>
      %mul3A_685 = vector.broadcast %scan3A : f32 to vector<16xf32>
      %mul3A_686 = arith.mulf %add3A_684, %mul3A_685 : vector<16xf32>
      %add3A_687 = arith.addf %get3A_677, %convert_element_type3A_545 : vector<16xf32>
      %add3A_688 = arith.addf %mul3A_686, %add3A_687 : vector<16xf32>
      %convert_element_type3A_689 = arith.fptosi %add3A_688 : vector<16xf32> to vector<16xi32>
      %mul3A_690 = arith.constant 16 : i32
      %mul3A_691 = arith.muli %mul3A_490, %mul3A_690 : i32
      %get3A_692 = arith.constant 8 : i32
      %get3A_693 = arith.index_cast %get3A_692 : i32 to index
      %get3A_694 = arith.index_cast %mul3A_691 : i32 to index
      %get3A_695 = tpu.vector_load %arg9[%get3A_693, %get3A_694] {strides = array<i32>} : memref<9x512xf32, #tpu.memory_space<vmem>>, vector<16xf32>,
      %mul3A_696 = arith.constant 16 : i32
      %mul3A_697 = arith.muli %mul3A_490, %mul3A_696 : i32
      %get3A_698 = arith.constant 8 : i32
      %get3A_699 = arith.index_cast %get3A_698 : i32 to index
      %get3A_700 = arith.index_cast %mul3A_697 : i32 to index
      %get3A_701 = tpu.vector_load %arg10[%get3A_699, %get3A_700] {strides = array<i32>} : memref<9x512xf32, #tpu.memory_space<vmem>>, vector<16xf32>,
      %add3A_702 = arith.addf %get3A_701, %convert_element_type3A_544 : vector<16xf32>
      %mul3A_703 = vector.broadcast %scan3A : f32 to vector<16xf32>
      %mul3A_704 = arith.mulf %add3A_702, %mul3A_703 : vector<16xf32>
      %add3A_705 = arith.addf %get3A_695, %convert_element_type3A_545 : vector<16xf32>
      %add3A_706 = arith.addf %mul3A_704, %add3A_705 : vector<16xf32>
      %convert_element_type3A_707 = arith.fptosi %add3A_706 : vector<16xf32> to vector<16xi32>
      %lt3A_708 = arith.constant 31 : i32
      %lt3A_709 = arith.cmpi slt, %mul3A_490, %lt3A_708 : i32
      %convert_element_type3A_710 = arith.extui %lt3A_709 : i1 to i32
      %cond3A_711 = arith.constant 0 : i32
      %cond3A_712 = arith.cmpi ne, %convert_element_type3A_710, %cond3A_711 : i32
      scf.if %cond3A_712 {
        %mul3A_2064 = arith.constant 16 : i32
        %mul3A_2065 = arith.muli %min3A_494, %mul3A_2064 : i32
        %add3A_2066 = arith.addi %mul3A_32, %mul3A_2065 : i32
        %add3A_2067 = vector.broadcast %add3A_2066 : i32 to vector<16xi32>
        %add3A_2068 = arith.addi %add3A_2067, %iota3A : vector<16xi32>
        %shift_right_arithmetic3A_2069 = arith.constant 6 : i32
        %shift_right_arithmetic3A_2070 = vector.broadcast %shift_right_arithmetic3A_2069 : i32 to vector<16xi32>
        %shift_right_arithmetic3A_2071 = arith.shrsi %add3A_2068, %shift_right_arithmetic3A_2070 : vector<16xi32>
        %and3A_2072 = arith.constant 63 : i32
        %and3A_2073 = vector.broadcast %and3A_2072 : i32 to vector<16xi32>
        %and3A_2074 = arith.andi %add3A_2068, %and3A_2073 : vector<16xi32>
        %convert_element_type3A_2075 = arith.sitofp %shift_right_arithmetic3A_2071 : vector<16xi32> to vector<16xf32>
        %convert_element_type3A_2076 = arith.sitofp %and3A_2074 : vector<16xi32> to vector<16xf32>
        %mul3A_2077 = arith.constant 16 : i32
        %mul3A_2078 = arith.muli %min3A_494, %mul3A_2077 : i32
        %get3A_2079 = arith.constant 0 : i32
        %get3A_2080 = arith.index_cast %get3A_2079 : i32 to index
        %get3A_2081 = arith.index_cast %mul3A_2078 : i32 to index
        %get3A_2082 = tpu.vector_load %arg9[%get3A_2080, %get3A_2081] {strides = array<i32>} : memref<9x512xf32, #tpu.memory_space<vmem>>, vector<16xf32>,
        %mul3A_2083 = arith.constant 16 : i32
        %mul3A_2084 = arith.muli %min3A_494, %mul3A_2083 : i32
        %get3A_2085 = arith.constant 0 : i32
        %get3A_2086 = arith.index_cast %get3A_2085 : i32 to index
        %get3A_2087 = arith.index_cast %mul3A_2084 : i32 to index
        %get3A_2088 = tpu.vector_load %arg10[%get3A_2086, %get3A_2087] {strides = array<i32>} : memref<9x512xf32, #tpu.memory_space<vmem>>, vector<16xf32>,
        %add3A_2089 = arith.addf %get3A_2088, %convert_element_type3A_2075 : vector<16xf32>
        %mul3A_2090 = vector.broadcast %scan3A : f32 to vector<16xf32>
        %mul3A_2091 = arith.mulf %add3A_2089, %mul3A_2090 : vector<16xf32>
        %add3A_2092 = arith.addf %get3A_2082, %convert_element_type3A_2076 : vector<16xf32>
        %add3A_2093 = arith.addf %mul3A_2091, %add3A_2092 : vector<16xf32>
        %convert_element_type3A_2094 = arith.fptosi %add3A_2093 : vector<16xf32> to vector<16xi32>
        %mul3A_2095 = arith.constant 16 : i32
        %mul3A_2096 = arith.muli %min3A_494, %mul3A_2095 : i32
        %get3A_2097 = arith.constant 1 : i32
        %get3A_2098 = arith.index_cast %get3A_2097 : i32 to index
        %get3A_2099 = arith.index_cast %mul3A_2096 : i32 to index
        %get3A_2100 = tpu.vector_load %arg9[%get3A_2098, %get3A_2099] {strides = array<i32>} : memref<9x512xf32, #tpu.memory_space<vmem>>, vector<16xf32>,
        %mul3A_2101 = arith.constant 16 : i32
        %mul3A_2102 = arith.muli %min3A_494, %mul3A_2101 : i32
        %get3A_2103 = arith.constant 1 : i32
        %get3A_2104 = arith.index_cast %get3A_2103 : i32 to index
        %get3A_2105 = arith.index_cast %mul3A_2102 : i32 to index
        %get3A_2106 = tpu.vector_load %arg10[%get3A_2104, %get3A_2105] {strides = array<i32>} : memref<9x512xf32, #tpu.memory_space<vmem>>, vector<16xf32>,
        %add3A_2107 = arith.addf %get3A_2106, %convert_element_type3A_2075 : vector<16xf32>
        %mul3A_2108 = vector.broadcast %scan3A : f32 to vector<16xf32>
        %mul3A_2109 = arith.mulf %add3A_2107, %mul3A_2108 : vector<16xf32>
        %add3A_2110 = arith.addf %get3A_2100, %convert_element_type3A_2076 : vector<16xf32>
        %add3A_2111 = arith.addf %mul3A_2109, %add3A_2110 : vector<16xf32>
        %convert_element_type3A_2112 = arith.fptosi %add3A_2111 : vector<16xf32> to vector<16xi32>
        %mul3A_2113 = arith.constant 16 : i32
        %mul3A_2114 = arith.muli %min3A_494, %mul3A_2113 : i32
        %get3A_2115 = arith.constant 2 : i32
        %get3A_2116 = arith.index_cast %get3A_2115 : i32 to index
        %get3A_2117 = arith.index_cast %mul3A_2114 : i32 to index
        %get3A_2118 = tpu.vector_load %arg9[%get3A_2116, %get3A_2117] {strides = array<i32>} : memref<9x512xf32, #tpu.memory_space<vmem>>, vector<16xf32>,
        %mul3A_2119 = arith.constant 16 : i32
        %mul3A_2120 = arith.muli %min3A_494, %mul3A_2119 : i32
        %get3A_2121 = arith.constant 2 : i32
        %get3A_2122 = arith.index_cast %get3A_2121 : i32 to index
        %get3A_2123 = arith.index_cast %mul3A_2120 : i32 to index
        %get3A_2124 = tpu.vector_load %arg10[%get3A_2122, %get3A_2123] {strides = array<i32>} : memref<9x512xf32, #tpu.memory_space<vmem>>, vector<16xf32>,
        %add3A_2125 = arith.addf %get3A_2124, %convert_element_type3A_2075 : vector<16xf32>
        %mul3A_2126 = vector.broadcast %scan3A : f32 to vector<16xf32>
        %mul3A_2127 = arith.mulf %add3A_2125, %mul3A_2126 : vector<16xf32>
        %add3A_2128 = arith.addf %get3A_2118, %convert_element_type3A_2076 : vector<16xf32>
        %add3A_2129 = arith.addf %mul3A_2127, %add3A_2128 : vector<16xf32>
        %convert_element_type3A_2130 = arith.fptosi %add3A_2129 : vector<16xf32> to vector<16xi32>
        %mul3A_2131 = arith.constant 16 : i32
        %mul3A_2132 = arith.muli %min3A_494, %mul3A_2131 : i32
        %get3A_2133 = arith.constant 3 : i32
        %get3A_2134 = arith.index_cast %get3A_2133 : i32 to index
        %get3A_2135 = arith.index_cast %mul3A_2132 : i32 to index
        %get3A_2136 = tpu.vector_load %arg9[%get3A_2134, %get3A_2135] {strides = array<i32>} : memref<9x512xf32, #tpu.memory_space<vmem>>, vector<16xf32>,
        %mul3A_2137 = arith.constant 16 : i32
        %mul3A_2138 = arith.muli %min3A_494, %mul3A_2137 : i32
        %get3A_2139 = arith.constant 3 : i32
        %get3A_2140 = arith.index_cast %get3A_2139 : i32 to index
        %get3A_2141 = arith.index_cast %mul3A_2138 : i32 to index
        %get3A_2142 = tpu.vector_load %arg10[%get3A_2140, %get3A_2141] {strides = array<i32>} : memref<9x512xf32, #tpu.memory_space<vmem>>, vector<16xf32>,
        %add3A_2143 = arith.addf %get3A_2142, %convert_element_type3A_2075 : vector<16xf32>
        %mul3A_2144 = vector.broadcast %scan3A : f32 to vector<16xf32>
        %mul3A_2145 = arith.mulf %add3A_2143, %mul3A_2144 : vector<16xf32>
        %add3A_2146 = arith.addf %get3A_2136, %convert_element_type3A_2076 : vector<16xf32>
        %add3A_2147 = arith.addf %mul3A_2145, %add3A_2146 : vector<16xf32>
        %convert_element_type3A_2148 = arith.fptosi %add3A_2147 : vector<16xf32> to vector<16xi32>
        %mul3A_2149 = arith.constant 16 : i32
        %mul3A_2150 = arith.muli %min3A_494, %mul3A_2149 : i32
        %get3A_2151 = arith.constant 4 : i32
        %get3A_2152 = arith.index_cast %get3A_2151 : i32 to index
        %get3A_2153 = arith.index_cast %mul3A_2150 : i32 to index
        %get3A_2154 = tpu.vector_load %arg9[%get3A_2152, %get3A_2153] {strides = array<i32>} : memref<9x512xf32, #tpu.memory_space<vmem>>, vector<16xf32>,
        %mul3A_2155 = arith.constant 16 : i32
        %mul3A_2156 = arith.muli %min3A_494, %mul3A_2155 : i32
        %get3A_2157 = arith.constant 4 : i32
        %get3A_2158 = arith.index_cast %get3A_2157 : i32 to index
        %get3A_2159 = arith.index_cast %mul3A_2156 : i32 to index
        %get3A_2160 = tpu.vector_load %arg10[%get3A_2158, %get3A_2159] {strides = array<i32>} : memref<9x512xf32, #tpu.memory_space<vmem>>, vector<16xf32>,
        %add3A_2161 = arith.addf %get3A_2160, %convert_element_type3A_2075 : vector<16xf32>
        %mul3A_2162 = vector.broadcast %scan3A : f32 to vector<16xf32>
        %mul3A_2163 = arith.mulf %add3A_2161, %mul3A_2162 : vector<16xf32>
        %add3A_2164 = arith.addf %get3A_2154, %convert_element_type3A_2076 : vector<16xf32>
        %add3A_2165 = arith.addf %mul3A_2163, %add3A_2164 : vector<16xf32>
        %convert_element_type3A_2166 = arith.fptosi %add3A_2165 : vector<16xf32> to vector<16xi32>
        %mul3A_2167 = arith.constant 16 : i32
        %mul3A_2168 = arith.muli %min3A_494, %mul3A_2167 : i32
        %get3A_2169 = arith.constant 5 : i32
        %get3A_2170 = arith.index_cast %get3A_2169 : i32 to index
        %get3A_2171 = arith.index_cast %mul3A_2168 : i32 to index
        %get3A_2172 = tpu.vector_load %arg9[%get3A_2170, %get3A_2171] {strides = array<i32>} : memref<9x512xf32, #tpu.memory_space<vmem>>, vector<16xf32>,
        %mul3A_2173 = arith.constant 16 : i32
        %mul3A_2174 = arith.muli %min3A_494, %mul3A_2173 : i32
        %get3A_2175 = arith.constant 5 : i32
        %get3A_2176 = arith.index_cast %get3A_2175 : i32 to index
        %get3A_2177 = arith.index_cast %mul3A_2174 : i32 to index
        %get3A_2178 = tpu.vector_load %arg10[%get3A_2176, %get3A_2177] {strides = array<i32>} : memref<9x512xf32, #tpu.memory_space<vmem>>, vector<16xf32>,
        %add3A_2179 = arith.addf %get3A_2178, %convert_element_type3A_2075 : vector<16xf32>
        %mul3A_2180 = vector.broadcast %scan3A : f32 to vector<16xf32>
        %mul3A_2181 = arith.mulf %add3A_2179, %mul3A_2180 : vector<16xf32>
        %add3A_2182 = arith.addf %get3A_2172, %convert_element_type3A_2076 : vector<16xf32>
        %add3A_2183 = arith.addf %mul3A_2181, %add3A_2182 : vector<16xf32>
        %convert_element_type3A_2184 = arith.fptosi %add3A_2183 : vector<16xf32> to vector<16xi32>
        %mul3A_2185 = arith.constant 16 : i32
        %mul3A_2186 = arith.muli %min3A_494, %mul3A_2185 : i32
        %get3A_2187 = arith.constant 6 : i32
        %get3A_2188 = arith.index_cast %get3A_2187 : i32 to index
        %get3A_2189 = arith.index_cast %mul3A_2186 : i32 to index
        %get3A_2190 = tpu.vector_load %arg9[%get3A_2188, %get3A_2189] {strides = array<i32>} : memref<9x512xf32, #tpu.memory_space<vmem>>, vector<16xf32>,
        %mul3A_2191 = arith.constant 16 : i32
        %mul3A_2192 = arith.muli %min3A_494, %mul3A_2191 : i32
        %get3A_2193 = arith.constant 6 : i32
        %get3A_2194 = arith.index_cast %get3A_2193 : i32 to index
        %get3A_2195 = arith.index_cast %mul3A_2192 : i32 to index
        %get3A_2196 = tpu.vector_load %arg10[%get3A_2194, %get3A_2195] {strides = array<i32>} : memref<9x512xf32, #tpu.memory_space<vmem>>, vector<16xf32>,
        %add3A_2197 = arith.addf %get3A_2196, %convert_element_type3A_2075 : vector<16xf32>
        %mul3A_2198 = vector.broadcast %scan3A : f32 to vector<16xf32>
        %mul3A_2199 = arith.mulf %add3A_2197, %mul3A_2198 : vector<16xf32>
        %add3A_2200 = arith.addf %get3A_2190, %convert_element_type3A_2076 : vector<16xf32>
        %add3A_2201 = arith.addf %mul3A_2199, %add3A_2200 : vector<16xf32>
        %convert_element_type3A_2202 = arith.fptosi %add3A_2201 : vector<16xf32> to vector<16xi32>
        %mul3A_2203 = arith.constant 16 : i32
        %mul3A_2204 = arith.muli %min3A_494, %mul3A_2203 : i32
        %get3A_2205 = arith.constant 7 : i32
        %get3A_2206 = arith.index_cast %get3A_2205 : i32 to index
        %get3A_2207 = arith.index_cast %mul3A_2204 : i32 to index
        %get3A_2208 = tpu.vector_load %arg9[%get3A_2206, %get3A_2207] {strides = array<i32>} : memref<9x512xf32, #tpu.memory_space<vmem>>, vector<16xf32>,
        %mul3A_2209 = arith.constant 16 : i32
        %mul3A_2210 = arith.muli %min3A_494, %mul3A_2209 : i32
        %get3A_2211 = arith.constant 7 : i32
        %get3A_2212 = arith.index_cast %get3A_2211 : i32 to index
        %get3A_2213 = arith.index_cast %mul3A_2210 : i32 to index
        %get3A_2214 = tpu.vector_load %arg10[%get3A_2212, %get3A_2213] {strides = array<i32>} : memref<9x512xf32, #tpu.memory_space<vmem>>, vector<16xf32>,
        %add3A_2215 = arith.addf %get3A_2214, %convert_element_type3A_2075 : vector<16xf32>
        %mul3A_2216 = vector.broadcast %scan3A : f32 to vector<16xf32>
        %mul3A_2217 = arith.mulf %add3A_2215, %mul3A_2216 : vector<16xf32>
        %add3A_2218 = arith.addf %get3A_2208, %convert_element_type3A_2076 : vector<16xf32>
        %add3A_2219 = arith.addf %mul3A_2217, %add3A_2218 : vector<16xf32>
        %convert_element_type3A_2220 = arith.fptosi %add3A_2219 : vector<16xf32> to vector<16xi32>
        %mul3A_2221 = arith.constant 16 : i32
        %mul3A_2222 = arith.muli %min3A_494, %mul3A_2221 : i32
        %get3A_2223 = arith.constant 8 : i32
        %get3A_2224 = arith.index_cast %get3A_2223 : i32 to index
        %get3A_2225 = arith.index_cast %mul3A_2222 : i32 to index
        %get3A_2226 = tpu.vector_load %arg9[%get3A_2224, %get3A_2225] {strides = array<i32>} : memref<9x512xf32, #tpu.memory_space<vmem>>, vector<16xf32>,
        %mul3A_2227 = arith.constant 16 : i32
        %mul3A_2228 = arith.muli %min3A_494, %mul3A_2227 : i32
        %get3A_2229 = arith.constant 8 : i32
        %get3A_2230 = arith.index_cast %get3A_2229 : i32 to index
        %get3A_2231 = arith.index_cast %mul3A_2228 : i32 to index
        %get3A_2232 = tpu.vector_load %arg10[%get3A_2230, %get3A_2231] {strides = array<i32>} : memref<9x512xf32, #tpu.memory_space<vmem>>, vector<16xf32>,
        %add3A_2233 = arith.addf %get3A_2232, %convert_element_type3A_2075 : vector<16xf32>
        %mul3A_2234 = vector.broadcast %scan3A : f32 to vector<16xf32>
        %mul3A_2235 = arith.mulf %add3A_2233, %mul3A_2234 : vector<16xf32>
        %add3A_2236 = arith.addf %get3A_2226, %convert_element_type3A_2076 : vector<16xf32>
        %add3A_2237 = arith.addf %mul3A_2235, %add3A_2236 : vector<16xf32>
        %convert_element_type3A_2238 = arith.fptosi %add3A_2237 : vector<16xf32> to vector<16xi32>
        %add3A_2239 = vector.broadcast %mul3A_34 : i32 to vector<16xi32>
        %add3A_2240 = arith.addi %convert_element_type3A_2094, %add3A_2239 : vector<16xi32>
        %jit3A_2241 = arith.constant 0 : i32
        %jit3A_2242 = arith.constant 16383 : i32
        %max3A_2243 = vector.broadcast %jit3A_2241 : i32 to vector<16xi32>
        %max3A_2244 = arith.maxsi %max3A_2243, %add3A_2240 : vector<16xi32>
        %min3A_2245 = vector.broadcast %jit3A_2242 : i32 to vector<16xi32>
        %min3A_2246 = arith.minsi %min3A_2245, %max3A_2244 : vector<16xi32>
        %swap3A_2247 = arith.constant 0 : index
        %swap3A_2248 = tpu.vector_load %arg14[%swap3A_2247] {strides = array<i32>} : memref<80xi32, #tpu.memory_space<vmem>>, vector<16xi32>,
        tpu.vector_store %arg14[%swap3A_2247], %min3A_2246 {strides = array<i32>} : memref<80xi32, #tpu.memory_space<vmem>>, vector<16xi32>,
        %add3A_2249 = vector.broadcast %mul3A_34 : i32 to vector<16xi32>
        %add3A_2250 = arith.addi %convert_element_type3A_2112, %add3A_2249 : vector<16xi32>
        %jit3A_2251 = arith.constant 0 : i32
        %jit3A_2252 = arith.constant 16383 : i32
        %max3A_2253 = vector.broadcast %jit3A_2251 : i32 to vector<16xi32>
        %max3A_2254 = arith.maxsi %max3A_2253, %add3A_2250 : vector<16xi32>
        %min3A_2255 = vector.broadcast %jit3A_2252 : i32 to vector<16xi32>
        %min3A_2256 = arith.minsi %min3A_2255, %max3A_2254 : vector<16xi32>
        %swap3A_2257 = arith.constant 16 : index
        %swap3A_2258 = tpu.vector_load %arg14[%swap3A_2257] {strides = array<i32>} : memref<80xi32, #tpu.memory_space<vmem>>, vector<16xi32>,
        tpu.vector_store %arg14[%swap3A_2257], %min3A_2256 {strides = array<i32>} : memref<80xi32, #tpu.memory_space<vmem>>, vector<16xi32>,
        %add3A_2259 = vector.broadcast %mul3A_34 : i32 to vector<16xi32>
        %add3A_2260 = arith.addi %convert_element_type3A_2130, %add3A_2259 : vector<16xi32>
        %jit3A_2261 = arith.constant 0 : i32
        %jit3A_2262 = arith.constant 16383 : i32
        %max3A_2263 = vector.broadcast %jit3A_2261 : i32 to vector<16xi32>
        %max3A_2264 = arith.maxsi %max3A_2263, %add3A_2260 : vector<16xi32>
        %min3A_2265 = vector.broadcast %jit3A_2262 : i32 to vector<16xi32>
        %min3A_2266 = arith.minsi %min3A_2265, %max3A_2264 : vector<16xi32>
        %swap3A_2267 = arith.constant 32 : index
        %swap3A_2268 = tpu.vector_load %arg14[%swap3A_2267] {strides = array<i32>} : memref<80xi32, #tpu.memory_space<vmem>>, vector<16xi32>,
        tpu.vector_store %arg14[%swap3A_2267], %min3A_2266 {strides = array<i32>} : memref<80xi32, #tpu.memory_space<vmem>>, vector<16xi32>,
        %add3A_2269 = vector.broadcast %mul3A_34 : i32 to vector<16xi32>
        %add3A_2270 = arith.addi %convert_element_type3A_2148, %add3A_2269 : vector<16xi32>
        %jit3A_2271 = arith.constant 0 : i32
        %jit3A_2272 = arith.constant 16383 : i32
        %max3A_2273 = vector.broadcast %jit3A_2271 : i32 to vector<16xi32>
        %max3A_2274 = arith.maxsi %max3A_2273, %add3A_2270 : vector<16xi32>
        %min3A_2275 = vector.broadcast %jit3A_2272 : i32 to vector<16xi32>
        %min3A_2276 = arith.minsi %min3A_2275, %max3A_2274 : vector<16xi32>
        %swap3A_2277 = arith.constant 48 : index
        %swap3A_2278 = tpu.vector_load %arg14[%swap3A_2277] {strides = array<i32>} : memref<80xi32, #tpu.memory_space<vmem>>, vector<16xi32>,
        tpu.vector_store %arg14[%swap3A_2277], %min3A_2276 {strides = array<i32>} : memref<80xi32, #tpu.memory_space<vmem>>, vector<16xi32>,
        %add3A_2279 = vector.broadcast %mul3A_34 : i32 to vector<16xi32>
        %add3A_2280 = arith.addi %convert_element_type3A_2166, %add3A_2279 : vector<16xi32>
        %jit3A_2281 = arith.constant 0 : i32
        %jit3A_2282 = arith.constant 16383 : i32
        %max3A_2283 = vector.broadcast %jit3A_2281 : i32 to vector<16xi32>
        %max3A_2284 = arith.maxsi %max3A_2283, %add3A_2280 : vector<16xi32>
        %min3A_2285 = vector.broadcast %jit3A_2282 : i32 to vector<16xi32>
        %min3A_2286 = arith.minsi %min3A_2285, %max3A_2284 : vector<16xi32>
        %swap3A_2287 = arith.constant 64 : index
        %swap3A_2288 = tpu.vector_load %arg14[%swap3A_2287] {strides = array<i32>} : memref<80xi32, #tpu.memory_space<vmem>>, vector<16xi32>,
        tpu.vector_store %arg14[%swap3A_2287], %min3A_2286 {strides = array<i32>} : memref<80xi32, #tpu.memory_space<vmem>>, vector<16xi32>,
        %dma_start3A_2289 = arith.constant 0 : i32
        %dma_start3A_2290 = arith.constant 0 : i32
        %dma_start3A_2291 = tpu.memref_slice %arg3[%dma_start3A_2289, %dma_start3A_2290] : memref<16384x512xf32, #tpu.memory_space<hbm>> -> memref<16384x512xf32, #tpu.memory_space<hbm>>
        tpu.enqueue_indirect_dma source(%dma_start3A_2291 : memref<16384x512xf32, #tpu.memory_space<hbm>>) target(%arg12 : memref<80x512xf32, #tpu.memory_space<vmem>>) offsets(%arg14 : memref<80xi32, #tpu.memory_space<vmem>>) semaphore(%arg19 : memref<!tpu.dma_semaphore, #tpu.memory_space<semaphore_mem>>)
      } else {
      }
      %dma_wait3A_713 = arith.constant 0 : i32
      %dma_wait3A_714 = arith.constant 0 : i32
      %dma_wait3A_715 = tpu.memref_slice %arg3[%dma_wait3A_713, %dma_wait3A_714] : memref<16384x512xf32, #tpu.memory_space<hbm>> -> memref<16384x512xf32, #tpu.memory_space<hbm>>
      tpu.wait_indirect_dma semaphore(%arg20 : memref<!tpu.dma_semaphore, #tpu.memory_space<semaphore_mem>>) src(%dma_wait3A_715 : memref<16384x512xf32, #tpu.memory_space<hbm>>) dst(%arg13 : memref<64x512xf32, #tpu.memory_space<vmem>>)
      %broadcast_in_dim3A_716 = arith.constant 0.000000e+00 : f32
      %broadcast_in_dim3A_717 = vector.broadcast %broadcast_in_dim3A_716 : f32 to vector<16xf32>
      %broadcast_in_dim3A_718 = arith.constant 0.000000e+00 : f32
      %broadcast_in_dim3A_719 = vector.broadcast %broadcast_in_dim3A_718 : f32 to vector<16xf32>
      %broadcast_in_dim3A_720 = arith.constant 0.000000e+00 : f32
      %broadcast_in_dim3A_721 = vector.broadcast %broadcast_in_dim3A_720 : f32 to vector<16xf32>
      %broadcast_in_dim3A_722 = arith.constant 0.000000e+00 : f32
      %broadcast_in_dim3A_723 = vector.broadcast %broadcast_in_dim3A_722 : f32 to vector<16xf32>
      %parallel_loop3A_724 = arith.constant 0 : i32
      %parallel_loop3A_725 = arith.constant 512 : i32
      %parallel_loop3A_726 = arith.constant 1 : i32
      %parallel_loop3A_727 = arith.constant 0 : i32
      %parallel_loop3A_728:4 = scf.for %parallel_loop3A_2064 = %parallel_loop3A_724 to %parallel_loop3A_725 step %parallel_loop3A_726 iter_args(%parallel_loop3A_2065 = %broadcast_in_dim3A_717, %parallel_loop3A_2066 = %broadcast_in_dim3A_719, %parallel_loop3A_2067 = %broadcast_in_dim3A_721, %parallel_loop3A_2068 = %broadcast_in_dim3A_723) -> (vector<16xf32>, vector<16xf32>, vector<16xf32>, vector<16xf32>)  : i32 {
        %parallel_loop3A_2069 = vector.broadcast %parallel_loop3A_2064 : i32 to vector<16xi32>
        %parallel_loop3A_2070 = arith.addi %iota3A, %parallel_loop3A_2069 : vector<16xi32>
        %parallel_loop3A_2071 = arith.constant 511 : i32
        %parallel_loop3A_2072 = vector.broadcast %parallel_loop3A_2071 : i32 to vector<16xi32>
        %parallel_loop3A_2073 = arith.andi %parallel_loop3A_2070, %parallel_loop3A_2072 : vector<16xi32>
        %parallel_loop3A_2074 = arith.constant 0 : i32
        %parallel_loop3A_2075 = arith.constant 0 : i32
        %parallel_loop3A_2076 = tpu.memref_slice %arg11[%parallel_loop3A_727, %parallel_loop3A_2074, %parallel_loop3A_2075] : memref<2x16x512xf32, #tpu.memory_space<vmem>> -> memref<1x16x512xf32, #tpu.memory_space<vmem>>
        %parallel_loop3A_2077 = tpu.memref_squeeze %parallel_loop3A_2076 : memref<1x16x512xf32, #tpu.memory_space<vmem>> -> memref<16x512xf32, #tpu.memory_space<vmem>>
        %parallel_loop3A_2078 = tpu.vector_load_idx %parallel_loop3A_2077[%iota3A, %parallel_loop3A_2073] : memref<16x512xf32, #tpu.memory_space<vmem>>[vector<16xi32>, vector<16xi32>], vector<16xf32>,
        %parallel_loop3A_2079 = tpu.vector_load_idx %arg13[%add3A_64, %parallel_loop3A_2073] : memref<64x512xf32, #tpu.memory_space<vmem>>[vector<16xi32>, vector<16xi32>], vector<16xf32>,
        %parallel_loop3A_2080 = arith.mulf %parallel_loop3A_2078, %parallel_loop3A_2079 : vector<16xf32>
        %parallel_loop3A_2081 = arith.addf %parallel_loop3A_2065, %parallel_loop3A_2080 : vector<16xf32>
        %parallel_loop3A_2082 = tpu.vector_load_idx %arg13[%add3A_69, %parallel_loop3A_2073] : memref<64x512xf32, #tpu.memory_space<vmem>>[vector<16xi32>, vector<16xi32>], vector<16xf32>,
        %parallel_loop3A_2083 = arith.mulf %parallel_loop3A_2078, %parallel_loop3A_2082 : vector<16xf32>
        %parallel_loop3A_2084 = arith.addf %parallel_loop3A_2066, %parallel_loop3A_2083 : vector<16xf32>
        %parallel_loop3A_2085 = tpu.vector_load_idx %arg13[%add3A_74, %parallel_loop3A_2073] : memref<64x512xf32, #tpu.memory_space<vmem>>[vector<16xi32>, vector<16xi32>], vector<16xf32>,
        %parallel_loop3A_2086 = arith.mulf %parallel_loop3A_2078, %parallel_loop3A_2085 : vector<16xf32>
        %parallel_loop3A_2087 = arith.addf %parallel_loop3A_2067, %parallel_loop3A_2086 : vector<16xf32>
        %parallel_loop3A_2088 = tpu.vector_load_idx %arg13[%add3A_79, %parallel_loop3A_2073] : memref<64x512xf32, #tpu.memory_space<vmem>>[vector<16xi32>, vector<16xi32>], vector<16xf32>,
        %parallel_loop3A_2089 = arith.mulf %parallel_loop3A_2078, %parallel_loop3A_2088 : vector<16xf32>
        %parallel_loop3A_2090 = arith.addf %parallel_loop3A_2068, %parallel_loop3A_2089 : vector<16xf32>
        scf.yield %parallel_loop3A_2081, %parallel_loop3A_2084, %parallel_loop3A_2087, %parallel_loop3A_2090 : vector<16xf32>, vector<16xf32>, vector<16xf32>, vector<16xf32>
      } {sc.loop_unroll_factor = 4 : i64, sc.parallel_access}
      %lt3A_729 = arith.constant 31 : i32
      %lt3A_730 = arith.cmpi slt, %mul3A_490, %lt3A_729 : i32
      %convert_element_type3A_731 = arith.extui %lt3A_730 : i1 to i32
      %cond3A_732 = arith.constant 0 : i32
      %cond3A_733 = arith.cmpi ne, %convert_element_type3A_731, %cond3A_732 : i32
      scf.if %cond3A_733 {
        %mul3A_2064 = arith.constant 16 : i32
        %mul3A_2065 = arith.muli %min3A_494, %mul3A_2064 : i32
        %add3A_2066 = arith.addi %mul3A_32, %mul3A_2065 : i32
        %add3A_2067 = vector.broadcast %add3A_2066 : i32 to vector<16xi32>
        %add3A_2068 = arith.addi %add3A_2067, %iota3A : vector<16xi32>
        %shift_right_arithmetic3A_2069 = arith.constant 6 : i32
        %shift_right_arithmetic3A_2070 = vector.broadcast %shift_right_arithmetic3A_2069 : i32 to vector<16xi32>
        %shift_right_arithmetic3A_2071 = arith.shrsi %add3A_2068, %shift_right_arithmetic3A_2070 : vector<16xi32>
        %and3A_2072 = arith.constant 63 : i32
        %and3A_2073 = vector.broadcast %and3A_2072 : i32 to vector<16xi32>
        %and3A_2074 = arith.andi %add3A_2068, %and3A_2073 : vector<16xi32>
        %convert_element_type3A_2075 = arith.sitofp %shift_right_arithmetic3A_2071 : vector<16xi32> to vector<16xf32>
        %convert_element_type3A_2076 = arith.sitofp %and3A_2074 : vector<16xi32> to vector<16xf32>
        %mul3A_2077 = arith.constant 16 : i32
        %mul3A_2078 = arith.muli %min3A_494, %mul3A_2077 : i32
        %get3A_2079 = arith.constant 0 : i32
        %get3A_2080 = arith.index_cast %get3A_2079 : i32 to index
        %get3A_2081 = arith.index_cast %mul3A_2078 : i32 to index
        %get3A_2082 = tpu.vector_load %arg9[%get3A_2080, %get3A_2081] {strides = array<i32>} : memref<9x512xf32, #tpu.memory_space<vmem>>, vector<16xf32>,
        %mul3A_2083 = arith.constant 16 : i32
        %mul3A_2084 = arith.muli %min3A_494, %mul3A_2083 : i32
        %get3A_2085 = arith.constant 0 : i32
        %get3A_2086 = arith.index_cast %get3A_2085 : i32 to index
        %get3A_2087 = arith.index_cast %mul3A_2084 : i32 to index
        %get3A_2088 = tpu.vector_load %arg10[%get3A_2086, %get3A_2087] {strides = array<i32>} : memref<9x512xf32, #tpu.memory_space<vmem>>, vector<16xf32>,
        %add3A_2089 = arith.addf %get3A_2088, %convert_element_type3A_2075 : vector<16xf32>
        %mul3A_2090 = vector.broadcast %scan3A : f32 to vector<16xf32>
        %mul3A_2091 = arith.mulf %add3A_2089, %mul3A_2090 : vector<16xf32>
        %add3A_2092 = arith.addf %get3A_2082, %convert_element_type3A_2076 : vector<16xf32>
        %add3A_2093 = arith.addf %mul3A_2091, %add3A_2092 : vector<16xf32>
        %convert_element_type3A_2094 = arith.fptosi %add3A_2093 : vector<16xf32> to vector<16xi32>
        %mul3A_2095 = arith.constant 16 : i32
        %mul3A_2096 = arith.muli %min3A_494, %mul3A_2095 : i32
        %get3A_2097 = arith.constant 1 : i32
        %get3A_2098 = arith.index_cast %get3A_2097 : i32 to index
        %get3A_2099 = arith.index_cast %mul3A_2096 : i32 to index
        %get3A_2100 = tpu.vector_load %arg9[%get3A_2098, %get3A_2099] {strides = array<i32>} : memref<9x512xf32, #tpu.memory_space<vmem>>, vector<16xf32>,
        %mul3A_2101 = arith.constant 16 : i32
        %mul3A_2102 = arith.muli %min3A_494, %mul3A_2101 : i32
        %get3A_2103 = arith.constant 1 : i32
        %get3A_2104 = arith.index_cast %get3A_2103 : i32 to index
        %get3A_2105 = arith.index_cast %mul3A_2102 : i32 to index
        %get3A_2106 = tpu.vector_load %arg10[%get3A_2104, %get3A_2105] {strides = array<i32>} : memref<9x512xf32, #tpu.memory_space<vmem>>, vector<16xf32>,
        %add3A_2107 = arith.addf %get3A_2106, %convert_element_type3A_2075 : vector<16xf32>
        %mul3A_2108 = vector.broadcast %scan3A : f32 to vector<16xf32>
        %mul3A_2109 = arith.mulf %add3A_2107, %mul3A_2108 : vector<16xf32>
        %add3A_2110 = arith.addf %get3A_2100, %convert_element_type3A_2076 : vector<16xf32>
        %add3A_2111 = arith.addf %mul3A_2109, %add3A_2110 : vector<16xf32>
        %convert_element_type3A_2112 = arith.fptosi %add3A_2111 : vector<16xf32> to vector<16xi32>
        %mul3A_2113 = arith.constant 16 : i32
        %mul3A_2114 = arith.muli %min3A_494, %mul3A_2113 : i32
        %get3A_2115 = arith.constant 2 : i32
        %get3A_2116 = arith.index_cast %get3A_2115 : i32 to index
        %get3A_2117 = arith.index_cast %mul3A_2114 : i32 to index
        %get3A_2118 = tpu.vector_load %arg9[%get3A_2116, %get3A_2117] {strides = array<i32>} : memref<9x512xf32, #tpu.memory_space<vmem>>, vector<16xf32>,
        %mul3A_2119 = arith.constant 16 : i32
        %mul3A_2120 = arith.muli %min3A_494, %mul3A_2119 : i32
        %get3A_2121 = arith.constant 2 : i32
        %get3A_2122 = arith.index_cast %get3A_2121 : i32 to index
        %get3A_2123 = arith.index_cast %mul3A_2120 : i32 to index
        %get3A_2124 = tpu.vector_load %arg10[%get3A_2122, %get3A_2123] {strides = array<i32>} : memref<9x512xf32, #tpu.memory_space<vmem>>, vector<16xf32>,
        %add3A_2125 = arith.addf %get3A_2124, %convert_element_type3A_2075 : vector<16xf32>
        %mul3A_2126 = vector.broadcast %scan3A : f32 to vector<16xf32>
        %mul3A_2127 = arith.mulf %add3A_2125, %mul3A_2126 : vector<16xf32>
        %add3A_2128 = arith.addf %get3A_2118, %convert_element_type3A_2076 : vector<16xf32>
        %add3A_2129 = arith.addf %mul3A_2127, %add3A_2128 : vector<16xf32>
        %convert_element_type3A_2130 = arith.fptosi %add3A_2129 : vector<16xf32> to vector<16xi32>
        %mul3A_2131 = arith.constant 16 : i32
        %mul3A_2132 = arith.muli %min3A_494, %mul3A_2131 : i32
        %get3A_2133 = arith.constant 3 : i32
        %get3A_2134 = arith.index_cast %get3A_2133 : i32 to index
        %get3A_2135 = arith.index_cast %mul3A_2132 : i32 to index
        %get3A_2136 = tpu.vector_load %arg9[%get3A_2134, %get3A_2135] {strides = array<i32>} : memref<9x512xf32, #tpu.memory_space<vmem>>, vector<16xf32>,
        %mul3A_2137 = arith.constant 16 : i32
        %mul3A_2138 = arith.muli %min3A_494, %mul3A_2137 : i32
        %get3A_2139 = arith.constant 3 : i32
        %get3A_2140 = arith.index_cast %get3A_2139 : i32 to index
        %get3A_2141 = arith.index_cast %mul3A_2138 : i32 to index
        %get3A_2142 = tpu.vector_load %arg10[%get3A_2140, %get3A_2141] {strides = array<i32>} : memref<9x512xf32, #tpu.memory_space<vmem>>, vector<16xf32>,
        %add3A_2143 = arith.addf %get3A_2142, %convert_element_type3A_2075 : vector<16xf32>
        %mul3A_2144 = vector.broadcast %scan3A : f32 to vector<16xf32>
        %mul3A_2145 = arith.mulf %add3A_2143, %mul3A_2144 : vector<16xf32>
        %add3A_2146 = arith.addf %get3A_2136, %convert_element_type3A_2076 : vector<16xf32>
        %add3A_2147 = arith.addf %mul3A_2145, %add3A_2146 : vector<16xf32>
        %convert_element_type3A_2148 = arith.fptosi %add3A_2147 : vector<16xf32> to vector<16xi32>
        %mul3A_2149 = arith.constant 16 : i32
        %mul3A_2150 = arith.muli %min3A_494, %mul3A_2149 : i32
        %get3A_2151 = arith.constant 4 : i32
        %get3A_2152 = arith.index_cast %get3A_2151 : i32 to index
        %get3A_2153 = arith.index_cast %mul3A_2150 : i32 to index
        %get3A_2154 = tpu.vector_load %arg9[%get3A_2152, %get3A_2153] {strides = array<i32>} : memref<9x512xf32, #tpu.memory_space<vmem>>, vector<16xf32>,
        %mul3A_2155 = arith.constant 16 : i32
        %mul3A_2156 = arith.muli %min3A_494, %mul3A_2155 : i32
        %get3A_2157 = arith.constant 4 : i32
        %get3A_2158 = arith.index_cast %get3A_2157 : i32 to index
        %get3A_2159 = arith.index_cast %mul3A_2156 : i32 to index
        %get3A_2160 = tpu.vector_load %arg10[%get3A_2158, %get3A_2159] {strides = array<i32>} : memref<9x512xf32, #tpu.memory_space<vmem>>, vector<16xf32>,
        %add3A_2161 = arith.addf %get3A_2160, %convert_element_type3A_2075 : vector<16xf32>
        %mul3A_2162 = vector.broadcast %scan3A : f32 to vector<16xf32>
        %mul3A_2163 = arith.mulf %add3A_2161, %mul3A_2162 : vector<16xf32>
        %add3A_2164 = arith.addf %get3A_2154, %convert_element_type3A_2076 : vector<16xf32>
        %add3A_2165 = arith.addf %mul3A_2163, %add3A_2164 : vector<16xf32>
        %convert_element_type3A_2166 = arith.fptosi %add3A_2165 : vector<16xf32> to vector<16xi32>
        %mul3A_2167 = arith.constant 16 : i32
        %mul3A_2168 = arith.muli %min3A_494, %mul3A_2167 : i32
        %get3A_2169 = arith.constant 5 : i32
        %get3A_2170 = arith.index_cast %get3A_2169 : i32 to index
        %get3A_2171 = arith.index_cast %mul3A_2168 : i32 to index
        %get3A_2172 = tpu.vector_load %arg9[%get3A_2170, %get3A_2171] {strides = array<i32>} : memref<9x512xf32, #tpu.memory_space<vmem>>, vector<16xf32>,
        %mul3A_2173 = arith.constant 16 : i32
        %mul3A_2174 = arith.muli %min3A_494, %mul3A_2173 : i32
        %get3A_2175 = arith.constant 5 : i32
        %get3A_2176 = arith.index_cast %get3A_2175 : i32 to index
        %get3A_2177 = arith.index_cast %mul3A_2174 : i32 to index
        %get3A_2178 = tpu.vector_load %arg10[%get3A_2176, %get3A_2177] {strides = array<i32>} : memref<9x512xf32, #tpu.memory_space<vmem>>, vector<16xf32>,
        %add3A_2179 = arith.addf %get3A_2178, %convert_element_type3A_2075 : vector<16xf32>
        %mul3A_2180 = vector.broadcast %scan3A : f32 to vector<16xf32>
        %mul3A_2181 = arith.mulf %add3A_2179, %mul3A_2180 : vector<16xf32>
        %add3A_2182 = arith.addf %get3A_2172, %convert_element_type3A_2076 : vector<16xf32>
        %add3A_2183 = arith.addf %mul3A_2181, %add3A_2182 : vector<16xf32>
        %convert_element_type3A_2184 = arith.fptosi %add3A_2183 : vector<16xf32> to vector<16xi32>
        %mul3A_2185 = arith.constant 16 : i32
        %mul3A_2186 = arith.muli %min3A_494, %mul3A_2185 : i32
        %get3A_2187 = arith.constant 6 : i32
        %get3A_2188 = arith.index_cast %get3A_2187 : i32 to index
        %get3A_2189 = arith.index_cast %mul3A_2186 : i32 to index
        %get3A_2190 = tpu.vector_load %arg9[%get3A_2188, %get3A_2189] {strides = array<i32>} : memref<9x512xf32, #tpu.memory_space<vmem>>, vector<16xf32>,
        %mul3A_2191 = arith.constant 16 : i32
        %mul3A_2192 = arith.muli %min3A_494, %mul3A_2191 : i32
        %get3A_2193 = arith.constant 6 : i32
        %get3A_2194 = arith.index_cast %get3A_2193 : i32 to index
        %get3A_2195 = arith.index_cast %mul3A_2192 : i32 to index
        %get3A_2196 = tpu.vector_load %arg10[%get3A_2194, %get3A_2195] {strides = array<i32>} : memref<9x512xf32, #tpu.memory_space<vmem>>, vector<16xf32>,
        %add3A_2197 = arith.addf %get3A_2196, %convert_element_type3A_2075 : vector<16xf32>
        %mul3A_2198 = vector.broadcast %scan3A : f32 to vector<16xf32>
        %mul3A_2199 = arith.mulf %add3A_2197, %mul3A_2198 : vector<16xf32>
        %add3A_2200 = arith.addf %get3A_2190, %convert_element_type3A_2076 : vector<16xf32>
        %add3A_2201 = arith.addf %mul3A_2199, %add3A_2200 : vector<16xf32>
        %convert_element_type3A_2202 = arith.fptosi %add3A_2201 : vector<16xf32> to vector<16xi32>
        %mul3A_2203 = arith.constant 16 : i32
        %mul3A_2204 = arith.muli %min3A_494, %mul3A_2203 : i32
        %get3A_2205 = arith.constant 7 : i32
        %get3A_2206 = arith.index_cast %get3A_2205 : i32 to index
        %get3A_2207 = arith.index_cast %mul3A_2204 : i32 to index
        %get3A_2208 = tpu.vector_load %arg9[%get3A_2206, %get3A_2207] {strides = array<i32>} : memref<9x512xf32, #tpu.memory_space<vmem>>, vector<16xf32>,
        %mul3A_2209 = arith.constant 16 : i32
        %mul3A_2210 = arith.muli %min3A_494, %mul3A_2209 : i32
        %get3A_2211 = arith.constant 7 : i32
        %get3A_2212 = arith.index_cast %get3A_2211 : i32 to index
        %get3A_2213 = arith.index_cast %mul3A_2210 : i32 to index
        %get3A_2214 = tpu.vector_load %arg10[%get3A_2212, %get3A_2213] {strides = array<i32>} : memref<9x512xf32, #tpu.memory_space<vmem>>, vector<16xf32>,
        %add3A_2215 = arith.addf %get3A_2214, %convert_element_type3A_2075 : vector<16xf32>
        %mul3A_2216 = vector.broadcast %scan3A : f32 to vector<16xf32>
        %mul3A_2217 = arith.mulf %add3A_2215, %mul3A_2216 : vector<16xf32>
        %add3A_2218 = arith.addf %get3A_2208, %convert_element_type3A_2076 : vector<16xf32>
        %add3A_2219 = arith.addf %mul3A_2217, %add3A_2218 : vector<16xf32>
        %convert_element_type3A_2220 = arith.fptosi %add3A_2219 : vector<16xf32> to vector<16xi32>
        %mul3A_2221 = arith.constant 16 : i32
        %mul3A_2222 = arith.muli %min3A_494, %mul3A_2221 : i32
        %get3A_2223 = arith.constant 8 : i32
        %get3A_2224 = arith.index_cast %get3A_2223 : i32 to index
        %get3A_2225 = arith.index_cast %mul3A_2222 : i32 to index
        %get3A_2226 = tpu.vector_load %arg9[%get3A_2224, %get3A_2225] {strides = array<i32>} : memref<9x512xf32, #tpu.memory_space<vmem>>, vector<16xf32>,
        %mul3A_2227 = arith.constant 16 : i32
        %mul3A_2228 = arith.muli %min3A_494, %mul3A_2227 : i32
        %get3A_2229 = arith.constant 8 : i32
        %get3A_2230 = arith.index_cast %get3A_2229 : i32 to index
        %get3A_2231 = arith.index_cast %mul3A_2228 : i32 to index
        %get3A_2232 = tpu.vector_load %arg10[%get3A_2230, %get3A_2231] {strides = array<i32>} : memref<9x512xf32, #tpu.memory_space<vmem>>, vector<16xf32>,
        %add3A_2233 = arith.addf %get3A_2232, %convert_element_type3A_2075 : vector<16xf32>
        %mul3A_2234 = vector.broadcast %scan3A : f32 to vector<16xf32>
        %mul3A_2235 = arith.mulf %add3A_2233, %mul3A_2234 : vector<16xf32>
        %add3A_2236 = arith.addf %get3A_2226, %convert_element_type3A_2076 : vector<16xf32>
        %add3A_2237 = arith.addf %mul3A_2235, %add3A_2236 : vector<16xf32>
        %convert_element_type3A_2238 = arith.fptosi %add3A_2237 : vector<16xf32> to vector<16xi32>
        %add3A_2239 = vector.broadcast %mul3A_34 : i32 to vector<16xi32>
        %add3A_2240 = arith.addi %convert_element_type3A_2184, %add3A_2239 : vector<16xi32>
        %jit3A_2241 = arith.constant 0 : i32
        %jit3A_2242 = arith.constant 16383 : i32
        %max3A_2243 = vector.broadcast %jit3A_2241 : i32 to vector<16xi32>
        %max3A_2244 = arith.maxsi %max3A_2243, %add3A_2240 : vector<16xi32>
        %min3A_2245 = vector.broadcast %jit3A_2242 : i32 to vector<16xi32>
        %min3A_2246 = arith.minsi %min3A_2245, %max3A_2244 : vector<16xi32>
        %swap3A_2247 = arith.constant 0 : index
        %swap3A_2248 = tpu.vector_load %arg15[%swap3A_2247] {strides = array<i32>} : memref<64xi32, #tpu.memory_space<vmem>>, vector<16xi32>,
        tpu.vector_store %arg15[%swap3A_2247], %min3A_2246 {strides = array<i32>} : memref<64xi32, #tpu.memory_space<vmem>>, vector<16xi32>,
        %add3A_2249 = vector.broadcast %mul3A_34 : i32 to vector<16xi32>
        %add3A_2250 = arith.addi %convert_element_type3A_2202, %add3A_2249 : vector<16xi32>
        %jit3A_2251 = arith.constant 0 : i32
        %jit3A_2252 = arith.constant 16383 : i32
        %max3A_2253 = vector.broadcast %jit3A_2251 : i32 to vector<16xi32>
        %max3A_2254 = arith.maxsi %max3A_2253, %add3A_2250 : vector<16xi32>
        %min3A_2255 = vector.broadcast %jit3A_2252 : i32 to vector<16xi32>
        %min3A_2256 = arith.minsi %min3A_2255, %max3A_2254 : vector<16xi32>
        %swap3A_2257 = arith.constant 16 : index
        %swap3A_2258 = tpu.vector_load %arg15[%swap3A_2257] {strides = array<i32>} : memref<64xi32, #tpu.memory_space<vmem>>, vector<16xi32>,
        tpu.vector_store %arg15[%swap3A_2257], %min3A_2256 {strides = array<i32>} : memref<64xi32, #tpu.memory_space<vmem>>, vector<16xi32>,
        %add3A_2259 = vector.broadcast %mul3A_34 : i32 to vector<16xi32>
        %add3A_2260 = arith.addi %convert_element_type3A_2220, %add3A_2259 : vector<16xi32>
        %jit3A_2261 = arith.constant 0 : i32
        %jit3A_2262 = arith.constant 16383 : i32
        %max3A_2263 = vector.broadcast %jit3A_2261 : i32 to vector<16xi32>
        %max3A_2264 = arith.maxsi %max3A_2263, %add3A_2260 : vector<16xi32>
        %min3A_2265 = vector.broadcast %jit3A_2262 : i32 to vector<16xi32>
        %min3A_2266 = arith.minsi %min3A_2265, %max3A_2264 : vector<16xi32>
        %swap3A_2267 = arith.constant 32 : index
        %swap3A_2268 = tpu.vector_load %arg15[%swap3A_2267] {strides = array<i32>} : memref<64xi32, #tpu.memory_space<vmem>>, vector<16xi32>,
        tpu.vector_store %arg15[%swap3A_2267], %min3A_2266 {strides = array<i32>} : memref<64xi32, #tpu.memory_space<vmem>>, vector<16xi32>,
        %add3A_2269 = vector.broadcast %mul3A_34 : i32 to vector<16xi32>
        %add3A_2270 = arith.addi %convert_element_type3A_2238, %add3A_2269 : vector<16xi32>
        %jit3A_2271 = arith.constant 0 : i32
        %jit3A_2272 = arith.constant 16383 : i32
        %max3A_2273 = vector.broadcast %jit3A_2271 : i32 to vector<16xi32>
        %max3A_2274 = arith.maxsi %max3A_2273, %add3A_2270 : vector<16xi32>
        %min3A_2275 = vector.broadcast %jit3A_2272 : i32 to vector<16xi32>
        %min3A_2276 = arith.minsi %min3A_2275, %max3A_2274 : vector<16xi32>
        %swap3A_2277 = arith.constant 48 : index
        %swap3A_2278 = tpu.vector_load %arg15[%swap3A_2277] {strides = array<i32>} : memref<64xi32, #tpu.memory_space<vmem>>, vector<16xi32>,
        tpu.vector_store %arg15[%swap3A_2277], %min3A_2276 {strides = array<i32>} : memref<64xi32, #tpu.memory_space<vmem>>, vector<16xi32>,
        %dma_start3A_2279 = arith.constant 0 : i32
        %dma_start3A_2280 = arith.constant 0 : i32
        %dma_start3A_2281 = tpu.memref_slice %arg3[%dma_start3A_2279, %dma_start3A_2280] : memref<16384x512xf32, #tpu.memory_space<hbm>> -> memref<16384x512xf32, #tpu.memory_space<hbm>>
        tpu.enqueue_indirect_dma source(%dma_start3A_2281 : memref<16384x512xf32, #tpu.memory_space<hbm>>) target(%arg13 : memref<64x512xf32, #tpu.memory_space<vmem>>) offsets(%arg15 : memref<64xi32, #tpu.memory_space<vmem>>) semaphore(%arg20 : memref<!tpu.dma_semaphore, #tpu.memory_space<semaphore_mem>>)
      } else {
      }
      %div3A_734 = arith.constant 0.00999999977 : f32
      %div3A_735 = vector.broadcast %div3A_734 : f32 to vector<16xf32>
      %div3A_736 = arith.divf %parallel_loop3A_532#0, %div3A_735 : vector<16xf32>
      %div3A_737 = arith.constant 0.00999999977 : f32
      %div3A_738 = vector.broadcast %div3A_737 : f32 to vector<16xf32>
      %div3A_739 = arith.divf %parallel_loop3A_532#1, %div3A_738 : vector<16xf32>
      %div3A_740 = arith.constant 0.00999999977 : f32
      %div3A_741 = vector.broadcast %div3A_740 : f32 to vector<16xf32>
      %div3A_742 = arith.divf %parallel_loop3A_532#2, %div3A_741 : vector<16xf32>
      %div3A_743 = arith.constant 0.00999999977 : f32
      %div3A_744 = vector.broadcast %div3A_743 : f32 to vector<16xf32>
      %div3A_745 = arith.divf %parallel_loop3A_532#3, %div3A_744 : vector<16xf32>
      %div3A_746 = arith.constant 0.00999999977 : f32
      %div3A_747 = vector.broadcast %div3A_746 : f32 to vector<16xf32>
      %div3A_748 = arith.divf %parallel_loop3A_532#4, %div3A_747 : vector<16xf32>
      %div3A_749 = arith.constant 0.00999999977 : f32
      %div3A_750 = vector.broadcast %div3A_749 : f32 to vector<16xf32>
      %div3A_751 = arith.divf %parallel_loop3A_728#0, %div3A_750 : vector<16xf32>
      %div3A_752 = arith.constant 0.00999999977 : f32
      %div3A_753 = vector.broadcast %div3A_752 : f32 to vector<16xf32>
      %div3A_754 = arith.divf %parallel_loop3A_728#1, %div3A_753 : vector<16xf32>
      %div3A_755 = arith.constant 0.00999999977 : f32
      %div3A_756 = vector.broadcast %div3A_755 : f32 to vector<16xf32>
      %div3A_757 = arith.divf %parallel_loop3A_728#2, %div3A_756 : vector<16xf32>
      %div3A_758 = arith.constant 0.00999999977 : f32
      %div3A_759 = vector.broadcast %div3A_758 : f32 to vector<16xf32>
      %div3A_760 = arith.divf %parallel_loop3A_728#3, %div3A_759 : vector<16xf32>
      %max3A_761 = arith.maximumf %div3A_736, %div3A_739 : vector<16xf32>
      %max3A_762 = arith.maximumf %max3A_761, %div3A_742 : vector<16xf32>
      %max3A_763 = arith.maximumf %max3A_762, %div3A_745 : vector<16xf32>
      %max3A_764 = arith.maximumf %max3A_763, %div3A_748 : vector<16xf32>
      %max3A_765 = arith.maximumf %max3A_764, %div3A_751 : vector<16xf32>
      %max3A_766 = arith.maximumf %max3A_765, %div3A_754 : vector<16xf32>
      %max3A_767 = arith.maximumf %max3A_766, %div3A_757 : vector<16xf32>
      %max3A_768 = arith.maximumf %max3A_767, %div3A_760 : vector<16xf32>
      %sub3A_769 = arith.subf %div3A_736, %max3A_768 : vector<16xf32>
      %exp3A = math.exp %sub3A_769 : vector<16xf32>
      %sub3A_770 = arith.subf %div3A_739, %max3A_768 : vector<16xf32>
      %exp3A_771 = math.exp %sub3A_770 : vector<16xf32>
      %sub3A_772 = arith.subf %div3A_742, %max3A_768 : vector<16xf32>
      %exp3A_773 = math.exp %sub3A_772 : vector<16xf32>
      %sub3A_774 = arith.subf %div3A_745, %max3A_768 : vector<16xf32>
      %exp3A_775 = math.exp %sub3A_774 : vector<16xf32>
      %sub3A_776 = arith.subf %div3A_748, %max3A_768 : vector<16xf32>
      %exp3A_777 = math.exp %sub3A_776 : vector<16xf32>
      %sub3A_778 = arith.subf %div3A_751, %max3A_768 : vector<16xf32>
      %exp3A_779 = math.exp %sub3A_778 : vector<16xf32>
      %sub3A_780 = arith.subf %div3A_754, %max3A_768 : vector<16xf32>
      %exp3A_781 = math.exp %sub3A_780 : vector<16xf32>
      %sub3A_782 = arith.subf %div3A_757, %max3A_768 : vector<16xf32>
      %exp3A_783 = math.exp %sub3A_782 : vector<16xf32>
      %sub3A_784 = arith.subf %div3A_760, %max3A_768 : vector<16xf32>
      %exp3A_785 = math.exp %sub3A_784 : vector<16xf32>
      %add3A_786 = arith.addf %exp3A, %exp3A_771 : vector<16xf32>
      %add3A_787 = arith.addf %add3A_786, %exp3A_773 : vector<16xf32>
      %add3A_788 = arith.addf %add3A_787, %exp3A_775 : vector<16xf32>
      %add3A_789 = arith.addf %add3A_788, %exp3A_777 : vector<16xf32>
      %add3A_790 = arith.addf %add3A_789, %exp3A_779 : vector<16xf32>
      %add3A_791 = arith.addf %add3A_790, %exp3A_781 : vector<16xf32>
      %add3A_792 = arith.addf %add3A_791, %exp3A_783 : vector<16xf32>
      %add3A_793 = arith.addf %add3A_792, %exp3A_785 : vector<16xf32>
      %div3A_794 = arith.divf %exp3A, %add3A_793 : vector<16xf32>
      %div3A_795 = arith.divf %exp3A_771, %add3A_793 : vector<16xf32>
      %div3A_796 = arith.divf %exp3A_773, %add3A_793 : vector<16xf32>
      %div3A_797 = arith.divf %exp3A_775, %add3A_793 : vector<16xf32>
      %div3A_798 = arith.divf %exp3A_777, %add3A_793 : vector<16xf32>
      %div3A_799 = arith.divf %exp3A_779, %add3A_793 : vector<16xf32>
      %div3A_800 = arith.divf %exp3A_781, %add3A_793 : vector<16xf32>
      %div3A_801 = arith.divf %exp3A_783, %add3A_793 : vector<16xf32>
      %div3A_802 = arith.divf %exp3A_785, %add3A_793 : vector<16xf32>
      %broadcast_in_dim3A_803 = arith.constant false
      %broadcast_in_dim3A_804 = vector.broadcast %broadcast_in_dim3A_803 : i1 to vector<16xi1>
      %broadcast_in_dim3A_805 = arith.constant false
      %broadcast_in_dim3A_806 = vector.broadcast %broadcast_in_dim3A_805 : i1 to vector<16xi1>
      %broadcast_in_dim3A_807 = arith.constant false
      %broadcast_in_dim3A_808 = vector.broadcast %broadcast_in_dim3A_807 : i1 to vector<16xi1>
      %broadcast_in_dim3A_809 = arith.constant false
      %broadcast_in_dim3A_810 = vector.broadcast %broadcast_in_dim3A_809 : i1 to vector<16xi1>
      %broadcast_in_dim3A_811 = arith.constant false
      %broadcast_in_dim3A_812 = vector.broadcast %broadcast_in_dim3A_811 : i1 to vector<16xi1>
      %broadcast_in_dim3A_813 = arith.constant false
      %broadcast_in_dim3A_814 = vector.broadcast %broadcast_in_dim3A_813 : i1 to vector<16xi1>
      %broadcast_in_dim3A_815 = arith.constant false
      %broadcast_in_dim3A_816 = vector.broadcast %broadcast_in_dim3A_815 : i1 to vector<16xi1>
      %broadcast_in_dim3A_817 = arith.constant false
      %broadcast_in_dim3A_818 = vector.broadcast %broadcast_in_dim3A_817 : i1 to vector<16xi1>
      %broadcast_in_dim3A_819 = arith.constant false
      %broadcast_in_dim3A_820 = vector.broadcast %broadcast_in_dim3A_819 : i1 to vector<16xi1>
      %broadcast_in_dim3A_821 = arith.constant 0xFF800000 : f32
      %broadcast_in_dim3A_822 = vector.broadcast %broadcast_in_dim3A_821 : f32 to vector<16xf32>
      %broadcast_in_dim3A_823 = arith.constant 0 : i32
      %broadcast_in_dim3A_824 = vector.broadcast %broadcast_in_dim3A_823 : i32 to vector<16xi32>
      %broadcast_in_dim3A_825 = arith.constant 0 : i32
      %broadcast_in_dim3A_826 = vector.broadcast %broadcast_in_dim3A_825 : i32 to vector<16xi32>
      %not3A = arith.constant dense<true> : vector<16xi1>
      %not3A_827 = arith.xori %broadcast_in_dim3A_804, %not3A : vector<16xi1>
      %gt3A = arith.cmpf ogt, %div3A_794, %broadcast_in_dim3A_822 : vector<16xf32>
      %and3A_828 = arith.andi %not3A_827, %gt3A : vector<16xi1>
      %select_n3A_829 = arith.select %and3A_828, %div3A_794, %broadcast_in_dim3A_822 : vector<16xi1>, vector<16xf32>
      %select_n3A_830 = arith.select %and3A_828, %convert_element_type3A_563, %broadcast_in_dim3A_824 : vector<16xi1>, vector<16xi32>
      %jit3A_831 = arith.constant 0 : i32
      %broadcast_in_dim3A_832 = vector.broadcast %jit3A_831 : i32 to vector<16xi32>
      %select_n3A_833 = arith.select %and3A_828, %broadcast_in_dim3A_832, %broadcast_in_dim3A_826 : vector<16xi1>, vector<16xi32>
      %not3A_834 = arith.constant dense<true> : vector<16xi1>
      %not3A_835 = arith.xori %broadcast_in_dim3A_806, %not3A_834 : vector<16xi1>
      %gt3A_836 = arith.cmpf ogt, %div3A_795, %select_n3A_829 : vector<16xf32>
      %and3A_837 = arith.andi %not3A_835, %gt3A_836 : vector<16xi1>
      %select_n3A_838 = arith.select %and3A_837, %div3A_795, %select_n3A_829 : vector<16xi1>, vector<16xf32>
      %select_n3A_839 = arith.select %and3A_837, %convert_element_type3A_581, %select_n3A_830 : vector<16xi1>, vector<16xi32>
      %jit3A_840 = arith.constant 1 : i32
      %broadcast_in_dim3A_841 = vector.broadcast %jit3A_840 : i32 to vector<16xi32>
      %select_n3A_842 = arith.select %and3A_837, %broadcast_in_dim3A_841, %select_n3A_833 : vector<16xi1>, vector<16xi32>
      %not3A_843 = arith.constant dense<true> : vector<16xi1>
      %not3A_844 = arith.xori %broadcast_in_dim3A_808, %not3A_843 : vector<16xi1>
      %gt3A_845 = arith.cmpf ogt, %div3A_796, %select_n3A_838 : vector<16xf32>
      %and3A_846 = arith.andi %not3A_844, %gt3A_845 : vector<16xi1>
      %select_n3A_847 = arith.select %and3A_846, %div3A_796, %select_n3A_838 : vector<16xi1>, vector<16xf32>
      %select_n3A_848 = arith.select %and3A_846, %convert_element_type3A_599, %select_n3A_839 : vector<16xi1>, vector<16xi32>
      %jit3A_849 = arith.constant 2 : i32
      %broadcast_in_dim3A_850 = vector.broadcast %jit3A_849 : i32 to vector<16xi32>
      %select_n3A_851 = arith.select %and3A_846, %broadcast_in_dim3A_850, %select_n3A_842 : vector<16xi1>, vector<16xi32>
      %not3A_852 = arith.constant dense<true> : vector<16xi1>
      %not3A_853 = arith.xori %broadcast_in_dim3A_810, %not3A_852 : vector<16xi1>
      %gt3A_854 = arith.cmpf ogt, %div3A_797, %select_n3A_847 : vector<16xf32>
      %and3A_855 = arith.andi %not3A_853, %gt3A_854 : vector<16xi1>
      %select_n3A_856 = arith.select %and3A_855, %div3A_797, %select_n3A_847 : vector<16xi1>, vector<16xf32>
      %select_n3A_857 = arith.select %and3A_855, %convert_element_type3A_617, %select_n3A_848 : vector<16xi1>, vector<16xi32>
      %jit3A_858 = arith.constant 3 : i32
      %broadcast_in_dim3A_859 = vector.broadcast %jit3A_858 : i32 to vector<16xi32>
      %select_n3A_860 = arith.select %and3A_855, %broadcast_in_dim3A_859, %select_n3A_851 : vector<16xi1>, vector<16xi32>
      %not3A_861 = arith.constant dense<true> : vector<16xi1>
      %not3A_862 = arith.xori %broadcast_in_dim3A_812, %not3A_861 : vector<16xi1>
      %gt3A_863 = arith.cmpf ogt, %div3A_798, %select_n3A_856 : vector<16xf32>
      %and3A_864 = arith.andi %not3A_862, %gt3A_863 : vector<16xi1>
      %select_n3A_865 = arith.select %and3A_864, %div3A_798, %select_n3A_856 : vector<16xi1>, vector<16xf32>
      %select_n3A_866 = arith.select %and3A_864, %convert_element_type3A_635, %select_n3A_857 : vector<16xi1>, vector<16xi32>
      %jit3A_867 = arith.constant 4 : i32
      %broadcast_in_dim3A_868 = vector.broadcast %jit3A_867 : i32 to vector<16xi32>
      %select_n3A_869 = arith.select %and3A_864, %broadcast_in_dim3A_868, %select_n3A_860 : vector<16xi1>, vector<16xi32>
      %not3A_870 = arith.constant dense<true> : vector<16xi1>
      %not3A_871 = arith.xori %broadcast_in_dim3A_814, %not3A_870 : vector<16xi1>
      %gt3A_872 = arith.cmpf ogt, %div3A_799, %select_n3A_865 : vector<16xf32>
      %and3A_873 = arith.andi %not3A_871, %gt3A_872 : vector<16xi1>
      %select_n3A_874 = arith.select %and3A_873, %div3A_799, %select_n3A_865 : vector<16xi1>, vector<16xf32>
      %select_n3A_875 = arith.select %and3A_873, %convert_element_type3A_653, %select_n3A_866 : vector<16xi1>, vector<16xi32>
      %jit3A_876 = arith.constant 5 : i32
      %broadcast_in_dim3A_877 = vector.broadcast %jit3A_876 : i32 to vector<16xi32>
      %select_n3A_878 = arith.select %and3A_873, %broadcast_in_dim3A_877, %select_n3A_869 : vector<16xi1>, vector<16xi32>
      %not3A_879 = arith.constant dense<true> : vector<16xi1>
      %not3A_880 = arith.xori %broadcast_in_dim3A_816, %not3A_879 : vector<16xi1>
      %gt3A_881 = arith.cmpf ogt, %div3A_800, %select_n3A_874 : vector<16xf32>
      %and3A_882 = arith.andi %not3A_880, %gt3A_881 : vector<16xi1>
      %select_n3A_883 = arith.select %and3A_882, %div3A_800, %select_n3A_874 : vector<16xi1>, vector<16xf32>
      %select_n3A_884 = arith.select %and3A_882, %convert_element_type3A_671, %select_n3A_875 : vector<16xi1>, vector<16xi32>
      %jit3A_885 = arith.constant 6 : i32
      %broadcast_in_dim3A_886 = vector.broadcast %jit3A_885 : i32 to vector<16xi32>
      %select_n3A_887 = arith.select %and3A_882, %broadcast_in_dim3A_886, %select_n3A_878 : vector<16xi1>, vector<16xi32>
      %not3A_888 = arith.constant dense<true> : vector<16xi1>
      %not3A_889 = arith.xori %broadcast_in_dim3A_818, %not3A_888 : vector<16xi1>
      %gt3A_890 = arith.cmpf ogt, %div3A_801, %select_n3A_883 : vector<16xf32>
      %and3A_891 = arith.andi %not3A_889, %gt3A_890 : vector<16xi1>
      %select_n3A_892 = arith.select %and3A_891, %div3A_801, %select_n3A_883 : vector<16xi1>, vector<16xf32>
      %select_n3A_893 = arith.select %and3A_891, %convert_element_type3A_689, %select_n3A_884 : vector<16xi1>, vector<16xi32>
      %jit3A_894 = arith.constant 7 : i32
      %broadcast_in_dim3A_895 = vector.broadcast %jit3A_894 : i32 to vector<16xi32>
      %select_n3A_896 = arith.select %and3A_891, %broadcast_in_dim3A_895, %select_n3A_887 : vector<16xi1>, vector<16xi32>
      %not3A_897 = arith.constant dense<true> : vector<16xi1>
      %not3A_898 = arith.xori %broadcast_in_dim3A_820, %not3A_897 : vector<16xi1>
      %gt3A_899 = arith.cmpf ogt, %div3A_802, %select_n3A_892 : vector<16xf32>
      %and3A_900 = arith.andi %not3A_898, %gt3A_899 : vector<16xi1>
      %select_n3A_901 = arith.select %and3A_900, %div3A_802, %select_n3A_892 : vector<16xi1>, vector<16xf32>
      %select_n3A_902 = arith.select %and3A_900, %convert_element_type3A_707, %select_n3A_893 : vector<16xi1>, vector<16xi32>
      %jit3A_903 = arith.constant 8 : i32
      %broadcast_in_dim3A_904 = vector.broadcast %jit3A_903 : i32 to vector<16xi32>
      %select_n3A_905 = arith.select %and3A_900, %broadcast_in_dim3A_904, %select_n3A_896 : vector<16xi1>, vector<16xi32>
      %eq3A_906 = arith.constant 0 : i32
      %eq3A_907 = vector.broadcast %eq3A_906 : i32 to vector<16xi32>
      %eq3A_908 = arith.cmpi eq, %select_n3A_905, %eq3A_907 : vector<16xi32>
      %or3A = arith.ori %broadcast_in_dim3A_804, %eq3A_908 : vector<16xi1>
      %eq3A_909 = arith.constant 1 : i32
      %eq3A_910 = vector.broadcast %eq3A_909 : i32 to vector<16xi32>
      %eq3A_911 = arith.cmpi eq, %select_n3A_905, %eq3A_910 : vector<16xi32>
      %or3A_912 = arith.ori %broadcast_in_dim3A_806, %eq3A_911 : vector<16xi1>
      %eq3A_913 = arith.constant 2 : i32
      %eq3A_914 = vector.broadcast %eq3A_913 : i32 to vector<16xi32>
      %eq3A_915 = arith.cmpi eq, %select_n3A_905, %eq3A_914 : vector<16xi32>
      %or3A_916 = arith.ori %broadcast_in_dim3A_808, %eq3A_915 : vector<16xi1>
      %eq3A_917 = arith.constant 3 : i32
      %eq3A_918 = vector.broadcast %eq3A_917 : i32 to vector<16xi32>
      %eq3A_919 = arith.cmpi eq, %select_n3A_905, %eq3A_918 : vector<16xi32>
      %or3A_920 = arith.ori %broadcast_in_dim3A_810, %eq3A_919 : vector<16xi1>
      %eq3A_921 = arith.constant 4 : i32
      %eq3A_922 = vector.broadcast %eq3A_921 : i32 to vector<16xi32>
      %eq3A_923 = arith.cmpi eq, %select_n3A_905, %eq3A_922 : vector<16xi32>
      %or3A_924 = arith.ori %broadcast_in_dim3A_812, %eq3A_923 : vector<16xi1>
      %eq3A_925 = arith.constant 5 : i32
      %eq3A_926 = vector.broadcast %eq3A_925 : i32 to vector<16xi32>
      %eq3A_927 = arith.cmpi eq, %select_n3A_905, %eq3A_926 : vector<16xi32>
      %or3A_928 = arith.ori %broadcast_in_dim3A_814, %eq3A_927 : vector<16xi1>
      %eq3A_929 = arith.constant 6 : i32
      %eq3A_930 = vector.broadcast %eq3A_929 : i32 to vector<16xi32>
      %eq3A_931 = arith.cmpi eq, %select_n3A_905, %eq3A_930 : vector<16xi32>
      %or3A_932 = arith.ori %broadcast_in_dim3A_816, %eq3A_931 : vector<16xi1>
      %eq3A_933 = arith.constant 7 : i32
      %eq3A_934 = vector.broadcast %eq3A_933 : i32 to vector<16xi32>
      %eq3A_935 = arith.cmpi eq, %select_n3A_905, %eq3A_934 : vector<16xi32>
      %or3A_936 = arith.ori %broadcast_in_dim3A_818, %eq3A_935 : vector<16xi1>
      %eq3A_937 = arith.constant 8 : i32
      %eq3A_938 = vector.broadcast %eq3A_937 : i32 to vector<16xi32>
      %eq3A_939 = arith.cmpi eq, %select_n3A_905, %eq3A_938 : vector<16xi32>
      %or3A_940 = arith.ori %broadcast_in_dim3A_820, %eq3A_939 : vector<16xi1>
      %shift_right_arithmetic3A_941 = arith.constant 6 : i32
      %shift_right_arithmetic3A_942 = vector.broadcast %shift_right_arithmetic3A_941 : i32 to vector<16xi32>
      %shift_right_arithmetic3A_943 = arith.shrsi %select_n3A_902, %shift_right_arithmetic3A_942 : vector<16xi32>
      %and3A_944 = arith.constant 63 : i32
      %and3A_945 = vector.broadcast %and3A_944 : i32 to vector<16xi32>
      %and3A_946 = arith.andi %select_n3A_902, %and3A_945 : vector<16xi32>
      %sub3A_947 = arith.subi %and3A_946, %and3A_543 : vector<16xi32>
      %convert_element_type3A_948 = arith.sitofp %sub3A_947 : vector<16xi32> to vector<16xf32>
      %mul3A_949 = arith.constant 16 : i32
      %mul3A_950 = arith.muli %mul3A_490, %mul3A_949 : i32
      %swap3A_951 = arith.constant 0 : i32
      %swap3A_952 = arith.index_cast %swap3A_951 : i32 to index
      %swap3A_953 = arith.index_cast %mul3A_950 : i32 to index
      %swap3A_954 = tpu.vector_load %arg16[%swap3A_952, %swap3A_953] {strides = array<i32>} : memref<3x512xf32, #tpu.memory_space<vmem>>, vector<16xf32>,
      tpu.vector_store %arg16[%swap3A_952, %swap3A_953], %convert_element_type3A_948 {strides = array<i32>} : memref<3x512xf32, #tpu.memory_space<vmem>>, vector<16xf32>,
      %sub3A_955 = arith.subi %shift_right_arithmetic3A_943, %shift_right_arithmetic3A_540 : vector<16xi32>
      %convert_element_type3A_956 = arith.sitofp %sub3A_955 : vector<16xi32> to vector<16xf32>
      %mul3A_957 = arith.constant 16 : i32
      %mul3A_958 = arith.muli %mul3A_490, %mul3A_957 : i32
      %swap3A_959 = arith.constant 0 : i32
      %swap3A_960 = arith.index_cast %swap3A_959 : i32 to index
      %swap3A_961 = arith.index_cast %mul3A_958 : i32 to index
      %swap3A_962 = tpu.vector_load %arg17[%swap3A_960, %swap3A_961] {strides = array<i32>} : memref<3x512xf32, #tpu.memory_space<vmem>>, vector<16xf32>,
      tpu.vector_store %arg17[%swap3A_960, %swap3A_961], %convert_element_type3A_956 {strides = array<i32>} : memref<3x512xf32, #tpu.memory_space<vmem>>, vector<16xf32>,
      %mul3A_963 = arith.constant 16 : i32
      %mul3A_964 = arith.muli %mul3A_490, %mul3A_963 : i32
      %swap3A_965 = arith.constant 0 : i32
      %swap3A_966 = arith.index_cast %swap3A_965 : i32 to index
      %swap3A_967 = arith.index_cast %mul3A_964 : i32 to index
      %swap3A_968 = tpu.vector_load %arg18[%swap3A_966, %swap3A_967] {strides = array<i32>} : memref<3x512xf32, #tpu.memory_space<vmem>>, vector<16xf32>,
      tpu.vector_store %arg18[%swap3A_966, %swap3A_967], %select_n3A_901 {strides = array<i32>} : memref<3x512xf32, #tpu.memory_space<vmem>>, vector<16xf32>,
      %broadcast_in_dim3A_969 = arith.constant 0xFF800000 : f32
      %broadcast_in_dim3A_970 = vector.broadcast %broadcast_in_dim3A_969 : f32 to vector<16xf32>
      %broadcast_in_dim3A_971 = arith.constant 0 : i32
      %broadcast_in_dim3A_972 = vector.broadcast %broadcast_in_dim3A_971 : i32 to vector<16xi32>
      %broadcast_in_dim3A_973 = arith.constant 0 : i32
      %broadcast_in_dim3A_974 = vector.broadcast %broadcast_in_dim3A_973 : i32 to vector<16xi32>
      %not3A_975 = arith.constant dense<true> : vector<16xi1>
      %not3A_976 = arith.xori %or3A, %not3A_975 : vector<16xi1>
      %gt3A_977 = arith.cmpf ogt, %div3A_794, %broadcast_in_dim3A_970 : vector<16xf32>
      %and3A_978 = arith.andi %not3A_976, %gt3A_977 : vector<16xi1>
      %select_n3A_979 = arith.select %and3A_978, %div3A_794, %broadcast_in_dim3A_970 : vector<16xi1>, vector<16xf32>
      %select_n3A_980 = arith.select %and3A_978, %convert_element_type3A_563, %broadcast_in_dim3A_972 : vector<16xi1>, vector<16xi32>
      %jit3A_981 = arith.constant 0 : i32
      %broadcast_in_dim3A_982 = vector.broadcast %jit3A_981 : i32 to vector<16xi32>
      %select_n3A_983 = arith.select %and3A_978, %broadcast_in_dim3A_982, %broadcast_in_dim3A_974 : vector<16xi1>, vector<16xi32>
      %not3A_984 = arith.constant dense<true> : vector<16xi1>
      %not3A_985 = arith.xori %or3A_912, %not3A_984 : vector<16xi1>
      %gt3A_986 = arith.cmpf ogt, %div3A_795, %select_n3A_979 : vector<16xf32>
      %and3A_987 = arith.andi %not3A_985, %gt3A_986 : vector<16xi1>
      %select_n3A_988 = arith.select %and3A_987, %div3A_795, %select_n3A_979 : vector<16xi1>, vector<16xf32>
      %select_n3A_989 = arith.select %and3A_987, %convert_element_type3A_581, %select_n3A_980 : vector<16xi1>, vector<16xi32>
      %jit3A_990 = arith.constant 1 : i32
      %broadcast_in_dim3A_991 = vector.broadcast %jit3A_990 : i32 to vector<16xi32>
      %select_n3A_992 = arith.select %and3A_987, %broadcast_in_dim3A_991, %select_n3A_983 : vector<16xi1>, vector<16xi32>
      %not3A_993 = arith.constant dense<true> : vector<16xi1>
      %not3A_994 = arith.xori %or3A_916, %not3A_993 : vector<16xi1>
      %gt3A_995 = arith.cmpf ogt, %div3A_796, %select_n3A_988 : vector<16xf32>
      %and3A_996 = arith.andi %not3A_994, %gt3A_995 : vector<16xi1>
      %select_n3A_997 = arith.select %and3A_996, %div3A_796, %select_n3A_988 : vector<16xi1>, vector<16xf32>
      %select_n3A_998 = arith.select %and3A_996, %convert_element_type3A_599, %select_n3A_989 : vector<16xi1>, vector<16xi32>
      %jit3A_999 = arith.constant 2 : i32
      %broadcast_in_dim3A_1000 = vector.broadcast %jit3A_999 : i32 to vector<16xi32>
      %select_n3A_1001 = arith.select %and3A_996, %broadcast_in_dim3A_1000, %select_n3A_992 : vector<16xi1>, vector<16xi32>
      %not3A_1002 = arith.constant dense<true> : vector<16xi1>
      %not3A_1003 = arith.xori %or3A_920, %not3A_1002 : vector<16xi1>
      %gt3A_1004 = arith.cmpf ogt, %div3A_797, %select_n3A_997 : vector<16xf32>
      %and3A_1005 = arith.andi %not3A_1003, %gt3A_1004 : vector<16xi1>
      %select_n3A_1006 = arith.select %and3A_1005, %div3A_797, %select_n3A_997 : vector<16xi1>, vector<16xf32>
      %select_n3A_1007 = arith.select %and3A_1005, %convert_element_type3A_617, %select_n3A_998 : vector<16xi1>, vector<16xi32>
      %jit3A_1008 = arith.constant 3 : i32
      %broadcast_in_dim3A_1009 = vector.broadcast %jit3A_1008 : i32 to vector<16xi32>
      %select_n3A_1010 = arith.select %and3A_1005, %broadcast_in_dim3A_1009, %select_n3A_1001 : vector<16xi1>, vector<16xi32>
      %not3A_1011 = arith.constant dense<true> : vector<16xi1>
      %not3A_1012 = arith.xori %or3A_924, %not3A_1011 : vector<16xi1>
      %gt3A_1013 = arith.cmpf ogt, %div3A_798, %select_n3A_1006 : vector<16xf32>
      %and3A_1014 = arith.andi %not3A_1012, %gt3A_1013 : vector<16xi1>
      %select_n3A_1015 = arith.select %and3A_1014, %div3A_798, %select_n3A_1006 : vector<16xi1>, vector<16xf32>
      %select_n3A_1016 = arith.select %and3A_1014, %convert_element_type3A_635, %select_n3A_1007 : vector<16xi1>, vector<16xi32>
      %jit3A_1017 = arith.constant 4 : i32
      %broadcast_in_dim3A_1018 = vector.broadcast %jit3A_1017 : i32 to vector<16xi32>
      %select_n3A_1019 = arith.select %and3A_1014, %broadcast_in_dim3A_1018, %select_n3A_1010 : vector<16xi1>, vector<16xi32>
      %not3A_1020 = arith.constant dense<true> : vector<16xi1>
      %not3A_1021 = arith.xori %or3A_928, %not3A_1020 : vector<16xi1>
      %gt3A_1022 = arith.cmpf ogt, %div3A_799, %select_n3A_1015 : vector<16xf32>
      %and3A_1023 = arith.andi %not3A_1021, %gt3A_1022 : vector<16xi1>
      %select_n3A_1024 = arith.select %and3A_1023, %div3A_799, %select_n3A_1015 : vector<16xi1>, vector<16xf32>
      %select_n3A_1025 = arith.select %and3A_1023, %convert_element_type3A_653, %select_n3A_1016 : vector<16xi1>, vector<16xi32>
      %jit3A_1026 = arith.constant 5 : i32
      %broadcast_in_dim3A_1027 = vector.broadcast %jit3A_1026 : i32 to vector<16xi32>
      %select_n3A_1028 = arith.select %and3A_1023, %broadcast_in_dim3A_1027, %select_n3A_1019 : vector<16xi1>, vector<16xi32>
      %not3A_1029 = arith.constant dense<true> : vector<16xi1>
      %not3A_1030 = arith.xori %or3A_932, %not3A_1029 : vector<16xi1>
      %gt3A_1031 = arith.cmpf ogt, %div3A_800, %select_n3A_1024 : vector<16xf32>
      %and3A_1032 = arith.andi %not3A_1030, %gt3A_1031 : vector<16xi1>
      %select_n3A_1033 = arith.select %and3A_1032, %div3A_800, %select_n3A_1024 : vector<16xi1>, vector<16xf32>
      %select_n3A_1034 = arith.select %and3A_1032, %convert_element_type3A_671, %select_n3A_1025 : vector<16xi1>, vector<16xi32>
      %jit3A_1035 = arith.constant 6 : i32
      %broadcast_in_dim3A_1036 = vector.broadcast %jit3A_1035 : i32 to vector<16xi32>
      %select_n3A_1037 = arith.select %and3A_1032, %broadcast_in_dim3A_1036, %select_n3A_1028 : vector<16xi1>, vector<16xi32>
      %not3A_1038 = arith.constant dense<true> : vector<16xi1>
      %not3A_1039 = arith.xori %or3A_936, %not3A_1038 : vector<16xi1>
      %gt3A_1040 = arith.cmpf ogt, %div3A_801, %select_n3A_1033 : vector<16xf32>
      %and3A_1041 = arith.andi %not3A_1039, %gt3A_1040 : vector<16xi1>
      %select_n3A_1042 = arith.select %and3A_1041, %div3A_801, %select_n3A_1033 : vector<16xi1>, vector<16xf32>
      %select_n3A_1043 = arith.select %and3A_1041, %convert_element_type3A_689, %select_n3A_1034 : vector<16xi1>, vector<16xi32>
      %jit3A_1044 = arith.constant 7 : i32
      %broadcast_in_dim3A_1045 = vector.broadcast %jit3A_1044 : i32 to vector<16xi32>
      %select_n3A_1046 = arith.select %and3A_1041, %broadcast_in_dim3A_1045, %select_n3A_1037 : vector<16xi1>, vector<16xi32>
      %not3A_1047 = arith.constant dense<true> : vector<16xi1>
      %not3A_1048 = arith.xori %or3A_940, %not3A_1047 : vector<16xi1>
      %gt3A_1049 = arith.cmpf ogt, %div3A_802, %select_n3A_1042 : vector<16xf32>
      %and3A_1050 = arith.andi %not3A_1048, %gt3A_1049 : vector<16xi1>
      %select_n3A_1051 = arith.select %and3A_1050, %div3A_802, %select_n3A_1042 : vector<16xi1>, vector<16xf32>
      %select_n3A_1052 = arith.select %and3A_1050, %convert_element_type3A_707, %select_n3A_1043 : vector<16xi1>, vector<16xi32>
      %jit3A_1053 = arith.constant 8 : i32
      %broadcast_in_dim3A_1054 = vector.broadcast %jit3A_1053 : i32 to vector<16xi32>
      %select_n3A_1055 = arith.select %and3A_1050, %broadcast_in_dim3A_1054, %select_n3A_1046 : vector<16xi1>, vector<16xi32>
      %eq3A_1056 = arith.constant 0 : i32
      %eq3A_1057 = vector.broadcast %eq3A_1056 : i32 to vector<16xi32>
      %eq3A_1058 = arith.cmpi eq, %select_n3A_1055, %eq3A_1057 : vector<16xi32>
      %or3A_1059 = arith.ori %or3A, %eq3A_1058 : vector<16xi1>
      %eq3A_1060 = arith.constant 1 : i32
      %eq3A_1061 = vector.broadcast %eq3A_1060 : i32 to vector<16xi32>
      %eq3A_1062 = arith.cmpi eq, %select_n3A_1055, %eq3A_1061 : vector<16xi32>
      %or3A_1063 = arith.ori %or3A_912, %eq3A_1062 : vector<16xi1>
      %eq3A_1064 = arith.constant 2 : i32
      %eq3A_1065 = vector.broadcast %eq3A_1064 : i32 to vector<16xi32>
      %eq3A_1066 = arith.cmpi eq, %select_n3A_1055, %eq3A_1065 : vector<16xi32>
      %or3A_1067 = arith.ori %or3A_916, %eq3A_1066 : vector<16xi1>
      %eq3A_1068 = arith.constant 3 : i32
      %eq3A_1069 = vector.broadcast %eq3A_1068 : i32 to vector<16xi32>
      %eq3A_1070 = arith.cmpi eq, %select_n3A_1055, %eq3A_1069 : vector<16xi32>
      %or3A_1071 = arith.ori %or3A_920, %eq3A_1070 : vector<16xi1>
      %eq3A_1072 = arith.constant 4 : i32
      %eq3A_1073 = vector.broadcast %eq3A_1072 : i32 to vector<16xi32>
      %eq3A_1074 = arith.cmpi eq, %select_n3A_1055, %eq3A_1073 : vector<16xi32>
      %or3A_1075 = arith.ori %or3A_924, %eq3A_1074 : vector<16xi1>
      %eq3A_1076 = arith.constant 5 : i32
      %eq3A_1077 = vector.broadcast %eq3A_1076 : i32 to vector<16xi32>
      %eq3A_1078 = arith.cmpi eq, %select_n3A_1055, %eq3A_1077 : vector<16xi32>
      %or3A_1079 = arith.ori %or3A_928, %eq3A_1078 : vector<16xi1>
      %eq3A_1080 = arith.constant 6 : i32
      %eq3A_1081 = vector.broadcast %eq3A_1080 : i32 to vector<16xi32>
      %eq3A_1082 = arith.cmpi eq, %select_n3A_1055, %eq3A_1081 : vector<16xi32>
      %or3A_1083 = arith.ori %or3A_932, %eq3A_1082 : vector<16xi1>
      %eq3A_1084 = arith.constant 7 : i32
      %eq3A_1085 = vector.broadcast %eq3A_1084 : i32 to vector<16xi32>
      %eq3A_1086 = arith.cmpi eq, %select_n3A_1055, %eq3A_1085 : vector<16xi32>
      %or3A_1087 = arith.ori %or3A_936, %eq3A_1086 : vector<16xi1>
      %eq3A_1088 = arith.constant 8 : i32
      %eq3A_1089 = vector.broadcast %eq3A_1088 : i32 to vector<16xi32>
      %eq3A_1090 = arith.cmpi eq, %select_n3A_1055, %eq3A_1089 : vector<16xi32>
      %or3A_1091 = arith.ori %or3A_940, %eq3A_1090 : vector<16xi1>
      %shift_right_arithmetic3A_1092 = arith.constant 6 : i32
      %shift_right_arithmetic3A_1093 = vector.broadcast %shift_right_arithmetic3A_1092 : i32 to vector<16xi32>
      %shift_right_arithmetic3A_1094 = arith.shrsi %select_n3A_1052, %shift_right_arithmetic3A_1093 : vector<16xi32>
      %and3A_1095 = arith.constant 63 : i32
      %and3A_1096 = vector.broadcast %and3A_1095 : i32 to vector<16xi32>
      %and3A_1097 = arith.andi %select_n3A_1052, %and3A_1096 : vector<16xi32>
      %sub3A_1098 = arith.subi %and3A_1097, %and3A_543 : vector<16xi32>
      %convert_element_type3A_1099 = arith.sitofp %sub3A_1098 : vector<16xi32> to vector<16xf32>
      %mul3A_1100 = arith.constant 16 : i32
      %mul3A_1101 = arith.muli %mul3A_490, %mul3A_1100 : i32
      %swap3A_1102 = arith.constant 1 : i32
      %swap3A_1103 = arith.index_cast %swap3A_1102 : i32 to index
      %swap3A_1104 = arith.index_cast %mul3A_1101 : i32 to index
      %swap3A_1105 = tpu.vector_load %arg16[%swap3A_1103, %swap3A_1104] {strides = array<i32>} : memref<3x512xf32, #tpu.memory_space<vmem>>, vector<16xf32>,
      tpu.vector_store %arg16[%swap3A_1103, %swap3A_1104], %convert_element_type3A_1099 {strides = array<i32>} : memref<3x512xf32, #tpu.memory_space<vmem>>, vector<16xf32>,
      %sub3A_1106 = arith.subi %shift_right_arithmetic3A_1094, %shift_right_arithmetic3A_540 : vector<16xi32>
      %convert_element_type3A_1107 = arith.sitofp %sub3A_1106 : vector<16xi32> to vector<16xf32>
      %mul3A_1108 = arith.constant 16 : i32
      %mul3A_1109 = arith.muli %mul3A_490, %mul3A_1108 : i32
      %swap3A_1110 = arith.constant 1 : i32
      %swap3A_1111 = arith.index_cast %swap3A_1110 : i32 to index
      %swap3A_1112 = arith.index_cast %mul3A_1109 : i32 to index
      %swap3A_1113 = tpu.vector_load %arg17[%swap3A_1111, %swap3A_1112] {strides = array<i32>} : memref<3x512xf32, #tpu.memory_space<vmem>>, vector<16xf32>,
      tpu.vector_store %arg17[%swap3A_1111, %swap3A_1112], %convert_element_type3A_1107 {strides = array<i32>} : memref<3x512xf32, #tpu.memory_space<vmem>>, vector<16xf32>,
      %mul3A_1114 = arith.constant 16 : i32
      %mul3A_1115 = arith.muli %mul3A_490, %mul3A_1114 : i32
      %swap3A_1116 = arith.constant 1 : i32
      %swap3A_1117 = arith.index_cast %swap3A_1116 : i32 to index
      %swap3A_1118 = arith.index_cast %mul3A_1115 : i32 to index
      %swap3A_1119 = tpu.vector_load %arg18[%swap3A_1117, %swap3A_1118] {strides = array<i32>} : memref<3x512xf32, #tpu.memory_space<vmem>>, vector<16xf32>,
      tpu.vector_store %arg18[%swap3A_1117, %swap3A_1118], %select_n3A_1051 {strides = array<i32>} : memref<3x512xf32, #tpu.memory_space<vmem>>, vector<16xf32>,
      %broadcast_in_dim3A_1120 = arith.constant 0xFF800000 : f32
      %broadcast_in_dim3A_1121 = vector.broadcast %broadcast_in_dim3A_1120 : f32 to vector<16xf32>
      %broadcast_in_dim3A_1122 = arith.constant 0 : i32
      %broadcast_in_dim3A_1123 = vector.broadcast %broadcast_in_dim3A_1122 : i32 to vector<16xi32>
      %broadcast_in_dim3A_1124 = arith.constant 0 : i32
      %broadcast_in_dim3A_1125 = vector.broadcast %broadcast_in_dim3A_1124 : i32 to vector<16xi32>
      %not3A_1126 = arith.constant dense<true> : vector<16xi1>
      %not3A_1127 = arith.xori %or3A_1059, %not3A_1126 : vector<16xi1>
      %gt3A_1128 = arith.cmpf ogt, %div3A_794, %broadcast_in_dim3A_1121 : vector<16xf32>
      %and3A_1129 = arith.andi %not3A_1127, %gt3A_1128 : vector<16xi1>
      %select_n3A_1130 = arith.select %and3A_1129, %div3A_794, %broadcast_in_dim3A_1121 : vector<16xi1>, vector<16xf32>
      %select_n3A_1131 = arith.select %and3A_1129, %convert_element_type3A_563, %broadcast_in_dim3A_1123 : vector<16xi1>, vector<16xi32>
      %jit3A_1132 = arith.constant 0 : i32
      %broadcast_in_dim3A_1133 = vector.broadcast %jit3A_1132 : i32 to vector<16xi32>
      %select_n3A_1134 = arith.select %and3A_1129, %broadcast_in_dim3A_1133, %broadcast_in_dim3A_1125 : vector<16xi1>, vector<16xi32>
      %not3A_1135 = arith.constant dense<true> : vector<16xi1>
      %not3A_1136 = arith.xori %or3A_1063, %not3A_1135 : vector<16xi1>
      %gt3A_1137 = arith.cmpf ogt, %div3A_795, %select_n3A_1130 : vector<16xf32>
      %and3A_1138 = arith.andi %not3A_1136, %gt3A_1137 : vector<16xi1>
      %select_n3A_1139 = arith.select %and3A_1138, %div3A_795, %select_n3A_1130 : vector<16xi1>, vector<16xf32>
      %select_n3A_1140 = arith.select %and3A_1138, %convert_element_type3A_581, %select_n3A_1131 : vector<16xi1>, vector<16xi32>
      %jit3A_1141 = arith.constant 1 : i32
      %broadcast_in_dim3A_1142 = vector.broadcast %jit3A_1141 : i32 to vector<16xi32>
      %select_n3A_1143 = arith.select %and3A_1138, %broadcast_in_dim3A_1142, %select_n3A_1134 : vector<16xi1>, vector<16xi32>
      %not3A_1144 = arith.constant dense<true> : vector<16xi1>
      %not3A_1145 = arith.xori %or3A_1067, %not3A_1144 : vector<16xi1>
      %gt3A_1146 = arith.cmpf ogt, %div3A_796, %select_n3A_1139 : vector<16xf32>
      %and3A_1147 = arith.andi %not3A_1145, %gt3A_1146 : vector<16xi1>
      %select_n3A_1148 = arith.select %and3A_1147, %div3A_796, %select_n3A_1139 : vector<16xi1>, vector<16xf32>
      %select_n3A_1149 = arith.select %and3A_1147, %convert_element_type3A_599, %select_n3A_1140 : vector<16xi1>, vector<16xi32>
      %jit3A_1150 = arith.constant 2 : i32
      %broadcast_in_dim3A_1151 = vector.broadcast %jit3A_1150 : i32 to vector<16xi32>
      %select_n3A_1152 = arith.select %and3A_1147, %broadcast_in_dim3A_1151, %select_n3A_1143 : vector<16xi1>, vector<16xi32>
      %not3A_1153 = arith.constant dense<true> : vector<16xi1>
      %not3A_1154 = arith.xori %or3A_1071, %not3A_1153 : vector<16xi1>
      %gt3A_1155 = arith.cmpf ogt, %div3A_797, %select_n3A_1148 : vector<16xf32>
      %and3A_1156 = arith.andi %not3A_1154, %gt3A_1155 : vector<16xi1>
      %select_n3A_1157 = arith.select %and3A_1156, %div3A_797, %select_n3A_1148 : vector<16xi1>, vector<16xf32>
      %select_n3A_1158 = arith.select %and3A_1156, %convert_element_type3A_617, %select_n3A_1149 : vector<16xi1>, vector<16xi32>
      %jit3A_1159 = arith.constant 3 : i32
      %broadcast_in_dim3A_1160 = vector.broadcast %jit3A_1159 : i32 to vector<16xi32>
      %select_n3A_1161 = arith.select %and3A_1156, %broadcast_in_dim3A_1160, %select_n3A_1152 : vector<16xi1>, vector<16xi32>
      %not3A_1162 = arith.constant dense<true> : vector<16xi1>
      %not3A_1163 = arith.xori %or3A_1075, %not3A_1162 : vector<16xi1>
      %gt3A_1164 = arith.cmpf ogt, %div3A_798, %select_n3A_1157 : vector<16xf32>
      %and3A_1165 = arith.andi %not3A_1163, %gt3A_1164 : vector<16xi1>
      %select_n3A_1166 = arith.select %and3A_1165, %div3A_798, %select_n3A_1157 : vector<16xi1>, vector<16xf32>
      %select_n3A_1167 = arith.select %and3A_1165, %convert_element_type3A_635, %select_n3A_1158 : vector<16xi1>, vector<16xi32>
      %jit3A_1168 = arith.constant 4 : i32
      %broadcast_in_dim3A_1169 = vector.broadcast %jit3A_1168 : i32 to vector<16xi32>
      %select_n3A_1170 = arith.select %and3A_1165, %broadcast_in_dim3A_1169, %select_n3A_1161 : vector<16xi1>, vector<16xi32>
      %not3A_1171 = arith.constant dense<true> : vector<16xi1>
      %not3A_1172 = arith.xori %or3A_1079, %not3A_1171 : vector<16xi1>
      %gt3A_1173 = arith.cmpf ogt, %div3A_799, %select_n3A_1166 : vector<16xf32>
      %and3A_1174 = arith.andi %not3A_1172, %gt3A_1173 : vector<16xi1>
      %select_n3A_1175 = arith.select %and3A_1174, %div3A_799, %select_n3A_1166 : vector<16xi1>, vector<16xf32>
      %select_n3A_1176 = arith.select %and3A_1174, %convert_element_type3A_653, %select_n3A_1167 : vector<16xi1>, vector<16xi32>
      %jit3A_1177 = arith.constant 5 : i32
      %broadcast_in_dim3A_1178 = vector.broadcast %jit3A_1177 : i32 to vector<16xi32>
      %select_n3A_1179 = arith.select %and3A_1174, %broadcast_in_dim3A_1178, %select_n3A_1170 : vector<16xi1>, vector<16xi32>
      %not3A_1180 = arith.constant dense<true> : vector<16xi1>
      %not3A_1181 = arith.xori %or3A_1083, %not3A_1180 : vector<16xi1>
      %gt3A_1182 = arith.cmpf ogt, %div3A_800, %select_n3A_1175 : vector<16xf32>
      %and3A_1183 = arith.andi %not3A_1181, %gt3A_1182 : vector<16xi1>
      %select_n3A_1184 = arith.select %and3A_1183, %div3A_800, %select_n3A_1175 : vector<16xi1>, vector<16xf32>
      %select_n3A_1185 = arith.select %and3A_1183, %convert_element_type3A_671, %select_n3A_1176 : vector<16xi1>, vector<16xi32>
      %jit3A_1186 = arith.constant 6 : i32
      %broadcast_in_dim3A_1187 = vector.broadcast %jit3A_1186 : i32 to vector<16xi32>
      %select_n3A_1188 = arith.select %and3A_1183, %broadcast_in_dim3A_1187, %select_n3A_1179 : vector<16xi1>, vector<16xi32>
      %not3A_1189 = arith.constant dense<true> : vector<16xi1>
      %not3A_1190 = arith.xori %or3A_1087, %not3A_1189 : vector<16xi1>
      %gt3A_1191 = arith.cmpf ogt, %div3A_801, %select_n3A_1184 : vector<16xf32>
      %and3A_1192 = arith.andi %not3A_1190, %gt3A_1191 : vector<16xi1>
      %select_n3A_1193 = arith.select %and3A_1192, %div3A_801, %select_n3A_1184 : vector<16xi1>, vector<16xf32>
      %select_n3A_1194 = arith.select %and3A_1192, %convert_element_type3A_689, %select_n3A_1185 : vector<16xi1>, vector<16xi32>
      %jit3A_1195 = arith.constant 7 : i32
      %broadcast_in_dim3A_1196 = vector.broadcast %jit3A_1195 : i32 to vector<16xi32>
      %select_n3A_1197 = arith.select %and3A_1192, %broadcast_in_dim3A_1196, %select_n3A_1188 : vector<16xi1>, vector<16xi32>
      %not3A_1198 = arith.constant dense<true> : vector<16xi1>
      %not3A_1199 = arith.xori %or3A_1091, %not3A_1198 : vector<16xi1>
      %gt3A_1200 = arith.cmpf ogt, %div3A_802, %select_n3A_1193 : vector<16xf32>
      %and3A_1201 = arith.andi %not3A_1199, %gt3A_1200 : vector<16xi1>
      %select_n3A_1202 = arith.select %and3A_1201, %div3A_802, %select_n3A_1193 : vector<16xi1>, vector<16xf32>
      %select_n3A_1203 = arith.select %and3A_1201, %convert_element_type3A_707, %select_n3A_1194 : vector<16xi1>, vector<16xi32>
      %jit3A_1204 = arith.constant 8 : i32
      %broadcast_in_dim3A_1205 = vector.broadcast %jit3A_1204 : i32 to vector<16xi32>
      %select_n3A_1206 = arith.select %and3A_1201, %broadcast_in_dim3A_1205, %select_n3A_1197 : vector<16xi1>, vector<16xi32>
      %eq3A_1207 = arith.constant 0 : i32
      %eq3A_1208 = vector.broadcast %eq3A_1207 : i32 to vector<16xi32>
      %eq3A_1209 = arith.cmpi eq, %select_n3A_1206, %eq3A_1208 : vector<16xi32>
      %or3A_1210 = arith.ori %or3A_1059, %eq3A_1209 : vector<16xi1>
      %eq3A_1211 = arith.constant 1 : i32
      %eq3A_1212 = vector.broadcast %eq3A_1211 : i32 to vector<16xi32>
      %eq3A_1213 = arith.cmpi eq, %select_n3A_1206, %eq3A_1212 : vector<16xi32>
      %or3A_1214 = arith.ori %or3A_1063, %eq3A_1213 : vector<16xi1>
      %eq3A_1215 = arith.constant 2 : i32
      %eq3A_1216 = vector.broadcast %eq3A_1215 : i32 to vector<16xi32>
      %eq3A_1217 = arith.cmpi eq, %select_n3A_1206, %eq3A_1216 : vector<16xi32>
      %or3A_1218 = arith.ori %or3A_1067, %eq3A_1217 : vector<16xi1>
      %eq3A_1219 = arith.constant 3 : i32
      %eq3A_1220 = vector.broadcast %eq3A_1219 : i32 to vector<16xi32>
      %eq3A_1221 = arith.cmpi eq, %select_n3A_1206, %eq3A_1220 : vector<16xi32>
      %or3A_1222 = arith.ori %or3A_1071, %eq3A_1221 : vector<16xi1>
      %eq3A_1223 = arith.constant 4 : i32
      %eq3A_1224 = vector.broadcast %eq3A_1223 : i32 to vector<16xi32>
      %eq3A_1225 = arith.cmpi eq, %select_n3A_1206, %eq3A_1224 : vector<16xi32>
      %or3A_1226 = arith.ori %or3A_1075, %eq3A_1225 : vector<16xi1>
      %eq3A_1227 = arith.constant 5 : i32
      %eq3A_1228 = vector.broadcast %eq3A_1227 : i32 to vector<16xi32>
      %eq3A_1229 = arith.cmpi eq, %select_n3A_1206, %eq3A_1228 : vector<16xi32>
      %or3A_1230 = arith.ori %or3A_1079, %eq3A_1229 : vector<16xi1>
      %eq3A_1231 = arith.constant 6 : i32
      %eq3A_1232 = vector.broadcast %eq3A_1231 : i32 to vector<16xi32>
      %eq3A_1233 = arith.cmpi eq, %select_n3A_1206, %eq3A_1232 : vector<16xi32>
      %or3A_1234 = arith.ori %or3A_1083, %eq3A_1233 : vector<16xi1>
      %eq3A_1235 = arith.constant 7 : i32
      %eq3A_1236 = vector.broadcast %eq3A_1235 : i32 to vector<16xi32>
      %eq3A_1237 = arith.cmpi eq, %select_n3A_1206, %eq3A_1236 : vector<16xi32>
      %or3A_1238 = arith.ori %or3A_1087, %eq3A_1237 : vector<16xi1>
      %eq3A_1239 = arith.constant 8 : i32
      %eq3A_1240 = vector.broadcast %eq3A_1239 : i32 to vector<16xi32>
      %eq3A_1241 = arith.cmpi eq, %select_n3A_1206, %eq3A_1240 : vector<16xi32>
      %or3A_1242 = arith.ori %or3A_1091, %eq3A_1241 : vector<16xi1>
      %shift_right_arithmetic3A_1243 = arith.constant 6 : i32
      %shift_right_arithmetic3A_1244 = vector.broadcast %shift_right_arithmetic3A_1243 : i32 to vector<16xi32>
      %shift_right_arithmetic3A_1245 = arith.shrsi %select_n3A_1203, %shift_right_arithmetic3A_1244 : vector<16xi32>
      %and3A_1246 = arith.constant 63 : i32
      %and3A_1247 = vector.broadcast %and3A_1246 : i32 to vector<16xi32>
      %and3A_1248 = arith.andi %select_n3A_1203, %and3A_1247 : vector<16xi32>
      %sub3A_1249 = arith.subi %and3A_1248, %and3A_543 : vector<16xi32>
      %convert_element_type3A_1250 = arith.sitofp %sub3A_1249 : vector<16xi32> to vector<16xf32>
      %mul3A_1251 = arith.constant 16 : i32
      %mul3A_1252 = arith.muli %mul3A_490, %mul3A_1251 : i32
      %swap3A_1253 = arith.constant 2 : i32
      %swap3A_1254 = arith.index_cast %swap3A_1253 : i32 to index
      %swap3A_1255 = arith.index_cast %mul3A_1252 : i32 to index
      %swap3A_1256 = tpu.vector_load %arg16[%swap3A_1254, %swap3A_1255] {strides = array<i32>} : memref<3x512xf32, #tpu.memory_space<vmem>>, vector<16xf32>,
      tpu.vector_store %arg16[%swap3A_1254, %swap3A_1255], %convert_element_type3A_1250 {strides = array<i32>} : memref<3x512xf32, #tpu.memory_space<vmem>>, vector<16xf32>,
      %sub3A_1257 = arith.subi %shift_right_arithmetic3A_1245, %shift_right_arithmetic3A_540 : vector<16xi32>
      %convert_element_type3A_1258 = arith.sitofp %sub3A_1257 : vector<16xi32> to vector<16xf32>
      %mul3A_1259 = arith.constant 16 : i32
      %mul3A_1260 = arith.muli %mul3A_490, %mul3A_1259 : i32
      %swap3A_1261 = arith.constant 2 : i32
      %swap3A_1262 = arith.index_cast %swap3A_1261 : i32 to index
      %swap3A_1263 = arith.index_cast %mul3A_1260 : i32 to index
      %swap3A_1264 = tpu.vector_load %arg17[%swap3A_1262, %swap3A_1263] {strides = array<i32>} : memref<3x512xf32, #tpu.memory_space<vmem>>, vector<16xf32>,
      tpu.vector_store %arg17[%swap3A_1262, %swap3A_1263], %convert_element_type3A_1258 {strides = array<i32>} : memref<3x512xf32, #tpu.memory_space<vmem>>, vector<16xf32>,
      %mul3A_1265 = arith.constant 16 : i32
      %mul3A_1266 = arith.muli %mul3A_490, %mul3A_1265 : i32
      %swap3A_1267 = arith.constant 2 : i32
      %swap3A_1268 = arith.index_cast %swap3A_1267 : i32 to index
      %swap3A_1269 = arith.index_cast %mul3A_1266 : i32 to index
      %swap3A_1270 = tpu.vector_load %arg18[%swap3A_1268, %swap3A_1269] {strides = array<i32>} : memref<3x512xf32, #tpu.memory_space<vmem>>, vector<16xf32>,
      tpu.vector_store %arg18[%swap3A_1268, %swap3A_1269], %select_n3A_1202 {strides = array<i32>} : memref<3x512xf32, #tpu.memory_space<vmem>>, vector<16xf32>,
      %mul3A_1271 = arith.constant 2 : i32
      %mul3A_1272 = arith.muli %mul3A_1271, %scan3A_487 : i32
      %add3A_1273 = arith.constant 1 : i32
      %add3A_1274 = arith.addi %mul3A_1272, %add3A_1273 : i32
      %add3A_1275 = arith.constant 1 : i32
      %add3A_1276 = arith.addi %add3A_1274, %add3A_1275 : i32
      %min3A_1277 = arith.constant 31 : i32
      %min3A_1278 = arith.minsi %add3A_1276, %min3A_1277 : i32
      %mul3A_1279 = arith.constant 16 : i32
      %mul3A_1280 = arith.muli %add3A_1274, %mul3A_1279 : i32
      %add3A_1281 = arith.addi %mul3A_32, %mul3A_1280 : i32
      %dma_wait3A_1282 = arith.constant 1 : i32
      %dma_wait3A_1283 = arith.constant 0 : i32
      %dma_wait3A_1284 = arith.constant 0 : i32
      %dma_wait3A_1285 = tpu.memref_slice %arg11[%dma_wait3A_1282, %dma_wait3A_1283, %dma_wait3A_1284] : memref<2x16x512xf32, #tpu.memory_space<vmem>> -> memref<1x16x512xf32, #tpu.memory_space<vmem>>
      %dma_wait3A_1286 = tpu.memref_squeeze %dma_wait3A_1285 : memref<1x16x512xf32, #tpu.memory_space<vmem>> -> memref<16x512xf32, #tpu.memory_space<vmem>>
      %dma_wait3A_1287 = arith.constant 0 : i32
      %dma_wait3A_1288 = tpu.memref_slice %arg2[%select_n3A, %add3A_1281, %dma_wait3A_1287] : memref<4x4096x512xf32, #tpu.memory_space<hbm>> -> memref<1x16x512xf32, #tpu.memory_space<hbm>>
      %dma_wait3A_1289 = tpu.memref_squeeze %dma_wait3A_1288 : memref<1x16x512xf32, #tpu.memory_space<hbm>> -> memref<16x512xf32, #tpu.memory_space<hbm>>
      %dma_wait3A_1290 = arith.constant 0 : i32
      %dma_wait3A_1291 = arith.constant 0 : i32
      %dma_wait3A_1292 = tpu.memref_slice %arg11[%dma_wait3A_1282, %dma_wait3A_1290, %dma_wait3A_1291] : memref<2x16x512xf32, #tpu.memory_space<vmem>> -> memref<1x16x512xf32, #tpu.memory_space<vmem>>
      %dma_wait3A_1293 = tpu.memref_squeeze %dma_wait3A_1292 : memref<1x16x512xf32, #tpu.memory_space<vmem>> -> memref<16x512xf32, #tpu.memory_space<vmem>>
      %dma_wait3A_1294 = arith.constant 0 : i32
      %dma_wait3A_1295 = tpu.memref_slice %arg2[%select_n3A, %add3A_1281, %dma_wait3A_1294] : memref<4x4096x512xf32, #tpu.memory_space<hbm>> -> memref<1x16x512xf32, #tpu.memory_space<hbm>>
      %dma_wait3A_1296 = tpu.memref_squeeze %dma_wait3A_1295 : memref<1x16x512xf32, #tpu.memory_space<hbm>> -> memref<16x512xf32, #tpu.memory_space<hbm>>
      tpu.wait_dma2 semaphore(%arg21 : memref<!tpu.dma_semaphore, #tpu.memory_space<semaphore_mem>>) src(%dma_wait3A_1296 : memref<16x512xf32, #tpu.memory_space<hbm>>) dst(%dma_wait3A_1293 : memref<16x512xf32, #tpu.memory_space<vmem>>)
      %lt3A_1297 = arith.constant 31 : i32
      %lt3A_1298 = arith.cmpi slt, %add3A_1274, %lt3A_1297 : i32
      %convert_element_type3A_1299 = arith.extui %lt3A_1298 : i1 to i32
      %cond3A_1300 = arith.constant 0 : i32
      %cond3A_1301 = arith.constant 0 : i32
      %cond3A_1302 = arith.cmpi ne, %convert_element_type3A_1299, %cond3A_1301 : i32
      scf.if %cond3A_1302 {
        %mul3A_2064 = arith.constant 16 : i32
        %mul3A_2065 = arith.muli %min3A_1278, %mul3A_2064 : i32
        %add3A_2066 = arith.addi %mul3A_32, %mul3A_2065 : i32
        %dma_start3A_2067 = arith.constant 0 : i32
        %dma_start3A_2068 = arith.constant 0 : i32
        %dma_start3A_2069 = tpu.memref_slice %arg11[%cond3A_1300, %dma_start3A_2067, %dma_start3A_2068] : memref<2x16x512xf32, #tpu.memory_space<vmem>> -> memref<1x16x512xf32, #tpu.memory_space<vmem>>
        %dma_start3A_2070 = tpu.memref_squeeze %dma_start3A_2069 : memref<1x16x512xf32, #tpu.memory_space<vmem>> -> memref<16x512xf32, #tpu.memory_space<vmem>>
        %dma_start3A_2071 = arith.constant 0 : i32
        %dma_start3A_2072 = tpu.memref_slice %arg2[%select_n3A, %add3A_2066, %dma_start3A_2071] : memref<4x4096x512xf32, #tpu.memory_space<hbm>> -> memref<1x16x512xf32, #tpu.memory_space<hbm>>
        %dma_start3A_2073 = tpu.memref_squeeze %dma_start3A_2072 : memref<1x16x512xf32, #tpu.memory_space<hbm>> -> memref<16x512xf32, #tpu.memory_space<hbm>>
        %dma_start3A_2074 = arith.constant 0 : i32
        %dma_start3A_2075 = arith.constant 0 : i32
        %dma_start3A_2076 = tpu.memref_slice %arg11[%cond3A_1300, %dma_start3A_2074, %dma_start3A_2075] : memref<2x16x512xf32, #tpu.memory_space<vmem>> -> memref<1x16x512xf32, #tpu.memory_space<vmem>>
        %dma_start3A_2077 = tpu.memref_squeeze %dma_start3A_2076 : memref<1x16x512xf32, #tpu.memory_space<vmem>> -> memref<16x512xf32, #tpu.memory_space<vmem>>
        %dma_start3A_2078 = arith.constant 0 : i32
        %dma_start3A_2079 = tpu.memref_slice %arg2[%select_n3A, %add3A_2066, %dma_start3A_2078] : memref<4x4096x512xf32, #tpu.memory_space<hbm>> -> memref<1x16x512xf32, #tpu.memory_space<hbm>>
        %dma_start3A_2080 = tpu.memref_squeeze %dma_start3A_2079 : memref<1x16x512xf32, #tpu.memory_space<hbm>> -> memref<16x512xf32, #tpu.memory_space<hbm>>
        tpu.enqueue_dma source(%dma_start3A_2080 : memref<16x512xf32, #tpu.memory_space<hbm>>) target(%dma_start3A_2077 : memref<16x512xf32, #tpu.memory_space<vmem>>) target_semaphore(%arg21 : memref<!tpu.dma_semaphore, #tpu.memory_space<semaphore_mem>>)
      } else {
      }
      %dma_wait3A_1303 = arith.constant 0 : i32
      %dma_wait3A_1304 = arith.constant 0 : i32
      %dma_wait3A_1305 = tpu.memref_slice %arg3[%dma_wait3A_1303, %dma_wait3A_1304] : memref<16384x512xf32, #tpu.memory_space<hbm>> -> memref<16384x512xf32, #tpu.memory_space<hbm>>
      tpu.wait_indirect_dma semaphore(%arg19 : memref<!tpu.dma_semaphore, #tpu.memory_space<semaphore_mem>>) src(%dma_wait3A_1305 : memref<16384x512xf32, #tpu.memory_space<hbm>>) dst(%arg12 : memref<80x512xf32, #tpu.memory_space<vmem>>)
      %broadcast_in_dim3A_1306 = arith.constant 0.000000e+00 : f32
      %broadcast_in_dim3A_1307 = vector.broadcast %broadcast_in_dim3A_1306 : f32 to vector<16xf32>
      %broadcast_in_dim3A_1308 = arith.constant 0.000000e+00 : f32
      %broadcast_in_dim3A_1309 = vector.broadcast %broadcast_in_dim3A_1308 : f32 to vector<16xf32>
      %broadcast_in_dim3A_1310 = arith.constant 0.000000e+00 : f32
      %broadcast_in_dim3A_1311 = vector.broadcast %broadcast_in_dim3A_1310 : f32 to vector<16xf32>
      %broadcast_in_dim3A_1312 = arith.constant 0.000000e+00 : f32
      %broadcast_in_dim3A_1313 = vector.broadcast %broadcast_in_dim3A_1312 : f32 to vector<16xf32>
      %broadcast_in_dim3A_1314 = arith.constant 0.000000e+00 : f32
      %broadcast_in_dim3A_1315 = vector.broadcast %broadcast_in_dim3A_1314 : f32 to vector<16xf32>
      %parallel_loop3A_1316 = arith.constant 0 : i32
      %parallel_loop3A_1317 = arith.constant 512 : i32
      %parallel_loop3A_1318 = arith.constant 1 : i32
      %parallel_loop3A_1319 = arith.constant 1 : i32
      %parallel_loop3A_1320:5 = scf.for %parallel_loop3A_2064 = %parallel_loop3A_1316 to %parallel_loop3A_1317 step %parallel_loop3A_1318 iter_args(%parallel_loop3A_2065 = %broadcast_in_dim3A_1307, %parallel_loop3A_2066 = %broadcast_in_dim3A_1309, %parallel_loop3A_2067 = %broadcast_in_dim3A_1311, %parallel_loop3A_2068 = %broadcast_in_dim3A_1313, %parallel_loop3A_2069 = %broadcast_in_dim3A_1315) -> (vector<16xf32>, vector<16xf32>, vector<16xf32>, vector<16xf32>, vector<16xf32>)  : i32 {
        %parallel_loop3A_2070 = vector.broadcast %parallel_loop3A_2064 : i32 to vector<16xi32>
        %parallel_loop3A_2071 = arith.addi %iota3A, %parallel_loop3A_2070 : vector<16xi32>
        %parallel_loop3A_2072 = arith.constant 511 : i32
        %parallel_loop3A_2073 = vector.broadcast %parallel_loop3A_2072 : i32 to vector<16xi32>
        %parallel_loop3A_2074 = arith.andi %parallel_loop3A_2071, %parallel_loop3A_2073 : vector<16xi32>
        %parallel_loop3A_2075 = arith.constant 0 : i32
        %parallel_loop3A_2076 = arith.constant 0 : i32
        %parallel_loop3A_2077 = tpu.memref_slice %arg11[%parallel_loop3A_1319, %parallel_loop3A_2075, %parallel_loop3A_2076] : memref<2x16x512xf32, #tpu.memory_space<vmem>> -> memref<1x16x512xf32, #tpu.memory_space<vmem>>
        %parallel_loop3A_2078 = tpu.memref_squeeze %parallel_loop3A_2077 : memref<1x16x512xf32, #tpu.memory_space<vmem>> -> memref<16x512xf32, #tpu.memory_space<vmem>>
        %parallel_loop3A_2079 = tpu.vector_load_idx %parallel_loop3A_2078[%iota3A, %parallel_loop3A_2074] : memref<16x512xf32, #tpu.memory_space<vmem>>[vector<16xi32>, vector<16xi32>], vector<16xf32>,
        %parallel_loop3A_2080 = tpu.vector_load_idx %arg12[%add3A_39, %parallel_loop3A_2074] : memref<80x512xf32, #tpu.memory_space<vmem>>[vector<16xi32>, vector<16xi32>], vector<16xf32>,
        %parallel_loop3A_2081 = arith.mulf %parallel_loop3A_2079, %parallel_loop3A_2080 : vector<16xf32>
        %parallel_loop3A_2082 = arith.addf %parallel_loop3A_2065, %parallel_loop3A_2081 : vector<16xf32>
        %parallel_loop3A_2083 = tpu.vector_load_idx %arg12[%add3A_44, %parallel_loop3A_2074] : memref<80x512xf32, #tpu.memory_space<vmem>>[vector<16xi32>, vector<16xi32>], vector<16xf32>,
        %parallel_loop3A_2084 = arith.mulf %parallel_loop3A_2079, %parallel_loop3A_2083 : vector<16xf32>
        %parallel_loop3A_2085 = arith.addf %parallel_loop3A_2066, %parallel_loop3A_2084 : vector<16xf32>
        %parallel_loop3A_2086 = tpu.vector_load_idx %arg12[%add3A_49, %parallel_loop3A_2074] : memref<80x512xf32, #tpu.memory_space<vmem>>[vector<16xi32>, vector<16xi32>], vector<16xf32>,
        %parallel_loop3A_2087 = arith.mulf %parallel_loop3A_2079, %parallel_loop3A_2086 : vector<16xf32>
        %parallel_loop3A_2088 = arith.addf %parallel_loop3A_2067, %parallel_loop3A_2087 : vector<16xf32>
        %parallel_loop3A_2089 = tpu.vector_load_idx %arg12[%add3A_54, %parallel_loop3A_2074] : memref<80x512xf32, #tpu.memory_space<vmem>>[vector<16xi32>, vector<16xi32>], vector<16xf32>,
        %parallel_loop3A_2090 = arith.mulf %parallel_loop3A_2079, %parallel_loop3A_2089 : vector<16xf32>
        %parallel_loop3A_2091 = arith.addf %parallel_loop3A_2068, %parallel_loop3A_2090 : vector<16xf32>
        %parallel_loop3A_2092 = tpu.vector_load_idx %arg12[%add3A_59, %parallel_loop3A_2074] : memref<80x512xf32, #tpu.memory_space<vmem>>[vector<16xi32>, vector<16xi32>], vector<16xf32>,
        %parallel_loop3A_2093 = arith.mulf %parallel_loop3A_2079, %parallel_loop3A_2092 : vector<16xf32>
        %parallel_loop3A_2094 = arith.addf %parallel_loop3A_2069, %parallel_loop3A_2093 : vector<16xf32>
        scf.yield %parallel_loop3A_2082, %parallel_loop3A_2085, %parallel_loop3A_2088, %parallel_loop3A_2091, %parallel_loop3A_2094 : vector<16xf32>, vector<16xf32>, vector<16xf32>, vector<16xf32>, vector<16xf32>
      } {sc.loop_unroll_factor = 4 : i64, sc.parallel_access}
      %mul3A_1321 = arith.constant 16 : i32
      %mul3A_1322 = arith.muli %add3A_1274, %mul3A_1321 : i32
      %add3A_1323 = arith.addi %mul3A_32, %mul3A_1322 : i32
      %add3A_1324 = vector.broadcast %add3A_1323 : i32 to vector<16xi32>
      %add3A_1325 = arith.addi %add3A_1324, %iota3A : vector<16xi32>
      %shift_right_arithmetic3A_1326 = arith.constant 6 : i32
      %shift_right_arithmetic3A_1327 = vector.broadcast %shift_right_arithmetic3A_1326 : i32 to vector<16xi32>
      %shift_right_arithmetic3A_1328 = arith.shrsi %add3A_1325, %shift_right_arithmetic3A_1327 : vector<16xi32>
      %and3A_1329 = arith.constant 63 : i32
      %and3A_1330 = vector.broadcast %and3A_1329 : i32 to vector<16xi32>
      %and3A_1331 = arith.andi %add3A_1325, %and3A_1330 : vector<16xi32>
      %convert_element_type3A_1332 = arith.sitofp %shift_right_arithmetic3A_1328 : vector<16xi32> to vector<16xf32>
      %convert_element_type3A_1333 = arith.sitofp %and3A_1331 : vector<16xi32> to vector<16xf32>
      %mul3A_1334 = arith.constant 16 : i32
      %mul3A_1335 = arith.muli %add3A_1274, %mul3A_1334 : i32
      %get3A_1336 = arith.constant 0 : i32
      %get3A_1337 = arith.index_cast %get3A_1336 : i32 to index
      %get3A_1338 = arith.index_cast %mul3A_1335 : i32 to index
      %get3A_1339 = tpu.vector_load %arg9[%get3A_1337, %get3A_1338] {strides = array<i32>} : memref<9x512xf32, #tpu.memory_space<vmem>>, vector<16xf32>,
      %mul3A_1340 = arith.constant 16 : i32
      %mul3A_1341 = arith.muli %add3A_1274, %mul3A_1340 : i32
      %get3A_1342 = arith.constant 0 : i32
      %get3A_1343 = arith.index_cast %get3A_1342 : i32 to index
      %get3A_1344 = arith.index_cast %mul3A_1341 : i32 to index
      %get3A_1345 = tpu.vector_load %arg10[%get3A_1343, %get3A_1344] {strides = array<i32>} : memref<9x512xf32, #tpu.memory_space<vmem>>, vector<16xf32>,
      %add3A_1346 = arith.addf %get3A_1345, %convert_element_type3A_1332 : vector<16xf32>
      %mul3A_1347 = vector.broadcast %scan3A : f32 to vector<16xf32>
      %mul3A_1348 = arith.mulf %add3A_1346, %mul3A_1347 : vector<16xf32>
      %add3A_1349 = arith.addf %get3A_1339, %convert_element_type3A_1333 : vector<16xf32>
      %add3A_1350 = arith.addf %mul3A_1348, %add3A_1349 : vector<16xf32>
      %convert_element_type3A_1351 = arith.fptosi %add3A_1350 : vector<16xf32> to vector<16xi32>
      %mul3A_1352 = arith.constant 16 : i32
      %mul3A_1353 = arith.muli %add3A_1274, %mul3A_1352 : i32
      %get3A_1354 = arith.constant 1 : i32
      %get3A_1355 = arith.index_cast %get3A_1354 : i32 to index
      %get3A_1356 = arith.index_cast %mul3A_1353 : i32 to index
      %get3A_1357 = tpu.vector_load %arg9[%get3A_1355, %get3A_1356] {strides = array<i32>} : memref<9x512xf32, #tpu.memory_space<vmem>>, vector<16xf32>,
      %mul3A_1358 = arith.constant 16 : i32
      %mul3A_1359 = arith.muli %add3A_1274, %mul3A_1358 : i32
      %get3A_1360 = arith.constant 1 : i32
      %get3A_1361 = arith.index_cast %get3A_1360 : i32 to index
      %get3A_1362 = arith.index_cast %mul3A_1359 : i32 to index
      %get3A_1363 = tpu.vector_load %arg10[%get3A_1361, %get3A_1362] {strides = array<i32>} : memref<9x512xf32, #tpu.memory_space<vmem>>, vector<16xf32>,
      %add3A_1364 = arith.addf %get3A_1363, %convert_element_type3A_1332 : vector<16xf32>
      %mul3A_1365 = vector.broadcast %scan3A : f32 to vector<16xf32>
      %mul3A_1366 = arith.mulf %add3A_1364, %mul3A_1365 : vector<16xf32>
      %add3A_1367 = arith.addf %get3A_1357, %convert_element_type3A_1333 : vector<16xf32>
      %add3A_1368 = arith.addf %mul3A_1366, %add3A_1367 : vector<16xf32>
      %convert_element_type3A_1369 = arith.fptosi %add3A_1368 : vector<16xf32> to vector<16xi32>
      %mul3A_1370 = arith.constant 16 : i32
      %mul3A_1371 = arith.muli %add3A_1274, %mul3A_1370 : i32
      %get3A_1372 = arith.constant 2 : i32
      %get3A_1373 = arith.index_cast %get3A_1372 : i32 to index
      %get3A_1374 = arith.index_cast %mul3A_1371 : i32 to index
      %get3A_1375 = tpu.vector_load %arg9[%get3A_1373, %get3A_1374] {strides = array<i32>} : memref<9x512xf32, #tpu.memory_space<vmem>>, vector<16xf32>,
      %mul3A_1376 = arith.constant 16 : i32
      %mul3A_1377 = arith.muli %add3A_1274, %mul3A_1376 : i32
      %get3A_1378 = arith.constant 2 : i32
      %get3A_1379 = arith.index_cast %get3A_1378 : i32 to index
      %get3A_1380 = arith.index_cast %mul3A_1377 : i32 to index
      %get3A_1381 = tpu.vector_load %arg10[%get3A_1379, %get3A_1380] {strides = array<i32>} : memref<9x512xf32, #tpu.memory_space<vmem>>, vector<16xf32>,
      %add3A_1382 = arith.addf %get3A_1381, %convert_element_type3A_1332 : vector<16xf32>
      %mul3A_1383 = vector.broadcast %scan3A : f32 to vector<16xf32>
      %mul3A_1384 = arith.mulf %add3A_1382, %mul3A_1383 : vector<16xf32>
      %add3A_1385 = arith.addf %get3A_1375, %convert_element_type3A_1333 : vector<16xf32>
      %add3A_1386 = arith.addf %mul3A_1384, %add3A_1385 : vector<16xf32>
      %convert_element_type3A_1387 = arith.fptosi %add3A_1386 : vector<16xf32> to vector<16xi32>
      %mul3A_1388 = arith.constant 16 : i32
      %mul3A_1389 = arith.muli %add3A_1274, %mul3A_1388 : i32
      %get3A_1390 = arith.constant 3 : i32
      %get3A_1391 = arith.index_cast %get3A_1390 : i32 to index
      %get3A_1392 = arith.index_cast %mul3A_1389 : i32 to index
      %get3A_1393 = tpu.vector_load %arg9[%get3A_1391, %get3A_1392] {strides = array<i32>} : memref<9x512xf32, #tpu.memory_space<vmem>>, vector<16xf32>,
      %mul3A_1394 = arith.constant 16 : i32
      %mul3A_1395 = arith.muli %add3A_1274, %mul3A_1394 : i32
      %get3A_1396 = arith.constant 3 : i32
      %get3A_1397 = arith.index_cast %get3A_1396 : i32 to index
      %get3A_1398 = arith.index_cast %mul3A_1395 : i32 to index
      %get3A_1399 = tpu.vector_load %arg10[%get3A_1397, %get3A_1398] {strides = array<i32>} : memref<9x512xf32, #tpu.memory_space<vmem>>, vector<16xf32>,
      %add3A_1400 = arith.addf %get3A_1399, %convert_element_type3A_1332 : vector<16xf32>
      %mul3A_1401 = vector.broadcast %scan3A : f32 to vector<16xf32>
      %mul3A_1402 = arith.mulf %add3A_1400, %mul3A_1401 : vector<16xf32>
      %add3A_1403 = arith.addf %get3A_1393, %convert_element_type3A_1333 : vector<16xf32>
      %add3A_1404 = arith.addf %mul3A_1402, %add3A_1403 : vector<16xf32>
      %convert_element_type3A_1405 = arith.fptosi %add3A_1404 : vector<16xf32> to vector<16xi32>
      %mul3A_1406 = arith.constant 16 : i32
      %mul3A_1407 = arith.muli %add3A_1274, %mul3A_1406 : i32
      %get3A_1408 = arith.constant 4 : i32
      %get3A_1409 = arith.index_cast %get3A_1408 : i32 to index
      %get3A_1410 = arith.index_cast %mul3A_1407 : i32 to index
      %get3A_1411 = tpu.vector_load %arg9[%get3A_1409, %get3A_1410] {strides = array<i32>} : memref<9x512xf32, #tpu.memory_space<vmem>>, vector<16xf32>,
      %mul3A_1412 = arith.constant 16 : i32
      %mul3A_1413 = arith.muli %add3A_1274, %mul3A_1412 : i32
      %get3A_1414 = arith.constant 4 : i32
      %get3A_1415 = arith.index_cast %get3A_1414 : i32 to index
      %get3A_1416 = arith.index_cast %mul3A_1413 : i32 to index
      %get3A_1417 = tpu.vector_load %arg10[%get3A_1415, %get3A_1416] {strides = array<i32>} : memref<9x512xf32, #tpu.memory_space<vmem>>, vector<16xf32>,
      %add3A_1418 = arith.addf %get3A_1417, %convert_element_type3A_1332 : vector<16xf32>
      %mul3A_1419 = vector.broadcast %scan3A : f32 to vector<16xf32>
      %mul3A_1420 = arith.mulf %add3A_1418, %mul3A_1419 : vector<16xf32>
      %add3A_1421 = arith.addf %get3A_1411, %convert_element_type3A_1333 : vector<16xf32>
      %add3A_1422 = arith.addf %mul3A_1420, %add3A_1421 : vector<16xf32>
      %convert_element_type3A_1423 = arith.fptosi %add3A_1422 : vector<16xf32> to vector<16xi32>
      %mul3A_1424 = arith.constant 16 : i32
      %mul3A_1425 = arith.muli %add3A_1274, %mul3A_1424 : i32
      %get3A_1426 = arith.constant 5 : i32
      %get3A_1427 = arith.index_cast %get3A_1426 : i32 to index
      %get3A_1428 = arith.index_cast %mul3A_1425 : i32 to index
      %get3A_1429 = tpu.vector_load %arg9[%get3A_1427, %get3A_1428] {strides = array<i32>} : memref<9x512xf32, #tpu.memory_space<vmem>>, vector<16xf32>,
      %mul3A_1430 = arith.constant 16 : i32
      %mul3A_1431 = arith.muli %add3A_1274, %mul3A_1430 : i32
      %get3A_1432 = arith.constant 5 : i32
      %get3A_1433 = arith.index_cast %get3A_1432 : i32 to index
      %get3A_1434 = arith.index_cast %mul3A_1431 : i32 to index
      %get3A_1435 = tpu.vector_load %arg10[%get3A_1433, %get3A_1434] {strides = array<i32>} : memref<9x512xf32, #tpu.memory_space<vmem>>, vector<16xf32>,
      %add3A_1436 = arith.addf %get3A_1435, %convert_element_type3A_1332 : vector<16xf32>
      %mul3A_1437 = vector.broadcast %scan3A : f32 to vector<16xf32>
      %mul3A_1438 = arith.mulf %add3A_1436, %mul3A_1437 : vector<16xf32>
      %add3A_1439 = arith.addf %get3A_1429, %convert_element_type3A_1333 : vector<16xf32>
      %add3A_1440 = arith.addf %mul3A_1438, %add3A_1439 : vector<16xf32>
      %convert_element_type3A_1441 = arith.fptosi %add3A_1440 : vector<16xf32> to vector<16xi32>
      %mul3A_1442 = arith.constant 16 : i32
      %mul3A_1443 = arith.muli %add3A_1274, %mul3A_1442 : i32
      %get3A_1444 = arith.constant 6 : i32
      %get3A_1445 = arith.index_cast %get3A_1444 : i32 to index
      %get3A_1446 = arith.index_cast %mul3A_1443 : i32 to index
      %get3A_1447 = tpu.vector_load %arg9[%get3A_1445, %get3A_1446] {strides = array<i32>} : memref<9x512xf32, #tpu.memory_space<vmem>>, vector<16xf32>,
      %mul3A_1448 = arith.constant 16 : i32
      %mul3A_1449 = arith.muli %add3A_1274, %mul3A_1448 : i32
      %get3A_1450 = arith.constant 6 : i32
      %get3A_1451 = arith.index_cast %get3A_1450 : i32 to index
      %get3A_1452 = arith.index_cast %mul3A_1449 : i32 to index
      %get3A_1453 = tpu.vector_load %arg10[%get3A_1451, %get3A_1452] {strides = array<i32>} : memref<9x512xf32, #tpu.memory_space<vmem>>, vector<16xf32>,
      %add3A_1454 = arith.addf %get3A_1453, %convert_element_type3A_1332 : vector<16xf32>
      %mul3A_1455 = vector.broadcast %scan3A : f32 to vector<16xf32>
      %mul3A_1456 = arith.mulf %add3A_1454, %mul3A_1455 : vector<16xf32>
      %add3A_1457 = arith.addf %get3A_1447, %convert_element_type3A_1333 : vector<16xf32>
      %add3A_1458 = arith.addf %mul3A_1456, %add3A_1457 : vector<16xf32>
      %convert_element_type3A_1459 = arith.fptosi %add3A_1458 : vector<16xf32> to vector<16xi32>
      %mul3A_1460 = arith.constant 16 : i32
      %mul3A_1461 = arith.muli %add3A_1274, %mul3A_1460 : i32
      %get3A_1462 = arith.constant 7 : i32
      %get3A_1463 = arith.index_cast %get3A_1462 : i32 to index
      %get3A_1464 = arith.index_cast %mul3A_1461 : i32 to index
      %get3A_1465 = tpu.vector_load %arg9[%get3A_1463, %get3A_1464] {strides = array<i32>} : memref<9x512xf32, #tpu.memory_space<vmem>>, vector<16xf32>,
      %mul3A_1466 = arith.constant 16 : i32
      %mul3A_1467 = arith.muli %add3A_1274, %mul3A_1466 : i32
      %get3A_1468 = arith.constant 7 : i32
      %get3A_1469 = arith.index_cast %get3A_1468 : i32 to index
      %get3A_1470 = arith.index_cast %mul3A_1467 : i32 to index
      %get3A_1471 = tpu.vector_load %arg10[%get3A_1469, %get3A_1470] {strides = array<i32>} : memref<9x512xf32, #tpu.memory_space<vmem>>, vector<16xf32>,
      %add3A_1472 = arith.addf %get3A_1471, %convert_element_type3A_1332 : vector<16xf32>
      %mul3A_1473 = vector.broadcast %scan3A : f32 to vector<16xf32>
      %mul3A_1474 = arith.mulf %add3A_1472, %mul3A_1473 : vector<16xf32>
      %add3A_1475 = arith.addf %get3A_1465, %convert_element_type3A_1333 : vector<16xf32>
      %add3A_1476 = arith.addf %mul3A_1474, %add3A_1475 : vector<16xf32>
      %convert_element_type3A_1477 = arith.fptosi %add3A_1476 : vector<16xf32> to vector<16xi32>
      %mul3A_1478 = arith.constant 16 : i32
      %mul3A_1479 = arith.muli %add3A_1274, %mul3A_1478 : i32
      %get3A_1480 = arith.constant 8 : i32
      %get3A_1481 = arith.index_cast %get3A_1480 : i32 to index
      %get3A_1482 = arith.index_cast %mul3A_1479 : i32 to index
      %get3A_1483 = tpu.vector_load %arg9[%get3A_1481, %get3A_1482] {strides = array<i32>} : memref<9x512xf32, #tpu.memory_space<vmem>>, vector<16xf32>,
      %mul3A_1484 = arith.constant 16 : i32
      %mul3A_1485 = arith.muli %add3A_1274, %mul3A_1484 : i32
      %get3A_1486 = arith.constant 8 : i32
      %get3A_1487 = arith.index_cast %get3A_1486 : i32 to index
      %get3A_1488 = arith.index_cast %mul3A_1485 : i32 to index
      %get3A_1489 = tpu.vector_load %arg10[%get3A_1487, %get3A_1488] {strides = array<i32>} : memref<9x512xf32, #tpu.memory_space<vmem>>, vector<16xf32>,
      %add3A_1490 = arith.addf %get3A_1489, %convert_element_type3A_1332 : vector<16xf32>
      %mul3A_1491 = vector.broadcast %scan3A : f32 to vector<16xf32>
      %mul3A_1492 = arith.mulf %add3A_1490, %mul3A_1491 : vector<16xf32>
      %add3A_1493 = arith.addf %get3A_1483, %convert_element_type3A_1333 : vector<16xf32>
      %add3A_1494 = arith.addf %mul3A_1492, %add3A_1493 : vector<16xf32>
      %convert_element_type3A_1495 = arith.fptosi %add3A_1494 : vector<16xf32> to vector<16xi32>
      %lt3A_1496 = arith.constant 31 : i32
      %lt3A_1497 = arith.cmpi slt, %add3A_1274, %lt3A_1496 : i32
      %convert_element_type3A_1498 = arith.extui %lt3A_1497 : i1 to i32
      %cond3A_1499 = arith.constant 0 : i32
      %cond3A_1500 = arith.cmpi ne, %convert_element_type3A_1498, %cond3A_1499 : i32
      scf.if %cond3A_1500 {
        %mul3A_2064 = arith.constant 16 : i32
        %mul3A_2065 = arith.muli %min3A_1278, %mul3A_2064 : i32
        %add3A_2066 = arith.addi %mul3A_32, %mul3A_2065 : i32
        %add3A_2067 = vector.broadcast %add3A_2066 : i32 to vector<16xi32>
        %add3A_2068 = arith.addi %add3A_2067, %iota3A : vector<16xi32>
        %shift_right_arithmetic3A_2069 = arith.constant 6 : i32
        %shift_right_arithmetic3A_2070 = vector.broadcast %shift_right_arithmetic3A_2069 : i32 to vector<16xi32>
        %shift_right_arithmetic3A_2071 = arith.shrsi %add3A_2068, %shift_right_arithmetic3A_2070 : vector<16xi32>
        %and3A_2072 = arith.constant 63 : i32
        %and3A_2073 = vector.broadcast %and3A_2072 : i32 to vector<16xi32>
        %and3A_2074 = arith.andi %add3A_2068, %and3A_2073 : vector<16xi32>
        %convert_element_type3A_2075 = arith.sitofp %shift_right_arithmetic3A_2071 : vector<16xi32> to vector<16xf32>
        %convert_element_type3A_2076 = arith.sitofp %and3A_2074 : vector<16xi32> to vector<16xf32>
        %mul3A_2077 = arith.constant 16 : i32
        %mul3A_2078 = arith.muli %min3A_1278, %mul3A_2077 : i32
        %get3A_2079 = arith.constant 0 : i32
        %get3A_2080 = arith.index_cast %get3A_2079 : i32 to index
        %get3A_2081 = arith.index_cast %mul3A_2078 : i32 to index
        %get3A_2082 = tpu.vector_load %arg9[%get3A_2080, %get3A_2081] {strides = array<i32>} : memref<9x512xf32, #tpu.memory_space<vmem>>, vector<16xf32>,
        %mul3A_2083 = arith.constant 16 : i32
        %mul3A_2084 = arith.muli %min3A_1278, %mul3A_2083 : i32
        %get3A_2085 = arith.constant 0 : i32
        %get3A_2086 = arith.index_cast %get3A_2085 : i32 to index
        %get3A_2087 = arith.index_cast %mul3A_2084 : i32 to index
        %get3A_2088 = tpu.vector_load %arg10[%get3A_2086, %get3A_2087] {strides = array<i32>} : memref<9x512xf32, #tpu.memory_space<vmem>>, vector<16xf32>,
        %add3A_2089 = arith.addf %get3A_2088, %convert_element_type3A_2075 : vector<16xf32>
        %mul3A_2090 = vector.broadcast %scan3A : f32 to vector<16xf32>
        %mul3A_2091 = arith.mulf %add3A_2089, %mul3A_2090 : vector<16xf32>
        %add3A_2092 = arith.addf %get3A_2082, %convert_element_type3A_2076 : vector<16xf32>
        %add3A_2093 = arith.addf %mul3A_2091, %add3A_2092 : vector<16xf32>
        %convert_element_type3A_2094 = arith.fptosi %add3A_2093 : vector<16xf32> to vector<16xi32>
        %mul3A_2095 = arith.constant 16 : i32
        %mul3A_2096 = arith.muli %min3A_1278, %mul3A_2095 : i32
        %get3A_2097 = arith.constant 1 : i32
        %get3A_2098 = arith.index_cast %get3A_2097 : i32 to index
        %get3A_2099 = arith.index_cast %mul3A_2096 : i32 to index
        %get3A_2100 = tpu.vector_load %arg9[%get3A_2098, %get3A_2099] {strides = array<i32>} : memref<9x512xf32, #tpu.memory_space<vmem>>, vector<16xf32>,
        %mul3A_2101 = arith.constant 16 : i32
        %mul3A_2102 = arith.muli %min3A_1278, %mul3A_2101 : i32
        %get3A_2103 = arith.constant 1 : i32
        %get3A_2104 = arith.index_cast %get3A_2103 : i32 to index
        %get3A_2105 = arith.index_cast %mul3A_2102 : i32 to index
        %get3A_2106 = tpu.vector_load %arg10[%get3A_2104, %get3A_2105] {strides = array<i32>} : memref<9x512xf32, #tpu.memory_space<vmem>>, vector<16xf32>,
        %add3A_2107 = arith.addf %get3A_2106, %convert_element_type3A_2075 : vector<16xf32>
        %mul3A_2108 = vector.broadcast %scan3A : f32 to vector<16xf32>
        %mul3A_2109 = arith.mulf %add3A_2107, %mul3A_2108 : vector<16xf32>
        %add3A_2110 = arith.addf %get3A_2100, %convert_element_type3A_2076 : vector<16xf32>
        %add3A_2111 = arith.addf %mul3A_2109, %add3A_2110 : vector<16xf32>
        %convert_element_type3A_2112 = arith.fptosi %add3A_2111 : vector<16xf32> to vector<16xi32>
        %mul3A_2113 = arith.constant 16 : i32
        %mul3A_2114 = arith.muli %min3A_1278, %mul3A_2113 : i32
        %get3A_2115 = arith.constant 2 : i32
        %get3A_2116 = arith.index_cast %get3A_2115 : i32 to index
        %get3A_2117 = arith.index_cast %mul3A_2114 : i32 to index
        %get3A_2118 = tpu.vector_load %arg9[%get3A_2116, %get3A_2117] {strides = array<i32>} : memref<9x512xf32, #tpu.memory_space<vmem>>, vector<16xf32>,
        %mul3A_2119 = arith.constant 16 : i32
        %mul3A_2120 = arith.muli %min3A_1278, %mul3A_2119 : i32
        %get3A_2121 = arith.constant 2 : i32
        %get3A_2122 = arith.index_cast %get3A_2121 : i32 to index
        %get3A_2123 = arith.index_cast %mul3A_2120 : i32 to index
        %get3A_2124 = tpu.vector_load %arg10[%get3A_2122, %get3A_2123] {strides = array<i32>} : memref<9x512xf32, #tpu.memory_space<vmem>>, vector<16xf32>,
        %add3A_2125 = arith.addf %get3A_2124, %convert_element_type3A_2075 : vector<16xf32>
        %mul3A_2126 = vector.broadcast %scan3A : f32 to vector<16xf32>
        %mul3A_2127 = arith.mulf %add3A_2125, %mul3A_2126 : vector<16xf32>
        %add3A_2128 = arith.addf %get3A_2118, %convert_element_type3A_2076 : vector<16xf32>
        %add3A_2129 = arith.addf %mul3A_2127, %add3A_2128 : vector<16xf32>
        %convert_element_type3A_2130 = arith.fptosi %add3A_2129 : vector<16xf32> to vector<16xi32>
        %mul3A_2131 = arith.constant 16 : i32
        %mul3A_2132 = arith.muli %min3A_1278, %mul3A_2131 : i32
        %get3A_2133 = arith.constant 3 : i32
        %get3A_2134 = arith.index_cast %get3A_2133 : i32 to index
        %get3A_2135 = arith.index_cast %mul3A_2132 : i32 to index
        %get3A_2136 = tpu.vector_load %arg9[%get3A_2134, %get3A_2135] {strides = array<i32>} : memref<9x512xf32, #tpu.memory_space<vmem>>, vector<16xf32>,
        %mul3A_2137 = arith.constant 16 : i32
        %mul3A_2138 = arith.muli %min3A_1278, %mul3A_2137 : i32
        %get3A_2139 = arith.constant 3 : i32
        %get3A_2140 = arith.index_cast %get3A_2139 : i32 to index
        %get3A_2141 = arith.index_cast %mul3A_2138 : i32 to index
        %get3A_2142 = tpu.vector_load %arg10[%get3A_2140, %get3A_2141] {strides = array<i32>} : memref<9x512xf32, #tpu.memory_space<vmem>>, vector<16xf32>,
        %add3A_2143 = arith.addf %get3A_2142, %convert_element_type3A_2075 : vector<16xf32>
        %mul3A_2144 = vector.broadcast %scan3A : f32 to vector<16xf32>
        %mul3A_2145 = arith.mulf %add3A_2143, %mul3A_2144 : vector<16xf32>
        %add3A_2146 = arith.addf %get3A_2136, %convert_element_type3A_2076 : vector<16xf32>
        %add3A_2147 = arith.addf %mul3A_2145, %add3A_2146 : vector<16xf32>
        %convert_element_type3A_2148 = arith.fptosi %add3A_2147 : vector<16xf32> to vector<16xi32>
        %mul3A_2149 = arith.constant 16 : i32
        %mul3A_2150 = arith.muli %min3A_1278, %mul3A_2149 : i32
        %get3A_2151 = arith.constant 4 : i32
        %get3A_2152 = arith.index_cast %get3A_2151 : i32 to index
        %get3A_2153 = arith.index_cast %mul3A_2150 : i32 to index
        %get3A_2154 = tpu.vector_load %arg9[%get3A_2152, %get3A_2153] {strides = array<i32>} : memref<9x512xf32, #tpu.memory_space<vmem>>, vector<16xf32>,
        %mul3A_2155 = arith.constant 16 : i32
        %mul3A_2156 = arith.muli %min3A_1278, %mul3A_2155 : i32
        %get3A_2157 = arith.constant 4 : i32
        %get3A_2158 = arith.index_cast %get3A_2157 : i32 to index
        %get3A_2159 = arith.index_cast %mul3A_2156 : i32 to index
        %get3A_2160 = tpu.vector_load %arg10[%get3A_2158, %get3A_2159] {strides = array<i32>} : memref<9x512xf32, #tpu.memory_space<vmem>>, vector<16xf32>,
        %add3A_2161 = arith.addf %get3A_2160, %convert_element_type3A_2075 : vector<16xf32>
        %mul3A_2162 = vector.broadcast %scan3A : f32 to vector<16xf32>
        %mul3A_2163 = arith.mulf %add3A_2161, %mul3A_2162 : vector<16xf32>
        %add3A_2164 = arith.addf %get3A_2154, %convert_element_type3A_2076 : vector<16xf32>
        %add3A_2165 = arith.addf %mul3A_2163, %add3A_2164 : vector<16xf32>
        %convert_element_type3A_2166 = arith.fptosi %add3A_2165 : vector<16xf32> to vector<16xi32>
        %mul3A_2167 = arith.constant 16 : i32
        %mul3A_2168 = arith.muli %min3A_1278, %mul3A_2167 : i32
        %get3A_2169 = arith.constant 5 : i32
        %get3A_2170 = arith.index_cast %get3A_2169 : i32 to index
        %get3A_2171 = arith.index_cast %mul3A_2168 : i32 to index
        %get3A_2172 = tpu.vector_load %arg9[%get3A_2170, %get3A_2171] {strides = array<i32>} : memref<9x512xf32, #tpu.memory_space<vmem>>, vector<16xf32>,
        %mul3A_2173 = arith.constant 16 : i32
        %mul3A_2174 = arith.muli %min3A_1278, %mul3A_2173 : i32
        %get3A_2175 = arith.constant 5 : i32
        %get3A_2176 = arith.index_cast %get3A_2175 : i32 to index
        %get3A_2177 = arith.index_cast %mul3A_2174 : i32 to index
        %get3A_2178 = tpu.vector_load %arg10[%get3A_2176, %get3A_2177] {strides = array<i32>} : memref<9x512xf32, #tpu.memory_space<vmem>>, vector<16xf32>,
        %add3A_2179 = arith.addf %get3A_2178, %convert_element_type3A_2075 : vector<16xf32>
        %mul3A_2180 = vector.broadcast %scan3A : f32 to vector<16xf32>
        %mul3A_2181 = arith.mulf %add3A_2179, %mul3A_2180 : vector<16xf32>
        %add3A_2182 = arith.addf %get3A_2172, %convert_element_type3A_2076 : vector<16xf32>
        %add3A_2183 = arith.addf %mul3A_2181, %add3A_2182 : vector<16xf32>
        %convert_element_type3A_2184 = arith.fptosi %add3A_2183 : vector<16xf32> to vector<16xi32>
        %mul3A_2185 = arith.constant 16 : i32
        %mul3A_2186 = arith.muli %min3A_1278, %mul3A_2185 : i32
        %get3A_2187 = arith.constant 6 : i32
        %get3A_2188 = arith.index_cast %get3A_2187 : i32 to index
        %get3A_2189 = arith.index_cast %mul3A_2186 : i32 to index
        %get3A_2190 = tpu.vector_load %arg9[%get3A_2188, %get3A_2189] {strides = array<i32>} : memref<9x512xf32, #tpu.memory_space<vmem>>, vector<16xf32>,
        %mul3A_2191 = arith.constant 16 : i32
        %mul3A_2192 = arith.muli %min3A_1278, %mul3A_2191 : i32
        %get3A_2193 = arith.constant 6 : i32
        %get3A_2194 = arith.index_cast %get3A_2193 : i32 to index
        %get3A_2195 = arith.index_cast %mul3A_2192 : i32 to index
        %get3A_2196 = tpu.vector_load %arg10[%get3A_2194, %get3A_2195] {strides = array<i32>} : memref<9x512xf32, #tpu.memory_space<vmem>>, vector<16xf32>,
        %add3A_2197 = arith.addf %get3A_2196, %convert_element_type3A_2075 : vector<16xf32>
        %mul3A_2198 = vector.broadcast %scan3A : f32 to vector<16xf32>
        %mul3A_2199 = arith.mulf %add3A_2197, %mul3A_2198 : vector<16xf32>
        %add3A_2200 = arith.addf %get3A_2190, %convert_element_type3A_2076 : vector<16xf32>
        %add3A_2201 = arith.addf %mul3A_2199, %add3A_2200 : vector<16xf32>
        %convert_element_type3A_2202 = arith.fptosi %add3A_2201 : vector<16xf32> to vector<16xi32>
        %mul3A_2203 = arith.constant 16 : i32
        %mul3A_2204 = arith.muli %min3A_1278, %mul3A_2203 : i32
        %get3A_2205 = arith.constant 7 : i32
        %get3A_2206 = arith.index_cast %get3A_2205 : i32 to index
        %get3A_2207 = arith.index_cast %mul3A_2204 : i32 to index
        %get3A_2208 = tpu.vector_load %arg9[%get3A_2206, %get3A_2207] {strides = array<i32>} : memref<9x512xf32, #tpu.memory_space<vmem>>, vector<16xf32>,
        %mul3A_2209 = arith.constant 16 : i32
        %mul3A_2210 = arith.muli %min3A_1278, %mul3A_2209 : i32
        %get3A_2211 = arith.constant 7 : i32
        %get3A_2212 = arith.index_cast %get3A_2211 : i32 to index
        %get3A_2213 = arith.index_cast %mul3A_2210 : i32 to index
        %get3A_2214 = tpu.vector_load %arg10[%get3A_2212, %get3A_2213] {strides = array<i32>} : memref<9x512xf32, #tpu.memory_space<vmem>>, vector<16xf32>,
        %add3A_2215 = arith.addf %get3A_2214, %convert_element_type3A_2075 : vector<16xf32>
        %mul3A_2216 = vector.broadcast %scan3A : f32 to vector<16xf32>
        %mul3A_2217 = arith.mulf %add3A_2215, %mul3A_2216 : vector<16xf32>
        %add3A_2218 = arith.addf %get3A_2208, %convert_element_type3A_2076 : vector<16xf32>
        %add3A_2219 = arith.addf %mul3A_2217, %add3A_2218 : vector<16xf32>
        %convert_element_type3A_2220 = arith.fptosi %add3A_2219 : vector<16xf32> to vector<16xi32>
        %mul3A_2221 = arith.constant 16 : i32
        %mul3A_2222 = arith.muli %min3A_1278, %mul3A_2221 : i32
        %get3A_2223 = arith.constant 8 : i32
        %get3A_2224 = arith.index_cast %get3A_2223 : i32 to index
        %get3A_2225 = arith.index_cast %mul3A_2222 : i32 to index
        %get3A_2226 = tpu.vector_load %arg9[%get3A_2224, %get3A_2225] {strides = array<i32>} : memref<9x512xf32, #tpu.memory_space<vmem>>, vector<16xf32>,
        %mul3A_2227 = arith.constant 16 : i32
        %mul3A_2228 = arith.muli %min3A_1278, %mul3A_2227 : i32
        %get3A_2229 = arith.constant 8 : i32
        %get3A_2230 = arith.index_cast %get3A_2229 : i32 to index
        %get3A_2231 = arith.index_cast %mul3A_2228 : i32 to index
        %get3A_2232 = tpu.vector_load %arg10[%get3A_2230, %get3A_2231] {strides = array<i32>} : memref<9x512xf32, #tpu.memory_space<vmem>>, vector<16xf32>,
        %add3A_2233 = arith.addf %get3A_2232, %convert_element_type3A_2075 : vector<16xf32>
        %mul3A_2234 = vector.broadcast %scan3A : f32 to vector<16xf32>
        %mul3A_2235 = arith.mulf %add3A_2233, %mul3A_2234 : vector<16xf32>
        %add3A_2236 = arith.addf %get3A_2226, %convert_element_type3A_2076 : vector<16xf32>
        %add3A_2237 = arith.addf %mul3A_2235, %add3A_2236 : vector<16xf32>
        %convert_element_type3A_2238 = arith.fptosi %add3A_2237 : vector<16xf32> to vector<16xi32>
        %add3A_2239 = vector.broadcast %mul3A_34 : i32 to vector<16xi32>
        %add3A_2240 = arith.addi %convert_element_type3A_2094, %add3A_2239 : vector<16xi32>
        %jit3A_2241 = arith.constant 0 : i32
        %jit3A_2242 = arith.constant 16383 : i32
        %max3A_2243 = vector.broadcast %jit3A_2241 : i32 to vector<16xi32>
        %max3A_2244 = arith.maxsi %max3A_2243, %add3A_2240 : vector<16xi32>
        %min3A_2245 = vector.broadcast %jit3A_2242 : i32 to vector<16xi32>
        %min3A_2246 = arith.minsi %min3A_2245, %max3A_2244 : vector<16xi32>
        %swap3A_2247 = arith.constant 0 : index
        %swap3A_2248 = tpu.vector_load %arg14[%swap3A_2247] {strides = array<i32>} : memref<80xi32, #tpu.memory_space<vmem>>, vector<16xi32>,
        tpu.vector_store %arg14[%swap3A_2247], %min3A_2246 {strides = array<i32>} : memref<80xi32, #tpu.memory_space<vmem>>, vector<16xi32>,
        %add3A_2249 = vector.broadcast %mul3A_34 : i32 to vector<16xi32>
        %add3A_2250 = arith.addi %convert_element_type3A_2112, %add3A_2249 : vector<16xi32>
        %jit3A_2251 = arith.constant 0 : i32
        %jit3A_2252 = arith.constant 16383 : i32
        %max3A_2253 = vector.broadcast %jit3A_2251 : i32 to vector<16xi32>
        %max3A_2254 = arith.maxsi %max3A_2253, %add3A_2250 : vector<16xi32>
        %min3A_2255 = vector.broadcast %jit3A_2252 : i32 to vector<16xi32>
        %min3A_2256 = arith.minsi %min3A_2255, %max3A_2254 : vector<16xi32>
        %swap3A_2257 = arith.constant 16 : index
        %swap3A_2258 = tpu.vector_load %arg14[%swap3A_2257] {strides = array<i32>} : memref<80xi32, #tpu.memory_space<vmem>>, vector<16xi32>,
        tpu.vector_store %arg14[%swap3A_2257], %min3A_2256 {strides = array<i32>} : memref<80xi32, #tpu.memory_space<vmem>>, vector<16xi32>,
        %add3A_2259 = vector.broadcast %mul3A_34 : i32 to vector<16xi32>
        %add3A_2260 = arith.addi %convert_element_type3A_2130, %add3A_2259 : vector<16xi32>
        %jit3A_2261 = arith.constant 0 : i32
        %jit3A_2262 = arith.constant 16383 : i32
        %max3A_2263 = vector.broadcast %jit3A_2261 : i32 to vector<16xi32>
        %max3A_2264 = arith.maxsi %max3A_2263, %add3A_2260 : vector<16xi32>
        %min3A_2265 = vector.broadcast %jit3A_2262 : i32 to vector<16xi32>
        %min3A_2266 = arith.minsi %min3A_2265, %max3A_2264 : vector<16xi32>
        %swap3A_2267 = arith.constant 32 : index
        %swap3A_2268 = tpu.vector_load %arg14[%swap3A_2267] {strides = array<i32>} : memref<80xi32, #tpu.memory_space<vmem>>, vector<16xi32>,
        tpu.vector_store %arg14[%swap3A_2267], %min3A_2266 {strides = array<i32>} : memref<80xi32, #tpu.memory_space<vmem>>, vector<16xi32>,
        %add3A_2269 = vector.broadcast %mul3A_34 : i32 to vector<16xi32>
        %add3A_2270 = arith.addi %convert_element_type3A_2148, %add3A_2269 : vector<16xi32>
        %jit3A_2271 = arith.constant 0 : i32
        %jit3A_2272 = arith.constant 16383 : i32
        %max3A_2273 = vector.broadcast %jit3A_2271 : i32 to vector<16xi32>
        %max3A_2274 = arith.maxsi %max3A_2273, %add3A_2270 : vector<16xi32>
        %min3A_2275 = vector.broadcast %jit3A_2272 : i32 to vector<16xi32>
        %min3A_2276 = arith.minsi %min3A_2275, %max3A_2274 : vector<16xi32>
        %swap3A_2277 = arith.constant 48 : index
        %swap3A_2278 = tpu.vector_load %arg14[%swap3A_2277] {strides = array<i32>} : memref<80xi32, #tpu.memory_space<vmem>>, vector<16xi32>,
        tpu.vector_store %arg14[%swap3A_2277], %min3A_2276 {strides = array<i32>} : memref<80xi32, #tpu.memory_space<vmem>>, vector<16xi32>,
        %add3A_2279 = vector.broadcast %mul3A_34 : i32 to vector<16xi32>
        %add3A_2280 = arith.addi %convert_element_type3A_2166, %add3A_2279 : vector<16xi32>
        %jit3A_2281 = arith.constant 0 : i32
        %jit3A_2282 = arith.constant 16383 : i32
        %max3A_2283 = vector.broadcast %jit3A_2281 : i32 to vector<16xi32>
        %max3A_2284 = arith.maxsi %max3A_2283, %add3A_2280 : vector<16xi32>
        %min3A_2285 = vector.broadcast %jit3A_2282 : i32 to vector<16xi32>
        %min3A_2286 = arith.minsi %min3A_2285, %max3A_2284 : vector<16xi32>
        %swap3A_2287 = arith.constant 64 : index
        %swap3A_2288 = tpu.vector_load %arg14[%swap3A_2287] {strides = array<i32>} : memref<80xi32, #tpu.memory_space<vmem>>, vector<16xi32>,
        tpu.vector_store %arg14[%swap3A_2287], %min3A_2286 {strides = array<i32>} : memref<80xi32, #tpu.memory_space<vmem>>, vector<16xi32>,
        %dma_start3A_2289 = arith.constant 0 : i32
        %dma_start3A_2290 = arith.constant 0 : i32
        %dma_start3A_2291 = tpu.memref_slice %arg3[%dma_start3A_2289, %dma_start3A_2290] : memref<16384x512xf32, #tpu.memory_space<hbm>> -> memref<16384x512xf32, #tpu.memory_space<hbm>>
        tpu.enqueue_indirect_dma source(%dma_start3A_2291 : memref<16384x512xf32, #tpu.memory_space<hbm>>) target(%arg12 : memref<80x512xf32, #tpu.memory_space<vmem>>) offsets(%arg14 : memref<80xi32, #tpu.memory_space<vmem>>) semaphore(%arg19 : memref<!tpu.dma_semaphore, #tpu.memory_space<semaphore_mem>>)
      } else {
      }
      %dma_wait3A_1501 = arith.constant 0 : i32
      %dma_wait3A_1502 = arith.constant 0 : i32
      %dma_wait3A_1503 = tpu.memref_slice %arg3[%dma_wait3A_1501, %dma_wait3A_1502] : memref<16384x512xf32, #tpu.memory_space<hbm>> -> memref<16384x512xf32, #tpu.memory_space<hbm>>
      tpu.wait_indirect_dma semaphore(%arg20 : memref<!tpu.dma_semaphore, #tpu.memory_space<semaphore_mem>>) src(%dma_wait3A_1503 : memref<16384x512xf32, #tpu.memory_space<hbm>>) dst(%arg13 : memref<64x512xf32, #tpu.memory_space<vmem>>)
      %broadcast_in_dim3A_1504 = arith.constant 0.000000e+00 : f32
      %broadcast_in_dim3A_1505 = vector.broadcast %broadcast_in_dim3A_1504 : f32 to vector<16xf32>
      %broadcast_in_dim3A_1506 = arith.constant 0.000000e+00 : f32
      %broadcast_in_dim3A_1507 = vector.broadcast %broadcast_in_dim3A_1506 : f32 to vector<16xf32>
      %broadcast_in_dim3A_1508 = arith.constant 0.000000e+00 : f32
      %broadcast_in_dim3A_1509 = vector.broadcast %broadcast_in_dim3A_1508 : f32 to vector<16xf32>
      %broadcast_in_dim3A_1510 = arith.constant 0.000000e+00 : f32
      %broadcast_in_dim3A_1511 = vector.broadcast %broadcast_in_dim3A_1510 : f32 to vector<16xf32>
      %parallel_loop3A_1512 = arith.constant 0 : i32
      %parallel_loop3A_1513 = arith.constant 512 : i32
      %parallel_loop3A_1514 = arith.constant 1 : i32
      %parallel_loop3A_1515 = arith.constant 1 : i32
      %parallel_loop3A_1516:4 = scf.for %parallel_loop3A_2064 = %parallel_loop3A_1512 to %parallel_loop3A_1513 step %parallel_loop3A_1514 iter_args(%parallel_loop3A_2065 = %broadcast_in_dim3A_1505, %parallel_loop3A_2066 = %broadcast_in_dim3A_1507, %parallel_loop3A_2067 = %broadcast_in_dim3A_1509, %parallel_loop3A_2068 = %broadcast_in_dim3A_1511) -> (vector<16xf32>, vector<16xf32>, vector<16xf32>, vector<16xf32>)  : i32 {
        %parallel_loop3A_2069 = vector.broadcast %parallel_loop3A_2064 : i32 to vector<16xi32>
        %parallel_loop3A_2070 = arith.addi %iota3A, %parallel_loop3A_2069 : vector<16xi32>
        %parallel_loop3A_2071 = arith.constant 511 : i32
        %parallel_loop3A_2072 = vector.broadcast %parallel_loop3A_2071 : i32 to vector<16xi32>
        %parallel_loop3A_2073 = arith.andi %parallel_loop3A_2070, %parallel_loop3A_2072 : vector<16xi32>
        %parallel_loop3A_2074 = arith.constant 0 : i32
        %parallel_loop3A_2075 = arith.constant 0 : i32
        %parallel_loop3A_2076 = tpu.memref_slice %arg11[%parallel_loop3A_1515, %parallel_loop3A_2074, %parallel_loop3A_2075] : memref<2x16x512xf32, #tpu.memory_space<vmem>> -> memref<1x16x512xf32, #tpu.memory_space<vmem>>
        %parallel_loop3A_2077 = tpu.memref_squeeze %parallel_loop3A_2076 : memref<1x16x512xf32, #tpu.memory_space<vmem>> -> memref<16x512xf32, #tpu.memory_space<vmem>>
        %parallel_loop3A_2078 = tpu.vector_load_idx %parallel_loop3A_2077[%iota3A, %parallel_loop3A_2073] : memref<16x512xf32, #tpu.memory_space<vmem>>[vector<16xi32>, vector<16xi32>], vector<16xf32>,
        %parallel_loop3A_2079 = tpu.vector_load_idx %arg13[%add3A_64, %parallel_loop3A_2073] : memref<64x512xf32, #tpu.memory_space<vmem>>[vector<16xi32>, vector<16xi32>], vector<16xf32>,
        %parallel_loop3A_2080 = arith.mulf %parallel_loop3A_2078, %parallel_loop3A_2079 : vector<16xf32>
        %parallel_loop3A_2081 = arith.addf %parallel_loop3A_2065, %parallel_loop3A_2080 : vector<16xf32>
        %parallel_loop3A_2082 = tpu.vector_load_idx %arg13[%add3A_69, %parallel_loop3A_2073] : memref<64x512xf32, #tpu.memory_space<vmem>>[vector<16xi32>, vector<16xi32>], vector<16xf32>,
        %parallel_loop3A_2083 = arith.mulf %parallel_loop3A_2078, %parallel_loop3A_2082 : vector<16xf32>
        %parallel_loop3A_2084 = arith.addf %parallel_loop3A_2066, %parallel_loop3A_2083 : vector<16xf32>
        %parallel_loop3A_2085 = tpu.vector_load_idx %arg13[%add3A_74, %parallel_loop3A_2073] : memref<64x512xf32, #tpu.memory_space<vmem>>[vector<16xi32>, vector<16xi32>], vector<16xf32>,
        %parallel_loop3A_2086 = arith.mulf %parallel_loop3A_2078, %parallel_loop3A_2085 : vector<16xf32>
        %parallel_loop3A_2087 = arith.addf %parallel_loop3A_2067, %parallel_loop3A_2086 : vector<16xf32>
        %parallel_loop3A_2088 = tpu.vector_load_idx %arg13[%add3A_79, %parallel_loop3A_2073] : memref<64x512xf32, #tpu.memory_space<vmem>>[vector<16xi32>, vector<16xi32>], vector<16xf32>,
        %parallel_loop3A_2089 = arith.mulf %parallel_loop3A_2078, %parallel_loop3A_2088 : vector<16xf32>
        %parallel_loop3A_2090 = arith.addf %parallel_loop3A_2068, %parallel_loop3A_2089 : vector<16xf32>
        scf.yield %parallel_loop3A_2081, %parallel_loop3A_2084, %parallel_loop3A_2087, %parallel_loop3A_2090 : vector<16xf32>, vector<16xf32>, vector<16xf32>, vector<16xf32>
      } {sc.loop_unroll_factor = 4 : i64, sc.parallel_access}
      %lt3A_1517 = arith.constant 31 : i32
      %lt3A_1518 = arith.cmpi slt, %add3A_1274, %lt3A_1517 : i32
      %convert_element_type3A_1519 = arith.extui %lt3A_1518 : i1 to i32
      %cond3A_1520 = arith.constant 0 : i32
      %cond3A_1521 = arith.cmpi ne, %convert_element_type3A_1519, %cond3A_1520 : i32
      scf.if %cond3A_1521 {
        %mul3A_2064 = arith.constant 16 : i32
        %mul3A_2065 = arith.muli %min3A_1278, %mul3A_2064 : i32
        %add3A_2066 = arith.addi %mul3A_32, %mul3A_2065 : i32
        %add3A_2067 = vector.broadcast %add3A_2066 : i32 to vector<16xi32>
        %add3A_2068 = arith.addi %add3A_2067, %iota3A : vector<16xi32>
        %shift_right_arithmetic3A_2069 = arith.constant 6 : i32
        %shift_right_arithmetic3A_2070 = vector.broadcast %shift_right_arithmetic3A_2069 : i32 to vector<16xi32>
        %shift_right_arithmetic3A_2071 = arith.shrsi %add3A_2068, %shift_right_arithmetic3A_2070 : vector<16xi32>
        %and3A_2072 = arith.constant 63 : i32
        %and3A_2073 = vector.broadcast %and3A_2072 : i32 to vector<16xi32>
        %and3A_2074 = arith.andi %add3A_2068, %and3A_2073 : vector<16xi32>
        %convert_element_type3A_2075 = arith.sitofp %shift_right_arithmetic3A_2071 : vector<16xi32> to vector<16xf32>
        %convert_element_type3A_2076 = arith.sitofp %and3A_2074 : vector<16xi32> to vector<16xf32>
        %mul3A_2077 = arith.constant 16 : i32
        %mul3A_2078 = arith.muli %min3A_1278, %mul3A_2077 : i32
        %get3A_2079 = arith.constant 0 : i32
        %get3A_2080 = arith.index_cast %get3A_2079 : i32 to index
        %get3A_2081 = arith.index_cast %mul3A_2078 : i32 to index
        %get3A_2082 = tpu.vector_load %arg9[%get3A_2080, %get3A_2081] {strides = array<i32>} : memref<9x512xf32, #tpu.memory_space<vmem>>, vector<16xf32>,
        %mul3A_2083 = arith.constant 16 : i32
        %mul3A_2084 = arith.muli %min3A_1278, %mul3A_2083 : i32
        %get3A_2085 = arith.constant 0 : i32
        %get3A_2086 = arith.index_cast %get3A_2085 : i32 to index
        %get3A_2087 = arith.index_cast %mul3A_2084 : i32 to index
        %get3A_2088 = tpu.vector_load %arg10[%get3A_2086, %get3A_2087] {strides = array<i32>} : memref<9x512xf32, #tpu.memory_space<vmem>>, vector<16xf32>,
        %add3A_2089 = arith.addf %get3A_2088, %convert_element_type3A_2075 : vector<16xf32>
        %mul3A_2090 = vector.broadcast %scan3A : f32 to vector<16xf32>
        %mul3A_2091 = arith.mulf %add3A_2089, %mul3A_2090 : vector<16xf32>
        %add3A_2092 = arith.addf %get3A_2082, %convert_element_type3A_2076 : vector<16xf32>
        %add3A_2093 = arith.addf %mul3A_2091, %add3A_2092 : vector<16xf32>
        %convert_element_type3A_2094 = arith.fptosi %add3A_2093 : vector<16xf32> to vector<16xi32>
        %mul3A_2095 = arith.constant 16 : i32
        %mul3A_2096 = arith.muli %min3A_1278, %mul3A_2095 : i32
        %get3A_2097 = arith.constant 1 : i32
        %get3A_2098 = arith.index_cast %get3A_2097 : i32 to index
        %get3A_2099 = arith.index_cast %mul3A_2096 : i32 to index
        %get3A_2100 = tpu.vector_load %arg9[%get3A_2098, %get3A_2099] {strides = array<i32>} : memref<9x512xf32, #tpu.memory_space<vmem>>, vector<16xf32>,
        %mul3A_2101 = arith.constant 16 : i32
        %mul3A_2102 = arith.muli %min3A_1278, %mul3A_2101 : i32
        %get3A_2103 = arith.constant 1 : i32
        %get3A_2104 = arith.index_cast %get3A_2103 : i32 to index
        %get3A_2105 = arith.index_cast %mul3A_2102 : i32 to index
        %get3A_2106 = tpu.vector_load %arg10[%get3A_2104, %get3A_2105] {strides = array<i32>} : memref<9x512xf32, #tpu.memory_space<vmem>>, vector<16xf32>,
        %add3A_2107 = arith.addf %get3A_2106, %convert_element_type3A_2075 : vector<16xf32>
        %mul3A_2108 = vector.broadcast %scan3A : f32 to vector<16xf32>
        %mul3A_2109 = arith.mulf %add3A_2107, %mul3A_2108 : vector<16xf32>
        %add3A_2110 = arith.addf %get3A_2100, %convert_element_type3A_2076 : vector<16xf32>
        %add3A_2111 = arith.addf %mul3A_2109, %add3A_2110 : vector<16xf32>
        %convert_element_type3A_2112 = arith.fptosi %add3A_2111 : vector<16xf32> to vector<16xi32>
        %mul3A_2113 = arith.constant 16 : i32
        %mul3A_2114 = arith.muli %min3A_1278, %mul3A_2113 : i32
        %get3A_2115 = arith.constant 2 : i32
        %get3A_2116 = arith.index_cast %get3A_2115 : i32 to index
        %get3A_2117 = arith.index_cast %mul3A_2114 : i32 to index
        %get3A_2118 = tpu.vector_load %arg9[%get3A_2116, %get3A_2117] {strides = array<i32>} : memref<9x512xf32, #tpu.memory_space<vmem>>, vector<16xf32>,
        %mul3A_2119 = arith.constant 16 : i32
        %mul3A_2120 = arith.muli %min3A_1278, %mul3A_2119 : i32
        %get3A_2121 = arith.constant 2 : i32
        %get3A_2122 = arith.index_cast %get3A_2121 : i32 to index
        %get3A_2123 = arith.index_cast %mul3A_2120 : i32 to index
        %get3A_2124 = tpu.vector_load %arg10[%get3A_2122, %get3A_2123] {strides = array<i32>} : memref<9x512xf32, #tpu.memory_space<vmem>>, vector<16xf32>,
        %add3A_2125 = arith.addf %get3A_2124, %convert_element_type3A_2075 : vector<16xf32>
        %mul3A_2126 = vector.broadcast %scan3A : f32 to vector<16xf32>
        %mul3A_2127 = arith.mulf %add3A_2125, %mul3A_2126 : vector<16xf32>
        %add3A_2128 = arith.addf %get3A_2118, %convert_element_type3A_2076 : vector<16xf32>
        %add3A_2129 = arith.addf %mul3A_2127, %add3A_2128 : vector<16xf32>
        %convert_element_type3A_2130 = arith.fptosi %add3A_2129 : vector<16xf32> to vector<16xi32>
        %mul3A_2131 = arith.constant 16 : i32
        %mul3A_2132 = arith.muli %min3A_1278, %mul3A_2131 : i32
        %get3A_2133 = arith.constant 3 : i32
        %get3A_2134 = arith.index_cast %get3A_2133 : i32 to index
        %get3A_2135 = arith.index_cast %mul3A_2132 : i32 to index
        %get3A_2136 = tpu.vector_load %arg9[%get3A_2134, %get3A_2135] {strides = array<i32>} : memref<9x512xf32, #tpu.memory_space<vmem>>, vector<16xf32>,
        %mul3A_2137 = arith.constant 16 : i32
        %mul3A_2138 = arith.muli %min3A_1278, %mul3A_2137 : i32
        %get3A_2139 = arith.constant 3 : i32
        %get3A_2140 = arith.index_cast %get3A_2139 : i32 to index
        %get3A_2141 = arith.index_cast %mul3A_2138 : i32 to index
        %get3A_2142 = tpu.vector_load %arg10[%get3A_2140, %get3A_2141] {strides = array<i32>} : memref<9x512xf32, #tpu.memory_space<vmem>>, vector<16xf32>,
        %add3A_2143 = arith.addf %get3A_2142, %convert_element_type3A_2075 : vector<16xf32>
        %mul3A_2144 = vector.broadcast %scan3A : f32 to vector<16xf32>
        %mul3A_2145 = arith.mulf %add3A_2143, %mul3A_2144 : vector<16xf32>
        %add3A_2146 = arith.addf %get3A_2136, %convert_element_type3A_2076 : vector<16xf32>
        %add3A_2147 = arith.addf %mul3A_2145, %add3A_2146 : vector<16xf32>
        %convert_element_type3A_2148 = arith.fptosi %add3A_2147 : vector<16xf32> to vector<16xi32>
        %mul3A_2149 = arith.constant 16 : i32
        %mul3A_2150 = arith.muli %min3A_1278, %mul3A_2149 : i32
        %get3A_2151 = arith.constant 4 : i32
        %get3A_2152 = arith.index_cast %get3A_2151 : i32 to index
        %get3A_2153 = arith.index_cast %mul3A_2150 : i32 to index
        %get3A_2154 = tpu.vector_load %arg9[%get3A_2152, %get3A_2153] {strides = array<i32>} : memref<9x512xf32, #tpu.memory_space<vmem>>, vector<16xf32>,
        %mul3A_2155 = arith.constant 16 : i32
        %mul3A_2156 = arith.muli %min3A_1278, %mul3A_2155 : i32
        %get3A_2157 = arith.constant 4 : i32
        %get3A_2158 = arith.index_cast %get3A_2157 : i32 to index
        %get3A_2159 = arith.index_cast %mul3A_2156 : i32 to index
        %get3A_2160 = tpu.vector_load %arg10[%get3A_2158, %get3A_2159] {strides = array<i32>} : memref<9x512xf32, #tpu.memory_space<vmem>>, vector<16xf32>,
        %add3A_2161 = arith.addf %get3A_2160, %convert_element_type3A_2075 : vector<16xf32>
        %mul3A_2162 = vector.broadcast %scan3A : f32 to vector<16xf32>
        %mul3A_2163 = arith.mulf %add3A_2161, %mul3A_2162 : vector<16xf32>
        %add3A_2164 = arith.addf %get3A_2154, %convert_element_type3A_2076 : vector<16xf32>
        %add3A_2165 = arith.addf %mul3A_2163, %add3A_2164 : vector<16xf32>
        %convert_element_type3A_2166 = arith.fptosi %add3A_2165 : vector<16xf32> to vector<16xi32>
        %mul3A_2167 = arith.constant 16 : i32
        %mul3A_2168 = arith.muli %min3A_1278, %mul3A_2167 : i32
        %get3A_2169 = arith.constant 5 : i32
        %get3A_2170 = arith.index_cast %get3A_2169 : i32 to index
        %get3A_2171 = arith.index_cast %mul3A_2168 : i32 to index
        %get3A_2172 = tpu.vector_load %arg9[%get3A_2170, %get3A_2171] {strides = array<i32>} : memref<9x512xf32, #tpu.memory_space<vmem>>, vector<16xf32>,
        %mul3A_2173 = arith.constant 16 : i32
        %mul3A_2174 = arith.muli %min3A_1278, %mul3A_2173 : i32
        %get3A_2175 = arith.constant 5 : i32
        %get3A_2176 = arith.index_cast %get3A_2175 : i32 to index
        %get3A_2177 = arith.index_cast %mul3A_2174 : i32 to index
        %get3A_2178 = tpu.vector_load %arg10[%get3A_2176, %get3A_2177] {strides = array<i32>} : memref<9x512xf32, #tpu.memory_space<vmem>>, vector<16xf32>,
        %add3A_2179 = arith.addf %get3A_2178, %convert_element_type3A_2075 : vector<16xf32>
        %mul3A_2180 = vector.broadcast %scan3A : f32 to vector<16xf32>
        %mul3A_2181 = arith.mulf %add3A_2179, %mul3A_2180 : vector<16xf32>
        %add3A_2182 = arith.addf %get3A_2172, %convert_element_type3A_2076 : vector<16xf32>
        %add3A_2183 = arith.addf %mul3A_2181, %add3A_2182 : vector<16xf32>
        %convert_element_type3A_2184 = arith.fptosi %add3A_2183 : vector<16xf32> to vector<16xi32>
        %mul3A_2185 = arith.constant 16 : i32
        %mul3A_2186 = arith.muli %min3A_1278, %mul3A_2185 : i32
        %get3A_2187 = arith.constant 6 : i32
        %get3A_2188 = arith.index_cast %get3A_2187 : i32 to index
        %get3A_2189 = arith.index_cast %mul3A_2186 : i32 to index
        %get3A_2190 = tpu.vector_load %arg9[%get3A_2188, %get3A_2189] {strides = array<i32>} : memref<9x512xf32, #tpu.memory_space<vmem>>, vector<16xf32>,
        %mul3A_2191 = arith.constant 16 : i32
        %mul3A_2192 = arith.muli %min3A_1278, %mul3A_2191 : i32
        %get3A_2193 = arith.constant 6 : i32
        %get3A_2194 = arith.index_cast %get3A_2193 : i32 to index
        %get3A_2195 = arith.index_cast %mul3A_2192 : i32 to index
        %get3A_2196 = tpu.vector_load %arg10[%get3A_2194, %get3A_2195] {strides = array<i32>} : memref<9x512xf32, #tpu.memory_space<vmem>>, vector<16xf32>,
        %add3A_2197 = arith.addf %get3A_2196, %convert_element_type3A_2075 : vector<16xf32>
        %mul3A_2198 = vector.broadcast %scan3A : f32 to vector<16xf32>
        %mul3A_2199 = arith.mulf %add3A_2197, %mul3A_2198 : vector<16xf32>
        %add3A_2200 = arith.addf %get3A_2190, %convert_element_type3A_2076 : vector<16xf32>
        %add3A_2201 = arith.addf %mul3A_2199, %add3A_2200 : vector<16xf32>
        %convert_element_type3A_2202 = arith.fptosi %add3A_2201 : vector<16xf32> to vector<16xi32>
        %mul3A_2203 = arith.constant 16 : i32
        %mul3A_2204 = arith.muli %min3A_1278, %mul3A_2203 : i32
        %get3A_2205 = arith.constant 7 : i32
        %get3A_2206 = arith.index_cast %get3A_2205 : i32 to index
        %get3A_2207 = arith.index_cast %mul3A_2204 : i32 to index
        %get3A_2208 = tpu.vector_load %arg9[%get3A_2206, %get3A_2207] {strides = array<i32>} : memref<9x512xf32, #tpu.memory_space<vmem>>, vector<16xf32>,
        %mul3A_2209 = arith.constant 16 : i32
        %mul3A_2210 = arith.muli %min3A_1278, %mul3A_2209 : i32
        %get3A_2211 = arith.constant 7 : i32
        %get3A_2212 = arith.index_cast %get3A_2211 : i32 to index
        %get3A_2213 = arith.index_cast %mul3A_2210 : i32 to index
        %get3A_2214 = tpu.vector_load %arg10[%get3A_2212, %get3A_2213] {strides = array<i32>} : memref<9x512xf32, #tpu.memory_space<vmem>>, vector<16xf32>,
        %add3A_2215 = arith.addf %get3A_2214, %convert_element_type3A_2075 : vector<16xf32>
        %mul3A_2216 = vector.broadcast %scan3A : f32 to vector<16xf32>
        %mul3A_2217 = arith.mulf %add3A_2215, %mul3A_2216 : vector<16xf32>
        %add3A_2218 = arith.addf %get3A_2208, %convert_element_type3A_2076 : vector<16xf32>
        %add3A_2219 = arith.addf %mul3A_2217, %add3A_2218 : vector<16xf32>
        %convert_element_type3A_2220 = arith.fptosi %add3A_2219 : vector<16xf32> to vector<16xi32>
        %mul3A_2221 = arith.constant 16 : i32
        %mul3A_2222 = arith.muli %min3A_1278, %mul3A_2221 : i32
        %get3A_2223 = arith.constant 8 : i32
        %get3A_2224 = arith.index_cast %get3A_2223 : i32 to index
        %get3A_2225 = arith.index_cast %mul3A_2222 : i32 to index
        %get3A_2226 = tpu.vector_load %arg9[%get3A_2224, %get3A_2225] {strides = array<i32>} : memref<9x512xf32, #tpu.memory_space<vmem>>, vector<16xf32>,
        %mul3A_2227 = arith.constant 16 : i32
        %mul3A_2228 = arith.muli %min3A_1278, %mul3A_2227 : i32
        %get3A_2229 = arith.constant 8 : i32
        %get3A_2230 = arith.index_cast %get3A_2229 : i32 to index
        %get3A_2231 = arith.index_cast %mul3A_2228 : i32 to index
        %get3A_2232 = tpu.vector_load %arg10[%get3A_2230, %get3A_2231] {strides = array<i32>} : memref<9x512xf32, #tpu.memory_space<vmem>>, vector<16xf32>,
        %add3A_2233 = arith.addf %get3A_2232, %convert_element_type3A_2075 : vector<16xf32>
        %mul3A_2234 = vector.broadcast %scan3A : f32 to vector<16xf32>
        %mul3A_2235 = arith.mulf %add3A_2233, %mul3A_2234 : vector<16xf32>
        %add3A_2236 = arith.addf %get3A_2226, %convert_element_type3A_2076 : vector<16xf32>
        %add3A_2237 = arith.addf %mul3A_2235, %add3A_2236 : vector<16xf32>
        %convert_element_type3A_2238 = arith.fptosi %add3A_2237 : vector<16xf32> to vector<16xi32>
        %add3A_2239 = vector.broadcast %mul3A_34 : i32 to vector<16xi32>
        %add3A_2240 = arith.addi %convert_element_type3A_2184, %add3A_2239 : vector<16xi32>
        %jit3A_2241 = arith.constant 0 : i32
        %jit3A_2242 = arith.constant 16383 : i32
        %max3A_2243 = vector.broadcast %jit3A_2241 : i32 to vector<16xi32>
        %max3A_2244 = arith.maxsi %max3A_2243, %add3A_2240 : vector<16xi32>
        %min3A_2245 = vector.broadcast %jit3A_2242 : i32 to vector<16xi32>
        %min3A_2246 = arith.minsi %min3A_2245, %max3A_2244 : vector<16xi32>
        %swap3A_2247 = arith.constant 0 : index
        %swap3A_2248 = tpu.vector_load %arg15[%swap3A_2247] {strides = array<i32>} : memref<64xi32, #tpu.memory_space<vmem>>, vector<16xi32>,
        tpu.vector_store %arg15[%swap3A_2247], %min3A_2246 {strides = array<i32>} : memref<64xi32, #tpu.memory_space<vmem>>, vector<16xi32>,
        %add3A_2249 = vector.broadcast %mul3A_34 : i32 to vector<16xi32>
        %add3A_2250 = arith.addi %convert_element_type3A_2202, %add3A_2249 : vector<16xi32>
        %jit3A_2251 = arith.constant 0 : i32
        %jit3A_2252 = arith.constant 16383 : i32
        %max3A_2253 = vector.broadcast %jit3A_2251 : i32 to vector<16xi32>
        %max3A_2254 = arith.maxsi %max3A_2253, %add3A_2250 : vector<16xi32>
        %min3A_2255 = vector.broadcast %jit3A_2252 : i32 to vector<16xi32>
        %min3A_2256 = arith.minsi %min3A_2255, %max3A_2254 : vector<16xi32>
        %swap3A_2257 = arith.constant 16 : index
        %swap3A_2258 = tpu.vector_load %arg15[%swap3A_2257] {strides = array<i32>} : memref<64xi32, #tpu.memory_space<vmem>>, vector<16xi32>,
        tpu.vector_store %arg15[%swap3A_2257], %min3A_2256 {strides = array<i32>} : memref<64xi32, #tpu.memory_space<vmem>>, vector<16xi32>,
        %add3A_2259 = vector.broadcast %mul3A_34 : i32 to vector<16xi32>
        %add3A_2260 = arith.addi %convert_element_type3A_2220, %add3A_2259 : vector<16xi32>
        %jit3A_2261 = arith.constant 0 : i32
        %jit3A_2262 = arith.constant 16383 : i32
        %max3A_2263 = vector.broadcast %jit3A_2261 : i32 to vector<16xi32>
        %max3A_2264 = arith.maxsi %max3A_2263, %add3A_2260 : vector<16xi32>
        %min3A_2265 = vector.broadcast %jit3A_2262 : i32 to vector<16xi32>
        %min3A_2266 = arith.minsi %min3A_2265, %max3A_2264 : vector<16xi32>
        %swap3A_2267 = arith.constant 32 : index
        %swap3A_2268 = tpu.vector_load %arg15[%swap3A_2267] {strides = array<i32>} : memref<64xi32, #tpu.memory_space<vmem>>, vector<16xi32>,
        tpu.vector_store %arg15[%swap3A_2267], %min3A_2266 {strides = array<i32>} : memref<64xi32, #tpu.memory_space<vmem>>, vector<16xi32>,
        %add3A_2269 = vector.broadcast %mul3A_34 : i32 to vector<16xi32>
        %add3A_2270 = arith.addi %convert_element_type3A_2238, %add3A_2269 : vector<16xi32>
        %jit3A_2271 = arith.constant 0 : i32
        %jit3A_2272 = arith.constant 16383 : i32
        %max3A_2273 = vector.broadcast %jit3A_2271 : i32 to vector<16xi32>
        %max3A_2274 = arith.maxsi %max3A_2273, %add3A_2270 : vector<16xi32>
        %min3A_2275 = vector.broadcast %jit3A_2272 : i32 to vector<16xi32>
        %min3A_2276 = arith.minsi %min3A_2275, %max3A_2274 : vector<16xi32>
        %swap3A_2277 = arith.constant 48 : index
        %swap3A_2278 = tpu.vector_load %arg15[%swap3A_2277] {strides = array<i32>} : memref<64xi32, #tpu.memory_space<vmem>>, vector<16xi32>,
        tpu.vector_store %arg15[%swap3A_2277], %min3A_2276 {strides = array<i32>} : memref<64xi32, #tpu.memory_space<vmem>>, vector<16xi32>,
        %dma_start3A_2279 = arith.constant 0 : i32
        %dma_start3A_2280 = arith.constant 0 : i32
        %dma_start3A_2281 = tpu.memref_slice %arg3[%dma_start3A_2279, %dma_start3A_2280] : memref<16384x512xf32, #tpu.memory_space<hbm>> -> memref<16384x512xf32, #tpu.memory_space<hbm>>
        tpu.enqueue_indirect_dma source(%dma_start3A_2281 : memref<16384x512xf32, #tpu.memory_space<hbm>>) target(%arg13 : memref<64x512xf32, #tpu.memory_space<vmem>>) offsets(%arg15 : memref<64xi32, #tpu.memory_space<vmem>>) semaphore(%arg20 : memref<!tpu.dma_semaphore, #tpu.memory_space<semaphore_mem>>)
      } else {
      }
      %div3A_1522 = arith.constant 0.00999999977 : f32
      %div3A_1523 = vector.broadcast %div3A_1522 : f32 to vector<16xf32>
      %div3A_1524 = arith.divf %parallel_loop3A_1320#0, %div3A_1523 : vector<16xf32>
      %div3A_1525 = arith.constant 0.00999999977 : f32
      %div3A_1526 = vector.broadcast %div3A_1525 : f32 to vector<16xf32>
      %div3A_1527 = arith.divf %parallel_loop3A_1320#1, %div3A_1526 : vector<16xf32>
      %div3A_1528 = arith.constant 0.00999999977 : f32
      %div3A_1529 = vector.broadcast %div3A_1528 : f32 to vector<16xf32>
      %div3A_1530 = arith.divf %parallel_loop3A_1320#2, %div3A_1529 : vector<16xf32>
      %div3A_1531 = arith.constant 0.00999999977 : f32
      %div3A_1532 = vector.broadcast %div3A_1531 : f32 to vector<16xf32>
      %div3A_1533 = arith.divf %parallel_loop3A_1320#3, %div3A_1532 : vector<16xf32>
      %div3A_1534 = arith.constant 0.00999999977 : f32
      %div3A_1535 = vector.broadcast %div3A_1534 : f32 to vector<16xf32>
      %div3A_1536 = arith.divf %parallel_loop3A_1320#4, %div3A_1535 : vector<16xf32>
      %div3A_1537 = arith.constant 0.00999999977 : f32
      %div3A_1538 = vector.broadcast %div3A_1537 : f32 to vector<16xf32>
      %div3A_1539 = arith.divf %parallel_loop3A_1516#0, %div3A_1538 : vector<16xf32>
      %div3A_1540 = arith.constant 0.00999999977 : f32
      %div3A_1541 = vector.broadcast %div3A_1540 : f32 to vector<16xf32>
      %div3A_1542 = arith.divf %parallel_loop3A_1516#1, %div3A_1541 : vector<16xf32>
      %div3A_1543 = arith.constant 0.00999999977 : f32
      %div3A_1544 = vector.broadcast %div3A_1543 : f32 to vector<16xf32>
      %div3A_1545 = arith.divf %parallel_loop3A_1516#2, %div3A_1544 : vector<16xf32>
      %div3A_1546 = arith.constant 0.00999999977 : f32
      %div3A_1547 = vector.broadcast %div3A_1546 : f32 to vector<16xf32>
      %div3A_1548 = arith.divf %parallel_loop3A_1516#3, %div3A_1547 : vector<16xf32>
      %max3A_1549 = arith.maximumf %div3A_1524, %div3A_1527 : vector<16xf32>
      %max3A_1550 = arith.maximumf %max3A_1549, %div3A_1530 : vector<16xf32>
      %max3A_1551 = arith.maximumf %max3A_1550, %div3A_1533 : vector<16xf32>
      %max3A_1552 = arith.maximumf %max3A_1551, %div3A_1536 : vector<16xf32>
      %max3A_1553 = arith.maximumf %max3A_1552, %div3A_1539 : vector<16xf32>
      %max3A_1554 = arith.maximumf %max3A_1553, %div3A_1542 : vector<16xf32>
      %max3A_1555 = arith.maximumf %max3A_1554, %div3A_1545 : vector<16xf32>
      %max3A_1556 = arith.maximumf %max3A_1555, %div3A_1548 : vector<16xf32>
      %sub3A_1557 = arith.subf %div3A_1524, %max3A_1556 : vector<16xf32>
      %exp3A_1558 = math.exp %sub3A_1557 : vector<16xf32>
      %sub3A_1559 = arith.subf %div3A_1527, %max3A_1556 : vector<16xf32>
      %exp3A_1560 = math.exp %sub3A_1559 : vector<16xf32>
      %sub3A_1561 = arith.subf %div3A_1530, %max3A_1556 : vector<16xf32>
      %exp3A_1562 = math.exp %sub3A_1561 : vector<16xf32>
      %sub3A_1563 = arith.subf %div3A_1533, %max3A_1556 : vector<16xf32>
      %exp3A_1564 = math.exp %sub3A_1563 : vector<16xf32>
      %sub3A_1565 = arith.subf %div3A_1536, %max3A_1556 : vector<16xf32>
      %exp3A_1566 = math.exp %sub3A_1565 : vector<16xf32>
      %sub3A_1567 = arith.subf %div3A_1539, %max3A_1556 : vector<16xf32>
      %exp3A_1568 = math.exp %sub3A_1567 : vector<16xf32>
      %sub3A_1569 = arith.subf %div3A_1542, %max3A_1556 : vector<16xf32>
      %exp3A_1570 = math.exp %sub3A_1569 : vector<16xf32>
      %sub3A_1571 = arith.subf %div3A_1545, %max3A_1556 : vector<16xf32>
      %exp3A_1572 = math.exp %sub3A_1571 : vector<16xf32>
      %sub3A_1573 = arith.subf %div3A_1548, %max3A_1556 : vector<16xf32>
      %exp3A_1574 = math.exp %sub3A_1573 : vector<16xf32>
      %add3A_1575 = arith.addf %exp3A_1558, %exp3A_1560 : vector<16xf32>
      %add3A_1576 = arith.addf %add3A_1575, %exp3A_1562 : vector<16xf32>
      %add3A_1577 = arith.addf %add3A_1576, %exp3A_1564 : vector<16xf32>
      %add3A_1578 = arith.addf %add3A_1577, %exp3A_1566 : vector<16xf32>
      %add3A_1579 = arith.addf %add3A_1578, %exp3A_1568 : vector<16xf32>
      %add3A_1580 = arith.addf %add3A_1579, %exp3A_1570 : vector<16xf32>
      %add3A_1581 = arith.addf %add3A_1580, %exp3A_1572 : vector<16xf32>
      %add3A_1582 = arith.addf %add3A_1581, %exp3A_1574 : vector<16xf32>
      %div3A_1583 = arith.divf %exp3A_1558, %add3A_1582 : vector<16xf32>
      %div3A_1584 = arith.divf %exp3A_1560, %add3A_1582 : vector<16xf32>
      %div3A_1585 = arith.divf %exp3A_1562, %add3A_1582 : vector<16xf32>
      %div3A_1586 = arith.divf %exp3A_1564, %add3A_1582 : vector<16xf32>
      %div3A_1587 = arith.divf %exp3A_1566, %add3A_1582 : vector<16xf32>
      %div3A_1588 = arith.divf %exp3A_1568, %add3A_1582 : vector<16xf32>
      %div3A_1589 = arith.divf %exp3A_1570, %add3A_1582 : vector<16xf32>
      %div3A_1590 = arith.divf %exp3A_1572, %add3A_1582 : vector<16xf32>
      %div3A_1591 = arith.divf %exp3A_1574, %add3A_1582 : vector<16xf32>
      %broadcast_in_dim3A_1592 = arith.constant false
      %broadcast_in_dim3A_1593 = vector.broadcast %broadcast_in_dim3A_1592 : i1 to vector<16xi1>
      %broadcast_in_dim3A_1594 = arith.constant false
      %broadcast_in_dim3A_1595 = vector.broadcast %broadcast_in_dim3A_1594 : i1 to vector<16xi1>
      %broadcast_in_dim3A_1596 = arith.constant false
      %broadcast_in_dim3A_1597 = vector.broadcast %broadcast_in_dim3A_1596 : i1 to vector<16xi1>
      %broadcast_in_dim3A_1598 = arith.constant false
      %broadcast_in_dim3A_1599 = vector.broadcast %broadcast_in_dim3A_1598 : i1 to vector<16xi1>
      %broadcast_in_dim3A_1600 = arith.constant false
      %broadcast_in_dim3A_1601 = vector.broadcast %broadcast_in_dim3A_1600 : i1 to vector<16xi1>
      %broadcast_in_dim3A_1602 = arith.constant false
      %broadcast_in_dim3A_1603 = vector.broadcast %broadcast_in_dim3A_1602 : i1 to vector<16xi1>
      %broadcast_in_dim3A_1604 = arith.constant false
      %broadcast_in_dim3A_1605 = vector.broadcast %broadcast_in_dim3A_1604 : i1 to vector<16xi1>
      %broadcast_in_dim3A_1606 = arith.constant false
      %broadcast_in_dim3A_1607 = vector.broadcast %broadcast_in_dim3A_1606 : i1 to vector<16xi1>
      %broadcast_in_dim3A_1608 = arith.constant false
      %broadcast_in_dim3A_1609 = vector.broadcast %broadcast_in_dim3A_1608 : i1 to vector<16xi1>
      %broadcast_in_dim3A_1610 = arith.constant 0xFF800000 : f32
      %broadcast_in_dim3A_1611 = vector.broadcast %broadcast_in_dim3A_1610 : f32 to vector<16xf32>
      %broadcast_in_dim3A_1612 = arith.constant 0 : i32
      %broadcast_in_dim3A_1613 = vector.broadcast %broadcast_in_dim3A_1612 : i32 to vector<16xi32>
      %broadcast_in_dim3A_1614 = arith.constant 0 : i32
      %broadcast_in_dim3A_1615 = vector.broadcast %broadcast_in_dim3A_1614 : i32 to vector<16xi32>
      %not3A_1616 = arith.constant dense<true> : vector<16xi1>
      %not3A_1617 = arith.xori %broadcast_in_dim3A_1593, %not3A_1616 : vector<16xi1>
      %gt3A_1618 = arith.cmpf ogt, %div3A_1583, %broadcast_in_dim3A_1611 : vector<16xf32>
      %and3A_1619 = arith.andi %not3A_1617, %gt3A_1618 : vector<16xi1>
      %select_n3A_1620 = arith.select %and3A_1619, %div3A_1583, %broadcast_in_dim3A_1611 : vector<16xi1>, vector<16xf32>
      %select_n3A_1621 = arith.select %and3A_1619, %convert_element_type3A_1351, %broadcast_in_dim3A_1613 : vector<16xi1>, vector<16xi32>
      %jit3A_1622 = arith.constant 0 : i32
      %broadcast_in_dim3A_1623 = vector.broadcast %jit3A_1622 : i32 to vector<16xi32>
      %select_n3A_1624 = arith.select %and3A_1619, %broadcast_in_dim3A_1623, %broadcast_in_dim3A_1615 : vector<16xi1>, vector<16xi32>
      %not3A_1625 = arith.constant dense<true> : vector<16xi1>
      %not3A_1626 = arith.xori %broadcast_in_dim3A_1595, %not3A_1625 : vector<16xi1>
      %gt3A_1627 = arith.cmpf ogt, %div3A_1584, %select_n3A_1620 : vector<16xf32>
      %and3A_1628 = arith.andi %not3A_1626, %gt3A_1627 : vector<16xi1>
      %select_n3A_1629 = arith.select %and3A_1628, %div3A_1584, %select_n3A_1620 : vector<16xi1>, vector<16xf32>
      %select_n3A_1630 = arith.select %and3A_1628, %convert_element_type3A_1369, %select_n3A_1621 : vector<16xi1>, vector<16xi32>
      %jit3A_1631 = arith.constant 1 : i32
      %broadcast_in_dim3A_1632 = vector.broadcast %jit3A_1631 : i32 to vector<16xi32>
      %select_n3A_1633 = arith.select %and3A_1628, %broadcast_in_dim3A_1632, %select_n3A_1624 : vector<16xi1>, vector<16xi32>
      %not3A_1634 = arith.constant dense<true> : vector<16xi1>
      %not3A_1635 = arith.xori %broadcast_in_dim3A_1597, %not3A_1634 : vector<16xi1>
      %gt3A_1636 = arith.cmpf ogt, %div3A_1585, %select_n3A_1629 : vector<16xf32>
      %and3A_1637 = arith.andi %not3A_1635, %gt3A_1636 : vector<16xi1>
      %select_n3A_1638 = arith.select %and3A_1637, %div3A_1585, %select_n3A_1629 : vector<16xi1>, vector<16xf32>
      %select_n3A_1639 = arith.select %and3A_1637, %convert_element_type3A_1387, %select_n3A_1630 : vector<16xi1>, vector<16xi32>
      %jit3A_1640 = arith.constant 2 : i32
      %broadcast_in_dim3A_1641 = vector.broadcast %jit3A_1640 : i32 to vector<16xi32>
      %select_n3A_1642 = arith.select %and3A_1637, %broadcast_in_dim3A_1641, %select_n3A_1633 : vector<16xi1>, vector<16xi32>
      %not3A_1643 = arith.constant dense<true> : vector<16xi1>
      %not3A_1644 = arith.xori %broadcast_in_dim3A_1599, %not3A_1643 : vector<16xi1>
      %gt3A_1645 = arith.cmpf ogt, %div3A_1586, %select_n3A_1638 : vector<16xf32>
      %and3A_1646 = arith.andi %not3A_1644, %gt3A_1645 : vector<16xi1>
      %select_n3A_1647 = arith.select %and3A_1646, %div3A_1586, %select_n3A_1638 : vector<16xi1>, vector<16xf32>
      %select_n3A_1648 = arith.select %and3A_1646, %convert_element_type3A_1405, %select_n3A_1639 : vector<16xi1>, vector<16xi32>
      %jit3A_1649 = arith.constant 3 : i32
      %broadcast_in_dim3A_1650 = vector.broadcast %jit3A_1649 : i32 to vector<16xi32>
      %select_n3A_1651 = arith.select %and3A_1646, %broadcast_in_dim3A_1650, %select_n3A_1642 : vector<16xi1>, vector<16xi32>
      %not3A_1652 = arith.constant dense<true> : vector<16xi1>
      %not3A_1653 = arith.xori %broadcast_in_dim3A_1601, %not3A_1652 : vector<16xi1>
      %gt3A_1654 = arith.cmpf ogt, %div3A_1587, %select_n3A_1647 : vector<16xf32>
      %and3A_1655 = arith.andi %not3A_1653, %gt3A_1654 : vector<16xi1>
      %select_n3A_1656 = arith.select %and3A_1655, %div3A_1587, %select_n3A_1647 : vector<16xi1>, vector<16xf32>
      %select_n3A_1657 = arith.select %and3A_1655, %convert_element_type3A_1423, %select_n3A_1648 : vector<16xi1>, vector<16xi32>
      %jit3A_1658 = arith.constant 4 : i32
      %broadcast_in_dim3A_1659 = vector.broadcast %jit3A_1658 : i32 to vector<16xi32>
      %select_n3A_1660 = arith.select %and3A_1655, %broadcast_in_dim3A_1659, %select_n3A_1651 : vector<16xi1>, vector<16xi32>
      %not3A_1661 = arith.constant dense<true> : vector<16xi1>
      %not3A_1662 = arith.xori %broadcast_in_dim3A_1603, %not3A_1661 : vector<16xi1>
      %gt3A_1663 = arith.cmpf ogt, %div3A_1588, %select_n3A_1656 : vector<16xf32>
      %and3A_1664 = arith.andi %not3A_1662, %gt3A_1663 : vector<16xi1>
      %select_n3A_1665 = arith.select %and3A_1664, %div3A_1588, %select_n3A_1656 : vector<16xi1>, vector<16xf32>
      %select_n3A_1666 = arith.select %and3A_1664, %convert_element_type3A_1441, %select_n3A_1657 : vector<16xi1>, vector<16xi32>
      %jit3A_1667 = arith.constant 5 : i32
      %broadcast_in_dim3A_1668 = vector.broadcast %jit3A_1667 : i32 to vector<16xi32>
      %select_n3A_1669 = arith.select %and3A_1664, %broadcast_in_dim3A_1668, %select_n3A_1660 : vector<16xi1>, vector<16xi32>
      %not3A_1670 = arith.constant dense<true> : vector<16xi1>
      %not3A_1671 = arith.xori %broadcast_in_dim3A_1605, %not3A_1670 : vector<16xi1>
      %gt3A_1672 = arith.cmpf ogt, %div3A_1589, %select_n3A_1665 : vector<16xf32>
      %and3A_1673 = arith.andi %not3A_1671, %gt3A_1672 : vector<16xi1>
      %select_n3A_1674 = arith.select %and3A_1673, %div3A_1589, %select_n3A_1665 : vector<16xi1>, vector<16xf32>
      %select_n3A_1675 = arith.select %and3A_1673, %convert_element_type3A_1459, %select_n3A_1666 : vector<16xi1>, vector<16xi32>
      %jit3A_1676 = arith.constant 6 : i32
      %broadcast_in_dim3A_1677 = vector.broadcast %jit3A_1676 : i32 to vector<16xi32>
      %select_n3A_1678 = arith.select %and3A_1673, %broadcast_in_dim3A_1677, %select_n3A_1669 : vector<16xi1>, vector<16xi32>
      %not3A_1679 = arith.constant dense<true> : vector<16xi1>
      %not3A_1680 = arith.xori %broadcast_in_dim3A_1607, %not3A_1679 : vector<16xi1>
      %gt3A_1681 = arith.cmpf ogt, %div3A_1590, %select_n3A_1674 : vector<16xf32>
      %and3A_1682 = arith.andi %not3A_1680, %gt3A_1681 : vector<16xi1>
      %select_n3A_1683 = arith.select %and3A_1682, %div3A_1590, %select_n3A_1674 : vector<16xi1>, vector<16xf32>
      %select_n3A_1684 = arith.select %and3A_1682, %convert_element_type3A_1477, %select_n3A_1675 : vector<16xi1>, vector<16xi32>
      %jit3A_1685 = arith.constant 7 : i32
      %broadcast_in_dim3A_1686 = vector.broadcast %jit3A_1685 : i32 to vector<16xi32>
      %select_n3A_1687 = arith.select %and3A_1682, %broadcast_in_dim3A_1686, %select_n3A_1678 : vector<16xi1>, vector<16xi32>
      %not3A_1688 = arith.constant dense<true> : vector<16xi1>
      %not3A_1689 = arith.xori %broadcast_in_dim3A_1609, %not3A_1688 : vector<16xi1>
      %gt3A_1690 = arith.cmpf ogt, %div3A_1591, %select_n3A_1683 : vector<16xf32>
      %and3A_1691 = arith.andi %not3A_1689, %gt3A_1690 : vector<16xi1>
      %select_n3A_1692 = arith.select %and3A_1691, %div3A_1591, %select_n3A_1683 : vector<16xi1>, vector<16xf32>
      %select_n3A_1693 = arith.select %and3A_1691, %convert_element_type3A_1495, %select_n3A_1684 : vector<16xi1>, vector<16xi32>
      %jit3A_1694 = arith.constant 8 : i32
      %broadcast_in_dim3A_1695 = vector.broadcast %jit3A_1694 : i32 to vector<16xi32>
      %select_n3A_1696 = arith.select %and3A_1691, %broadcast_in_dim3A_1695, %select_n3A_1687 : vector<16xi1>, vector<16xi32>
      %eq3A_1697 = arith.constant 0 : i32
      %eq3A_1698 = vector.broadcast %eq3A_1697 : i32 to vector<16xi32>
      %eq3A_1699 = arith.cmpi eq, %select_n3A_1696, %eq3A_1698 : vector<16xi32>
      %or3A_1700 = arith.ori %broadcast_in_dim3A_1593, %eq3A_1699 : vector<16xi1>
      %eq3A_1701 = arith.constant 1 : i32
      %eq3A_1702 = vector.broadcast %eq3A_1701 : i32 to vector<16xi32>
      %eq3A_1703 = arith.cmpi eq, %select_n3A_1696, %eq3A_1702 : vector<16xi32>
      %or3A_1704 = arith.ori %broadcast_in_dim3A_1595, %eq3A_1703 : vector<16xi1>
      %eq3A_1705 = arith.constant 2 : i32
      %eq3A_1706 = vector.broadcast %eq3A_1705 : i32 to vector<16xi32>
      %eq3A_1707 = arith.cmpi eq, %select_n3A_1696, %eq3A_1706 : vector<16xi32>
      %or3A_1708 = arith.ori %broadcast_in_dim3A_1597, %eq3A_1707 : vector<16xi1>
      %eq3A_1709 = arith.constant 3 : i32
      %eq3A_1710 = vector.broadcast %eq3A_1709 : i32 to vector<16xi32>
      %eq3A_1711 = arith.cmpi eq, %select_n3A_1696, %eq3A_1710 : vector<16xi32>
      %or3A_1712 = arith.ori %broadcast_in_dim3A_1599, %eq3A_1711 : vector<16xi1>
      %eq3A_1713 = arith.constant 4 : i32
      %eq3A_1714 = vector.broadcast %eq3A_1713 : i32 to vector<16xi32>
      %eq3A_1715 = arith.cmpi eq, %select_n3A_1696, %eq3A_1714 : vector<16xi32>
      %or3A_1716 = arith.ori %broadcast_in_dim3A_1601, %eq3A_1715 : vector<16xi1>
      %eq3A_1717 = arith.constant 5 : i32
      %eq3A_1718 = vector.broadcast %eq3A_1717 : i32 to vector<16xi32>
      %eq3A_1719 = arith.cmpi eq, %select_n3A_1696, %eq3A_1718 : vector<16xi32>
      %or3A_1720 = arith.ori %broadcast_in_dim3A_1603, %eq3A_1719 : vector<16xi1>
      %eq3A_1721 = arith.constant 6 : i32
      %eq3A_1722 = vector.broadcast %eq3A_1721 : i32 to vector<16xi32>
      %eq3A_1723 = arith.cmpi eq, %select_n3A_1696, %eq3A_1722 : vector<16xi32>
      %or3A_1724 = arith.ori %broadcast_in_dim3A_1605, %eq3A_1723 : vector<16xi1>
      %eq3A_1725 = arith.constant 7 : i32
      %eq3A_1726 = vector.broadcast %eq3A_1725 : i32 to vector<16xi32>
      %eq3A_1727 = arith.cmpi eq, %select_n3A_1696, %eq3A_1726 : vector<16xi32>
      %or3A_1728 = arith.ori %broadcast_in_dim3A_1607, %eq3A_1727 : vector<16xi1>
      %eq3A_1729 = arith.constant 8 : i32
      %eq3A_1730 = vector.broadcast %eq3A_1729 : i32 to vector<16xi32>
      %eq3A_1731 = arith.cmpi eq, %select_n3A_1696, %eq3A_1730 : vector<16xi32>
      %or3A_1732 = arith.ori %broadcast_in_dim3A_1609, %eq3A_1731 : vector<16xi1>
      %shift_right_arithmetic3A_1733 = arith.constant 6 : i32
      %shift_right_arithmetic3A_1734 = vector.broadcast %shift_right_arithmetic3A_1733 : i32 to vector<16xi32>
      %shift_right_arithmetic3A_1735 = arith.shrsi %select_n3A_1693, %shift_right_arithmetic3A_1734 : vector<16xi32>
      %and3A_1736 = arith.constant 63 : i32
      %and3A_1737 = vector.broadcast %and3A_1736 : i32 to vector<16xi32>
      %and3A_1738 = arith.andi %select_n3A_1693, %and3A_1737 : vector<16xi32>
      %sub3A_1739 = arith.subi %and3A_1738, %and3A_1331 : vector<16xi32>
      %convert_element_type3A_1740 = arith.sitofp %sub3A_1739 : vector<16xi32> to vector<16xf32>
      %mul3A_1741 = arith.constant 16 : i32
      %mul3A_1742 = arith.muli %add3A_1274, %mul3A_1741 : i32
      %swap3A_1743 = arith.constant 0 : i32
      %swap3A_1744 = arith.index_cast %swap3A_1743 : i32 to index
      %swap3A_1745 = arith.index_cast %mul3A_1742 : i32 to index
      %swap3A_1746 = tpu.vector_load %arg16[%swap3A_1744, %swap3A_1745] {strides = array<i32>} : memref<3x512xf32, #tpu.memory_space<vmem>>, vector<16xf32>,
      tpu.vector_store %arg16[%swap3A_1744, %swap3A_1745], %convert_element_type3A_1740 {strides = array<i32>} : memref<3x512xf32, #tpu.memory_space<vmem>>, vector<16xf32>,
      %sub3A_1747 = arith.subi %shift_right_arithmetic3A_1735, %shift_right_arithmetic3A_1328 : vector<16xi32>
      %convert_element_type3A_1748 = arith.sitofp %sub3A_1747 : vector<16xi32> to vector<16xf32>
      %mul3A_1749 = arith.constant 16 : i32
      %mul3A_1750 = arith.muli %add3A_1274, %mul3A_1749 : i32
      %swap3A_1751 = arith.constant 0 : i32
      %swap3A_1752 = arith.index_cast %swap3A_1751 : i32 to index
      %swap3A_1753 = arith.index_cast %mul3A_1750 : i32 to index
      %swap3A_1754 = tpu.vector_load %arg17[%swap3A_1752, %swap3A_1753] {strides = array<i32>} : memref<3x512xf32, #tpu.memory_space<vmem>>, vector<16xf32>,
      tpu.vector_store %arg17[%swap3A_1752, %swap3A_1753], %convert_element_type3A_1748 {strides = array<i32>} : memref<3x512xf32, #tpu.memory_space<vmem>>, vector<16xf32>,
      %mul3A_1755 = arith.constant 16 : i32
      %mul3A_1756 = arith.muli %add3A_1274, %mul3A_1755 : i32
      %swap3A_1757 = arith.constant 0 : i32
      %swap3A_1758 = arith.index_cast %swap3A_1757 : i32 to index
      %swap3A_1759 = arith.index_cast %mul3A_1756 : i32 to index
      %swap3A_1760 = tpu.vector_load %arg18[%swap3A_1758, %swap3A_1759] {strides = array<i32>} : memref<3x512xf32, #tpu.memory_space<vmem>>, vector<16xf32>,
      tpu.vector_store %arg18[%swap3A_1758, %swap3A_1759], %select_n3A_1692 {strides = array<i32>} : memref<3x512xf32, #tpu.memory_space<vmem>>, vector<16xf32>,
      %broadcast_in_dim3A_1761 = arith.constant 0xFF800000 : f32
      %broadcast_in_dim3A_1762 = vector.broadcast %broadcast_in_dim3A_1761 : f32 to vector<16xf32>
      %broadcast_in_dim3A_1763 = arith.constant 0 : i32
      %broadcast_in_dim3A_1764 = vector.broadcast %broadcast_in_dim3A_1763 : i32 to vector<16xi32>
      %broadcast_in_dim3A_1765 = arith.constant 0 : i32
      %broadcast_in_dim3A_1766 = vector.broadcast %broadcast_in_dim3A_1765 : i32 to vector<16xi32>
      %not3A_1767 = arith.constant dense<true> : vector<16xi1>
      %not3A_1768 = arith.xori %or3A_1700, %not3A_1767 : vector<16xi1>
      %gt3A_1769 = arith.cmpf ogt, %div3A_1583, %broadcast_in_dim3A_1762 : vector<16xf32>
      %and3A_1770 = arith.andi %not3A_1768, %gt3A_1769 : vector<16xi1>
      %select_n3A_1771 = arith.select %and3A_1770, %div3A_1583, %broadcast_in_dim3A_1762 : vector<16xi1>, vector<16xf32>
      %select_n3A_1772 = arith.select %and3A_1770, %convert_element_type3A_1351, %broadcast_in_dim3A_1764 : vector<16xi1>, vector<16xi32>
      %jit3A_1773 = arith.constant 0 : i32
      %broadcast_in_dim3A_1774 = vector.broadcast %jit3A_1773 : i32 to vector<16xi32>
      %select_n3A_1775 = arith.select %and3A_1770, %broadcast_in_dim3A_1774, %broadcast_in_dim3A_1766 : vector<16xi1>, vector<16xi32>
      %not3A_1776 = arith.constant dense<true> : vector<16xi1>
      %not3A_1777 = arith.xori %or3A_1704, %not3A_1776 : vector<16xi1>
      %gt3A_1778 = arith.cmpf ogt, %div3A_1584, %select_n3A_1771 : vector<16xf32>
      %and3A_1779 = arith.andi %not3A_1777, %gt3A_1778 : vector<16xi1>
      %select_n3A_1780 = arith.select %and3A_1779, %div3A_1584, %select_n3A_1771 : vector<16xi1>, vector<16xf32>
      %select_n3A_1781 = arith.select %and3A_1779, %convert_element_type3A_1369, %select_n3A_1772 : vector<16xi1>, vector<16xi32>
      %jit3A_1782 = arith.constant 1 : i32
      %broadcast_in_dim3A_1783 = vector.broadcast %jit3A_1782 : i32 to vector<16xi32>
      %select_n3A_1784 = arith.select %and3A_1779, %broadcast_in_dim3A_1783, %select_n3A_1775 : vector<16xi1>, vector<16xi32>
      %not3A_1785 = arith.constant dense<true> : vector<16xi1>
      %not3A_1786 = arith.xori %or3A_1708, %not3A_1785 : vector<16xi1>
      %gt3A_1787 = arith.cmpf ogt, %div3A_1585, %select_n3A_1780 : vector<16xf32>
      %and3A_1788 = arith.andi %not3A_1786, %gt3A_1787 : vector<16xi1>
      %select_n3A_1789 = arith.select %and3A_1788, %div3A_1585, %select_n3A_1780 : vector<16xi1>, vector<16xf32>
      %select_n3A_1790 = arith.select %and3A_1788, %convert_element_type3A_1387, %select_n3A_1781 : vector<16xi1>, vector<16xi32>
      %jit3A_1791 = arith.constant 2 : i32
      %broadcast_in_dim3A_1792 = vector.broadcast %jit3A_1791 : i32 to vector<16xi32>
      %select_n3A_1793 = arith.select %and3A_1788, %broadcast_in_dim3A_1792, %select_n3A_1784 : vector<16xi1>, vector<16xi32>
      %not3A_1794 = arith.constant dense<true> : vector<16xi1>
      %not3A_1795 = arith.xori %or3A_1712, %not3A_1794 : vector<16xi1>
      %gt3A_1796 = arith.cmpf ogt, %div3A_1586, %select_n3A_1789 : vector<16xf32>
      %and3A_1797 = arith.andi %not3A_1795, %gt3A_1796 : vector<16xi1>
      %select_n3A_1798 = arith.select %and3A_1797, %div3A_1586, %select_n3A_1789 : vector<16xi1>, vector<16xf32>
      %select_n3A_1799 = arith.select %and3A_1797, %convert_element_type3A_1405, %select_n3A_1790 : vector<16xi1>, vector<16xi32>
      %jit3A_1800 = arith.constant 3 : i32
      %broadcast_in_dim3A_1801 = vector.broadcast %jit3A_1800 : i32 to vector<16xi32>
      %select_n3A_1802 = arith.select %and3A_1797, %broadcast_in_dim3A_1801, %select_n3A_1793 : vector<16xi1>, vector<16xi32>
      %not3A_1803 = arith.constant dense<true> : vector<16xi1>
      %not3A_1804 = arith.xori %or3A_1716, %not3A_1803 : vector<16xi1>
      %gt3A_1805 = arith.cmpf ogt, %div3A_1587, %select_n3A_1798 : vector<16xf32>
      %and3A_1806 = arith.andi %not3A_1804, %gt3A_1805 : vector<16xi1>
      %select_n3A_1807 = arith.select %and3A_1806, %div3A_1587, %select_n3A_1798 : vector<16xi1>, vector<16xf32>
      %select_n3A_1808 = arith.select %and3A_1806, %convert_element_type3A_1423, %select_n3A_1799 : vector<16xi1>, vector<16xi32>
      %jit3A_1809 = arith.constant 4 : i32
      %broadcast_in_dim3A_1810 = vector.broadcast %jit3A_1809 : i32 to vector<16xi32>
      %select_n3A_1811 = arith.select %and3A_1806, %broadcast_in_dim3A_1810, %select_n3A_1802 : vector<16xi1>, vector<16xi32>
      %not3A_1812 = arith.constant dense<true> : vector<16xi1>
      %not3A_1813 = arith.xori %or3A_1720, %not3A_1812 : vector<16xi1>
      %gt3A_1814 = arith.cmpf ogt, %div3A_1588, %select_n3A_1807 : vector<16xf32>
      %and3A_1815 = arith.andi %not3A_1813, %gt3A_1814 : vector<16xi1>
      %select_n3A_1816 = arith.select %and3A_1815, %div3A_1588, %select_n3A_1807 : vector<16xi1>, vector<16xf32>
      %select_n3A_1817 = arith.select %and3A_1815, %convert_element_type3A_1441, %select_n3A_1808 : vector<16xi1>, vector<16xi32>
      %jit3A_1818 = arith.constant 5 : i32
      %broadcast_in_dim3A_1819 = vector.broadcast %jit3A_1818 : i32 to vector<16xi32>
      %select_n3A_1820 = arith.select %and3A_1815, %broadcast_in_dim3A_1819, %select_n3A_1811 : vector<16xi1>, vector<16xi32>
      %not3A_1821 = arith.constant dense<true> : vector<16xi1>
      %not3A_1822 = arith.xori %or3A_1724, %not3A_1821 : vector<16xi1>
      %gt3A_1823 = arith.cmpf ogt, %div3A_1589, %select_n3A_1816 : vector<16xf32>
      %and3A_1824 = arith.andi %not3A_1822, %gt3A_1823 : vector<16xi1>
      %select_n3A_1825 = arith.select %and3A_1824, %div3A_1589, %select_n3A_1816 : vector<16xi1>, vector<16xf32>
      %select_n3A_1826 = arith.select %and3A_1824, %convert_element_type3A_1459, %select_n3A_1817 : vector<16xi1>, vector<16xi32>
      %jit3A_1827 = arith.constant 6 : i32
      %broadcast_in_dim3A_1828 = vector.broadcast %jit3A_1827 : i32 to vector<16xi32>
      %select_n3A_1829 = arith.select %and3A_1824, %broadcast_in_dim3A_1828, %select_n3A_1820 : vector<16xi1>, vector<16xi32>
      %not3A_1830 = arith.constant dense<true> : vector<16xi1>
      %not3A_1831 = arith.xori %or3A_1728, %not3A_1830 : vector<16xi1>
      %gt3A_1832 = arith.cmpf ogt, %div3A_1590, %select_n3A_1825 : vector<16xf32>
      %and3A_1833 = arith.andi %not3A_1831, %gt3A_1832 : vector<16xi1>
      %select_n3A_1834 = arith.select %and3A_1833, %div3A_1590, %select_n3A_1825 : vector<16xi1>, vector<16xf32>
      %select_n3A_1835 = arith.select %and3A_1833, %convert_element_type3A_1477, %select_n3A_1826 : vector<16xi1>, vector<16xi32>
      %jit3A_1836 = arith.constant 7 : i32
      %broadcast_in_dim3A_1837 = vector.broadcast %jit3A_1836 : i32 to vector<16xi32>
      %select_n3A_1838 = arith.select %and3A_1833, %broadcast_in_dim3A_1837, %select_n3A_1829 : vector<16xi1>, vector<16xi32>
      %not3A_1839 = arith.constant dense<true> : vector<16xi1>
      %not3A_1840 = arith.xori %or3A_1732, %not3A_1839 : vector<16xi1>
      %gt3A_1841 = arith.cmpf ogt, %div3A_1591, %select_n3A_1834 : vector<16xf32>
      %and3A_1842 = arith.andi %not3A_1840, %gt3A_1841 : vector<16xi1>
      %select_n3A_1843 = arith.select %and3A_1842, %div3A_1591, %select_n3A_1834 : vector<16xi1>, vector<16xf32>
      %select_n3A_1844 = arith.select %and3A_1842, %convert_element_type3A_1495, %select_n3A_1835 : vector<16xi1>, vector<16xi32>
      %jit3A_1845 = arith.constant 8 : i32
      %broadcast_in_dim3A_1846 = vector.broadcast %jit3A_1845 : i32 to vector<16xi32>
      %select_n3A_1847 = arith.select %and3A_1842, %broadcast_in_dim3A_1846, %select_n3A_1838 : vector<16xi1>, vector<16xi32>
      %eq3A_1848 = arith.constant 0 : i32
      %eq3A_1849 = vector.broadcast %eq3A_1848 : i32 to vector<16xi32>
      %eq3A_1850 = arith.cmpi eq, %select_n3A_1847, %eq3A_1849 : vector<16xi32>
      %or3A_1851 = arith.ori %or3A_1700, %eq3A_1850 : vector<16xi1>
      %eq3A_1852 = arith.constant 1 : i32
      %eq3A_1853 = vector.broadcast %eq3A_1852 : i32 to vector<16xi32>
      %eq3A_1854 = arith.cmpi eq, %select_n3A_1847, %eq3A_1853 : vector<16xi32>
      %or3A_1855 = arith.ori %or3A_1704, %eq3A_1854 : vector<16xi1>
      %eq3A_1856 = arith.constant 2 : i32
      %eq3A_1857 = vector.broadcast %eq3A_1856 : i32 to vector<16xi32>
      %eq3A_1858 = arith.cmpi eq, %select_n3A_1847, %eq3A_1857 : vector<16xi32>
      %or3A_1859 = arith.ori %or3A_1708, %eq3A_1858 : vector<16xi1>
      %eq3A_1860 = arith.constant 3 : i32
      %eq3A_1861 = vector.broadcast %eq3A_1860 : i32 to vector<16xi32>
      %eq3A_1862 = arith.cmpi eq, %select_n3A_1847, %eq3A_1861 : vector<16xi32>
      %or3A_1863 = arith.ori %or3A_1712, %eq3A_1862 : vector<16xi1>
      %eq3A_1864 = arith.constant 4 : i32
      %eq3A_1865 = vector.broadcast %eq3A_1864 : i32 to vector<16xi32>
      %eq3A_1866 = arith.cmpi eq, %select_n3A_1847, %eq3A_1865 : vector<16xi32>
      %or3A_1867 = arith.ori %or3A_1716, %eq3A_1866 : vector<16xi1>
      %eq3A_1868 = arith.constant 5 : i32
      %eq3A_1869 = vector.broadcast %eq3A_1868 : i32 to vector<16xi32>
      %eq3A_1870 = arith.cmpi eq, %select_n3A_1847, %eq3A_1869 : vector<16xi32>
      %or3A_1871 = arith.ori %or3A_1720, %eq3A_1870 : vector<16xi1>
      %eq3A_1872 = arith.constant 6 : i32
      %eq3A_1873 = vector.broadcast %eq3A_1872 : i32 to vector<16xi32>
      %eq3A_1874 = arith.cmpi eq, %select_n3A_1847, %eq3A_1873 : vector<16xi32>
      %or3A_1875 = arith.ori %or3A_1724, %eq3A_1874 : vector<16xi1>
      %eq3A_1876 = arith.constant 7 : i32
      %eq3A_1877 = vector.broadcast %eq3A_1876 : i32 to vector<16xi32>
      %eq3A_1878 = arith.cmpi eq, %select_n3A_1847, %eq3A_1877 : vector<16xi32>
      %or3A_1879 = arith.ori %or3A_1728, %eq3A_1878 : vector<16xi1>
      %eq3A_1880 = arith.constant 8 : i32
      %eq3A_1881 = vector.broadcast %eq3A_1880 : i32 to vector<16xi32>
      %eq3A_1882 = arith.cmpi eq, %select_n3A_1847, %eq3A_1881 : vector<16xi32>
      %or3A_1883 = arith.ori %or3A_1732, %eq3A_1882 : vector<16xi1>
      %shift_right_arithmetic3A_1884 = arith.constant 6 : i32
      %shift_right_arithmetic3A_1885 = vector.broadcast %shift_right_arithmetic3A_1884 : i32 to vector<16xi32>
      %shift_right_arithmetic3A_1886 = arith.shrsi %select_n3A_1844, %shift_right_arithmetic3A_1885 : vector<16xi32>
      %and3A_1887 = arith.constant 63 : i32
      %and3A_1888 = vector.broadcast %and3A_1887 : i32 to vector<16xi32>
      %and3A_1889 = arith.andi %select_n3A_1844, %and3A_1888 : vector<16xi32>
      %sub3A_1890 = arith.subi %and3A_1889, %and3A_1331 : vector<16xi32>
      %convert_element_type3A_1891 = arith.sitofp %sub3A_1890 : vector<16xi32> to vector<16xf32>
      %mul3A_1892 = arith.constant 16 : i32
      %mul3A_1893 = arith.muli %add3A_1274, %mul3A_1892 : i32
      %swap3A_1894 = arith.constant 1 : i32
      %swap3A_1895 = arith.index_cast %swap3A_1894 : i32 to index
      %swap3A_1896 = arith.index_cast %mul3A_1893 : i32 to index
      %swap3A_1897 = tpu.vector_load %arg16[%swap3A_1895, %swap3A_1896] {strides = array<i32>} : memref<3x512xf32, #tpu.memory_space<vmem>>, vector<16xf32>,
      tpu.vector_store %arg16[%swap3A_1895, %swap3A_1896], %convert_element_type3A_1891 {strides = array<i32>} : memref<3x512xf32, #tpu.memory_space<vmem>>, vector<16xf32>,
      %sub3A_1898 = arith.subi %shift_right_arithmetic3A_1886, %shift_right_arithmetic3A_1328 : vector<16xi32>
      %convert_element_type3A_1899 = arith.sitofp %sub3A_1898 : vector<16xi32> to vector<16xf32>
      %mul3A_1900 = arith.constant 16 : i32
      %mul3A_1901 = arith.muli %add3A_1274, %mul3A_1900 : i32
      %swap3A_1902 = arith.constant 1 : i32
      %swap3A_1903 = arith.index_cast %swap3A_1902 : i32 to index
      %swap3A_1904 = arith.index_cast %mul3A_1901 : i32 to index
      %swap3A_1905 = tpu.vector_load %arg17[%swap3A_1903, %swap3A_1904] {strides = array<i32>} : memref<3x512xf32, #tpu.memory_space<vmem>>, vector<16xf32>,
      tpu.vector_store %arg17[%swap3A_1903, %swap3A_1904], %convert_element_type3A_1899 {strides = array<i32>} : memref<3x512xf32, #tpu.memory_space<vmem>>, vector<16xf32>,
      %mul3A_1906 = arith.constant 16 : i32
      %mul3A_1907 = arith.muli %add3A_1274, %mul3A_1906 : i32
      %swap3A_1908 = arith.constant 1 : i32
      %swap3A_1909 = arith.index_cast %swap3A_1908 : i32 to index
      %swap3A_1910 = arith.index_cast %mul3A_1907 : i32 to index
      %swap3A_1911 = tpu.vector_load %arg18[%swap3A_1909, %swap3A_1910] {strides = array<i32>} : memref<3x512xf32, #tpu.memory_space<vmem>>, vector<16xf32>,
      tpu.vector_store %arg18[%swap3A_1909, %swap3A_1910], %select_n3A_1843 {strides = array<i32>} : memref<3x512xf32, #tpu.memory_space<vmem>>, vector<16xf32>,
      %broadcast_in_dim3A_1912 = arith.constant 0xFF800000 : f32
      %broadcast_in_dim3A_1913 = vector.broadcast %broadcast_in_dim3A_1912 : f32 to vector<16xf32>
      %broadcast_in_dim3A_1914 = arith.constant 0 : i32
      %broadcast_in_dim3A_1915 = vector.broadcast %broadcast_in_dim3A_1914 : i32 to vector<16xi32>
      %broadcast_in_dim3A_1916 = arith.constant 0 : i32
      %broadcast_in_dim3A_1917 = vector.broadcast %broadcast_in_dim3A_1916 : i32 to vector<16xi32>
      %not3A_1918 = arith.constant dense<true> : vector<16xi1>
      %not3A_1919 = arith.xori %or3A_1851, %not3A_1918 : vector<16xi1>
      %gt3A_1920 = arith.cmpf ogt, %div3A_1583, %broadcast_in_dim3A_1913 : vector<16xf32>
      %and3A_1921 = arith.andi %not3A_1919, %gt3A_1920 : vector<16xi1>
      %select_n3A_1922 = arith.select %and3A_1921, %div3A_1583, %broadcast_in_dim3A_1913 : vector<16xi1>, vector<16xf32>
      %select_n3A_1923 = arith.select %and3A_1921, %convert_element_type3A_1351, %broadcast_in_dim3A_1915 : vector<16xi1>, vector<16xi32>
      %jit3A_1924 = arith.constant 0 : i32
      %broadcast_in_dim3A_1925 = vector.broadcast %jit3A_1924 : i32 to vector<16xi32>
      %select_n3A_1926 = arith.select %and3A_1921, %broadcast_in_dim3A_1925, %broadcast_in_dim3A_1917 : vector<16xi1>, vector<16xi32>
      %not3A_1927 = arith.constant dense<true> : vector<16xi1>
      %not3A_1928 = arith.xori %or3A_1855, %not3A_1927 : vector<16xi1>
      %gt3A_1929 = arith.cmpf ogt, %div3A_1584, %select_n3A_1922 : vector<16xf32>
      %and3A_1930 = arith.andi %not3A_1928, %gt3A_1929 : vector<16xi1>
      %select_n3A_1931 = arith.select %and3A_1930, %div3A_1584, %select_n3A_1922 : vector<16xi1>, vector<16xf32>
      %select_n3A_1932 = arith.select %and3A_1930, %convert_element_type3A_1369, %select_n3A_1923 : vector<16xi1>, vector<16xi32>
      %jit3A_1933 = arith.constant 1 : i32
      %broadcast_in_dim3A_1934 = vector.broadcast %jit3A_1933 : i32 to vector<16xi32>
      %select_n3A_1935 = arith.select %and3A_1930, %broadcast_in_dim3A_1934, %select_n3A_1926 : vector<16xi1>, vector<16xi32>
      %not3A_1936 = arith.constant dense<true> : vector<16xi1>
      %not3A_1937 = arith.xori %or3A_1859, %not3A_1936 : vector<16xi1>
      %gt3A_1938 = arith.cmpf ogt, %div3A_1585, %select_n3A_1931 : vector<16xf32>
      %and3A_1939 = arith.andi %not3A_1937, %gt3A_1938 : vector<16xi1>
      %select_n3A_1940 = arith.select %and3A_1939, %div3A_1585, %select_n3A_1931 : vector<16xi1>, vector<16xf32>
      %select_n3A_1941 = arith.select %and3A_1939, %convert_element_type3A_1387, %select_n3A_1932 : vector<16xi1>, vector<16xi32>
      %jit3A_1942 = arith.constant 2 : i32
      %broadcast_in_dim3A_1943 = vector.broadcast %jit3A_1942 : i32 to vector<16xi32>
      %select_n3A_1944 = arith.select %and3A_1939, %broadcast_in_dim3A_1943, %select_n3A_1935 : vector<16xi1>, vector<16xi32>
      %not3A_1945 = arith.constant dense<true> : vector<16xi1>
      %not3A_1946 = arith.xori %or3A_1863, %not3A_1945 : vector<16xi1>
      %gt3A_1947 = arith.cmpf ogt, %div3A_1586, %select_n3A_1940 : vector<16xf32>
      %and3A_1948 = arith.andi %not3A_1946, %gt3A_1947 : vector<16xi1>
      %select_n3A_1949 = arith.select %and3A_1948, %div3A_1586, %select_n3A_1940 : vector<16xi1>, vector<16xf32>
      %select_n3A_1950 = arith.select %and3A_1948, %convert_element_type3A_1405, %select_n3A_1941 : vector<16xi1>, vector<16xi32>
      %jit3A_1951 = arith.constant 3 : i32
      %broadcast_in_dim3A_1952 = vector.broadcast %jit3A_1951 : i32 to vector<16xi32>
      %select_n3A_1953 = arith.select %and3A_1948, %broadcast_in_dim3A_1952, %select_n3A_1944 : vector<16xi1>, vector<16xi32>
      %not3A_1954 = arith.constant dense<true> : vector<16xi1>
      %not3A_1955 = arith.xori %or3A_1867, %not3A_1954 : vector<16xi1>
      %gt3A_1956 = arith.cmpf ogt, %div3A_1587, %select_n3A_1949 : vector<16xf32>
      %and3A_1957 = arith.andi %not3A_1955, %gt3A_1956 : vector<16xi1>
      %select_n3A_1958 = arith.select %and3A_1957, %div3A_1587, %select_n3A_1949 : vector<16xi1>, vector<16xf32>
      %select_n3A_1959 = arith.select %and3A_1957, %convert_element_type3A_1423, %select_n3A_1950 : vector<16xi1>, vector<16xi32>
      %jit3A_1960 = arith.constant 4 : i32
      %broadcast_in_dim3A_1961 = vector.broadcast %jit3A_1960 : i32 to vector<16xi32>
      %select_n3A_1962 = arith.select %and3A_1957, %broadcast_in_dim3A_1961, %select_n3A_1953 : vector<16xi1>, vector<16xi32>
      %not3A_1963 = arith.constant dense<true> : vector<16xi1>
      %not3A_1964 = arith.xori %or3A_1871, %not3A_1963 : vector<16xi1>
      %gt3A_1965 = arith.cmpf ogt, %div3A_1588, %select_n3A_1958 : vector<16xf32>
      %and3A_1966 = arith.andi %not3A_1964, %gt3A_1965 : vector<16xi1>
      %select_n3A_1967 = arith.select %and3A_1966, %div3A_1588, %select_n3A_1958 : vector<16xi1>, vector<16xf32>
      %select_n3A_1968 = arith.select %and3A_1966, %convert_element_type3A_1441, %select_n3A_1959 : vector<16xi1>, vector<16xi32>
      %jit3A_1969 = arith.constant 5 : i32
      %broadcast_in_dim3A_1970 = vector.broadcast %jit3A_1969 : i32 to vector<16xi32>
      %select_n3A_1971 = arith.select %and3A_1966, %broadcast_in_dim3A_1970, %select_n3A_1962 : vector<16xi1>, vector<16xi32>
      %not3A_1972 = arith.constant dense<true> : vector<16xi1>
      %not3A_1973 = arith.xori %or3A_1875, %not3A_1972 : vector<16xi1>
      %gt3A_1974 = arith.cmpf ogt, %div3A_1589, %select_n3A_1967 : vector<16xf32>
      %and3A_1975 = arith.andi %not3A_1973, %gt3A_1974 : vector<16xi1>
      %select_n3A_1976 = arith.select %and3A_1975, %div3A_1589, %select_n3A_1967 : vector<16xi1>, vector<16xf32>
      %select_n3A_1977 = arith.select %and3A_1975, %convert_element_type3A_1459, %select_n3A_1968 : vector<16xi1>, vector<16xi32>
      %jit3A_1978 = arith.constant 6 : i32
      %broadcast_in_dim3A_1979 = vector.broadcast %jit3A_1978 : i32 to vector<16xi32>
      %select_n3A_1980 = arith.select %and3A_1975, %broadcast_in_dim3A_1979, %select_n3A_1971 : vector<16xi1>, vector<16xi32>
      %not3A_1981 = arith.constant dense<true> : vector<16xi1>
      %not3A_1982 = arith.xori %or3A_1879, %not3A_1981 : vector<16xi1>
      %gt3A_1983 = arith.cmpf ogt, %div3A_1590, %select_n3A_1976 : vector<16xf32>
      %and3A_1984 = arith.andi %not3A_1982, %gt3A_1983 : vector<16xi1>
      %select_n3A_1985 = arith.select %and3A_1984, %div3A_1590, %select_n3A_1976 : vector<16xi1>, vector<16xf32>
      %select_n3A_1986 = arith.select %and3A_1984, %convert_element_type3A_1477, %select_n3A_1977 : vector<16xi1>, vector<16xi32>
      %jit3A_1987 = arith.constant 7 : i32
      %broadcast_in_dim3A_1988 = vector.broadcast %jit3A_1987 : i32 to vector<16xi32>
      %select_n3A_1989 = arith.select %and3A_1984, %broadcast_in_dim3A_1988, %select_n3A_1980 : vector<16xi1>, vector<16xi32>
      %not3A_1990 = arith.constant dense<true> : vector<16xi1>
      %not3A_1991 = arith.xori %or3A_1883, %not3A_1990 : vector<16xi1>
      %gt3A_1992 = arith.cmpf ogt, %div3A_1591, %select_n3A_1985 : vector<16xf32>
      %and3A_1993 = arith.andi %not3A_1991, %gt3A_1992 : vector<16xi1>
      %select_n3A_1994 = arith.select %and3A_1993, %div3A_1591, %select_n3A_1985 : vector<16xi1>, vector<16xf32>
      %select_n3A_1995 = arith.select %and3A_1993, %convert_element_type3A_1495, %select_n3A_1986 : vector<16xi1>, vector<16xi32>
      %jit3A_1996 = arith.constant 8 : i32
      %broadcast_in_dim3A_1997 = vector.broadcast %jit3A_1996 : i32 to vector<16xi32>
      %select_n3A_1998 = arith.select %and3A_1993, %broadcast_in_dim3A_1997, %select_n3A_1989 : vector<16xi1>, vector<16xi32>
      %eq3A_1999 = arith.constant 0 : i32
      %eq3A_2000 = vector.broadcast %eq3A_1999 : i32 to vector<16xi32>
      %eq3A_2001 = arith.cmpi eq, %select_n3A_1998, %eq3A_2000 : vector<16xi32>
      %or3A_2002 = arith.ori %or3A_1851, %eq3A_2001 : vector<16xi1>
      %eq3A_2003 = arith.constant 1 : i32
      %eq3A_2004 = vector.broadcast %eq3A_2003 : i32 to vector<16xi32>
      %eq3A_2005 = arith.cmpi eq, %select_n3A_1998, %eq3A_2004 : vector<16xi32>
      %or3A_2006 = arith.ori %or3A_1855, %eq3A_2005 : vector<16xi1>
      %eq3A_2007 = arith.constant 2 : i32
      %eq3A_2008 = vector.broadcast %eq3A_2007 : i32 to vector<16xi32>
      %eq3A_2009 = arith.cmpi eq, %select_n3A_1998, %eq3A_2008 : vector<16xi32>
      %or3A_2010 = arith.ori %or3A_1859, %eq3A_2009 : vector<16xi1>
      %eq3A_2011 = arith.constant 3 : i32
      %eq3A_2012 = vector.broadcast %eq3A_2011 : i32 to vector<16xi32>
      %eq3A_2013 = arith.cmpi eq, %select_n3A_1998, %eq3A_2012 : vector<16xi32>
      %or3A_2014 = arith.ori %or3A_1863, %eq3A_2013 : vector<16xi1>
      %eq3A_2015 = arith.constant 4 : i32
      %eq3A_2016 = vector.broadcast %eq3A_2015 : i32 to vector<16xi32>
      %eq3A_2017 = arith.cmpi eq, %select_n3A_1998, %eq3A_2016 : vector<16xi32>
      %or3A_2018 = arith.ori %or3A_1867, %eq3A_2017 : vector<16xi1>
      %eq3A_2019 = arith.constant 5 : i32
      %eq3A_2020 = vector.broadcast %eq3A_2019 : i32 to vector<16xi32>
      %eq3A_2021 = arith.cmpi eq, %select_n3A_1998, %eq3A_2020 : vector<16xi32>
      %or3A_2022 = arith.ori %or3A_1871, %eq3A_2021 : vector<16xi1>
      %eq3A_2023 = arith.constant 6 : i32
      %eq3A_2024 = vector.broadcast %eq3A_2023 : i32 to vector<16xi32>
      %eq3A_2025 = arith.cmpi eq, %select_n3A_1998, %eq3A_2024 : vector<16xi32>
      %or3A_2026 = arith.ori %or3A_1875, %eq3A_2025 : vector<16xi1>
      %eq3A_2027 = arith.constant 7 : i32
      %eq3A_2028 = vector.broadcast %eq3A_2027 : i32 to vector<16xi32>
      %eq3A_2029 = arith.cmpi eq, %select_n3A_1998, %eq3A_2028 : vector<16xi32>
      %or3A_2030 = arith.ori %or3A_1879, %eq3A_2029 : vector<16xi1>
      %eq3A_2031 = arith.constant 8 : i32
      %eq3A_2032 = vector.broadcast %eq3A_2031 : i32 to vector<16xi32>
      %eq3A_2033 = arith.cmpi eq, %select_n3A_1998, %eq3A_2032 : vector<16xi32>
      %or3A_2034 = arith.ori %or3A_1883, %eq3A_2033 : vector<16xi1>
      %shift_right_arithmetic3A_2035 = arith.constant 6 : i32
      %shift_right_arithmetic3A_2036 = vector.broadcast %shift_right_arithmetic3A_2035 : i32 to vector<16xi32>
      %shift_right_arithmetic3A_2037 = arith.shrsi %select_n3A_1995, %shift_right_arithmetic3A_2036 : vector<16xi32>
      %and3A_2038 = arith.constant 63 : i32
      %and3A_2039 = vector.broadcast %and3A_2038 : i32 to vector<16xi32>
      %and3A_2040 = arith.andi %select_n3A_1995, %and3A_2039 : vector<16xi32>
      %sub3A_2041 = arith.subi %and3A_2040, %and3A_1331 : vector<16xi32>
      %convert_element_type3A_2042 = arith.sitofp %sub3A_2041 : vector<16xi32> to vector<16xf32>
      %mul3A_2043 = arith.constant 16 : i32
      %mul3A_2044 = arith.muli %add3A_1274, %mul3A_2043 : i32
      %swap3A_2045 = arith.constant 2 : i32
      %swap3A_2046 = arith.index_cast %swap3A_2045 : i32 to index
      %swap3A_2047 = arith.index_cast %mul3A_2044 : i32 to index
      %swap3A_2048 = tpu.vector_load %arg16[%swap3A_2046, %swap3A_2047] {strides = array<i32>} : memref<3x512xf32, #tpu.memory_space<vmem>>, vector<16xf32>,
      tpu.vector_store %arg16[%swap3A_2046, %swap3A_2047], %convert_element_type3A_2042 {strides = array<i32>} : memref<3x512xf32, #tpu.memory_space<vmem>>, vector<16xf32>,
      %sub3A_2049 = arith.subi %shift_right_arithmetic3A_2037, %shift_right_arithmetic3A_1328 : vector<16xi32>
      %convert_element_type3A_2050 = arith.sitofp %sub3A_2049 : vector<16xi32> to vector<16xf32>
      %mul3A_2051 = arith.constant 16 : i32
      %mul3A_2052 = arith.muli %add3A_1274, %mul3A_2051 : i32
      %swap3A_2053 = arith.constant 2 : i32
      %swap3A_2054 = arith.index_cast %swap3A_2053 : i32 to index
      %swap3A_2055 = arith.index_cast %mul3A_2052 : i32 to index
      %swap3A_2056 = tpu.vector_load %arg17[%swap3A_2054, %swap3A_2055] {strides = array<i32>} : memref<3x512xf32, #tpu.memory_space<vmem>>, vector<16xf32>,
      tpu.vector_store %arg17[%swap3A_2054, %swap3A_2055], %convert_element_type3A_2050 {strides = array<i32>} : memref<3x512xf32, #tpu.memory_space<vmem>>, vector<16xf32>,
      %mul3A_2057 = arith.constant 16 : i32
      %mul3A_2058 = arith.muli %add3A_1274, %mul3A_2057 : i32
      %swap3A_2059 = arith.constant 2 : i32
      %swap3A_2060 = arith.index_cast %swap3A_2059 : i32 to index
      %swap3A_2061 = arith.index_cast %mul3A_2058 : i32 to index
      %swap3A_2062 = tpu.vector_load %arg18[%swap3A_2060, %swap3A_2061] {strides = array<i32>} : memref<3x512xf32, #tpu.memory_space<vmem>>, vector<16xf32>,
      tpu.vector_store %arg18[%swap3A_2060, %swap3A_2061], %select_n3A_1994 {strides = array<i32>} : memref<3x512xf32, #tpu.memory_space<vmem>>, vector<16xf32>,
      %scan3A_2063 = arith.constant 0 : i32
      scf.yield %scan3A_2063 : i32
    }
    %scan3A_486 = arith.constant 16 : i32
    "tpu.region"() ({
      %run_scoped3A = tpu.sem_alloc : memref<!tpu.dma_semaphore, #tpu.memory_space<semaphore_mem>>
      %dma_start3A_487 = arith.constant 0 : i32
      %dma_start3A_488 = tpu.memref_slice %arg6[%select_n3A, %dma_start3A_487, %mul3A_32] : memref<4x3x4096xf32, #tpu.memory_space<hbm>> -> memref<1x3x512xf32, #tpu.memory_space<hbm>>
      %dma_start3A_489 = tpu.memref_squeeze %dma_start3A_488 : memref<1x3x512xf32, #tpu.memory_space<hbm>> -> memref<3x512xf32, #tpu.memory_space<hbm>>
      %dma_start3A_490 = arith.constant 0 : i32
      %dma_start3A_491 = tpu.memref_slice %arg6[%select_n3A, %dma_start3A_490, %mul3A_32] : memref<4x3x4096xf32, #tpu.memory_space<hbm>> -> memref<1x3x512xf32, #tpu.memory_space<hbm>>
      %dma_start3A_492 = tpu.memref_squeeze %dma_start3A_491 : memref<1x3x512xf32, #tpu.memory_space<hbm>> -> memref<3x512xf32, #tpu.memory_space<hbm>>
      tpu.enqueue_dma source(%arg16 : memref<3x512xf32, #tpu.memory_space<vmem>>) target(%dma_start3A_492 : memref<3x512xf32, #tpu.memory_space<hbm>>) target_semaphore(%run_scoped3A : memref<!tpu.dma_semaphore, #tpu.memory_space<semaphore_mem>>)
      %dma_wait3A = arith.constant 0 : i32
      %dma_wait3A_493 = tpu.memref_slice %arg6[%select_n3A, %dma_wait3A, %mul3A_32] : memref<4x3x4096xf32, #tpu.memory_space<hbm>> -> memref<1x3x512xf32, #tpu.memory_space<hbm>>
      %dma_wait3A_494 = tpu.memref_squeeze %dma_wait3A_493 : memref<1x3x512xf32, #tpu.memory_space<hbm>> -> memref<3x512xf32, #tpu.memory_space<hbm>>
      %dma_wait3A_495 = arith.constant 0 : i32
      %dma_wait3A_496 = tpu.memref_slice %arg6[%select_n3A, %dma_wait3A_495, %mul3A_32] : memref<4x3x4096xf32, #tpu.memory_space<hbm>> -> memref<1x3x512xf32, #tpu.memory_space<hbm>>
      %dma_wait3A_497 = tpu.memref_squeeze %dma_wait3A_496 : memref<1x3x512xf32, #tpu.memory_space<hbm>> -> memref<3x512xf32, #tpu.memory_space<hbm>>
      tpu.wait_dma2 semaphore(%run_scoped3A : memref<!tpu.dma_semaphore, #tpu.memory_space<semaphore_mem>>) src(%arg16 : memref<3x512xf32, #tpu.memory_space<vmem>>) dst(%dma_wait3A_497 : memref<3x512xf32, #tpu.memory_space<hbm>>)
      tpu.yield
    }) : () -> ()
    "tpu.region"() ({
      %run_scoped3A = tpu.sem_alloc : memref<!tpu.dma_semaphore, #tpu.memory_space<semaphore_mem>>
      %dma_start3A_487 = arith.constant 0 : i32
      %dma_start3A_488 = tpu.memref_slice %arg7[%select_n3A, %dma_start3A_487, %mul3A_32] : memref<4x3x4096xf32, #tpu.memory_space<hbm>> -> memref<1x3x512xf32, #tpu.memory_space<hbm>>
      %dma_start3A_489 = tpu.memref_squeeze %dma_start3A_488 : memref<1x3x512xf32, #tpu.memory_space<hbm>> -> memref<3x512xf32, #tpu.memory_space<hbm>>
      %dma_start3A_490 = arith.constant 0 : i32
      %dma_start3A_491 = tpu.memref_slice %arg7[%select_n3A, %dma_start3A_490, %mul3A_32] : memref<4x3x4096xf32, #tpu.memory_space<hbm>> -> memref<1x3x512xf32, #tpu.memory_space<hbm>>
      %dma_start3A_492 = tpu.memref_squeeze %dma_start3A_491 : memref<1x3x512xf32, #tpu.memory_space<hbm>> -> memref<3x512xf32, #tpu.memory_space<hbm>>
      tpu.enqueue_dma source(%arg17 : memref<3x512xf32, #tpu.memory_space<vmem>>) target(%dma_start3A_492 : memref<3x512xf32, #tpu.memory_space<hbm>>) target_semaphore(%run_scoped3A : memref<!tpu.dma_semaphore, #tpu.memory_space<semaphore_mem>>)
      %dma_wait3A = arith.constant 0 : i32
      %dma_wait3A_493 = tpu.memref_slice %arg7[%select_n3A, %dma_wait3A, %mul3A_32] : memref<4x3x4096xf32, #tpu.memory_space<hbm>> -> memref<1x3x512xf32, #tpu.memory_space<hbm>>
      %dma_wait3A_494 = tpu.memref_squeeze %dma_wait3A_493 : memref<1x3x512xf32, #tpu.memory_space<hbm>> -> memref<3x512xf32, #tpu.memory_space<hbm>>
      %dma_wait3A_495 = arith.constant 0 : i32
      %dma_wait3A_496 = tpu.memref_slice %arg7[%select_n3A, %dma_wait3A_495, %mul3A_32] : memref<4x3x4096xf32, #tpu.memory_space<hbm>> -> memref<1x3x512xf32, #tpu.memory_space<hbm>>
      %dma_wait3A_497 = tpu.memref_squeeze %dma_wait3A_496 : memref<1x3x512xf32, #tpu.memory_space<hbm>> -> memref<3x512xf32, #tpu.memory_space<hbm>>
      tpu.wait_dma2 semaphore(%run_scoped3A : memref<!tpu.dma_semaphore, #tpu.memory_space<semaphore_mem>>) src(%arg17 : memref<3x512xf32, #tpu.memory_space<vmem>>) dst(%dma_wait3A_497 : memref<3x512xf32, #tpu.memory_space<hbm>>)
      tpu.yield
    }) : () -> ()
    "tpu.region"() ({
      %run_scoped3A = tpu.sem_alloc : memref<!tpu.dma_semaphore, #tpu.memory_space<semaphore_mem>>
      %dma_start3A_487 = arith.constant 0 : i32
      %dma_start3A_488 = tpu.memref_slice %arg8[%select_n3A, %dma_start3A_487, %mul3A_32] : memref<4x3x4096xf32, #tpu.memory_space<hbm>> -> memref<1x3x512xf32, #tpu.memory_space<hbm>>
      %dma_start3A_489 = tpu.memref_squeeze %dma_start3A_488 : memref<1x3x512xf32, #tpu.memory_space<hbm>> -> memref<3x512xf32, #tpu.memory_space<hbm>>
      %dma_start3A_490 = arith.constant 0 : i32
      %dma_start3A_491 = tpu.memref_slice %arg8[%select_n3A, %dma_start3A_490, %mul3A_32] : memref<4x3x4096xf32, #tpu.memory_space<hbm>> -> memref<1x3x512xf32, #tpu.memory_space<hbm>>
      %dma_start3A_492 = tpu.memref_squeeze %dma_start3A_491 : memref<1x3x512xf32, #tpu.memory_space<hbm>> -> memref<3x512xf32, #tpu.memory_space<hbm>>
      tpu.enqueue_dma source(%arg18 : memref<3x512xf32, #tpu.memory_space<vmem>>) target(%dma_start3A_492 : memref<3x512xf32, #tpu.memory_space<hbm>>) target_semaphore(%run_scoped3A : memref<!tpu.dma_semaphore, #tpu.memory_space<semaphore_mem>>)
      %dma_wait3A = arith.constant 0 : i32
      %dma_wait3A_493 = tpu.memref_slice %arg8[%select_n3A, %dma_wait3A, %mul3A_32] : memref<4x3x4096xf32, #tpu.memory_space<hbm>> -> memref<1x3x512xf32, #tpu.memory_space<hbm>>
      %dma_wait3A_494 = tpu.memref_squeeze %dma_wait3A_493 : memref<1x3x512xf32, #tpu.memory_space<hbm>> -> memref<3x512xf32, #tpu.memory_space<hbm>>
      %dma_wait3A_495 = arith.constant 0 : i32
      %dma_wait3A_496 = tpu.memref_slice %arg8[%select_n3A, %dma_wait3A_495, %mul3A_32] : memref<4x3x4096xf32, #tpu.memory_space<hbm>> -> memref<1x3x512xf32, #tpu.memory_space<hbm>>
      %dma_wait3A_497 = tpu.memref_squeeze %dma_wait3A_496 : memref<1x3x512xf32, #tpu.memory_space<hbm>> -> memref<3x512xf32, #tpu.memory_space<hbm>>
      tpu.wait_dma2 semaphore(%run_scoped3A : memref<!tpu.dma_semaphore, #tpu.memory_space<semaphore_mem>>) src(%arg18 : memref<3x512xf32, #tpu.memory_space<vmem>>) dst(%dma_wait3A_497 : memref<3x512xf32, #tpu.memory_space<hbm>>)
      tpu.yield
    }) : () -> ()
    return
  }
}

#map = affine_map<(d0, d1) -> (0, 0, 0)>
module attributes {stable_mosaic.version = 14 : i64} {
  func.func @_uniform_body(%arg0: i32, %arg1: i32, %arg2: memref<4x9x4096xf32, #tpu.memory_space<hbm>>, %arg3: memref<4x9x4096xf32, #tpu.memory_space<hbm>>, %arg4: memref<4x3x4096xf32, #tpu.memory_space<hbm>>, %arg5: memref<4x3x4096xf32, #tpu.memory_space<hbm>>, %arg6: memref<4x3x4096xf32, #tpu.memory_space<hbm>>, %arg7: memref<512xf32, #tpu.memory_space<vmem>>, %arg8: memref<512xf32, #tpu.memory_space<vmem>>, %arg9: memref<3x512xf32, #tpu.memory_space<vmem>>, %arg10: memref<3x512xf32, #tpu.memory_space<vmem>>, %arg11: memref<3x512xf32, #tpu.memory_space<vmem>>) attributes {dimension_semantics = [#tpu.dimension_semantics<core_parallel>, #tpu.dimension_semantics<subcore_parallel>], iteration_bounds = array<i64: 2, 16>, scalar_prefetch = 0 : i64, scratch_operands = 5 : i64, tpu.core_type = #tpu.core_type<sc_vector_subcore>, window_params = [{transform_indices = #map}, {transform_indices = #map}, {transform_indices = #map}, {transform_indices = #map}, {transform_indices = #map}]} {
    %mul3A = arith.constant 2 : i32
    %mul3A_0 = arith.muli %arg1, %mul3A : i32
    %add3A = arith.addi %mul3A_0, %arg0 : i32
    %jit3A = arith.constant 8 : i32
    %div3A = arith.divsi %add3A, %jit3A : i32
    %sign3A = arith.constant 0 : i32
    %sign3A_1 = arith.cmpi sgt, %add3A, %sign3A : i32
    %sign3A_2 = arith.extui %sign3A_1 : i1 to i32
    %sign3A_3 = arith.constant 0 : i32
    %sign3A_4 = arith.cmpi slt, %add3A, %sign3A_3 : i32
    %sign3A_5 = arith.extui %sign3A_4 : i1 to i32
    %sign3A_6 = arith.subi %sign3A_2, %sign3A_5 : i32
    %sign3A_7 = arith.constant 0 : i32
    %sign3A_8 = arith.cmpi sgt, %jit3A, %sign3A_7 : i32
    %sign3A_9 = arith.extui %sign3A_8 : i1 to i32
    %sign3A_10 = arith.constant 0 : i32
    %sign3A_11 = arith.cmpi slt, %jit3A, %sign3A_10 : i32
    %sign3A_12 = arith.extui %sign3A_11 : i1 to i32
    %sign3A_13 = arith.subi %sign3A_9, %sign3A_12 : i32
    %ne3A = arith.cmpi ne, %sign3A_6, %sign3A_13 : i32
    %rem3A = arith.remsi %add3A, %jit3A : i32
    %ne3A_14 = arith.constant 0 : i32
    %ne3A_15 = arith.cmpi ne, %rem3A, %ne3A_14 : i32
    %and3A = arith.andi %ne3A, %ne3A_15 : i1
    %sub3A = arith.constant 1 : i32
    %sub3A_16 = arith.subi %div3A, %sub3A : i32
    %select_n3A = arith.select %and3A, %sub3A_16, %div3A : i32
    %jit3A_17 = arith.constant 8 : i32
    %eq3A = arith.constant 0 : i32
    %eq3A_18 = arith.cmpi eq, %jit3A_17, %eq3A : i32
    %jit3A_19 = arith.constant 1 : i32
    %select_n3A_20 = arith.select %eq3A_18, %jit3A_19, %jit3A_17 : i32
    %rem3A_21 = arith.remsi %add3A, %select_n3A_20 : i32
    %ne3A_22 = arith.constant 0 : i32
    %ne3A_23 = arith.cmpi ne, %rem3A_21, %ne3A_22 : i32
    %lt3A = arith.constant 0 : i32
    %lt3A_24 = arith.cmpi slt, %rem3A_21, %lt3A : i32
    %lt3A_25 = arith.constant 0 : i32
    %lt3A_26 = arith.cmpi slt, %select_n3A_20, %lt3A_25 : i32
    %ne3A_27 = arith.xori %lt3A_24, %lt3A_26 : i1
    %and3A_28 = arith.andi %ne3A_27, %ne3A_23 : i1
    %add3A_29 = arith.addi %rem3A_21, %select_n3A_20 : i32
    %select_n3A_30 = arith.select %and3A_28, %add3A_29, %rem3A_21 : i32
    %mul3A_31 = arith.constant 512 : i32
    %mul3A_32 = arith.muli %select_n3A_30, %mul3A_31 : i32
    %run_scoped3A = arith.constant 0 : i32
    "tpu.region"() ({
      %run_scoped3A_45 = tpu.sem_alloc : memref<!tpu.dma_semaphore, #tpu.memory_space<semaphore_mem>>
      %dma_start3A = tpu.memref_slice %arg2[%select_n3A, %run_scoped3A, %mul3A_32] : memref<4x9x4096xf32, #tpu.memory_space<hbm>> -> memref<1x1x512xf32, #tpu.memory_space<hbm>>
      %dma_start3A_46 = tpu.memref_squeeze %dma_start3A : memref<1x1x512xf32, #tpu.memory_space<hbm>> -> memref<512xf32, #tpu.memory_space<hbm>>
      %dma_start3A_47 = tpu.memref_slice %arg2[%select_n3A, %run_scoped3A, %mul3A_32] : memref<4x9x4096xf32, #tpu.memory_space<hbm>> -> memref<1x1x512xf32, #tpu.memory_space<hbm>>
      %dma_start3A_48 = tpu.memref_squeeze %dma_start3A_47 : memref<1x1x512xf32, #tpu.memory_space<hbm>> -> memref<512xf32, #tpu.memory_space<hbm>>
      tpu.enqueue_dma source(%dma_start3A_48 : memref<512xf32, #tpu.memory_space<hbm>>) target(%arg7 : memref<512xf32, #tpu.memory_space<vmem>>) target_semaphore(%run_scoped3A_45 : memref<!tpu.dma_semaphore, #tpu.memory_space<semaphore_mem>>)
      %dma_wait3A = tpu.memref_slice %arg2[%select_n3A, %run_scoped3A, %mul3A_32] : memref<4x9x4096xf32, #tpu.memory_space<hbm>> -> memref<1x1x512xf32, #tpu.memory_space<hbm>>
      %dma_wait3A_49 = tpu.memref_squeeze %dma_wait3A : memref<1x1x512xf32, #tpu.memory_space<hbm>> -> memref<512xf32, #tpu.memory_space<hbm>>
      %dma_wait3A_50 = tpu.memref_slice %arg2[%select_n3A, %run_scoped3A, %mul3A_32] : memref<4x9x4096xf32, #tpu.memory_space<hbm>> -> memref<1x1x512xf32, #tpu.memory_space<hbm>>
      %dma_wait3A_51 = tpu.memref_squeeze %dma_wait3A_50 : memref<1x1x512xf32, #tpu.memory_space<hbm>> -> memref<512xf32, #tpu.memory_space<hbm>>
      tpu.wait_dma2 semaphore(%run_scoped3A_45 : memref<!tpu.dma_semaphore, #tpu.memory_space<semaphore_mem>>) src(%dma_wait3A_51 : memref<512xf32, #tpu.memory_space<hbm>>) dst(%arg7 : memref<512xf32, #tpu.memory_space<vmem>>)
      tpu.yield
    }) : () -> ()
    %run_scoped3A_33 = arith.constant 0 : i32
    "tpu.region"() ({
      %run_scoped3A_45 = tpu.sem_alloc : memref<!tpu.dma_semaphore, #tpu.memory_space<semaphore_mem>>
      %dma_start3A = tpu.memref_slice %arg3[%select_n3A, %run_scoped3A_33, %mul3A_32] : memref<4x9x4096xf32, #tpu.memory_space<hbm>> -> memref<1x1x512xf32, #tpu.memory_space<hbm>>
      %dma_start3A_46 = tpu.memref_squeeze %dma_start3A : memref<1x1x512xf32, #tpu.memory_space<hbm>> -> memref<512xf32, #tpu.memory_space<hbm>>
      %dma_start3A_47 = tpu.memref_slice %arg3[%select_n3A, %run_scoped3A_33, %mul3A_32] : memref<4x9x4096xf32, #tpu.memory_space<hbm>> -> memref<1x1x512xf32, #tpu.memory_space<hbm>>
      %dma_start3A_48 = tpu.memref_squeeze %dma_start3A_47 : memref<1x1x512xf32, #tpu.memory_space<hbm>> -> memref<512xf32, #tpu.memory_space<hbm>>
      tpu.enqueue_dma source(%dma_start3A_48 : memref<512xf32, #tpu.memory_space<hbm>>) target(%arg8 : memref<512xf32, #tpu.memory_space<vmem>>) target_semaphore(%run_scoped3A_45 : memref<!tpu.dma_semaphore, #tpu.memory_space<semaphore_mem>>)
      %dma_wait3A = tpu.memref_slice %arg3[%select_n3A, %run_scoped3A_33, %mul3A_32] : memref<4x9x4096xf32, #tpu.memory_space<hbm>> -> memref<1x1x512xf32, #tpu.memory_space<hbm>>
      %dma_wait3A_49 = tpu.memref_squeeze %dma_wait3A : memref<1x1x512xf32, #tpu.memory_space<hbm>> -> memref<512xf32, #tpu.memory_space<hbm>>
      %dma_wait3A_50 = tpu.memref_slice %arg3[%select_n3A, %run_scoped3A_33, %mul3A_32] : memref<4x9x4096xf32, #tpu.memory_space<hbm>> -> memref<1x1x512xf32, #tpu.memory_space<hbm>>
      %dma_wait3A_51 = tpu.memref_squeeze %dma_wait3A_50 : memref<1x1x512xf32, #tpu.memory_space<hbm>> -> memref<512xf32, #tpu.memory_space<hbm>>
      tpu.wait_dma2 semaphore(%run_scoped3A_45 : memref<!tpu.dma_semaphore, #tpu.memory_space<semaphore_mem>>) src(%dma_wait3A_51 : memref<512xf32, #tpu.memory_space<hbm>>) dst(%arg8 : memref<512xf32, #tpu.memory_space<vmem>>)
      tpu.yield
    }) : () -> ()
    %iota3A = tpu.iota {dimensions = array<i32: 0>} : vector<16xi32>
    %broadcast_in_dim3A = arith.constant 1.000000e+00 : f32
    %broadcast_in_dim3A_34 = vector.broadcast %broadcast_in_dim3A : f32 to vector<16xf32>
    %div3A_35 = arith.constant 9.000000e+00 : f32
    %div3A_36 = vector.broadcast %div3A_35 : f32 to vector<16xf32>
    %div3A_37 = arith.divf %broadcast_in_dim3A_34, %div3A_36 : vector<16xf32>
    %scan3A = arith.constant 6.400000e+01 : f32
    %scan3A_38 = arith.constant 0 : i32
    %scan3A_39 = arith.constant 0 : i32
    %scan3A_40 = arith.constant 32 : i32
    %scan3A_41 = arith.addi %scan3A_39, %scan3A_40 : i32
    %scan3A_42 = arith.constant 1 : i32
    %scan3A_43 = scf.for %scan3A_45 = %scan3A_39 to %scan3A_41 step %scan3A_42 iter_args(%scan3A_46 = %scan3A_38) -> (i32)  : i32 {
      %mul3A_47 = arith.constant 16 : i32
      %mul3A_48 = arith.muli %scan3A_45, %mul3A_47 : i32
      %add3A_49 = arith.addi %mul3A_32, %mul3A_48 : i32
      %add3A_50 = vector.broadcast %add3A_49 : i32 to vector<16xi32>
      %add3A_51 = arith.addi %add3A_50, %iota3A : vector<16xi32>
      %shift_right_arithmetic3A = arith.constant 6 : i32
      %shift_right_arithmetic3A_52 = vector.broadcast %shift_right_arithmetic3A : i32 to vector<16xi32>
      %shift_right_arithmetic3A_53 = arith.shrsi %add3A_51, %shift_right_arithmetic3A_52 : vector<16xi32>
      %and3A_54 = arith.constant 63 : i32
      %and3A_55 = vector.broadcast %and3A_54 : i32 to vector<16xi32>
      %and3A_56 = arith.andi %add3A_51, %and3A_55 : vector<16xi32>
      %mul3A_57 = arith.constant 16 : i32
      %mul3A_58 = arith.muli %scan3A_45, %mul3A_57 : i32
      %get3A = arith.index_cast %mul3A_58 : i32 to index
      %get3A_59 = tpu.vector_load %arg7[%get3A] {strides = array<i32>} : memref<512xf32, #tpu.memory_space<vmem>>, vector<16xf32>,
      %mul3A_60 = arith.constant 16 : i32
      %mul3A_61 = arith.muli %scan3A_45, %mul3A_60 : i32
      %get3A_62 = arith.index_cast %mul3A_61 : i32 to index
      %get3A_63 = tpu.vector_load %arg8[%get3A_62] {strides = array<i32>} : memref<512xf32, #tpu.memory_space<vmem>>, vector<16xf32>,
      %convert_element_type3A = arith.sitofp %shift_right_arithmetic3A_53 : vector<16xi32> to vector<16xf32>
      %add3A_64 = arith.addf %get3A_63, %convert_element_type3A : vector<16xf32>
      %mul3A_65 = vector.broadcast %scan3A : f32 to vector<16xf32>
      %mul3A_66 = arith.mulf %add3A_64, %mul3A_65 : vector<16xf32>
      %convert_element_type3A_67 = arith.sitofp %and3A_56 : vector<16xi32> to vector<16xf32>
      %add3A_68 = arith.addf %get3A_59, %convert_element_type3A_67 : vector<16xf32>
      %add3A_69 = arith.addf %mul3A_66, %add3A_68 : vector<16xf32>
      %convert_element_type3A_70 = arith.fptosi %add3A_69 : vector<16xf32> to vector<16xi32>
      %and3A_71 = arith.constant 63 : i32
      %and3A_72 = vector.broadcast %and3A_71 : i32 to vector<16xi32>
      %and3A_73 = arith.andi %convert_element_type3A_70, %and3A_72 : vector<16xi32>
      %sub3A_74 = arith.subi %and3A_73, %and3A_56 : vector<16xi32>
      %convert_element_type3A_75 = arith.sitofp %sub3A_74 : vector<16xi32> to vector<16xf32>
      %shift_right_arithmetic3A_76 = arith.constant 6 : i32
      %shift_right_arithmetic3A_77 = vector.broadcast %shift_right_arithmetic3A_76 : i32 to vector<16xi32>
      %shift_right_arithmetic3A_78 = arith.shrsi %convert_element_type3A_70, %shift_right_arithmetic3A_77 : vector<16xi32>
      %sub3A_79 = arith.subi %shift_right_arithmetic3A_78, %shift_right_arithmetic3A_53 : vector<16xi32>
      %convert_element_type3A_80 = arith.sitofp %sub3A_79 : vector<16xi32> to vector<16xf32>
      %mul3A_81 = arith.constant 16 : i32
      %mul3A_82 = arith.muli %scan3A_45, %mul3A_81 : i32
      %swap3A = arith.constant 0 : i32
      %swap3A_83 = arith.index_cast %swap3A : i32 to index
      %swap3A_84 = arith.index_cast %mul3A_82 : i32 to index
      %swap3A_85 = tpu.vector_load %arg9[%swap3A_83, %swap3A_84] {strides = array<i32>} : memref<3x512xf32, #tpu.memory_space<vmem>>, vector<16xf32>,
      tpu.vector_store %arg9[%swap3A_83, %swap3A_84], %convert_element_type3A_75 {strides = array<i32>} : memref<3x512xf32, #tpu.memory_space<vmem>>, vector<16xf32>,
      %mul3A_86 = arith.constant 16 : i32
      %mul3A_87 = arith.muli %scan3A_45, %mul3A_86 : i32
      %swap3A_88 = arith.constant 0 : i32
      %swap3A_89 = arith.index_cast %swap3A_88 : i32 to index
      %swap3A_90 = arith.index_cast %mul3A_87 : i32 to index
      %swap3A_91 = tpu.vector_load %arg10[%swap3A_89, %swap3A_90] {strides = array<i32>} : memref<3x512xf32, #tpu.memory_space<vmem>>, vector<16xf32>,
      tpu.vector_store %arg10[%swap3A_89, %swap3A_90], %convert_element_type3A_80 {strides = array<i32>} : memref<3x512xf32, #tpu.memory_space<vmem>>, vector<16xf32>,
      %mul3A_92 = arith.constant 16 : i32
      %mul3A_93 = arith.muli %scan3A_45, %mul3A_92 : i32
      %swap3A_94 = arith.constant 0 : i32
      %swap3A_95 = arith.index_cast %swap3A_94 : i32 to index
      %swap3A_96 = arith.index_cast %mul3A_93 : i32 to index
      %swap3A_97 = tpu.vector_load %arg11[%swap3A_95, %swap3A_96] {strides = array<i32>} : memref<3x512xf32, #tpu.memory_space<vmem>>, vector<16xf32>,
      tpu.vector_store %arg11[%swap3A_95, %swap3A_96], %div3A_37 {strides = array<i32>} : memref<3x512xf32, #tpu.memory_space<vmem>>, vector<16xf32>,
      %mul3A_98 = arith.constant 16 : i32
      %mul3A_99 = arith.muli %scan3A_45, %mul3A_98 : i32
      %swap3A_100 = arith.constant 1 : i32
      %swap3A_101 = arith.index_cast %swap3A_100 : i32 to index
      %swap3A_102 = arith.index_cast %mul3A_99 : i32 to index
      %swap3A_103 = tpu.vector_load %arg9[%swap3A_101, %swap3A_102] {strides = array<i32>} : memref<3x512xf32, #tpu.memory_space<vmem>>, vector<16xf32>,
      tpu.vector_store %arg9[%swap3A_101, %swap3A_102], %convert_element_type3A_75 {strides = array<i32>} : memref<3x512xf32, #tpu.memory_space<vmem>>, vector<16xf32>,
      %mul3A_104 = arith.constant 16 : i32
      %mul3A_105 = arith.muli %scan3A_45, %mul3A_104 : i32
      %swap3A_106 = arith.constant 1 : i32
      %swap3A_107 = arith.index_cast %swap3A_106 : i32 to index
      %swap3A_108 = arith.index_cast %mul3A_105 : i32 to index
      %swap3A_109 = tpu.vector_load %arg10[%swap3A_107, %swap3A_108] {strides = array<i32>} : memref<3x512xf32, #tpu.memory_space<vmem>>, vector<16xf32>,
      tpu.vector_store %arg10[%swap3A_107, %swap3A_108], %convert_element_type3A_80 {strides = array<i32>} : memref<3x512xf32, #tpu.memory_space<vmem>>, vector<16xf32>,
      %mul3A_110 = arith.constant 16 : i32
      %mul3A_111 = arith.muli %scan3A_45, %mul3A_110 : i32
      %swap3A_112 = arith.constant 1 : i32
      %swap3A_113 = arith.index_cast %swap3A_112 : i32 to index
      %swap3A_114 = arith.index_cast %mul3A_111 : i32 to index
      %swap3A_115 = tpu.vector_load %arg11[%swap3A_113, %swap3A_114] {strides = array<i32>} : memref<3x512xf32, #tpu.memory_space<vmem>>, vector<16xf32>,
      tpu.vector_store %arg11[%swap3A_113, %swap3A_114], %div3A_37 {strides = array<i32>} : memref<3x512xf32, #tpu.memory_space<vmem>>, vector<16xf32>,
      %mul3A_116 = arith.constant 16 : i32
      %mul3A_117 = arith.muli %scan3A_45, %mul3A_116 : i32
      %swap3A_118 = arith.constant 2 : i32
      %swap3A_119 = arith.index_cast %swap3A_118 : i32 to index
      %swap3A_120 = arith.index_cast %mul3A_117 : i32 to index
      %swap3A_121 = tpu.vector_load %arg9[%swap3A_119, %swap3A_120] {strides = array<i32>} : memref<3x512xf32, #tpu.memory_space<vmem>>, vector<16xf32>,
      tpu.vector_store %arg9[%swap3A_119, %swap3A_120], %convert_element_type3A_75 {strides = array<i32>} : memref<3x512xf32, #tpu.memory_space<vmem>>, vector<16xf32>,
      %mul3A_122 = arith.constant 16 : i32
      %mul3A_123 = arith.muli %scan3A_45, %mul3A_122 : i32
      %swap3A_124 = arith.constant 2 : i32
      %swap3A_125 = arith.index_cast %swap3A_124 : i32 to index
      %swap3A_126 = arith.index_cast %mul3A_123 : i32 to index
      %swap3A_127 = tpu.vector_load %arg10[%swap3A_125, %swap3A_126] {strides = array<i32>} : memref<3x512xf32, #tpu.memory_space<vmem>>, vector<16xf32>,
      tpu.vector_store %arg10[%swap3A_125, %swap3A_126], %convert_element_type3A_80 {strides = array<i32>} : memref<3x512xf32, #tpu.memory_space<vmem>>, vector<16xf32>,
      %mul3A_128 = arith.constant 16 : i32
      %mul3A_129 = arith.muli %scan3A_45, %mul3A_128 : i32
      %swap3A_130 = arith.constant 2 : i32
      %swap3A_131 = arith.index_cast %swap3A_130 : i32 to index
      %swap3A_132 = arith.index_cast %mul3A_129 : i32 to index
      %swap3A_133 = tpu.vector_load %arg11[%swap3A_131, %swap3A_132] {strides = array<i32>} : memref<3x512xf32, #tpu.memory_space<vmem>>, vector<16xf32>,
      tpu.vector_store %arg11[%swap3A_131, %swap3A_132], %div3A_37 {strides = array<i32>} : memref<3x512xf32, #tpu.memory_space<vmem>>, vector<16xf32>,
      %scan3A_134 = arith.constant 0 : i32
      scf.yield %scan3A_134 : i32
    }
    %scan3A_44 = arith.constant 32 : i32
    "tpu.region"() ({
      %run_scoped3A_45 = tpu.sem_alloc : memref<!tpu.dma_semaphore, #tpu.memory_space<semaphore_mem>>
      %dma_start3A = arith.constant 0 : i32
      %dma_start3A_46 = tpu.memref_slice %arg4[%select_n3A, %dma_start3A, %mul3A_32] : memref<4x3x4096xf32, #tpu.memory_space<hbm>> -> memref<1x3x512xf32, #tpu.memory_space<hbm>>
      %dma_start3A_47 = tpu.memref_squeeze %dma_start3A_46 : memref<1x3x512xf32, #tpu.memory_space<hbm>> -> memref<3x512xf32, #tpu.memory_space<hbm>>
      %dma_start3A_48 = arith.constant 0 : i32
      %dma_start3A_49 = tpu.memref_slice %arg4[%select_n3A, %dma_start3A_48, %mul3A_32] : memref<4x3x4096xf32, #tpu.memory_space<hbm>> -> memref<1x3x512xf32, #tpu.memory_space<hbm>>
      %dma_start3A_50 = tpu.memref_squeeze %dma_start3A_49 : memref<1x3x512xf32, #tpu.memory_space<hbm>> -> memref<3x512xf32, #tpu.memory_space<hbm>>
      tpu.enqueue_dma source(%arg9 : memref<3x512xf32, #tpu.memory_space<vmem>>) target(%dma_start3A_50 : memref<3x512xf32, #tpu.memory_space<hbm>>) target_semaphore(%run_scoped3A_45 : memref<!tpu.dma_semaphore, #tpu.memory_space<semaphore_mem>>)
      %dma_wait3A = arith.constant 0 : i32
      %dma_wait3A_51 = tpu.memref_slice %arg4[%select_n3A, %dma_wait3A, %mul3A_32] : memref<4x3x4096xf32, #tpu.memory_space<hbm>> -> memref<1x3x512xf32, #tpu.memory_space<hbm>>
      %dma_wait3A_52 = tpu.memref_squeeze %dma_wait3A_51 : memref<1x3x512xf32, #tpu.memory_space<hbm>> -> memref<3x512xf32, #tpu.memory_space<hbm>>
      %dma_wait3A_53 = arith.constant 0 : i32
      %dma_wait3A_54 = tpu.memref_slice %arg4[%select_n3A, %dma_wait3A_53, %mul3A_32] : memref<4x3x4096xf32, #tpu.memory_space<hbm>> -> memref<1x3x512xf32, #tpu.memory_space<hbm>>
      %dma_wait3A_55 = tpu.memref_squeeze %dma_wait3A_54 : memref<1x3x512xf32, #tpu.memory_space<hbm>> -> memref<3x512xf32, #tpu.memory_space<hbm>>
      tpu.wait_dma2 semaphore(%run_scoped3A_45 : memref<!tpu.dma_semaphore, #tpu.memory_space<semaphore_mem>>) src(%arg9 : memref<3x512xf32, #tpu.memory_space<vmem>>) dst(%dma_wait3A_55 : memref<3x512xf32, #tpu.memory_space<hbm>>)
      tpu.yield
    }) : () -> ()
    "tpu.region"() ({
      %run_scoped3A_45 = tpu.sem_alloc : memref<!tpu.dma_semaphore, #tpu.memory_space<semaphore_mem>>
      %dma_start3A = arith.constant 0 : i32
      %dma_start3A_46 = tpu.memref_slice %arg5[%select_n3A, %dma_start3A, %mul3A_32] : memref<4x3x4096xf32, #tpu.memory_space<hbm>> -> memref<1x3x512xf32, #tpu.memory_space<hbm>>
      %dma_start3A_47 = tpu.memref_squeeze %dma_start3A_46 : memref<1x3x512xf32, #tpu.memory_space<hbm>> -> memref<3x512xf32, #tpu.memory_space<hbm>>
      %dma_start3A_48 = arith.constant 0 : i32
      %dma_start3A_49 = tpu.memref_slice %arg5[%select_n3A, %dma_start3A_48, %mul3A_32] : memref<4x3x4096xf32, #tpu.memory_space<hbm>> -> memref<1x3x512xf32, #tpu.memory_space<hbm>>
      %dma_start3A_50 = tpu.memref_squeeze %dma_start3A_49 : memref<1x3x512xf32, #tpu.memory_space<hbm>> -> memref<3x512xf32, #tpu.memory_space<hbm>>
      tpu.enqueue_dma source(%arg10 : memref<3x512xf32, #tpu.memory_space<vmem>>) target(%dma_start3A_50 : memref<3x512xf32, #tpu.memory_space<hbm>>) target_semaphore(%run_scoped3A_45 : memref<!tpu.dma_semaphore, #tpu.memory_space<semaphore_mem>>)
      %dma_wait3A = arith.constant 0 : i32
      %dma_wait3A_51 = tpu.memref_slice %arg5[%select_n3A, %dma_wait3A, %mul3A_32] : memref<4x3x4096xf32, #tpu.memory_space<hbm>> -> memref<1x3x512xf32, #tpu.memory_space<hbm>>
      %dma_wait3A_52 = tpu.memref_squeeze %dma_wait3A_51 : memref<1x3x512xf32, #tpu.memory_space<hbm>> -> memref<3x512xf32, #tpu.memory_space<hbm>>
      %dma_wait3A_53 = arith.constant 0 : i32
      %dma_wait3A_54 = tpu.memref_slice %arg5[%select_n3A, %dma_wait3A_53, %mul3A_32] : memref<4x3x4096xf32, #tpu.memory_space<hbm>> -> memref<1x3x512xf32, #tpu.memory_space<hbm>>
      %dma_wait3A_55 = tpu.memref_squeeze %dma_wait3A_54 : memref<1x3x512xf32, #tpu.memory_space<hbm>> -> memref<3x512xf32, #tpu.memory_space<hbm>>
      tpu.wait_dma2 semaphore(%run_scoped3A_45 : memref<!tpu.dma_semaphore, #tpu.memory_space<semaphore_mem>>) src(%arg10 : memref<3x512xf32, #tpu.memory_space<vmem>>) dst(%dma_wait3A_55 : memref<3x512xf32, #tpu.memory_space<hbm>>)
      tpu.yield
    }) : () -> ()
    "tpu.region"() ({
      %run_scoped3A_45 = tpu.sem_alloc : memref<!tpu.dma_semaphore, #tpu.memory_space<semaphore_mem>>
      %dma_start3A = arith.constant 0 : i32
      %dma_start3A_46 = tpu.memref_slice %arg6[%select_n3A, %dma_start3A, %mul3A_32] : memref<4x3x4096xf32, #tpu.memory_space<hbm>> -> memref<1x3x512xf32, #tpu.memory_space<hbm>>
      %dma_start3A_47 = tpu.memref_squeeze %dma_start3A_46 : memref<1x3x512xf32, #tpu.memory_space<hbm>> -> memref<3x512xf32, #tpu.memory_space<hbm>>
      %dma_start3A_48 = arith.constant 0 : i32
      %dma_start3A_49 = tpu.memref_slice %arg6[%select_n3A, %dma_start3A_48, %mul3A_32] : memref<4x3x4096xf32, #tpu.memory_space<hbm>> -> memref<1x3x512xf32, #tpu.memory_space<hbm>>
      %dma_start3A_50 = tpu.memref_squeeze %dma_start3A_49 : memref<1x3x512xf32, #tpu.memory_space<hbm>> -> memref<3x512xf32, #tpu.memory_space<hbm>>
      tpu.enqueue_dma source(%arg11 : memref<3x512xf32, #tpu.memory_space<vmem>>) target(%dma_start3A_50 : memref<3x512xf32, #tpu.memory_space<hbm>>) target_semaphore(%run_scoped3A_45 : memref<!tpu.dma_semaphore, #tpu.memory_space<semaphore_mem>>)
      %dma_wait3A = arith.constant 0 : i32
      %dma_wait3A_51 = tpu.memref_slice %arg6[%select_n3A, %dma_wait3A, %mul3A_32] : memref<4x3x4096xf32, #tpu.memory_space<hbm>> -> memref<1x3x512xf32, #tpu.memory_space<hbm>>
      %dma_wait3A_52 = tpu.memref_squeeze %dma_wait3A_51 : memref<1x3x512xf32, #tpu.memory_space<hbm>> -> memref<3x512xf32, #tpu.memory_space<hbm>>
      %dma_wait3A_53 = arith.constant 0 : i32
      %dma_wait3A_54 = tpu.memref_slice %arg6[%select_n3A, %dma_wait3A_53, %mul3A_32] : memref<4x3x4096xf32, #tpu.memory_space<hbm>> -> memref<1x3x512xf32, #tpu.memory_space<hbm>>
      %dma_wait3A_55 = tpu.memref_squeeze %dma_wait3A_54 : memref<1x3x512xf32, #tpu.memory_space<hbm>> -> memref<3x512xf32, #tpu.memory_space<hbm>>
      tpu.wait_dma2 semaphore(%run_scoped3A_45 : memref<!tpu.dma_semaphore, #tpu.memory_space<semaphore_mem>>) src(%arg11 : memref<3x512xf32, #tpu.memory_space<vmem>>) dst(%dma_wait3A_55 : memref<3x512xf32, #tpu.memory_space<hbm>>)
      tpu.yield
    }) : () -> ()
    return
  }
}

</mosaic_0001>

<sc_bundles>
// kernel: branch_0_fun.3.cloned.1.call-start
scs
__scs_entry_jumppad:
0x0: {  	(pc) =	sbr.rel $0x88, $3  }
0x1: {  	(tag) =	ssettag $0x0;
	lr =	simm.s32 $0x1  }
0x2: {  	[smem:$0x3F9D] =	sst lr;
	_ =	strace $0xD0000000  }
0x3: {  	_ = 	snop  }
0x4: {  	_ = 	snop  }
0x5: {  	_ = 	snop  }
0x6: {  	_ = 	snop  }
0x7: {  	_ = 	snop  }
__scs_overlays_trampoline_lowered:
0x8: {  	[smem:$0x3FAC] =	sst s0  }
0x9: {  	[smem:$0x3FAD] =	sst s1  }
0xa: {  	[smem:$0x3FAE] =	sst s2  }
0xb: {  	[smem:$0x3FAF] =	sst s3  }
0xc: {  	[smem:$0x3FB0] =	sst s4  }
0xd: {  	[smem:$0x3FB1] =	sst s5  }
0xe: {  	[smem:$0x3FB2] =	sst s6  }
0xf: {  	[smem:$0x3FB3] =	sst s7  }
0x10: {  	[smem:$0x3FB4] =	sst s8  }
0x11: {  	[smem:$0x3FB5] =	sst s9;
	s0 =	simm.s32 @!p0 $0x0  }
0x12: {  	s1 =	sld [smem:$0x3F9B];
	s0 =	simm.s32 @p0 $0x1  }
0x13: {  	[smem:$0x3FB6] =	sst s0;
	s0 =	simm.s32 @!p1 $0x0  }
0x14: {  	s2 =	sld [smem:$0x3F9A];
	s0 =	simm.s32 @p1 $0x1  }
0x15: {  	[smem:$0x3FB7] =	sst s0;
	s0 =	simm.s32 @!p2 $0x0  }
0x16: {  	s3 =	sld [smem:$0x3FDB];
	s0 =	simm.s32 @p2 $0x1  }
0x17: {  	s4 =	simm.s32 $0x1BF5;
	[smem:$0x3FB9] =	sst s0  }
0x18: {  	s0 =	sld [smem:$0x3F9C];
	_ =	swait.ge [sflag:s4], $0x0  }
0x19: {  	s7 =	sld [smem:$0x3F9D]  }
0x1a: {  	s8 =	sadd.s32 $0xFFFFE003, lr  }
0x1b: {  	s9 =	sadd.s32 $0xFFFFFEF7, lr;
	s5 =	simm.s32 $0xFFFFFFFF;
	p2 =	slt.u32 s8, $0xFFFFF086  }
0x1c: {  	p1 =	slt.u32 s9, $0xF7A;
	s5 =	simm.s32 @!p2 $0x0  }
0x1d: {  	s5 =	simm.s32 @p1 $0x1;
	p0 =	seq.s32 s7, s2  }
0x1e: {  	s7 =	smul.u32 @!p0 $0xF7A, s2;
	p2 =	seq.s32 @!p0 s5, $0x0  }
0x1f: {  	s9 =	smul.u32 $0xF7A, s1;
	s8 =	simm.s32 @!p0 $0x1BF5;
	p2 =	por !p2, p0  }
0x20: {  	[sflag:s8] =	ssyncset.s32 @!p0 $0xFFFFF086;
	s6 =	sadd.s32 @!p0 s3, s7;
	s7 =	simm.s32 @!p0 $0x108  }
0x21: {  	s3 =	sadd.s32 s3, s9;
	s6 =	sadd.s32 @!p0 $0x88, s6;
	s7 =	simm.s32 @p2 $0x1082  }
0x22: {  	[simem:s7], [sflag:s8] =	dma.local @!p0 [hbm:s6], $0xF7A  }
0x23: {  	s9 =	sor.u32 $0xD0000000, s2;
	s6 =	simm.s32 $0x108;
	_ =	swait.ge @!p0 [sflag:s8], $0x0  }
0x24: {  	s3 =	sadd.s32 $0x88, s3;
	s6 =	simm.s32 @!p1 $0x1082;
	[sflag:s4] =	ssyncset.s32 $0xFFFFF086  }
0x25: {  	[simem:s6], [sflag:s4] =	dma.local [hbm:s3], $0xF7A  }
0x26: {  	[smem:$0x3F9D] =	sst s1;
	(tag) =	ssettag s2;
	_ =	strace s9  }
0x27: {  	s1 =	sld [smem:$0x3FAD]  }
0x28: {  	s2 =	sld [smem:$0x3FAE]  }
0x29: {  	s4 =	sld [smem:$0x3FB0]  }
0x2a: {  	p0 =	seq.s32 s5, $0x0;
	s5 =	sld [smem:$0x3FB1]  }
0x2b: {  	s6 =	sld [smem:$0x3FB2]  }
0x2c: {  	s7 =	sld [smem:$0x3FB3]  }
0x2d: {  	s3 =	simm.s32 $0x108;
	s8 =	sld [smem:$0x3FB4]  }
0x2e: {  	s3 =	simm.s32 @!p0 $0x1082;
	s9 =	sld [smem:$0x3FB5]  }
0x2f: {  	lr =	sadd.s32 s0, s3;
	s0 =	sld [smem:$0x3FAC]  }
0x30: {  	s3 =	sld [smem:$0x3FAF]  }
0x31: {  	[smem:$0x3FB8] =	sst s10  }
0x32: {  	s10 =	sld [smem:$0x3FB6];
	_ =	sdelay $0x3  }
0x33: {  	p0 =	seq.s32 s10, $0x1;
	s10 =	sld [smem:$0x3FB8];
	_ =	sdelay $0x3  }
0x34: {  	[smem:$0x3FB8] =	sst s10  }
0x35: {  	s10 =	sld [smem:$0x3FB7];
	_ =	sdelay $0x3  }
0x36: {  	p1 =	seq.s32 s10, $0x1;
	s10 =	sld [smem:$0x3FB8];
	_ =	sdelay $0x3  }
0x37: {  	[smem:$0x3FB8] =	sst s10  }
0x38: {  	s10 =	sld [smem:$0x3FB9]  }
0x39: {  	_ = 	snop;
	(pc) =	sbr.ind lr, $3  }
0x3a: {  	_ = 	snop  }
0x3b: {  	_ = 	snop  }
0x3c: {  	p2 =	seq.s32 s10, $0x1;
	s10 =	sld [smem:$0x3FB8]  }
0x3d: {  	_ =	shalt  }
0x3e: {  	_ =	shalt  }
0x3f: {  	_ =	shalt  }
0x40: {  	_ =	shalt  }
0x41: {  	_ =	shalt  }
0x42: {  	_ =	shalt  }
0x43: {  	_ =	shalt  }
0x44: {  	_ =	shalt  }
0x45: {  	_ =	shalt  }
0x46: {  	_ =	shalt  }
0x47: {  	_ =	shalt  }
0x48: {  	_ =	shalt  }
0x49: {  	_ =	shalt  }
0x4a: {  	_ =	shalt  }
0x4b: {  	_ =	shalt  }
0x4c: {  	_ =	shalt  }
0x4d: {  	_ =	shalt  }
0x4e: {  	_ =	shalt  }
0x4f: {  	_ =	shalt  }
0x50: {  	_ =	shalt  }
0x51: {  	_ =	shalt  }
0x52: {  	_ =	shalt  }
0x53: {  	_ =	shalt  }
0x54: {  	_ =	shalt  }
0x55: {  	_ =	shalt  }
0x56: {  	_ =	shalt  }
0x57: {  	_ =	shalt  }
0x58: {  	_ =	shalt  }
0x59: {  	_ =	shalt  }
0x5a: {  	_ =	shalt  }
0x5b: {  	_ =	shalt  }
0x5c: {  	_ =	shalt  }
0x5d: {  	_ =	shalt  }
0x5e: {  	_ =	shalt  }
0x5f: {  	_ =	shalt  }
0x60: {  	_ =	shalt  }
0x61: {  	_ =	shalt  }
0x62: {  	_ =	shalt  }
0x63: {  	_ =	shalt  }
0x64: {  	_ =	shalt  }
0x65: {  	_ =	shalt  }
0x66: {  	_ =	shalt  }
0x67: {  	_ =	shalt  }
0x68: {  	_ =	shalt  }
0x69: {  	_ =	shalt  }
0x6a: {  	_ =	shalt  }
0x6b: {  	_ =	shalt  }
0x6c: {  	_ =	shalt  }
0x6d: {  	_ =	shalt  }
0x6e: {  	_ =	shalt  }
0x6f: {  	_ =	shalt  }
0x70: {  	_ =	shalt  }
0x71: {  	_ =	shalt  }
0x72: {  	_ =	shalt  }
0x73: {  	_ =	shalt  }
0x74: {  	_ =	shalt  }
0x75: {  	_ =	shalt  }
0x76: {  	_ =	shalt  }
0x77: {  	_ =	shalt  }
0x78: {  	_ =	shalt  }
0x79: {  	_ =	shalt  }
0x7a: {  	_ =	shalt  }
0x7b: {  	_ =	shalt  }
0x7c: {  	_ =	shalt  }
0x7d: {  	_ =	shalt  }
0x7e: {  	_ =	shalt  }
0x7f: {  	_ =	shalt  }
0x80: {  	_ =	shalt  }
0x81: {  	_ =	shalt  }
0x82: {  	_ =	shalt  }
0x83: {  	_ =	shalt  }
0x84: {  	_ =	shalt  }
0x85: {  	_ =	shalt  }
0x86: {  	_ =	shalt  }
0x87: {  	_ =	shalt  }
.Lfunc_end0:
.L_simem_size_0:
called_computation.3_lowered:
.L_overlay_start_0:
0x88: {  	s2 =	sld [smem:$0x3FD9]  }
0x89: {  	s3 =	sld [smem:$0x3FFE];
	_ =	sdelay $0x1  }
0x8a: {  	s1 =	srdreg.scid  }
0x8b: {  	s0 =	sand.u32 $0x1, s1  }
0x8c: {  	s14 =	sshll.u32 s0, $0xA;
	s2 =	sadd.s32 s3, s2  }
0x8d: {  	s2 =	sadd.s32 s2, s14  }
0x8e: {  	[smem:$0x3FC4] =	sst s2  }
0x8f: {  	_ = 	snop  }
0x90: {  	s2 =	sld [smem:$0x3FD0];
	_ =	sdelay $0x2  }
0x91: {  	s15 =	simm.s32 $0xB;
	s4 =	simm.s32 $0x10  }
0x92: {  	[smem:s4], [sflag:s15] =	dma.local [hbm:s2], $0x1  }
0x93: {  	_ =	swait.eq [sflag:s15], $0x1  }
0x94: {  	s16 =	sld [smem:$0x10];
	[sflag:s15] =	ssyncset.done $0x0  }
0x95: {  	s17 =	sld [smem:$0x11];
	[sflag:s15] =	ssyncadd.s32 $0xFFFFFFFF  }
0x96: {  	s18 =	sld [smem:$0x12];
	(tm) =	ssettm $0x1  }
0x97: {  	s5 =	sld [smem:$0x3FFB];
	_ =	sdelay $0x3  }
0x98: {  	_ =	strace s5  }
0x99: {  	s5 =	sld [smem:$0x3FFC];
	_ =	sdelay $0x3  }
0x9a: {  	_ =	strace s5  }
0x9b: {  	s5 =	sld [smem:$0x3FFD];
	_ =	sdelay $0x3  }
0x9c: {  	_ =	strace s5  }
0x9d: {  	_ =	strace $0x8FFFFFFF  }
0x9e: {  	s19 =	sld [smem:$0x3FDB];
	_ =	sdelay $0x1  }
0x9f: {  	s6 =	simm.s32 $_scs_section_size  }
0xa0: {  	s7 =	simm.s32 $_size__tile_overlayer_lowered;
	s8 =	simm.s32 $_tile_overlayer_lowered  }
0xa1: {  	s22 =	simm.s32 $0x1BFF;
	s21 =	sshll.u32 s8, $0x1;
	s5 =	sadd.s32 s6, s19  }
0xa2: {  	s9 =	simm.s32 $0x0;
	s20 =	sshll.u32 s7, $0x1;
	s7 =	sadd.s32 s21, s5  }
0xa3: {  	[timem:s9], [sflag:s22] =	dma.local [hbm:s7], s20  }
0xa4: {  	_ =	swait.ge [sflag:s22], s20  }
0xa5: {  	s6 =	ssub.s32 $0x0, s20;
	[sflag:s22] =	ssyncset.done $0x0  }
0xa6: {  	[sflag:s22] =	ssyncadd.s32 s6;
	_ =	sdelay $0x1  }
0xa7: {  	s23 =	simm.s32 $0x1B8B  }
0xa8: {  	_ =	swait.ge [sflag:s23], $0x1  }
0xa9: {  	[sflag:s23] =	ssyncset.done $0x0  }
0xaa: {  	s25 =	simm.s32 $0x1B8E;
	s24 =	sld [smem:$0x3FFE];
	[sflag:s23] =	ssyncadd.s32 $0xFFFFFFFF  }
0xab: {  	s26 =	simm.s32 $execute0_lowered;
	[smem:$0x3FD2] =	sst s25  }
0xac: {  	s7 =	sshll.u32 s26, $0x1;
	_ =	strace $0x8000004C;
	[dreg:$0x1] =	wrdreg $0xFFFFFFFF  }
0xad: {  	s28 =	simm.s32 $_size_execute0_lowered;
	s5 =	sadd.s32 s5, s7;
	[dreg:$0x0] =	wrdreg $0x0  }
0xae: {  	s7 =	sshll.u32 s28, $0x1;
	[dreg:$0x2] =	wrdreg s5  }
0xaf: {  	[dreg:$0x3] =	wrdreg s7  }
0xb0: {  	[dreg:$0x4] =	wrdreg $0xC0  }
0xb1: {  	_ =	task [dreg:s9], $0x5FFFF  }
0xb2: {  	[dreg:$0x1] =	wrdreg $0xFFFFFFFF  }
0xb3: {  	[dreg:$0x0] =	wrdreg $0x60  }
0xb4: {  	[dreg:$0x2] =	wrdreg s24  }
0xb5: {  	[dreg:$0x3] =	wrdreg s18  }
0xb6: {  	[dreg:$0x4] =	wrdreg s17  }
0xb7: {  	[dreg:$0x5] =	wrdreg s16  }
0xb8: {  	[dreg:$0x6] =	wrdreg $0x9  }
0xb9: {  	_ =	task.clear_ibuf [dreg:s9], $0x7FFFF;
	_ =	strace $0x9000004C  }
0xba: {  	s29 =	simm.s32 $0x9;
	_ =	strace $0x8000004E  }
0xbb: {  	_ =	swait.ge [sflag:s29], $0x1  }
0xbc: {  	[sflag:s29] =	ssyncadd.s32 $0xFFFFFFFF  }
0xbd: {  	_ =	strace $0x9000004E  }
0xbe: {  	_ =	sfence  }
0xbf: {  	s30 =	sld [smem:$0x0];
	_ =	sdelay $0x2  }
0xc0: {  	s31 =	sshll.u32 s1, $0xD;
	s1 =	sshrl.u32 s1, $0x2  }
0xc1: {  	s3 =	sand.u32 $0x4000, s31;
	s1 =	sadd.s32 s1, s30  }
0xc2: {  	s0 =	sor.u32 s3, s0;
	s1 =	sshll.u32 s1, $0x11  }
0xc3: {  	s0 =	sor.u32 s1, s0  }
0xc4: {  	s0 =	sadd.s32 $0x8F2B, s0  }
0xc5: {  	[sflag:s0] =	ssyncadd.remote.s32 $0x1  }
0xc6: {  	_ =	sfence.sel $0xFFFF  }
0xc7: {  	[dreg:$0x0] =	wrdreg $0xFFFFFFFF;
	(pc) =	sbr.abs _section_cstart, $3  }
0xc8: {  	[dreg:$0x1] =	wrdreg $0xFFFFFFFF  }
0xc9: {  	_ =	task.clear_ibuf [dreg:s9], $0x2FFFF;
	_ =	strace $0x9FFFFFFF  }
0xca: {  	(tm) =	ssettm $0x7FFFFFFF  }
0xcb: {  	_ =	shalt  }
tec
execute0_lowered:
.L_overlay_start_1:
0x0: {  	(tag) =	ssettag $0x1  }
0x1: {  	s0 =	rddreg [dreg:$0x0]  }
0x2: {  	s1 =	rddreg [dreg:$0x1]  }
0x3: {  	s5 =	stileid.u32;
	s2 =	rddreg [dreg:$0x2]  }
0x4: {  	s3 =	srdreg.scid;
	s9 =	rddreg [dreg:$0x3];
	s21 =	simm.s32 $0x0  }
0x5: {  	s18 =	simm.s32 $0x50;
	s28 =	simm.s32 $0x1;
	s29 =	simm.s32 $0x2  }
0x6: {  	v0 =	vimm.f32 $1.500000000e+01;
	vm0 =	vcmask $0x300;
	s4 =	sshll.u32 s5, $0x1;
	s6 =	sand.u32 $0x1, s3;
	s7 =	sshrl.u32 s5, $0x2  }
0x7: {  	vm14 =	vcmask $0x704;
	v0 =	vsel vm0, $0x0, v0;
	[smem:$0x7FF] =	sst s21;
	s5 =	sadd.s32 $0x10C200, s0;
	s21 =	simm.s32 $0x40  }
0x8: {  	vm15 =	vcmask $0xB08;
	s19 =	sand.u32 $0x6, s4;
	s20 =	smul.u32 $0x9000, s7;
	v0 =	vsel vm14, $0x3F800000, v0;
	_ =	strace $0x8000004D  }
0x9: {  	vm4 =	vcmask $0xF0C;
	s4 =	sadd.s32 $0x30C200, s0;
	s24 =	smul.u32 $0x3000, s7;
	s25 =	sshll.u32 s7, $0x15;
	v0 =	vsel vm15, $0x40000000, v0  }
0xa: {  	vm5 =	vcmask $0x1310;
	s7 =	sshll.u32 s7, $0xC;
	s8 =	sor.u32 s6, s19;
	s6 =	ssub.s32 $0x2, s6;
	v0 =	vsel vm4, $0x40400000, v0  }
0xb: {  	vm6 =	vcmask $0x1714;
	v2 =	vimm.f32 $9.999999770e-03;
	s19 =	simm.s32 $0x18400;
	s3 =	sshll.u32 s8, $0x9;
	s23 =	sshrl.u32 s6, $0x1;
	v0 =	vsel vm5, $0x40800000, v0  }
0xc: {  	vm7 =	vcmask $0x1B18;
	vm8 =	vcmask $0x1F1C;
	s8 =	sshll.u32 s8, $0x12;
	s22 =	sor.u32 s20, s3;
	s6 =	ssub.s32 s6, s23;
	v0 =	vsel vm6, $0x40A00000, v0  }
0xd: {  	(erf) = vrcp.f32 v2;
	v1 =	vmov s3;
	s8 =	sor.u32 s25, s8;
	s26 =	sor.u32 s24, s3;
	s20 =	simm.s32 $0x6400;
	v0 =	vsel vm7, $0x40C00000, v0  }
0xe: {  	vm9 =	vcmask $0x2320;
	s23 =	simm.s32 $0x10400;
	s24 =	simm.s32 $0x2400;
	s10 =	sshrl.u32 s22, $0x3;
	v1 =	vshrl.u32 v1, $0x6;
	v0 =	vsel vm8, $0x40E00000, v0  }
0xf: {  	vm10 =	vcmask $0x2724;
	s25 =	simm.s32 $0x3;
	s31 =	smax.u32 s6, $0x1;
	s0 =	sadd.s32 s10, s0;
	v1 =	vcvt.s32.f32 v1;
	v0 =	vsel vm9, $0x41000000, v0  }
0x10: {  	vm11 =	vcmask $0x2B28;
	s6 =	simm.s32 $0x1000;
	[dreg:$0xb] =	wrdreg s31;
	s11 =	sadd.s32 $0x3200, s0;
	v2 =	vsel vm10, $0x41100000, v0  }
0x11: {  	vm12 =	vcmask $0x2F2C;
	s10 =	sshrl.u32 s8, $0x3;
	s0 =	sadd.s32 $0x7A00, s0;
	[dreg:$0x5] =	wrdreg s11;
	v0 =	vbroadcast v1, $0x0;
	v1 =	vsel vm11, $0x41200000, v2  }
0x12: {  	vm13 =	vcmask $0x3330;
	s10 =	sadd.s32 s4, s10;
	[dreg:$0x6] =	wrdreg s0;
	s0 =	sshrl.u32 s26, $0x3;
	v2 =	vsel vm12, $0x41300000, v1;
	v1 =	vlaneseq.u32  }
0x13: {  	vm14 =	vcmask $0x3734;
	s22 =	simm.s32 $0x18450;
	[dreg:$0x7] =	wrdreg s10;
	s1 =	sadd.s32 s1, s0;
	v4 =	vsel vm13, $0x41400000, v2;
	v2 =	vmul.u32 $0x200, v1  }
0x14: {  	vm15 =	vcmask $0x3B38;
	s26 =	simm.s32 $0x4400;
	s30 =	sadd.s32 s2, s0;
	[dreg:$0x8] =	wrdreg s1;
	v4 =	vsel vm14, $0x41500000, v4  }
0x15: {  	v3 =	vmov s7;
	s0 =	sadd.s32 s9, s0;
	s2 =	simm.s32 $0x200;
	[dreg:$0x9] =	wrdreg s30;
	[tilespmem:$0x1FFE0] =	vst v0;
	v0 =	vsel vm15, $0x41600000, v4;
	v5 =	vor.u32 $0x2000, v2  }
0x16: {  	s9 =	simm.s32 $0x4;
	[dreg:$0xa] =	wrdreg s0;
	s1 =	simm.s32 $0x0;
	v7 =	vpop (erf);
	v6 =	vor.u32 $0x4000, v2;
	v8 =	vor.u32 $0x6000, v2;
	v9 =	vor.u32 $0x8000, v2;
	[tilespmem:$0x1FFF0] =	vst v0  }
.LBB2_1:
0x17: {  	[dreg:$0xc] =	wrdreg s1  }
0x18: {  	s0 =	simm.s32 $0x0;
	s17 =	rddreg [dreg:$0x5]  }
0x19: {  	[tilespmem:s0], [sflag:$0x4] =	stream.strided.gather [hbm4b:s17+s2], $0x1200, s6, s2, $0x38;
	[tilespmem:$0x19690] =	vst v63  }
0x1a: {  	_ =	swait.ge [sflag:s9], $0x1200  }
0x1b: {  	[sflag:s9] =	ssyncset.done $0x0  }
0x1c: {  	s7 =	simm.s32 $0x1200;
	s30 =	rddreg [dreg:$0x6];
	[sflag:s9] =	ssyncadd.s32 $0xFFFFEE00  }
0x1d: {  	[tilespmem:s7], [sflag:$0x4] =	stream.strided.gather [hbm4b:s30+s2], $0x1200, s6, s2, $0x38;
	[tilespmem:$0x19690] =	vst v63  }
0x1e: {  	_ =	swait.ge [sflag:s9], $0x1200  }
0x1f: {  	[sflag:s9] =	ssyncset.done $0x0;
	v0 =	vld [tilespmem:$0x1FFE0]  }
0x20: {  	v4 =	vld [tilespmem:$0x1FFF0];
	[sflag:s9] =	ssyncadd.s32 $0xFFFFEE00  }
0x21: {  	v11 =	vld [tilespmem:$0x0]  }
0x22: {  	v12 =	vld [tilespmem:$0x1200]  }
0x23: {  	v13 =	vld [tilespmem:$0x200]  }
0x24: {  	v14 =	vld [tilespmem:$0x1400]  }
0x25: {  	v15 =	vld [tilespmem:$0x400]  }
0x26: {  	v16 =	vld [tilespmem:$0x1600]  }
0x27: {  	v17 =	vld [tilespmem:$0x1800]  }
0x28: {  	v19 =	vld [tilespmem:$0x1A00]  }
0x29: {  	v18 =	vld [tilespmem:$0x600]  }
0x2a: {  	v20 =	vld [tilespmem:$0x800];
	v12 =	vadd.f32 v12, v0;
	v14 =	vadd.f32 v14, v0  }
0x2b: {  	v11 =	vadd.f32 v4, v11;
	v13 =	vadd.f32 v4, v13  }
0x2c: {  	v16 =	vadd.f32 v16, v0;
	v44 =	vadd.f32 v17, v0  }
0x2d: {  	v15 =	vadd.f32 v4, v15;
	v47 =	vadd.f32 v19, v0;
	v12 =	vmul.f32 $6.400000000e+01, v12  }
0x2e: {  	v46 =	vadd.f32 v4, v18;
	v14 =	vmul.f32 $6.400000000e+01, v14;
	v45 =	vmul.f32 $6.400000000e+01, v16  }
0x2f: {  	v49 =	vadd.f32 v4, v20;
	v48 =	vmul.f32 $6.400000000e+01, v47;
	v11 =	vadd.f32 v12, v11  }
0x30: {  	v13 =	vadd.f32 v14, v13;
	v14 =	vadd.f32 v45, v15  }
0x31: {  	v12 =	vmul.f32 $6.400000000e+01, v44;
	v15 =	vadd.f32 v48, v49;
	v11 =	vtrunc.f32 v11  }
0x32: {  	v13 =	vtrunc.f32 v13;
	v14 =	vtrunc.f32 v14  }
0x33: {  	v12 =	vadd.f32 v12, v46;
	v15 =	vtrunc.f32 v15;
	v11 =	vcvt.f32.s32 v11  }
0x34: {  	v13 =	vcvt.f32.s32 v13;
	v14 =	vcvt.f32.s32 v14  }
0x35: {  	v15 =	vcvt.f32.s32 v15;
	v12 =	vtrunc.f32 v12  }
0x36: {  	v12 =	vcvt.f32.s32 v12;
	v11 =	vadd.s32 v11, v3;
	v13 =	vadd.s32 v13, v3  }
0x37: {  	v14 =	vadd.s32 v14, v3;
	v50 =	vadd.s32 v15, v3;
	vm0 =	vgt.s32 v11, $0x0  }
0x38: {  	vm8 =	vgt.s32 v13, $0x0;
	vm9 =	vgt.s32 v14, $0x0;
	v11 =	vnsel vm0, $0x0, v11  }
0x39: {  	v13 =	vnsel vm8, $0x0, v13;
	v12 =	vadd.s32 v12, v3;
	v11 =	vmin.u32 v11, $0x3FFF  }
0x3a: {  	v13 =	vmin.u32 v13, $0x3FFF;
	vm10 =	vgt.s32 v12, $0x0;
	[tilespmem:$0x18400] =	vst v11;
	v11 =	vnsel vm9, $0x0, v14  }
0x3b: {  	vm11 =	vgt.s32 v50, $0x0;
	[tilespmem:$0x18410] =	vst v13;
	v12 =	vnsel vm10, $0x0, v12;
	v11 =	vmin.u32 v11, $0x3FFF  }
0x3c: {  	v51 =	vnsel vm11, $0x0, v50;
	[tilespmem:$0x18420] =	vst v11;
	v11 =	vmin.u32 v12, $0x3FFF  }
0x3d: {  	[tilespmem:$0x18430] =	vst v11;
	v11 =	vmin.u32 v51, $0x3FFF  }
0x3e: {  	[tilespmem:$0x18440] =	vst v11  }
0x3f: {  	[tilespmem:s20], [sflag:$0x1] =	stream.indirect.gather [hbm4b:s5+s18], $0x200, s19, s18, $0xb8;
	[tilespmem:$0x19690] =	vst v63  }
0x40: {  	v11 =	vld [tilespmem:$0xA00]  }
0x41: {  	v52 =	vld [tilespmem:$0x1C00]  }
0x42: {  	v53 =	vld [tilespmem:$0x1E00]  }
0x43: {  	v54 =	vld [tilespmem:$0xC00]  }
0x44: {  	v55 =	vld [tilespmem:$0x2000]  }
0x45: {  	v56 =	vld [tilespmem:$0x2200]  }
0x46: {  	v57 =	vld [tilespmem:$0xE00]  }
0x47: {  	v58 =	vld [tilespmem:$0x1000]  }
0x48: {  	v12 =	vadd.f32 v52, v0;
	v13 =	vadd.f32 v53, v0  }
0x49: {  	v11 =	vadd.f32 v4, v11;
	v15 =	vadd.f32 v55, v0  }
0x4a: {  	v14 =	vadd.f32 v4, v54;
	v59 =	vadd.f32 v56, v0;
	v12 =	vmul.f32 $6.400000000e+01, v12  }
0x4b: {  	v61 =	vadd.f32 v4, v57;
	v13 =	vmul.f32 $6.400000000e+01, v13;
	v60 =	vmul.f32 $6.400000000e+01, v15  }
0x4c: {  	v62 =	vadd.f32 v4, v58;
	v11 =	vadd.f32 v12, v11  }
0x4d: {  	v13 =	vadd.f32 v13, v14;
	v12 =	vmul.f32 $6.400000000e+01, v59;
	v14 =	vadd.f32 v60, v61  }
0x4e: {  	v11 =	vtrunc.f32 v11  }
0x4f: {  	v13 =	vtrunc.f32 v13;
	v12 =	vadd.f32 v12, v62;
	v14 =	vtrunc.f32 v14  }
0x50: {  	v11 =	vcvt.f32.s32 v11;
	v13 =	vcvt.f32.s32 v13  }
0x51: {  	v14 =	vcvt.f32.s32 v14;
	v12 =	vtrunc.f32 v12  }
0x52: {  	v11 =	vadd.s32 v11, v3;
	v12 =	vcvt.f32.s32 v12  }
0x53: {  	v13 =	vadd.s32 v13, v3;
	v14 =	vadd.s32 v14, v3;
	vm12 =	vgt.s32 v11, $0x0  }
0x54: {  	vm13 =	vgt.s32 v13, $0x0;
	vm14 =	vgt.s32 v14, $0x0;
	v11 =	vnsel vm12, $0x0, v11  }
0x55: {  	v13 =	vnsel vm13, $0x0, v13;
	v12 =	vadd.s32 v12, v3;
	v11 =	vmin.u32 v11, $0x3FFF  }
0x56: {  	v63 =	vnsel vm14, $0x0, v14;
	vm15 =	vgt.s32 v12, $0x0;
	[tilespmem:$0x18450] =	vst v11;
	v11 =	vmin.u32 v13, $0x3FFF  }
0x57: {  	v12 =	vnsel vm15, $0x0, v12;
	[tilespmem:$0x18460] =	vst v11;
	v11 =	vmin.u32 v63, $0x3FFF  }
0x58: {  	[tilespmem:$0x18470] =	vst v11;
	v11 =	vmin.u32 v12, $0x3FFF  }
0x59: {  	[tilespmem:$0x18480] =	vst v11  }
0x5a: {  	[tilespmem:s23], [sflag:$0x2] =	stream.indirect.gather [hbm4b:s5+s21], $0x200, s22, s21, $0xb8;
	[tilespmem:$0x19690] =	vst v63  }
0x5b: {  	s17 =	simm.s32 $0x0;
	s31 =	rddreg [dreg:$0x7]  }
0x5c: {  	[tilespmem:s24], [sflag:$0x3] =	stream.linear.gather [hbm4b:s31+s0], $0x2000, $0x38;
	[tilespmem:$0x19690] =	vst v63  }
.LBB2_2:
0x5d: {  	s2 =	sshllo.u32 s17, $0x1  }
0x5e: {  	s1 =	simm.s32 $0x0;
	s0 =	sshll.u32 s2, $0xD  }
0x5f: {  	_ =	swait.ge [sflag:s25], $0x2000;
	s6 =	simm.s32 $0x1;
	v11 =	vadd.s32 s1, v1;
	s0 =	sadd.s32 s8, s0  }
0x60: {  	[sflag:s25] =	ssyncset.done $0x0;
	v12 =	vadd.s32 s6, v1;
	v11 =	vand.u32 $0x1FF, v11;
	s0 =	sshrl.u32 s0, $0x3  }
0x61: {  	[sflag:s25] =	ssyncadd.s32 $0xFFFFE000;
	v12 =	vand.u32 $0x1FF, v12;
	v13 =	vor.u32 v2, v11;
	s0 =	sadd.s32 s4, s0  }
0x62: {  	v14 =	vor.u32 v9, v12;
	[tilespmem:s26], [sflag:$0x3] =	stream.linear.gather [hbm4b:s0+s1], $0x2000, $0x38;
	[tilespmem:$0x19690] =	vst v63  }
0x63: {  	v15 =	vor.u32 v9, v11;
	_ =	swait.ge [sflag:s28], $0xA000  }
0x64: {  	v16 =	vor.u32 v2, v12;
	[sflag:s28] =	ssyncset.done $0x0  }
0x65: {  	v17 =	vor.u32 v8, v12;
	[sflag:s28] =	ssyncadd.s32 $0xFFFF6000  }
0x66: {  	s13 =	simm.s32 $0x2;
	v19 =	vor.u32 v6, v12;
	v18 =	vld.idx.msk [tilespmem:v13+s24+$0x0], $0xffff  }
0x67: {  	v20 =	vadd.s32 s13, v1;
	v14 =	vld.idx.msk [tilespmem:v14+s20+$0x0], $0xffff  }
0x68: {  	v20 =	vand.u32 $0x1FF, v20;
	v12 =	vor.u32 v5, v12;
	v15 =	vld.idx.msk [tilespmem:v15+s20+$0x0], $0xffff  }
0x69: {  	v22 =	vor.u32 v2, v20;
	v21 =	vld.idx.msk [tilespmem:v16+s24+$0x0], $0xffff  }
0x6a: {  	s14 =	simm.s32 $0x3;
	v23 =	vor.u32 v5, v11;
	v17 =	vld.idx.msk [tilespmem:v17+s20+$0x0], $0xffff  }
0x6b: {  	v25 =	vadd.s32 s14, v1;
	v26 =	vor.u32 v8, v11;
	v19 =	vld.idx.msk [tilespmem:v19+s20+$0x0], $0xffff  }
0x6c: {  	v25 =	vand.u32 $0x1FF, v25;
	v16 =	vld.idx.msk [tilespmem:v16+s20+$0x0], $0xffff  }
0x6d: {  	v27 =	vor.u32 v2, v25;
	v12 =	vld.idx.msk [tilespmem:v12+s20+$0x0], $0xffff  }
0x6e: {  	v11 =	vor.u32 v6, v11;
	v28 =	vld.idx.msk [tilespmem:v22+s20+$0x0], $0xffff  }
0x6f: {  	v23 =	vld.idx.msk [tilespmem:v23+s20+$0x0], $0xffff  }
0x70: {  	v33 =	vor.u32 v9, v25;
	v26 =	vld.idx.msk [tilespmem:v26+s20+$0x0], $0xffff  }
0x71: {  	v29 =	vor.u32 v8, v20;
	v13 =	vld.idx.msk [tilespmem:v13+s20+$0x0], $0xffff  }
0x72: {  	v30 =	vimm.f32 $0.0e+00;
	v24 =	vor.u32 v5, v20;
	v34 =	vld.idx.msk [tilespmem:v27+s24+$0x0], $0xffff  }
0x73: {  	v32 =	vor.u32 v5, v25;
	v35 =	vor.u32 v6, v25;
	v25 =	vor.u32 v8, v25;
	v36 =	vld.idx.msk [tilespmem:v11+s20+$0x0], $0xffff  }
0x74: {  	v31 =	vor.u32 v9, v20;
	v27 =	vld.idx.msk [tilespmem:v27+s20+$0x0], $0xffff;
	v14 =	vmul.f32 v14, v21;
	v19 =	vmul.f32 v19, v21  }
0x75: {  	s15 =	simm.s32 $0x5;
	s16 =	simm.s32 $0x7;
	v20 =	vor.u32 v6, v20;
	v42 =	vld.idx.msk [tilespmem:v33+s20+$0x0], $0xffff;
	v37 =	vmul.f32 v12, v21;
	v38 =	vmul.f32 v17, v21  }
0x76: {  	s30 =	simm.s32 $0x4;
	v12 =	vld.idx.msk [tilespmem:v29+s20+$0x0], $0xffff;
	v11 =	vmul.f32 v15, v18;
	v15 =	vadd.s32 s15, v1;
	v29 =	vadd.s32 s16, v1  }
0x77: {  	v17 =	vld.idx.msk [tilespmem:v22+s24+$0x0], $0xffff;
	v22 =	vmul.f32 v16, v21;
	v16 =	vmul.f32 v23, v18;
	v21 =	vadd.s32 s30, v1  }
0x78: {  	v25 =	vld.idx.msk [tilespmem:v25+s20+$0x0], $0xffff;
	v13 =	vmul.f32 v13, v18;
	v36 =	vmul.f32 v36, v18;
	v21 =	vand.u32 $0x1FF, v21  }
0x79: {  	v24 =	vld.idx.msk [tilespmem:v24+s20+$0x0], $0xffff;
	v26 =	vmul.f32 v26, v18;
	v15 =	vand.u32 $0x1FF, v15;
	v43 =	vor.u32 v2, v21  }
0x7a: {  	v23 =	vld.idx.msk [tilespmem:v31+s20+$0x0], $0xffff;
	v31 =	vadd.f32 v11, v30;
	v39 =	vor.u32 v9, v15;
	v40 =	vor.u32 v5, v21  }
0x7b: {  	v20 =	vld.idx.msk [tilespmem:v20+s20+$0x0], $0xffff;
	v11 =	vor.u32 v6, v21;
	v41 =	vor.u32 v8, v21;
	v21 =	vor.u32 v9, v21  }
0x7c: {  	v35 =	vld.idx.msk [tilespmem:v35+s20+$0x0], $0xffff;
	v50 =	vmul.f32 v27, v34;
	v51 =	vmul.f32 v42, v34;
	v44 =	vor.u32 v2, v15  }
0x7d: {  	v32 =	vld.idx.msk [tilespmem:v32+s20+$0x0], $0xffff;
	v62 =	vmul.f32 v25, v34;
	v16 =	vadd.f32 v16, v30;
	v45 =	vor.u32 v5, v15  }
0x7e: {  	v29 =	vand.u32 $0x1FF, v29;
	v47 =	vadd.f32 v13, v30;
	v36 =	vadd.f32 v36, v30;
	v33 =	vld.idx.msk [tilespmem:v43+s24+$0x0], $0xffff  }
0x7f: {  	s31 =	simm.s32 $0x6;
	v31 =	vadd.f32 v14, v31;
	v14 =	vor.u32 v8, v15;
	v15 =	vor.u32 v6, v15;
	v39 =	vld.idx.msk [tilespmem:v39+s20+$0x0], $0xffff  }
0x80: {  	v25 =	vadd.f32 v22, v47;
	v46 =	vmul.f32 v12, v17;
	v12 =	vadd.s32 s31, v1;
	v13 =	vld.idx.msk [tilespmem:v21+s20+$0x0], $0xffff  }
0x81: {  	v36 =	vadd.f32 v19, v36;
	v49 =	vmul.f32 v20, v17;
	v20 =	vand.u32 $0x1FF, v12;
	v12 =	vld.idx.msk [tilespmem:v44+s24+$0x0], $0xffff  }
0x82: {  	v19 =	vor.u32 v5, v29;
	v28 =	vmul.f32 v28, v17;
	v23 =	vmul.f32 v23, v17;
	v45 =	vld.idx.msk [tilespmem:v45+s20+$0x0], $0xffff  }
0x83: {  	v48 =	vmul.f32 v24, v17;
	v24 =	vor.u32 v2, v29;
	v17 =	vor.u32 v2, v20;
	v22 =	vld.idx.msk [tilespmem:v40+s20+$0x0], $0xffff  }
0x84: {  	v27 =	vor.u32 v5, v20;
	v18 =	vor.u32 v9, v20;
	v31 =	vadd.f32 v23, v31;
	v42 =	vld.idx.msk [tilespmem:v41+s20+$0x0], $0xffff  }
0x85: {  	v21 =	vor.u32 v8, v20;
	v23 =	vadd.f32 v28, v25;
	v53 =	vld.idx.msk [tilespmem:v15+s20+$0x0], $0xffff;
	v15 =	vadd.f32 v26, v30  }
0x86: {  	v25 =	vor.u32 v8, v29;
	v28 =	vadd.f32 v49, v36;
	v52 =	vld.idx.msk [tilespmem:v14+s20+$0x0], $0xffff;
	v14 =	vor.u32 v6, v20  }
0x87: {  	v30 =	vadd.f32 v37, v16;
	v16 =	vld.idx.msk [tilespmem:v44+s20+$0x0], $0xffff;
	v20 =	vmul.f32 v35, v34;
	v63 =	vadd.f32 v38, v15  }
0x88: {  	v26 =	vor.u32 v9, v29;
	v41 =	vadd.f32 v50, v23;
	v23 =	vld.idx.msk [tilespmem:v43+s20+$0x0], $0xffff;
	v50 =	vmul.f32 v32, v34  }
0x89: {  	v15 =	vmul.f32 v39, v12;
	v40 =	vld.idx.msk [tilespmem:v27+s20+$0x0], $0xffff;
	v27 =	vor.u32 v6, v29;
	v29 =	vadd.f32 v46, v63  }
0x8a: {  	v34 =	vld.idx.msk [tilespmem:v24+s24+$0x0], $0xffff;
	v30 =	vadd.f32 v48, v30;
	v39 =	vmul.f32 v45, v12;
	v35 =	vmul.f32 v53, v12  }
0x8b: {  	s9 =	sshll.u32 s17, $0x1;
	s1 =	simm.s32 $0x8;
	v37 =	vld.idx.msk [tilespmem:v17+s20+$0x0], $0xffff;
	v36 =	vmul.f32 v52, v12;
	v38 =	vadd.f32 v62, v29;
	v29 =	vadd.f32 v51, v31  }
.LBB2_3:
0x8c: {  	s6 =	sadd.s32 $0x1, s1  }
0x8d: {  	s7 =	sadd.s32 $0x3, s1;
	v31 =	vld.idx.msk [tilespmem:v11+s20+$0x0], $0xffff;
	v11 =	vmul.f32 v13, v33;
	v13 =	vadd.f32 v50, v30;
	v20 =	vadd.f32 v20, v28;
	s10 =	smov.u32 s1;
	s0 =	sadd.s32 $0x4, s1  }
0x8e: {  	p0 =	slt.u32 s1, $0x1FC;
	v32 =	vmul.f32 v16, v12;
	v28 =	vadd.s32 s6, v1;
	v30 =	vadd.s32 s7, v1;
	v12 =	vld.idx.msk [tilespmem:v21+s20+$0x0], $0xffff  }
0x8f: {  	v21 =	vmul.f32 v22, v33;
	v16 =	vand.u32 $0x1FF, v28;
	v22 =	vadd.f32 v11, v29;
	v17 =	vld.idx.msk [tilespmem:v17+s24+$0x0], $0xffff  }
0x90: {  	v11 =	vadd.s32 s10, v1;
	v18 =	vld.idx.msk [tilespmem:v18+s20+$0x0], $0xffff  }
0x91: {  	v28 =	vand.u32 $0x1FF, v11;
	v29 =	vor.u32 v9, v16;
	v43 =	vadd.f32 v21, v13;
	v13 =	vld.idx.msk [tilespmem:v24+s20+$0x0], $0xffff  }
0x92: {  	v44 =	vor.u32 v2, v28;
	v45 =	vor.u32 v5, v28;
	v14 =	vld.idx.msk [tilespmem:v14+s20+$0x0], $0xffff  }
0x93: {  	v21 =	vmul.f32 v23, v33;
	v11 =	vor.u32 v6, v28;
	v46 =	vor.u32 v8, v28;
	v23 =	vld.idx.msk [tilespmem:v26+s20+$0x0], $0xffff  }
0x94: {  	v24 =	vor.u32 v9, v28;
	v28 =	vmul.f32 v31, v33;
	v26 =	vor.u32 v2, v16;
	v27 =	vld.idx.msk [tilespmem:v27+s20+$0x0], $0xffff  }
0x95: {  	v15 =	vadd.f32 v15, v22;
	v31 =	vor.u32 v5, v16;
	v47 =	vmul.f32 v12, v17;
	v48 =	vld.idx.msk [tilespmem:v19+s20+$0x0], $0xffff  }
0x96: {  	v22 =	vadd.f32 v21, v41;
	v41 =	vmul.f32 v42, v33;
	v19 =	vor.u32 v8, v16;
	v25 =	vld.idx.msk [tilespmem:v25+s20+$0x0], $0xffff  }
0x97: {  	s1 =	sadd.s32 $0x2, s10;
	v42 =	vmul.f32 v37, v17;
	v49 =	vmul.f32 v40, v17;
	v16 =	vor.u32 v6, v16;
	v33 =	vld.idx.msk [tilespmem:v44+s24+$0x0], $0xffff  }
0x98: {  	v12 =	vadd.s32 s1, v1;
	v51 =	vmul.f32 v13, v34;
	v50 =	vmul.f32 v14, v17;
	v29 =	vld.idx.msk [tilespmem:v29+s20+$0x0], $0xffff  }
0x99: {  	v21 =	vand.u32 $0x1FF, v12;
	v40 =	vmul.f32 v18, v17;
	v52 =	vmul.f32 v23, v34;
	v13 =	vld.idx.msk [tilespmem:v24+s20+$0x0], $0xffff  }
0x9a: {  	v17 =	vor.u32 v2, v21;
	v23 =	vor.u32 v5, v21;
	v12 =	vld.idx.msk [tilespmem:v26+s24+$0x0], $0xffff  }
0x9b: {  	v18 =	vor.u32 v9, v21;
	v14 =	vor.u32 v6, v21;
	v53 =	vld.idx.msk [tilespmem:v19+s20+$0x0], $0xffff;
	v19 =	vadd.f32 v28, v20  }
0x9c: {  	v39 =	vadd.f32 v39, v43;
	v38 =	vadd.f32 v41, v38;
	v21 =	vor.u32 v8, v21;
	v28 =	vld.idx.msk [tilespmem:v16+s20+$0x0], $0xffff  }
0x9d: {  	v30 =	vand.u32 $0x1FF, v30;
	v20 =	vmul.f32 v27, v34;
	v43 =	vmul.f32 v25, v34;
	v16 =	vld.idx.msk [tilespmem:v26+s20+$0x0], $0xffff  }
0x9e: {  	v24 =	vor.u32 v2, v30;
	v25 =	vadd.f32 v32, v22;
	v32 =	vadd.f32 v35, v19;
	v31 =	vld.idx.msk [tilespmem:v31+s20+$0x0], $0xffff  }
0x9f: {  	v54 =	vadd.f32 v40, v15;
	v19 =	vor.u32 v5, v30;
	v35 =	vadd.f32 v36, v38;
	v37 =	vld.idx.msk [tilespmem:v17+s20+$0x0], $0xffff  }
.Ltmp0:
0xa0: {  	v26 =	vor.u32 v9, v30;
	v15 =	vmul.f32 v29, v12;
	v29 =	vadd.f32 v42, v25;
	v22 =	vld.idx.msk [tilespmem:v45+s20+$0x0], $0xffff;
	(pc) =	sbr.rel @p0 .LBB2_3-.Ltmp0, $4  }
0xa1: {  	v27 =	vor.u32 v6, v30;
	v25 =	vor.u32 v8, v30;
	v36 =	vadd.f32 v47, v35;
	v40 =	vld.idx.msk [tilespmem:v23+s20+$0x0], $0xffff  }
0xa2: {  	v35 =	vmul.f32 v28, v12;
	v28 =	vadd.f32 v50, v32;
	v41 =	vadd.f32 v51, v29;
	v42 =	vld.idx.msk [tilespmem:v46+s20+$0x0], $0xffff  }
0xa3: {  	v30 =	vadd.f32 v49, v39;
	v50 =	vmul.f32 v48, v34;
	v38 =	vadd.f32 v43, v36;
	v23 =	vld.idx.msk [tilespmem:v44+s20+$0x0], $0xffff  }
0xa4: {  	s1 =	smov.u32 s0;
	v36 =	vmul.f32 v53, v12;
	v29 =	vadd.f32 v52, v54;
	v39 =	vmul.f32 v31, v12;
	v34 =	vld.idx.msk [tilespmem:v24+s24+$0x0], $0xffff  }
0xa5: {  	_ =	sdelay $0x3  }
0xa6: {  	v51 =	vld.idx.msk [tilespmem:v11+s20+$0x0], $0xffff  }
0xa7: {  	v52 =	vld.idx.msk [tilespmem:v21+s20+$0x0], $0xffff  }
0xa8: {  	v48 =	vld.idx.msk [tilespmem:v17+s24+$0x0], $0xffff  }
0xa9: {  	v49 =	vld.idx.msk [tilespmem:v18+s20+$0x0], $0xffff  }
0xaa: {  	v47 =	vld.idx.msk [tilespmem:v24+s20+$0x0], $0xffff  }
0xab: {  	v53 =	vld.idx.msk [tilespmem:v14+s20+$0x0], $0xffff  }
0xac: {  	v45 =	vld.idx.msk [tilespmem:v26+s20+$0x0], $0xffff  }
0xad: {  	v43 =	vld.idx.msk [tilespmem:v27+s20+$0x0], $0xffff  }
0xae: {  	v44 =	vld.idx.msk [tilespmem:v19+s20+$0x0], $0xffff  }
0xaf: {  	v46 =	vld.idx.msk [tilespmem:v25+s20+$0x0], $0xffff;
	s12 =	sshll.u32 s17, $0x5  }
0xb0: {  	v31 =	vld [tilespmem:s12+$0x0]  }
0xb1: {  	s1 =	sshll.u32 s2, $0x4;
	v32 =	vld [tilespmem:s12+$0x1200]  }
0xb2: {  	v18 =	vld [tilespmem:s1+$0x0]  }
0xb3: {  	v19 =	vld [tilespmem:s1+$0x1200]  }
0xb4: {  	s10 =	sor.u32 $0x400, s12;
	v25 =	vld [tilespmem:s1+$0x1400]  }
0xb5: {  	v0 =	vld [tilespmem:s10+$0x0]  }
0xb6: {  	v54 =	vadd.f32 v20, v28;
	s31 =	sor.u32 $0x200, s1;
	v28 =	vld [tilespmem:s1+$0x1600]  }
0xb7: {  	v14 =	vmul.f32 v13, v33;
	s30 =	sor.u32 $0x400, s1;
	v24 =	vld [tilespmem:s31+$0x0]  }
0xb8: {  	v26 =	vadd.f32 v50, v30;
	v55 =	vmul.f32 v16, v12;
	v16 =	vmul.f32 v22, v33;
	s0 =	sor.u32 s3, s1;
	v63 =	vld [tilespmem:s30+$0x0]  }
0xb9: {  	s6 =	sor.u32 $0x600, s1;
	v11 =	vmov s0;
	v58 =	vmul.f32 v23, v33;
	v23 =	vld [tilespmem:s1+$0x1A00]  }
0xba: {  	s7 =	sor.u32 $0x800, s1;
	v29 =	vadd.f32 v14, v29;
	v56 =	vld [tilespmem:s6+$0x0];
	v57 =	vadd.f32 v16, v26;
	[tilespmem:$0x1FF80] =	vst v0;
	v0 =	vshrl.u32 v11, $0x6  }
0xbb: {  	v20 =	vor.u32 s0, v1;
	v26 =	vld [tilespmem:s7+$0x0];
	v13 =	vcvt.s32.f32 v0  }
0xbc: {  	s16 =	sor.u32 $0x600, s12;
	v59 =	vadd.f32 v15, v29;
	v39 =	vadd.f32 v39, v57;
	[tilespmem:$0x1FF90] =	vst v0;
	v0 =	vand.u32 $0x3F, v20;
	v20 =	vld [tilespmem:s1+$0x1800]  }
0xbd: {  	v22 =	vld [tilespmem:s16+$0x0];
	s16 =	sor.u32 $0xE00, s12;
	v14 =	vcvt.s32.f32 v0;
	v19 =	vadd.f32 v13, v19;
	v16 =	vadd.f32 v13, v25  }
0xbe: {  	v51 =	vmul.f32 v51, v33;
	[tilespmem:$0x1FFA0] =	vst v0;
	v0 =	vld [tilespmem:s16+$0x0];
	v25 =	vadd.f32 v13, v28;
	v23 =	vadd.f32 v13, v23  }
0xbf: {  	v27 =	vld [tilespmem:s12+$0x1400];
	v18 =	vadd.f32 v14, v18;
	v24 =	vadd.f32 v14, v24;
	v19 =	vmul.f32 $6.400000000e+01, v19  }
0xc0: {  	s11 =	sor.u32 $0x200, s12;
	v30 =	vld [tilespmem:s12+$0x1600];
	v50 =	vadd.f32 v14, v63;
	v56 =	vadd.f32 v14, v56;
	v16 =	vmul.f32 $6.400000000e+01, v16  }
0xc1: {  	s13 =	sor.u32 $0x800, s12;
	v21 =	vld [tilespmem:s11+$0x0];
	v52 =	vmul.f32 v52, v48;
	v18 =	vadd.f32 v19, v18;
	v19 =	vadd.f32 v13, v20  }
0xc2: {  	v23 =	vmul.f32 $6.400000000e+01, v23;
	v16 =	vadd.f32 v16, v24;
	v24 =	vmul.f32 $6.400000000e+01, v25;
	v20 =	vld [tilespmem:s13+$0x0];
	s13 =	sor.u32 $0x1000, s12  }
0xc3: {  	v26 =	vadd.f32 v14, v26;
	[tilespmem:$0x1FFB0] =	vst v0;
	v0 =	vld [tilespmem:s13+$0x0];
	v19 =	vmul.f32 $6.400000000e+01, v19;
	v18 =	vtrunc.f32 v18  }
0xc4: {  	v29 =	vld [tilespmem:s12+$0x1C00];
	v16 =	vtrunc.f32 v16;
	v50 =	vadd.f32 v24, v50;
	v15 =	vcvt.f32.s32 v18  }
0xc5: {  	v37 =	vmul.f32 v37, v48;
	v28 =	vld [tilespmem:s12+$0x1800];
	v16 =	vcvt.f32.s32 v16;
	v56 =	vadd.f32 v19, v56  }
0xc6: {  	v25 =	vld [tilespmem:s12+$0x1A00];
	v23 =	vadd.f32 v23, v26;
	v18 =	vtrunc.f32 v50;
	v15 =	vadd.s32 v15, v3  }
0xc7: {  	v26 =	vld [tilespmem:s12+$0x1E00];
	v16 =	vadd.s32 v16, v3;
	v60 =	vtrunc.f32 v56;
	v56 =	vcvt.f32.s32 v18  }
0xc8: {  	s14 =	sor.u32 $0xA00, s12;
	vm0 =	vgt.s32 v15, $0x0;
	vm12 =	vgt.s32 v16, $0x0;
	[tilespmem:$0x1FFC0] =	vst v0;
	v0 =	vld [tilespmem:s12+$0x2200];
	v50 =	vcvt.f32.s32 v60  }
0xc9: {  	s15 =	sor.u32 $0xC00, s12;
	v24 =	vld [tilespmem:s14+$0x0];
	v60 =	vtrunc.f32 v23;
	v61 =	vnsel vm0, $0x0, v15;
	v62 =	vnsel vm12, $0x0, v16  }
0xca: {  	v19 =	vld [tilespmem:s15+$0x0];
	v60 =	vcvt.f32.s32 v60;
	v61 =	vmin.u32 v61, $0x3FFF;
	v56 =	vadd.s32 v56, v3  }
0xcb: {  	v23 =	vld [tilespmem:s12+$0x2000];
	v62 =	vmin.u32 v62, $0x3FFF;
	vm13 =	vgt.s32 v56, $0x0;
	v50 =	vadd.s32 v50, v3;
	[tilespmem:$0x18400] =	vst v61  }
0xcc: {  	[tilespmem:$0x18410] =	vst v62;
	v56 =	vnsel vm13, $0x0, v56;
	vm14 =	vgt.s32 v50, $0x0;
	v60 =	vadd.s32 v60, v3  }
0xcd: {  	s14 =	simm.s32 $0x0;
	[tilespmem:$0x1FFD0] =	vst v0;
	v56 =	vmin.u32 v56, $0x3FFF;
	v50 =	vnsel vm14, $0x0, v50;
	vm15 =	vgt.s32 v60, $0x0  }
0xce: {  	[tilespmem:$0x18420] =	vst v56;
	v50 =	vmin.u32 v50, $0x3FFF;
	v56 =	vnsel vm15, $0x0, v60;
	v60 =	vadd.s32 s14, v1  }
0xcf: {  	v40 =	vmul.f32 v40, v48;
	[tilespmem:$0x18430] =	vst v50;
	v62 =	vmin.u32 v56, $0x3FFF;
	v63 =	vand.u32 $0x1FF, v60  }
0xd0: {  	v41 =	vadd.f32 v58, v41;
	v61 =	vmul.f32 v42, v33;
	[tilespmem:$0x18440] =	vst v62;
	v42 =	vor.u32 v2, v63  }
0xd1: {  	v53 =	vmul.f32 v53, v48;
	v48 =	vmul.f32 v49, v48;
	v49 =	vadd.f32 v51, v54;
	[tilespmem:s20], [sflag:$0x1] =	stream.indirect.gather [hbm4b:s5+s18], $0x200, s19, s18, $0xb8;
	[tilespmem:$0x19690] =	vst v63  }
0xd2: {  	v41 =	vadd.f32 v55, v41;
	s16 =	simm.s32 $0x1;
	s13 =	simm.s32 $0x2;
	v33 =	vadd.f32 v61, v38;
	v38 =	vor.u32 v5, v63;
	_ =	swait.ge [sflag:s29], $0x8000  }
0xd3: {  	v57 =	vadd.s32 s16, v1;
	s15 =	simm.s32 $0x3;
	v61 =	vadd.s32 s13, v1;
	v54 =	vor.u32 v6, v63;
	[sflag:s29] =	ssyncset.done $0x0  }
0xd4: {  	v60 =	vadd.s32 s15, v1;
	v56 =	vand.u32 $0x1FF, v61;
	v50 =	vor.u32 v8, v63;
	[sflag:s29] =	ssyncadd.s32 $0xFFFF8000  }
0xd5: {  	v51 =	vand.u32 $0x1FF, v60;
	v62 =	vand.u32 $0x1FF, v57;
	v57 =	vor.u32 v2, v56;
	v60 =	vld.idx.msk [tilespmem:v42+s24+$0x0], $0xffff  }
0xd6: {  	v47 =	vmul.f32 v47, v34;
	v43 =	vmul.f32 v43, v34;
	v33 =	vadd.f32 v36, v33;
	v42 =	vld.idx.msk [tilespmem:v42+s23+$0x0], $0xffff  }
0xd7: {  	v35 =	vadd.f32 v35, v49;
	v37 =	vadd.f32 v37, v41;
	v49 =	vor.u32 v2, v62;
	v38 =	vld.idx.msk [tilespmem:v38+s23+$0x0], $0xffff  }
0xd8: {  	v36 =	vmul.f32 v45, v34;
	v63 =	vmul.f32 v46, v34;
	v33 =	vadd.f32 v52, v33;
	v46 =	vld.idx.msk [tilespmem:v54+s23+$0x0], $0xffff  }
0xd9: {  	v61 =	vmul.f32 v44, v34;
	v52 =	vadd.f32 v53, v35;
	v53 =	vor.u32 v6, v62;
	v41 =	vld.idx.msk [tilespmem:v50+s23+$0x0], $0xffff  }
0xda: {  	v35 =	vadd.f32 v47, v37;
	v47 =	vor.u32 v6, v56;
	v34 =	vadd.f32 v63, v33;
	v44 =	vld.idx.msk [tilespmem:v57+s24+$0x0], $0xffff  }
0xdb: {  	v63 =	vor.u32 v5, v56;
	v37 =	vadd.f32 v43, v52;
	v52 =	vor.u32 v8, v56;
	v56 =	vld.idx.msk [tilespmem:v57+s23+$0x0], $0xffff  }
0xdc: {  	v50 =	vor.u32 v5, v62;
	v45 =	vld.idx.msk [tilespmem:v49+s24+$0x0], $0xffff  }
0xdd: {  	v48 =	vadd.f32 v48, v59;
	v39 =	vadd.f32 v40, v39;
	s14 =	simm.s32 $0x7;
	v62 =	vor.u32 v8, v62;
	v40 =	vld.idx.msk [tilespmem:v49+s23+$0x0], $0xffff  }
0xde: {  	v55 =	vadd.s32 s14, v1;
	v53 =	vld.idx.msk [tilespmem:v53+s23+$0x0], $0xffff  }
0xdf: {  	s13 =	simm.s32 $0x4;
	v58 =	vor.u32 v2, v51;
	v33 =	vadd.f32 v36, v48;
	v36 =	vadd.f32 v61, v39;
	v47 =	vld.idx.msk [tilespmem:v47+s23+$0x0], $0xffff  }
0xe0: {  	v43 =	vimm.f32 $0.0e+00;
	v61 =	vadd.s32 s13, v1;
	v39 =	vand.u32 $0x1FF, v55;
	v57 =	vld.idx.msk [tilespmem:v63+s23+$0x0], $0xffff  }
0xe1: {  	v49 =	vor.u32 v5, v51;
	v48 =	vld.idx.msk [tilespmem:v50+s23+$0x0], $0xffff;
	v42 =	vmul.f32 v42, v60;
	v38 =	vmul.f32 v38, v60  }
0xe2: {  	v54 =	vld.idx.msk [tilespmem:v62+s23+$0x0], $0xffff;
	v50 =	vand.u32 $0x1FF, v61;
	v46 =	vmul.f32 v46, v60;
	v41 =	vmul.f32 v41, v60  }
0xe3: {  	v52 =	vld.idx.msk [tilespmem:v52+s23+$0x0], $0xffff;
	v60 =	vor.u32 v6, v51;
	v51 =	vor.u32 v8, v51;
	v62 =	vmul.f32 v56, v44  }
0xe4: {  	v40 =	vmul.f32 v40, v45;
	v42 =	vadd.f32 v42, v43;
	v38 =	vadd.f32 v38, v43  }
0xe5: {  	v59 =	vld.idx.msk [tilespmem:v58+s24+$0x0], $0xffff;
	v46 =	vadd.f32 v46, v43;
	v41 =	vadd.f32 v41, v43;
	v43 =	vor.u32 v2, v50  }
0xe6: {  	v61 =	vor.u32 v2, v39;
	v53 =	vmul.f32 v53, v45;
	v49 =	vld.idx.msk [tilespmem:v49+s23+$0x0], $0xffff;
	v47 =	vmul.f32 v47, v44  }
0xe7: {  	s16 =	simm.s32 $0x5;
	v55 =	vor.u32 v5, v50;
	v48 =	vmul.f32 v48, v45;
	v45 =	vmul.f32 v54, v45;
	v54 =	vld.idx.msk [tilespmem:v58+s23+$0x0], $0xffff  }
0xe8: {  	s15 =	simm.s32 $0x6;
	v56 =	vadd.s32 s16, v1;
	v63 =	vmul.f32 v57, v44;
	v44 =	vmul.f32 v52, v44;
	v60 =	vld.idx.msk [tilespmem:v60+s23+$0x0], $0xffff  }
0xe9: {  	v52 =	vadd.s32 s15, v1;
	v40 =	vadd.f32 v40, v42;
	v58 =	vor.u32 v8, v50;
	v51 =	vld.idx.msk [tilespmem:v51+s23+$0x0], $0xffff  }
0xea: {  	v38 =	vadd.f32 v48, v38;
	v48 =	vor.u32 v6, v50;
	v45 =	vadd.f32 v45, v41;
	v41 =	vld.idx.msk [tilespmem:v43+s24+$0x0], $0xffff  }
0xeb: {  	v57 =	vadd.f32 v62, v40;
	v40 =	vand.u32 $0x1FF, v52;
	v50 =	vadd.f32 v53, v46;
	v43 =	vld.idx.msk [tilespmem:v43+s23+$0x0], $0xffff  }
0xec: {  	v52 =	vor.u32 v5, v39;
	v49 =	vmul.f32 v49, v59;
	v46 =	vld.idx.msk [tilespmem:v55+s23+$0x0], $0xffff;
	v62 =	vadd.f32 v63, v38  }
0xed: {  	v42 =	vand.u32 $0x1FF, v56;
	v53 =	vadd.f32 v47, v50;
	v50 =	vor.u32 v2, v40;
	v38 =	vld.idx.msk [tilespmem:v61+s24+$0x0], $0xffff  }
0xee: {  	v63 =	vmul.f32 v54, v59;
	v54 =	vadd.f32 v44, v45;
	v45 =	vadd.f32 v49, v62;
	v49 =	vld.idx.msk [tilespmem:v61+s23+$0x0], $0xffff  }
0xef: {  	v55 =	vmul.f32 v60, v59;
	v56 =	vmul.f32 v51, v59;
	v51 =	vor.u32 v5, v40;
	v47 =	vld.idx.msk [tilespmem:v48+s23+$0x0], $0xffff  }
0xf0: {  	s0 =	simm.s32 $0x8;
	v48 =	vld.idx.msk [tilespmem:v58+s23+$0x0], $0xffff;
	v44 =	vadd.f32 v63, v57;
	v57 =	vor.u32 v2, v42  }
.LBB2_5:
0xf1: {  	p0 =	slt.u32 s0, $0x1FC;
	v58 =	vld.idx.msk [tilespmem:v52+s23+$0x0], $0xffff;
	v53 =	vadd.f32 v55, v53;
	v54 =	vadd.f32 v56, v54;
	v52 =	vmov v39  }
0xf2: {  	v55 =	vor.u32 v5, v42;
	v56 =	vld.idx.msk [tilespmem:v50+s24+$0x0], $0xffff  }
0xf3: {  	v39 =	vadd.s32 s0, v1;
	s13 =	sadd.s32 $0x2, s0;
	s14 =	sadd.s32 $0x3, s0;
	v59 =	vor.u32 v6, v42;
	v60 =	vld.idx.msk [tilespmem:v50+s23+$0x0], $0xffff  }
0xf4: {  	s15 =	sadd.s32 $0x1, s0;
	v62 =	vor.u32 v8, v42;
	v61 =	vadd.s32 s14, v1;
	v50 =	vadd.s32 s13, v1;
	v51 =	vld.idx.msk [tilespmem:v51+s23+$0x0], $0xffff  }
0xf5: {  	v4 =	vor.u32 v6, v40;
	v63 =	vand.u32 $0x1FF, v39;
	v42 =	vadd.s32 s15, v1;
	v0 =	vld.idx.msk [tilespmem:v57+s24+$0x0], $0xffff  }
0xf6: {  	v39 =	vand.u32 $0x1FF, v61;
	v61 =	vor.u32 v8, v40;
	v40 =	vand.u32 $0x1FF, v50;
	v57 =	vld.idx.msk [tilespmem:v57+s23+$0x0], $0xffff  }
0xf7: {  	v11 =	vor.u32 v6, v52;
	v10 =	vor.u32 v2, v63;
	v42 =	vand.u32 $0x1FF, v42;
	v55 =	vld.idx.msk [tilespmem:v55+s23+$0x0], $0xffff  }
0xf8: {  	v16 =	vor.u32 v8, v52;
	v12 =	vor.u32 v5, v63;
	v15 =	vor.u32 v6, v63;
	v59 =	vld.idx.msk [tilespmem:v59+s23+$0x0], $0xffff  }
0xf9: {  	v43 =	vmul.f32 v43, v41;
	v46 =	vmul.f32 v46, v41;
	v63 =	vor.u32 v8, v63;
	v62 =	vld.idx.msk [tilespmem:v62+s23+$0x0], $0xffff  }
0xfa: {  	v47 =	vmul.f32 v47, v41;
	v48 =	vmul.f32 v48, v41;
	v17 =	vor.u32 v2, v39;
	v4 =	vld.idx.msk [tilespmem:v4+s23+$0x0], $0xffff  }
0xfb: {  	v52 =	vor.u32 v5, v39;
	v18 =	vmul.f32 v49, v38;
	v58 =	vmul.f32 v58, v38;
	v61 =	vld.idx.msk [tilespmem:v61+s23+$0x0], $0xffff  }
0xfc: {  	v50 =	vor.u32 v2, v40;
	v49 =	vmul.f32 v60, v56;
	v60 =	vmul.f32 v51, v56;
	v11 =	vld.idx.msk [tilespmem:v11+s23+$0x0], $0xffff  }
0xfd: {  	v51 =	vor.u32 v5, v40;
	v57 =	vmul.f32 v57, v0;
	v55 =	vmul.f32 v55, v0;
	v16 =	vld.idx.msk [tilespmem:v16+s23+$0x0], $0xffff  }
0xfe: {  	v44 =	vadd.f32 v43, v44;
	v45 =	vadd.f32 v46, v45;
	v59 =	vmul.f32 v59, v0;
	v41 =	vld.idx.msk [tilespmem:v10+s24+$0x0], $0xffff  }
0xff: {  	v48 =	vadd.f32 v48, v54;
	v0 =	vmul.f32 v62, v0;
	v43 =	vld.idx.msk [tilespmem:v10+s23+$0x0], $0xffff;
	v10 =	vadd.f32 v47, v53  }
.Ltmp1:
0x100: {  	v4 =	vmul.f32 v4, v56;
	v46 =	vld.idx.msk [tilespmem:v12+s23+$0x0], $0xffff;
	v12 =	vadd.f32 v57, v44;
	v44 =	vadd.f32 v55, v45;
	(pc) =	sbr.rel @p0 .LBB2_5-.Ltmp1, $4  }
0x101: {  	v0 =	vadd.f32 v0, v48;
	v47 =	vld.idx.msk [tilespmem:v15+s23+$0x0], $0xffff;
	v10 =	vadd.f32 v59, v10;
	v15 =	vmul.f32 v61, v56  }
0x102: {  	v55 =	vmul.f32 v11, v38;
	v48 =	vld.idx.msk [tilespmem:v63+s23+$0x0], $0xffff;
	v12 =	vadd.f32 v49, v12;
	v45 =	vadd.f32 v60, v44  }
0x103: {  	v56 =	vmul.f32 v16, v38;
	v53 =	vadd.f32 v4, v10;
	v54 =	vadd.f32 v15, v0;
	v38 =	vld.idx.msk [tilespmem:v17+s24+$0x0], $0xffff  }
0x104: {  	s0 =	sadd.s32 $0x4, s0;
	v57 =	vor.u32 v2, v42;
	v49 =	vld.idx.msk [tilespmem:v17+s23+$0x0], $0xffff;
	v44 =	vadd.f32 v18, v12;
	v45 =	vadd.f32 v58, v45  }
0x105: {  	_ =	sdelay $0x3  }
0x106: {  	v0 =	vld.idx.msk [tilespmem:v52+s23+$0x0], $0xffff  }
0x107: {  	v4 =	vor.u32 v5, v42;
	v10 =	vld.idx.msk [tilespmem:v50+s24+$0x0], $0xffff  }
0x108: {  	v11 =	vor.u32 v6, v42;
	v12 =	vld.idx.msk [tilespmem:v50+s23+$0x0], $0xffff  }
0x109: {  	v15 =	vor.u32 v8, v42;
	v16 =	vld.idx.msk [tilespmem:v51+s23+$0x0], $0xffff  }
0x10a: {  	v17 =	vld.idx.msk [tilespmem:v57+s24+$0x0], $0xffff;
	v18 =	vor.u32 v6, v40  }
0x10b: {  	v42 =	vld.idx.msk [tilespmem:v57+s23+$0x0], $0xffff;
	v62 =	vor.u32 v8, v40  }
0x10c: {  	v63 =	vor.u32 v6, v39;
	v43 =	vmul.f32 v43, v41;
	v4 =	vld.idx.msk [tilespmem:v4+s23+$0x0], $0xffff  }
0x10d: {  	v46 =	vmul.f32 v46, v41;
	v58 =	vor.u32 v8, v39;
	v60 =	vadd.f32 v55, v53;
	v11 =	vld.idx.msk [tilespmem:v11+s23+$0x0], $0xffff  }
0x10e: {  	v61 =	vadd.f32 v56, v54;
	v34 =	vmul.f32 v34, v7;
	v57 =	vmul.f32 v48, v41;
	v15 =	vld.idx.msk [tilespmem:v15+s23+$0x0], $0xffff  }
0x10f: {  	v47 =	vmul.f32 v47, v41;
	v43 =	vadd.f32 v43, v44;
	v59 =	vmul.f32 v49, v38;
	v18 =	vld.idx.msk [tilespmem:v18+s23+$0x0], $0xffff  }
0x110: {  	v41 =	vadd.f32 v57, v61;
	v0 =	vmul.f32 v0, v38;
	v40 =	vld.idx.msk [tilespmem:v62+s23+$0x0], $0xffff;
	v12 =	vmul.f32 v12, v10  }
0x111: {  	v16 =	vmul.f32 v16, v10;
	v42 =	vmul.f32 v42, v17;
	v62 =	vadd.f32 v46, v45  }
0x112: {  	v50 =	vld.idx.msk [tilespmem:v63+s23+$0x0], $0xffff;
	v63 =	vadd.f32 v47, v60;
	v4 =	vmul.f32 v4, v17;
	v11 =	vmul.f32 v11, v17  }
0x113: {  	v39 =	vld.idx.msk [tilespmem:v58+s23+$0x0], $0xffff;
	v47 =	vmul.f32 v37, v7;
	v15 =	vmul.f32 v15, v17;
	v17 =	vadd.f32 v42, v43  }
0x114: {  	v18 =	vmul.f32 v18, v10;
	v4 =	vadd.f32 v4, v62;
	v11 =	vadd.f32 v11, v63  }
0x115: {  	v10 =	vmul.f32 v40, v10;
	v15 =	vadd.f32 v15, v41;
	v12 =	vadd.f32 v12, v17  }
0x116: {  	v17 =	vmul.f32 v35, v7;
	v11 =	vadd.f32 v18, v11;
	v18 =	vmul.f32 v36, v7  }
0x117: {  	v4 =	vadd.f32 v16, v4;
	v16 =	vmul.f32 v50, v38;
	v10 =	vadd.f32 v10, v15  }
0x118: {  	v15 =	vmul.f32 v39, v38;
	v12 =	vadd.f32 v59, v12;
	v36 =	vmax.f32 v17, v18  }
0x119: {  	v0 =	vadd.f32 v0, v4;
	v4 =	vmul.f32 v33, v7;
	v49 =	vmax.f32 v36, v47  }
0x11a: {  	v11 =	vadd.f32 v16, v11;
	v12 =	vmul.f32 v12, v7;
	v16 =	vmax.f32 v49, v34  }
0x11b: {  	v10 =	vadd.f32 v15, v10;
	v0 =	vmul.f32 v0, v7;
	v15 =	vmax.f32 v16, v4  }
0x11c: {  	v11 =	vmul.f32 v11, v7;
	v15 =	vmax.f32 v15, v12  }
0x11d: {  	v10 =	vmul.f32 v10, v7;
	v15 =	vmax.f32 v15, v0  }
0x11e: {  	v15 =	vmax.f32 v15, v11  }
0x11f: {  	v15 =	vmax.f32 v15, v10  }
0x120: {  	v16 =	vsub.f32 v17, v15  }
0x121: {  	v17 =	vsub.f32 v18, v15  }
0x122: {  	v16 =	vmul.f32 $1.442695020e+00, v16  }
0x123: {  	v18 =	vsub.f32 v47, v15;
	v17 =	vmul.f32 $1.442695020e+00, v17  }
0x124: {  	(erf) = vpow2.f32 v16  }
0x125: {  	v16 =	vmul.f32 $1.442695020e+00, v18;
	(erf) = vpow2.f32 v17  }
0x126: {  	v17 =	vsub.f32 v34, v15  }
0x127: {  	v4 =	vsub.f32 v4, v15;
	(erf) = vpow2.f32 v16  }
0x128: {  	v16 =	vmul.f32 $1.442695020e+00, v17  }
0x129: {  	v12 =	vsub.f32 v12, v15;
	v4 =	vmul.f32 $1.442695020e+00, v4  }
0x12a: {  	v0 =	vsub.f32 v0, v15;
	(erf) = vpow2.f32 v16  }
0x12b: {  	(erf) = vpow2.f32 v4;
	v4 =	vmul.f32 $1.442695020e+00, v12  }
0x12c: {  	v0 =	vmul.f32 $1.442695020e+00, v0  }
0x12d: {  	v12 =	vpop (erf);
	(erf) = vpow2.f32 v4;
	v4 =	vsub.f32 v11, v15  }
0x12e: {  	v11 =	vpop (erf);
	(erf) = vpow2.f32 v0  }
0x12f: {  	v0 =	vmul.f32 $1.442695020e+00, v4;
	v4 =	vsub.f32 v10, v15;
	v10 =	vadd.f32 v11, v12  }
0x130: {  	v15 =	vpop (erf)  }
0x131: {  	(erf) = vpow2.f32 v0;
	v0 =	vmul.f32 $1.442695020e+00, v4;
	v4 =	vadd.f32 v10, v15;
	_ =	sdelay $0x1  }
0x132: {  	v10 =	vpop (erf)  }
0x133: {  	(erf) = vpow2.f32 v0;
	v0 =	vadd.f32 v4, v10  }
0x134: {  	v4 =	vpop (erf)  }
0x135: {  	v0 =	vadd.f32 v0, v4  }
0x136: {  	v16 =	vpop (erf)  }
0x137: {  	v0 =	vadd.f32 v0, v16  }
0x138: {  	v17 =	vpop (erf)  }
0x139: {  	v0 =	vadd.f32 v0, v17  }
0x13a: {  	v18 =	vpop (erf)  }
0x13b: {  	v0 =	vadd.f32 v0, v18  }
0x13c: {  	v50 =	vpop (erf)  }
0x13d: {  	v0 =	vadd.f32 v0, v50;
	_ =	sdelay $0x1  }
0x13e: {  	(erf) = vrcp.f32 v0;
	_ =	sdelay $0x8  }
0x13f: {  	v0 =	vpop (erf)  }
0x140: {  	v46 =	vmul.f32 v0, v12;
	_ =	sdelay $0x1  }
0x141: {  	vm0 =	vlt.f32 v46, $-Inf;
	vm1 =	vgt.f32 v46, $-Inf  }
0x142: {  	v45 =	vmul.f32 v0, v11;
	vm7 =	vmor vm1, vm0  }
0x143: {  	v11 =	vnsel vm7, $0xFF800000, v46  }
0x144: {  	v51 =	vmul.f32 v0, v15;
	vm9 =	vgt.f32 v45, v11  }
0x145: {  	v11 =	vsel vm9, v45, v11  }
0x146: {  	v52 =	vmul.f32 v0, v10;
	vm10 =	vgt.f32 v51, v11  }
0x147: {  	v10 =	vsel vm10, v51, v11  }
0x148: {  	vm12 =	vgt.f32 v52, v10  }
0x149: {  	v53 =	vmul.f32 v0, v4;
	v4 =	vsel vm12, v52, v10;
	v10 =	vimm.s32 $0x0  }
0x14a: {  	v57 =	vimm.s32 $0x0;
	v10 =	vsel vm12, $0xFFFFFFFF, v10  }
0x14b: {  	v54 =	vmul.f32 v0, v16;
	vm13 =	vgt.f32 v53, v4;
	[tilespmem:$0x1FED0] =	vst v10;
	v10 =	vimm.s32 $0x0  }
0x14c: {  	v55 =	vmul.f32 v0, v17;
	v4 =	vsel vm13, v53, v4;
	v10 =	vsel vm13, $0xFFFFFFFF, v10  }
0x14d: {  	v58 =	vmul.f32 v0, v18;
	vm8 =	vgt.f32 v54, v4;
	[tilespmem:$0x1FEE0] =	vst v10;
	v10 =	vsel vm9, $0x1, v57  }
0x14e: {  	s0 =	sor.u32 s3, s12;
	v33 =	vmul.f32 v0, v50;
	v4 =	vsel vm8, v54, v4;
	v10 =	vsel vm10, $0x2, v10  }
0x14f: {  	v12 =	vor.u32 s0, v1;
	vm14 =	vgt.f32 v55, v4;
	v10 =	vsel vm12, $0x3, v10  }
0x150: {  	v61 =	vand.u32 $0x2F, v12;
	v4 =	vsel vm14, v55, v4;
	v10 =	vsel vm13, $0x4, v10  }
0x151: {  	v63 =	vcvt.s32.f32 v61;
	vm5 =	vgt.f32 v58, v4;
	v0 =	vsel vm8, $0x5, v10  }
0x152: {  	v11 =	vimm.s32 $0x0;
	v59 =	vsel vm5, v58, v4;
	v4 =	vld [tilespmem:s1+$0x1C00];
	v0 =	vsel vm14, $0x6, v0  }
0x153: {  	s13 =	sor.u32 $0xA00, s1;
	v11 =	vsel vm14, $0xFFFFFFFF, v11;
	vm4 =	vgt.f32 v33, v59;
	v0 =	vsel vm5, $0x7, v0  }
0x154: {  	v18 =	vimm.s32 $0x0;
	[tilespmem:$0x1FF10] =	vst v11;
	v11 =	vld [tilespmem:s13+$0x0];
	v10 =	vmov s0;
	v0 =	vsel vm4, $0x8, v0  }
0x155: {  	v48 =	vadd.f32 v63, v31;
	v60 =	vshrl.u32 v10, $0x6;
	vm6 =	vne.s32 v0, $0x0  }
0x156: {  	s15 =	sor.u32 $0xC00, s1;
	v15 =	vld [tilespmem:s1+$0x2000];
	v10 =	vimm.s32 $0x0;
	vm11 =	veq.s32 v0, $0x1;
	vm15 =	vmand vm7, vm6  }
0x157: {  	v17 =	vld [tilespmem:s15+$0x0];
	v4 =	vadd.f32 v13, v4;
	v10 =	vsel vm15, $0xFFFFFFFF, v10;
	v12 =	vnsel vm15, $0xFF800000, v46  }
0x158: {  	s14 =	sor.u32 $0xE00, s1;
	v31 =	vimm.s32 $0x0;
	v18 =	vsel vm11, $0xFFFFFFFF, v18;
	[tilespmem:$0x1FF20] =	vst v10;
	v10 =	vld [tilespmem:s1+$0x1E00];
	vm0 =	vgt.f32 v45, v12  }
0x159: {  	v11 =	vadd.f32 v14, v11;
	[tilespmem:$0x1FEC0] =	vst v18;
	v18 =	vld [tilespmem:s14+$0x0];
	v4 =	vmul.f32 $6.400000000e+01, v4;
	vm0 =	vmneg vm0  }
0x15a: {  	v62 =	vcvt.s32.f32 v60;
	vm3 =	veq.s32 v0, $0x2;
	vm11 =	vmor vm11, vm0  }
0x15b: {  	vm14 =	veq.s32 v0, $0x3;
	v4 =	vadd.f32 v4, v11;
	v12 =	vsel vm11, v12, v45  }
0x15c: {  	v11 =	vadd.f32 v13, v15;
	v15 =	vadd.f32 v14, v17;
	vm12 =	vgt.f32 v51, v12  }
0x15d: {  	v31 =	vsel vm11, $0xFFFFFFFF, v31;
	v10 =	vadd.f32 v13, v10;
	vm0 =	vmneg vm12  }
0x15e: {  	v11 =	vmul.f32 $6.400000000e+01, v11;
	v17 =	vadd.f32 v14, v18;
	vm12 =	vmor vm3, vm0  }
0x15f: {  	v4 =	vtrunc.f32 v4;
	v10 =	vmul.f32 $6.400000000e+01, v10;
	v12 =	vsel vm12, v12, v51  }
0x160: {  	v4 =	vcvt.f32.s32 v4;
	v11 =	vadd.f32 v11, v17;
	vm13 =	vgt.f32 v52, v12  }
0x161: {  	v10 =	vadd.f32 v10, v15;
	vm0 =	vmneg vm13;
	v15 =	vimm.s32 $0x0  }
0x162: {  	v4 =	vadd.s32 v4, v3;
	v15 =	vsel vm14, $0xFFFFFFFF, v15;
	vm13 =	vmor vm14, vm0  }
0x163: {  	vm14 =	veq.s32 v0, $0x4;
	v10 =	vtrunc.f32 v10;
	v12 =	vsel vm13, v12, v52  }
0x164: {  	[tilespmem:$0x1FEF0] =	vst v15;
	v15 =	vimm.s32 $0x0;
	v10 =	vcvt.f32.s32 v10;
	vm15 =	vgt.f32 v53, v12  }
0x165: {  	v11 =	vtrunc.f32 v11;
	v15 =	vsel vm14, $0xFFFFFFFF, v15;
	vm0 =	vmneg vm15  }
0x166: {  	v10 =	vadd.s32 v10, v3;
	vm14 =	vmor vm14, vm0;
	vm0 =	vgt.s32 v4, $0x0  }
0x167: {  	vm15 =	vgt.s32 v10, $0x0;
	v49 =	vnsel vm0, $0x0, v4;
	v4 =	vsel vm14, v12, v53  }
0x168: {  	[tilespmem:$0x1FF30] =	vst v31;
	v11 =	vcvt.f32.s32 v11;
	v31 =	vnsel vm15, $0x0, v10;
	vm15 =	vgt.f32 v54, v4  }
0x169: {  	vm2 =	veq.s32 v0, $0x5;
	[tilespmem:$0x1FF00] =	vst v15;
	v15 =	vimm.s32 $0x0;
	vm0 =	vmneg vm15  }
0x16a: {  	v11 =	vadd.s32 v11, v3;
	v15 =	vsel vm2, $0xFFFFFFFF, v15;
	vm2 =	vmor vm2, vm0  }
0x16b: {  	v16 =	vadd.f32 v62, v32;
	vm15 =	vgt.s32 v11, $0x0;
	v4 =	vsel vm2, v4, v54  }
0x16c: {  	vm11 =	vmneg vm11;
	v50 =	vnsel vm15, $0x0, v11;
	vm15 =	vgt.f32 v55, v4  }
0x16d: {  	s0 =	sor.u32 $0x1000, s1;
	v11 =	vsel vm11, $0x1, v57;
	vm11 =	veq.s32 v0, $0x6;
	vm0 =	vmneg vm15  }
0x16e: {  	v20 =	vadd.f32 v63, v20;
	v16 =	vmul.f32 $6.400000000e+01, v16;
	v17 =	vld [tilespmem:s0+$0x0];
	vm0 =	vmor vm11, vm0  }
0x16f: {  	v18 =	vimm.s32 $0x0;
	v12 =	vld [tilespmem:s1+$0x2200];
	v0 =	vimm.s32 $0x0;
	v4 =	vsel vm0, v4, v55  }
0x170: {  	v0 =	vsel vm11, $0xFFFFFFFF, v0;
	vm11 =	vmneg vm4;
	vm15 =	vgt.f32 v58, v4  }
0x171: {  	v10 =	vadd.f32 v16, v48;
	vm1 =	vmneg vm15;
	vm15 =	vmand vm11, vm5  }
0x172: {  	v24 =	vadd.f32 v63, v24;
	[tilespmem:$0x1FF40] =	vst v15;
	v16 =	vadd.f32 v62, v30;
	v18 =	vsel vm15, $0xFFFFFFFF, v18  }
0x173: {  	v15 =	vadd.f32 v62, v27;
	v10 =	vtrunc.f32 v10;
	[tilespmem:$0x1FF60] =	vst v18;
	v18 =	vadd.f32 v14, v17;
	v17 =	vld [tilespmem:$0x1FF80]  }
0x174: {  	v16 =	vmul.f32 $6.400000000e+01, v16;
	v11 =	vnsel vm12, $0x2, v11;
	v12 =	vadd.f32 v13, v12  }
0x175: {  	[tilespmem:$0x1FF50] =	vst v0;
	v0 =	vmul.f32 $6.400000000e+01, v15;
	v15 =	vadd.f32 v63, v21;
	v11 =	vnsel vm13, $0x3, v11  }
0x176: {  	v10 =	vcvt.f32.s32 v10;
	v11 =	vnsel vm14, $0x4, v11;
	v12 =	vmul.f32 $6.400000000e+01, v12  }
0x177: {  	v11 =	vnsel vm2, $0x5, v11;
	v0 =	vadd.f32 v0, v15;
	vm1 =	vmor vm15, vm1  }
0x178: {  	v11 =	vnsel vm0, $0x6, v11;
	v21 =	vadd.f32 v63, v17;
	v17 =	vsel vm1, v4, v58  }
0x179: {  	v4 =	vadd.f32 v12, v18;
	v12 =	vimm.s32 $0x0;
	vm15 =	vgt.f32 v33, v17  }
0x17a: {  	v15 =	vadd.f32 v62, v28;
	v11 =	vnsel vm1, $0x7, v11;
	v12 =	vsel vm15, $0xFFFFFFFF, v12  }
0x17b: {  	vm11 =	vmand vm15, vm11;
	v4 =	vtrunc.f32 v4;
	[tilespmem:$0x1FF70] =	vst v12;
	v12 =	vadd.f32 v16, v21  }
0x17c: {  	v11 =	vsel vm11, $0x8, v11;
	v4 =	vcvt.f32.s32 v4;
	v21 =	vadd.f32 v63, v22;
	v22 =	vld [tilespmem:$0x1FEC0]  }
0x17d: {  	v0 =	vtrunc.f32 v0;
	v15 =	vmul.f32 $6.400000000e+01, v15;
	vm15 =	vne.s32 v11, $0x0  }
0x17e: {  	v0 =	vcvt.f32.s32 v0;
	vm6 =	vmand vm6, vm15;
	v4 =	vadd.s32 v4, v3  }
0x17f: {  	v15 =	vadd.f32 v15, v21;
	v21 =	vadd.f32 v62, v29;
	vm15 =	vgt.s32 v4, $0x0  }
0x180: {  	v16 =	vnsel vm7, $0x0, v10;
	vm6 =	vmand vm7, vm6;
	v4 =	vnsel vm15, $0x0, v4  }
0x181: {  	v21 =	vmul.f32 $6.400000000e+01, v21;
	vm15 =	vnez.u8 v22;
	v22 =	vadd.f32 v62, v25  }
0x182: {  	v16 =	vsel vm9, v0, v16;
	vm7 =	veq.s32 v11, $0x1;
	v18 =	vnsel vm6, $0xFF800000, v46  }
0x183: {  	vm9 =	vgt.f32 v45, v18;
	v21 =	vadd.f32 v21, v24;
	v24 =	vld [tilespmem:$0x1FED0];
	v22 =	vmul.f32 $6.400000000e+01, v22  }
0x184: {  	vm7 =	vmor vm7, vm15;
	vm9 =	vmneg vm9  }
0x185: {  	vm7 =	vmor vm7, vm9;
	v20 =	vadd.f32 v22, v20;
	v22 =	vadd.f32 v62, v26  }
0x186: {  	v19 =	vadd.f32 v63, v19;
	vm15 =	veq.s32 v11, $0x2;
	v18 =	vsel vm7, v18, v45  }
0x187: {  	vm3 =	vmor vm15, vm3;
	vm15 =	vgt.f32 v51, v18;
	v22 =	vmul.f32 $6.400000000e+01, v22  }
0x188: {  	vm9 =	vmneg vm15;
	vm15 =	vnez.u8 v24;
	v24 =	vld [tilespmem:$0x1FEE0]  }
0x189: {  	v12 =	vtrunc.f32 v12;
	v19 =	vadd.f32 v22, v19;
	v22 =	vld [tilespmem:$0x1FEF0]  }
0x18a: {  	v12 =	vcvt.f32.s32 v12;
	v15 =	vtrunc.f32 v15  }
0x18b: {  	v15 =	vcvt.f32.s32 v15;
	v20 =	vtrunc.f32 v20  }
0x18c: {  	v16 =	vsel vm10, v12, v16;
	v20 =	vcvt.f32.s32 v20  }
0x18d: {  	v16 =	vsel vm15, v15, v16;
	vm15 =	vnez.u8 v24  }
0x18e: {  	v16 =	vsel vm15, v20, v16;
	vm15 =	vnez.u8 v22;
	v22 =	vadd.f32 v62, v23;
	v23 =	vld [tilespmem:$0x1FFB0];
	_ =	sdelay $0x4  }
0x18f: {  	v22 =	vmul.f32 $6.400000000e+01, v22;
	v23 =	vadd.f32 v63, v23  }
0x190: {  	v24 =	vld [tilespmem:$0x1FF00]  }
0x191: {  	v21 =	vtrunc.f32 v21;
	vm3 =	vmor vm3, vm9;
	v22 =	vadd.f32 v22, v23;
	v23 =	vld [tilespmem:$0x1FF10]  }
0x192: {  	v21 =	vcvt.f32.s32 v21;
	v18 =	vsel vm3, v18, v51  }
0x193: {  	vm9 =	veq.s32 v11, $0x3;
	vm10 =	vgt.f32 v52, v18  }
0x194: {  	vm10 =	vmneg vm10;
	v16 =	vsel vm8, v21, v16;
	vm9 =	vmor vm9, vm15  }
0x195: {  	vm9 =	vmor vm9, vm10;
	vm10 =	veq.s32 v11, $0x4;
	vm8 =	vnez.u8 v24  }
0x196: {  	vm10 =	vmor vm10, vm8;
	vm8 =	vnez.u8 v23;
	v23 =	vld [tilespmem:$0x1FF20]  }
0x197: {  	v24 =	vld [tilespmem:$0x1FF30]  }
0x198: {  	v18 =	vsel vm9, v18, v52  }
0x199: {  	vm15 =	vgt.f32 v53, v18  }
0x19a: {  	vm15 =	vmneg vm15  }
0x19b: {  	vm10 =	vmor vm10, vm15;
	vm15 =	vnez.u8 v23  }
0x19c: {  	v23 =	vnsel vm15, $0x0, v10;
	vm15 =	vnez.u8 v24;
	v24 =	vld [tilespmem:$0x1FF40];
	_ =	sdelay $0x1  }
0x19d: {  	v25 =	vld [tilespmem:$0x1FF50];
	v19 =	vtrunc.f32 v19  }
0x19e: {  	v19 =	vcvt.f32.s32 v19  }
0x19f: {  	v18 =	vsel vm10, v18, v53;
	v22 =	vtrunc.f32 v22;
	v23 =	vsel vm15, v23, v0  }
0x1a0: {  	v22 =	vcvt.f32.s32 v22;
	v23 =	vsel vm12, v23, v12;
	vm12 =	vnez.u8 v24;
	v24 =	vld [tilespmem:$0x1FFD0]  }
0x1a1: {  	v16 =	vsel vm8, v19, v16;
	vm8 =	veq.s32 v11, $0x5;
	v23 =	vsel vm13, v23, v15  }
0x1a2: {  	vm15 =	vgt.f32 v54, v18;
	v23 =	vsel vm14, v23, v20;
	vm14 =	vnez.u8 v25;
	v25 =	vld [tilespmem:$0x1FFC0]  }
0x1a3: {  	v10 =	vnsel vm6, $0x0, v10;
	vm8 =	vmor vm8, vm12;
	vm12 =	vmneg vm15  }
0x1a4: {  	v16 =	vsel vm5, v22, v16;
	v0 =	vsel vm7, v10, v0;
	vm5 =	vmor vm8, vm12  }
0x1a5: {  	vm12 =	veq.s32 v11, $0x6;
	v18 =	vsel vm5, v18, v54;
	v24 =	vadd.f32 v62, v24  }
0x1a6: {  	v23 =	vsel vm2, v23, v21;
	vm2 =	vmor vm12, vm14;
	vm13 =	vgt.f32 v55, v18  }
0x1a7: {  	v25 =	vadd.f32 v63, v25;
	vm15 =	vmneg vm13;
	v24 =	vmul.f32 $6.400000000e+01, v24  }
0x1a8: {  	v0 =	vsel vm3, v0, v12;
	v12 =	vld [tilespmem:$0x1FF60];
	vm2 =	vmor vm2, vm15  }
0x1a9: {  	v0 =	vsel vm9, v0, v15;
	v10 =	vsel vm2, v18, v55;
	v18 =	vadd.f32 v24, v25  }
0x1aa: {  	v4 =	vmin.u32 v4, $0x3FFF;
	v15 =	vmin.u32 v49, $0x3FFF;
	v0 =	vsel vm10, v0, v20  }
0x1ab: {  	[tilespmem:$0x18450] =	vst v15;
	v15 =	vmin.u32 v31, $0x3FFF;
	vm12 =	veq.s32 v11, $0x7;
	v11 =	vtrunc.f32 v18  }
0x1ac: {  	v23 =	vsel vm0, v23, v19;
	vm8 =	vgt.f32 v58, v10;
	v11 =	vcvt.f32.s32 v11  }
0x1ad: {  	vm13 =	vnez.u8 v12;
	v12 =	vsel vm1, v23, v22;
	vm0 =	vmneg vm8  }
0x1ae: {  	[tilespmem:$0x18480] =	vst v4;
	v0 =	vsel vm5, v0, v21;
	vm0 =	vmor vm12, vm0;
	v4 =	vsel vm11, v11, v12;
	v12 =	vld [tilespmem:$0x1FF70]  }
0x1af: {  	v0 =	vsel vm2, v0, v19;
	vm0 =	vmor vm13, vm0;
	v18 =	vmin.u32 v50, $0x3FFF  }
0x1b0: {  	v10 =	vsel vm0, v10, v58;
	v0 =	vsel vm0, v0, v22;
	v16 =	vsel vm4, v11, v16  }
0x1b1: {  	[tilespmem:$0x18470] =	vst v18;
	v18 =	vsel vm4, v33, v59;
	vm15 =	vgt.f32 v33, v10;
	v19 =	vand.u32 $0x3F, v16  }
0x1b2: {  	[tilespmem:$0x18460] =	vst v15;
	vm1 =	vmneg vm15;
	v15 =	vshra.s32 v16, $0x6;
	v16 =	vsub.s32 v19, v61  }
0x1b3: {  	v15 =	vsub.s32 v15, v60;
	v16 =	vcvt.s32.f32 v16;
	vm14 =	vnez.u8 v12  }
0x1b4: {  	[tilespmem:s23], [sflag:$0x2] =	stream.indirect.gather [hbm4b:s5+s21], $0x200, s22, s21, $0xb8;
	v12 =	vcvt.s32.f32 v15;
	v15 =	vand.u32 $0x3F, v4;
	vm0 =	vmor vm14, vm4;
	[tilespmem:$0x19690] =	vst v63  }
0x1b5: {  	[tilespmem:s12+$0x19090] =	vst v18;
	v4 =	vshra.s32 v4, $0x6;
	v15 =	vsub.s32 v15, v61;
	vm0 =	vmor vm0, vm1  }
0x1b6: {  	v4 =	vsub.s32 v4, v60;
	[tilespmem:s12+$0x18A90] =	vst v12;
	v12 =	vcvt.s32.f32 v15;
	v0 =	vsel vm0, v0, v11  }
0x1b7: {  	[tilespmem:s12+$0x18490] =	vst v16;
	v4 =	vcvt.s32.f32 v4;
	v11 =	vand.u32 $0x3F, v0  }
0x1b8: {  	[tilespmem:s11+$0x18490] =	vst v12;
	v0 =	vshra.s32 v0, $0x6;
	v11 =	vsub.s32 v11, v61  }
0x1b9: {  	v12 =	vsel vm11, v33, v17;
	[tilespmem:s11+$0x18A90] =	vst v4;
	v0 =	vsub.s32 v0, v60;
	v4 =	vcvt.s32.f32 v11  }
0x1ba: {  	s9 =	smin.u32 s9, $0x1D;
	[tilespmem:s11+$0x19090] =	vst v12;
	v0 =	vcvt.s32.f32 v0  }
0x1bb: {  	p0 =	sgt.u32 s2, $0x1E;
	s9 =	sadd.s32 $0x2, s9;
	[tilespmem:s10+$0x18490] =	vst v4  }
0x1bc: {  	s2 =	sshll.u32 @!p0 s9, $0xD;
	v4 =	vsel vm0, v10, v33;
	[tilespmem:s10+$0x18A90] =	vst v0  }
0x1bd: {  	s2 =	sadd.s32 @!p0 s2, s8;
	s12 =	simm.s32 $0x0;
	[tilespmem:s10+$0x19090] =	vst v4  }
0x1be: {  	s16 =	simm.s32 $0x1;
	s2 =	sshrl.u32 @!p0 s2, $0x3;
	v0 =	vadd.s32 s12, v1;
	_ =	swait.ge [sflag:s25], $0x2000  }
0x1bf: {  	s2 =	sadd.s32 @!p0 s4, s2;
	v4 =	vadd.s32 s16, v1;
	v0 =	vand.u32 $0x1FF, v0;
	[sflag:s25] =	ssyncset.done $0x0  }
0x1c0: {  	s11 =	simm.s32 @!p0 $0x2400;
	s10 =	simm.s32 @!p0 $0x0;
	v4 =	vand.u32 $0x1FF, v4;
	v10 =	vor.u32 v2, v0;
	[sflag:s25] =	ssyncadd.s32 $0xFFFFE000  }
0x1c1: {  	v11 =	vor.u32 v9, v4;
	[tilespmem:s11], [sflag:$0x3] =	stream.linear.gather @!p0 [hbm4b:s2+s10], $0x2000, $0x38;
	[tilespmem:$0x19690] =	vst v63  }
0x1c2: {  	v12 =	vor.u32 v9, v0;
	_ =	swait.ge [sflag:s28], $0xA000  }
0x1c3: {  	v15 =	vor.u32 v2, v4;
	[sflag:s28] =	ssyncset.done $0x0  }
0x1c4: {  	v16 =	vor.u32 v8, v4;
	[sflag:s28] =	ssyncadd.s32 $0xFFFF6000  }
0x1c5: {  	s12 =	simm.s32 $0x2;
	v17 =	vor.u32 v6, v4;
	v18 =	vld.idx.msk [tilespmem:v10+s26+$0x0], $0xffff  }
0x1c6: {  	v19 =	vadd.s32 s12, v1;
	v11 =	vld.idx.msk [tilespmem:v11+s20+$0x0], $0xffff  }
0x1c7: {  	v19 =	vand.u32 $0x1FF, v19;
	v4 =	vor.u32 v5, v4;
	v12 =	vld.idx.msk [tilespmem:v12+s20+$0x0], $0xffff  }
0x1c8: {  	v21 =	vor.u32 v2, v19;
	v20 =	vld.idx.msk [tilespmem:v15+s26+$0x0], $0xffff  }
0x1c9: {  	v22 =	vor.u32 v5, v0;
	v16 =	vld.idx.msk [tilespmem:v16+s20+$0x0], $0xffff  }
0x1ca: {  	v23 =	vor.u32 v5, v19;
	v17 =	vld.idx.msk [tilespmem:v17+s20+$0x0], $0xffff  }
0x1cb: {  	v15 =	vld.idx.msk [tilespmem:v15+s20+$0x0], $0xffff  }
0x1cc: {  	v25 =	vor.u32 v8, v0;
	v0 =	vor.u32 v6, v0;
	v4 =	vld.idx.msk [tilespmem:v4+s20+$0x0], $0xffff  }
0x1cd: {  	s16 =	simm.s32 $0x3;
	v28 =	vor.u32 v8, v19;
	v27 =	vld.idx.msk [tilespmem:v21+s20+$0x0], $0xffff  }
0x1ce: {  	v24 =	vadd.s32 s16, v1;
	v22 =	vld.idx.msk [tilespmem:v22+s20+$0x0], $0xffff  }
0x1cf: {  	v24 =	vand.u32 $0x1FF, v24;
	v23 =	vld.idx.msk [tilespmem:v23+s20+$0x0], $0xffff  }
0x1d0: {  	v26 =	vor.u32 v2, v24;
	v10 =	vld.idx.msk [tilespmem:v10+s20+$0x0], $0xffff  }
0x1d1: {  	v29 =	vimm.f32 $0.0e+00;
	v30 =	vor.u32 v9, v19;
	v0 =	vld.idx.msk [tilespmem:v0+s20+$0x0], $0xffff  }
0x1d2: {  	v19 =	vor.u32 v6, v19;
	v31 =	vor.u32 v5, v24;
	v51 =	vor.u32 v9, v24;
	v28 =	vld.idx.msk [tilespmem:v28+s20+$0x0], $0xffff  }
0x1d3: {  	v52 =	vor.u32 v6, v24;
	v24 =	vor.u32 v8, v24;
	s11 =	simm.s32 $0x7;
	v21 =	vld.idx.msk [tilespmem:v21+s26+$0x0], $0xffff;
	v11 =	vmul.f32 v11, v20  }
0x1d4: {  	s10 =	simm.s32 $0x5;
	v35 =	vadd.s32 s11, v1;
	v25 =	vld.idx.msk [tilespmem:v25+s20+$0x0], $0xffff;
	v34 =	vmul.f32 v17, v20;
	v4 =	vmul.f32 v4, v20  }
0x1d5: {  	s12 =	simm.s32 $0x4;
	v43 =	vld.idx.msk [tilespmem:v26+s26+$0x0], $0xffff;
	v16 =	vmul.f32 v16, v20;
	v12 =	vmul.f32 v12, v18;
	v17 =	vadd.s32 s10, v1  }
0x1d6: {  	v30 =	vld.idx.msk [tilespmem:v30+s20+$0x0], $0xffff;
	v20 =	vmul.f32 v15, v20;
	v15 =	vmul.f32 v22, v18;
	v22 =	vadd.s32 s12, v1  }
0x1d7: {  	v26 =	vld.idx.msk [tilespmem:v26+s20+$0x0], $0xffff;
	v10 =	vmul.f32 v10, v18;
	v0 =	vmul.f32 v0, v18;
	v22 =	vand.u32 $0x1FF, v22  }
0x1d8: {  	v19 =	vld.idx.msk [tilespmem:v19+s20+$0x0], $0xffff;
	v45 =	vmul.f32 v28, v21;
	v53 =	vand.u32 $0x1FF, v17;
	v41 =	vor.u32 v2, v22  }
0x1d9: {  	v32 =	vld.idx.msk [tilespmem:v51+s20+$0x0], $0xffff;
	v12 =	vadd.f32 v12, v29;
	v54 =	vor.u32 v9, v53;
	v39 =	vor.u32 v5, v22  }
0x1da: {  	v33 =	vld.idx.msk [tilespmem:v52+s20+$0x0], $0xffff;
	v17 =	vor.u32 v6, v22;
	v42 =	vor.u32 v8, v22;
	v22 =	vor.u32 v9, v22  }
0x1db: {  	v24 =	vld.idx.msk [tilespmem:v24+s20+$0x0], $0xffff;
	v18 =	vmul.f32 v25, v18;
	v46 =	vmul.f32 v27, v21;
	v62 =	vor.u32 v2, v53  }
0x1dc: {  	s16 =	simm.s32 $0x6;
	v23 =	vmul.f32 v23, v21;
	v28 =	vor.u32 v8, v53;
	v11 =	vadd.f32 v11, v12;
	v12 =	vld.idx.msk [tilespmem:v31+s20+$0x0], $0xffff  }
0x1dd: {  	v27 =	vadd.s32 s16, v1;
	v19 =	vmul.f32 v19, v21;
	v55 =	vadd.f32 v15, v29;
	v15 =	vld.idx.msk [tilespmem:v41+s26+$0x0], $0xffff  }
0x1de: {  	v47 =	vmul.f32 v26, v43;
	v63 =	vor.u32 v5, v53;
	v10 =	vadd.f32 v10, v29;
	v37 =	vld.idx.msk [tilespmem:v54+s20+$0x0], $0xffff  }
0x1df: {  	v0 =	vadd.f32 v0, v29;
	v18 =	vadd.f32 v18, v29;
	v31 =	vor.u32 v6, v53;
	v25 =	vld.idx.msk [tilespmem:v22+s20+$0x0], $0xffff  }
0x1e0: {  	v56 =	vmul.f32 v30, v21;
	v4 =	vadd.f32 v4, v55;
	v10 =	vadd.f32 v20, v10;
	v21 =	vld.idx.msk [tilespmem:v62+s26+$0x0], $0xffff  }
0x1e1: {  	v58 =	vmul.f32 v32, v43;
	v0 =	vadd.f32 v34, v0;
	v16 =	vadd.f32 v16, v18;
	v60 =	vld.idx.msk [tilespmem:v28+s20+$0x0], $0xffff  }
0x1e2: {  	v11 =	vadd.f32 v56, v11;
	v10 =	vadd.f32 v46, v10;
	v22 =	vand.u32 $0x1FF, v27;
	v36 =	vld.idx.msk [tilespmem:v62+s20+$0x0], $0xffff  }
0x1e3: {  	v63 =	vld.idx.msk [tilespmem:v63+s20+$0x0], $0xffff;
	v27 =	vor.u32 v2, v22;
	v59 =	vor.u32 v5, v22;
	v26 =	vor.u32 v6, v22  }
0x1e4: {  	v28 =	vor.u32 v9, v22;
	v61 =	vld.idx.msk [tilespmem:v31+s20+$0x0], $0xffff;
	v31 =	vor.u32 v8, v22;
	v22 =	vand.u32 $0x1FF, v35  }
0x1e5: {  	v16 =	vadd.f32 v45, v16;
	v40 =	vld.idx.msk [tilespmem:v39+s20+$0x0], $0xffff;
	v35 =	vmul.f32 v33, v43;
	v33 =	vor.u32 v2, v22  }
0x1e6: {  	v44 =	vadd.f32 v23, v4;
	v62 =	vmul.f32 v24, v43;
	v32 =	vld.idx.msk [tilespmem:v42+s20+$0x0], $0xffff;
	v42 =	vadd.f32 v19, v0  }
0x1e7: {  	v41 =	vld.idx.msk [tilespmem:v41+s20+$0x0], $0xffff;
	v38 =	vadd.f32 v47, v10;
	v45 =	vmul.f32 v12, v43;
	v43 =	vadd.f32 v58, v11  }
0x1e8: {  	v30 =	vor.u32 v5, v22;
	v39 =	vor.u32 v6, v22;
	v34 =	vor.u32 v8, v22;
	v20 =	vld.idx.msk [tilespmem:v27+s20+$0x0], $0xffff  }
0x1e9: {  	v29 =	vmul.f32 v37, v21;
	v37 =	vor.u32 v9, v22;
	v23 =	vmul.f32 v63, v21;
	v24 =	vld.idx.msk [tilespmem:v59+s20+$0x0], $0xffff  }
0x1ea: {  	s10 =	simm.s32 $0x8;
	v22 =	vadd.f32 v62, v16;
	v19 =	vmul.f32 v60, v21;
	v18 =	vmul.f32 v61, v21;
	v16 =	vld.idx.msk [tilespmem:v33+s26+$0x0], $0xffff  }
.LBB2_7:
0x1eb: {  	s11 =	sadd.s32 $0x1, s10  }
0x1ec: {  	s12 =	sadd.s32 $0x3, s10;
	v0 =	vld.idx.msk [tilespmem:v17+s20+$0x0], $0xffff;
	v4 =	vmul.f32 v25, v15;
	v10 =	vadd.f32 v45, v44;
	v11 =	vadd.f32 v35, v42;
	s16 =	smov.u32 s10;
	s2 =	sadd.s32 $0x4, s10  }
0x1ed: {  	p1 =	slt.u32 s10, $0x1FC;
	v42 =	vmul.f32 v36, v21;
	v12 =	vadd.s32 s11, v1;
	v35 =	vadd.s32 s12, v1;
	v21 =	vld.idx.msk [tilespmem:v31+s20+$0x0], $0xffff  }
0x1ee: {  	v17 =	vmul.f32 v40, v15;
	v12 =	vand.u32 $0x1FF, v12;
	v4 =	vadd.f32 v4, v43;
	v27 =	vld.idx.msk [tilespmem:v27+s26+$0x0], $0xffff  }
0x1ef: {  	v25 =	vadd.s32 s16, v1;
	v28 =	vld.idx.msk [tilespmem:v28+s20+$0x0], $0xffff  }
0x1f0: {  	v25 =	vand.u32 $0x1FF, v25;
	v10 =	vadd.f32 v17, v10;
	v31 =	vor.u32 v9, v12;
	v33 =	vld.idx.msk [tilespmem:v33+s20+$0x0], $0xffff  }
0x1f1: {  	v43 =	vor.u32 v2, v25;
	v40 =	vor.u32 v5, v25;
	v26 =	vld.idx.msk [tilespmem:v26+s20+$0x0], $0xffff  }
0x1f2: {  	v17 =	vor.u32 v6, v25;
	v44 =	vor.u32 v8, v25;
	v36 =	vmul.f32 v41, v15;
	v37 =	vld.idx.msk [tilespmem:v37+s20+$0x0], $0xffff  }
0x1f3: {  	v25 =	vor.u32 v9, v25;
	v41 =	vor.u32 v2, v12;
	v0 =	vmul.f32 v0, v15;
	v39 =	vld.idx.msk [tilespmem:v39+s20+$0x0], $0xffff  }
0x1f4: {  	v45 =	vor.u32 v5, v12;
	v4 =	vadd.f32 v29, v4;
	v46 =	vmul.f32 v21, v27;
	v47 =	vld.idx.msk [tilespmem:v30+s20+$0x0], $0xffff  }
0x1f5: {  	v32 =	vmul.f32 v32, v15;
	v29 =	vor.u32 v8, v12;
	v30 =	vadd.f32 v36, v38;
	v34 =	vld.idx.msk [tilespmem:v34+s20+$0x0], $0xffff  }
0x1f6: {  	s10 =	sadd.s32 $0x2, s16;
	v12 =	vor.u32 v6, v12;
	v48 =	vmul.f32 v24, v27;
	v38 =	vmul.f32 v20, v27;
	v15 =	vld.idx.msk [tilespmem:v43+s26+$0x0], $0xffff  }
0x1f7: {  	v20 =	vadd.s32 s10, v1;
	v50 =	vmul.f32 v33, v16;
	v49 =	vmul.f32 v26, v27;
	v24 =	vld.idx.msk [tilespmem:v31+s20+$0x0], $0xffff  }
0x1f8: {  	v51 =	vmul.f32 v28, v27;
	v20 =	vand.u32 $0x1FF, v20;
	v52 =	vmul.f32 v37, v16;
	v25 =	vld.idx.msk [tilespmem:v25+s20+$0x0], $0xffff  }
0x1f9: {  	v27 =	vor.u32 v2, v20;
	v53 =	vor.u32 v5, v20;
	v21 =	vld.idx.msk [tilespmem:v41+s26+$0x0], $0xffff  }
0x1fa: {  	v0 =	vadd.f32 v0, v11;
	v26 =	vor.u32 v6, v20;
	v28 =	vor.u32 v9, v20;
	v54 =	vld.idx.msk [tilespmem:v29+s20+$0x0], $0xffff  }
0x1fb: {  	v10 =	vadd.f32 v23, v10;
	v31 =	vor.u32 v8, v20;
	v11 =	vld.idx.msk [tilespmem:v12+s20+$0x0], $0xffff;
	v12 =	vadd.f32 v32, v22  }
0x1fc: {  	v23 =	vmul.f32 v34, v16;
	v22 =	vand.u32 $0x1FF, v35;
	v35 =	vmul.f32 v39, v16;
	v36 =	vld.idx.msk [tilespmem:v41+s20+$0x0], $0xffff  }
0x1fd: {  	v0 =	vadd.f32 v18, v0;
	v32 =	vadd.f32 v42, v30;
	v33 =	vor.u32 v2, v22;
	v55 =	vld.idx.msk [tilespmem:v45+s20+$0x0], $0xffff  }
0x1fe: {  	v4 =	vadd.f32 v51, v4;
	v30 =	vor.u32 v5, v22;
	v12 =	vadd.f32 v19, v12;
	v20 =	vld.idx.msk [tilespmem:v27+s20+$0x0], $0xffff  }
.Ltmp2:
0x1ff: {  	v37 =	vor.u32 v9, v22;
	v19 =	vadd.f32 v38, v32;
	v29 =	vmul.f32 v24, v21;
	v40 =	vld.idx.msk [tilespmem:v40+s20+$0x0], $0xffff;
	(pc) =	sbr.rel @p1 .LBB2_7-.Ltmp2, $4  }
0x200: {  	v39 =	vor.u32 v6, v22;
	v34 =	vor.u32 v8, v22;
	v12 =	vadd.f32 v46, v12;
	v24 =	vld.idx.msk [tilespmem:v53+s20+$0x0], $0xffff  }
0x201: {  	v42 =	vadd.f32 v49, v0;
	v38 =	vadd.f32 v50, v19;
	v18 =	vmul.f32 v11, v21;
	v32 =	vld.idx.msk [tilespmem:v44+s20+$0x0], $0xffff  }
0x202: {  	v45 =	vmul.f32 v47, v16;
	v44 =	vadd.f32 v48, v10;
	v22 =	vadd.f32 v23, v12;
	v41 =	vld.idx.msk [tilespmem:v43+s20+$0x0], $0xffff  }
0x203: {  	s10 =	smov.u32 s2;
	v19 =	vmul.f32 v54, v21;
	v23 =	vmul.f32 v55, v21;
	v43 =	vadd.f32 v52, v4;
	v16 =	vld.idx.msk [tilespmem:v33+s26+$0x0], $0xffff  }
0x204: {  	_ =	sdelay $0x3  }
0x205: {  	v0 =	vld.idx.msk [tilespmem:v17+s20+$0x0], $0xffff  }
0x206: {  	v4 =	vld.idx.msk [tilespmem:v31+s20+$0x0], $0xffff  }
0x207: {  	v10 =	vld.idx.msk [tilespmem:v27+s26+$0x0], $0xffff  }
0x208: {  	v11 =	vld.idx.msk [tilespmem:v28+s20+$0x0], $0xffff  }
0x209: {  	v12 =	vld.idx.msk [tilespmem:v33+s20+$0x0], $0xffff  }
0x20a: {  	v26 =	vld.idx.msk [tilespmem:v26+s20+$0x0], $0xffff  }
0x20b: {  	v27 =	vld.idx.msk [tilespmem:v37+s20+$0x0], $0xffff  }
0x20c: {  	v46 =	vld.idx.msk [tilespmem:v39+s20+$0x0], $0xffff  }
0x20d: {  	v47 =	vld.idx.msk [tilespmem:v30+s20+$0x0], $0xffff  }
0x20e: {  	v48 =	vld.idx.msk [tilespmem:v34+s20+$0x0], $0xffff  }
0x20f: {  	v31 =	vld [tilespmem:s1+$0x0]  }
0x210: {  	v34 =	vld [tilespmem:s1+$0x1200]  }
0x211: {  	v28 =	vld [tilespmem:s31+$0x0]  }
0x212: {  	v33 =	vld [tilespmem:s31+$0x1200];
	v25 =	vmul.f32 v25, v15  }
0x213: {  	v17 =	vld [tilespmem:s30+$0x0];
	v59 =	vadd.f32 v45, v44;
	v60 =	vmul.f32 v40, v15  }
0x214: {  	v42 =	vadd.f32 v35, v42;
	v35 =	vld [tilespmem:s30+$0x1200];
	v25 =	vadd.f32 v25, v43  }
0x215: {  	v21 =	vmul.f32 v36, v21;
	v30 =	vld [tilespmem:s6+$0x0];
	v40 =	vadd.f32 v60, v59  }
0x216: {  	v37 =	vld [tilespmem:s6+$0x1200];
	v61 =	vmul.f32 v41, v15;
	v25 =	vadd.f32 v29, v25;
	v29 =	vmul.f32 v32, v15  }
0x217: {  	v39 =	vld [tilespmem:s7+$0x1200];
	v23 =	vadd.f32 v23, v40;
	v0 =	vmul.f32 v0, v15;
	v4 =	vmul.f32 v4, v10  }
0x218: {  	v36 =	vld [tilespmem:s14+$0x1200];
	v20 =	vmul.f32 v20, v10;
	v62 =	vadd.f32 v61, v38;
	v24 =	vmul.f32 v24, v10  }
0x219: {  	v32 =	vld [tilespmem:s0+$0x1200];
	v26 =	vmul.f32 v26, v10;
	v10 =	vmul.f32 v11, v10;
	v11 =	vadd.f32 v29, v22  }
0x21a: {  	v15 =	vld [tilespmem:s7+$0x0];
	v12 =	vmul.f32 v12, v16;
	v0 =	vadd.f32 v0, v42;
	v21 =	vadd.f32 v21, v62  }
0x21b: {  	v38 =	vld [tilespmem:s13+$0x1200];
	v63 =	vmul.f32 v27, v16;
	v10 =	vadd.f32 v10, v25;
	v11 =	vadd.f32 v19, v11  }
.Ltmp3:
0x21c: {  	v27 =	vld [tilespmem:s15+$0x0];
	v25 =	vmul.f32 v48, v16;
	v0 =	vadd.f32 v18, v0;
	v21 =	vadd.f32 v20, v21;
	(pc) =	sbr.rel @p0 .LBB2_10-.Ltmp3, $4  }
0x21d: {  	v29 =	vld [tilespmem:s13+$0x0];
	v19 =	vmul.f32 v46, v16;
	v4 =	vadd.f32 v4, v11;
	v11 =	vadd.f32 v24, v23  }
0x21e: {  	v18 =	vld [tilespmem:s15+$0x1200];
	v0 =	vadd.f32 v26, v0;
	v22 =	vadd.f32 v12, v21;
	v12 =	vmul.f32 v47, v16  }
0x21f: {  	s2 =	sshll.u32 s9, $0x4;
	v20 =	vld [tilespmem:s14+$0x0];
	v23 =	vadd.f32 v63, v10;
	v24 =	vadd.f32 v25, v4  }
0x220: {  	v21 =	vld [tilespmem:s0+$0x0];
	s0 =	sadd.s32 s3, s2;
	v25 =	vadd.f32 v12, v11;
	v26 =	vadd.f32 v19, v0  }
0x221: {  	v0 =	vld [tilespmem:s2+$0x0]  }
0x222: {  	v4 =	vld [tilespmem:s2+$0x1200]  }
0x223: {  	v10 =	vld [tilespmem:s2+$0x200]  }
0x224: {  	v11 =	vmov s0;
	v12 =	vld [tilespmem:s2+$0x1400]  }
0x225: {  	v16 =	vld [tilespmem:s2+$0x400];
	v11 =	vshrl.u32 v11, $0x6  }
0x226: {  	v19 =	vor.u32 s0, v1;
	v40 =	vld [tilespmem:s2+$0x1600];
	v11 =	vcvt.s32.f32 v11  }
0x227: {  	v41 =	vld [tilespmem:s2+$0x1800];
	v19 =	vand.u32 $0x3F, v19  }
0x228: {  	v42 =	vld [tilespmem:s2+$0x600];
	v19 =	vcvt.s32.f32 v19;
	v4 =	vadd.f32 v11, v4  }
0x229: {  	v43 =	vld [tilespmem:s2+$0x1A00];
	v12 =	vadd.f32 v11, v12  }
0x22a: {  	v0 =	vadd.f32 v19, v0;
	v4 =	vmul.f32 $6.400000000e+01, v4  }
0x22b: {  	v44 =	vld [tilespmem:s2+$0x800];
	v10 =	vadd.f32 v19, v10;
	v40 =	vadd.f32 v11, v40;
	v12 =	vmul.f32 $6.400000000e+01, v12  }
0x22c: {  	v0 =	vadd.f32 v4, v0;
	v4 =	vadd.f32 v11, v41  }
0x22d: {  	v16 =	vadd.f32 v19, v16;
	v10 =	vadd.f32 v12, v10;
	v12 =	vmul.f32 $6.400000000e+01, v40  }
0x22e: {  	v63 =	vadd.f32 v19, v42;
	v11 =	vadd.f32 v11, v43;
	v4 =	vmul.f32 $6.400000000e+01, v4  }
0x22f: {  	v12 =	vadd.f32 v12, v16;
	v0 =	vtrunc.f32 v0;
	v10 =	vtrunc.f32 v10  }
0x230: {  	v11 =	vmul.f32 $6.400000000e+01, v11;
	v16 =	vadd.f32 v19, v44;
	v0 =	vcvt.f32.s32 v0  }
0x231: {  	v10 =	vcvt.f32.s32 v10;
	v4 =	vadd.f32 v4, v63;
	v12 =	vtrunc.f32 v12  }
0x232: {  	v11 =	vadd.f32 v11, v16;
	v12 =	vcvt.f32.s32 v12  }
0x233: {  	v0 =	vadd.s32 v0, v3;
	v10 =	vadd.s32 v10, v3;
	v4 =	vtrunc.f32 v4  }
0x234: {  	v11 =	vtrunc.f32 v11;
	vm0 =	vgt.s32 v0, $0x0;
	vm12 =	vgt.s32 v10, $0x0  }
0x235: {  	v4 =	vcvt.f32.s32 v4;
	v11 =	vcvt.f32.s32 v11;
	v0 =	vnsel vm0, $0x0, v0  }
0x236: {  	v10 =	vnsel vm12, $0x0, v10;
	v12 =	vadd.s32 v12, v3;
	v0 =	vmin.u32 v0, $0x3FFF  }
0x237: {  	v10 =	vmin.u32 v10, $0x3FFF;
	vm13 =	vgt.s32 v12, $0x0;
	v4 =	vadd.s32 v4, v3  }
0x238: {  	[tilespmem:$0x18400] =	vst v0;
	v0 =	vnsel vm13, $0x0, v12;
	v11 =	vadd.s32 v11, v3;
	vm14 =	vgt.s32 v4, $0x0  }
0x239: {  	[tilespmem:$0x18410] =	vst v10;
	v0 =	vmin.u32 v0, $0x3FFF;
	vm15 =	vgt.s32 v11, $0x0;
	v4 =	vnsel vm14, $0x0, v4  }
0x23a: {  	[tilespmem:$0x18420] =	vst v0;
	v0 =	vmin.u32 v4, $0x3FFF;
	v4 =	vnsel vm15, $0x0, v11  }
0x23b: {  	[tilespmem:$0x18430] =	vst v0;
	v0 =	vmin.u32 v4, $0x3FFF  }
0x23c: {  	[tilespmem:$0x18440] =	vst v0  }
0x23d: {  	[tilespmem:s20], [sflag:$0x1] =	stream.indirect.gather [hbm4b:s5+s18], $0x200, s19, s18, $0xb8;
	[tilespmem:$0x19690] =	vst v63  }
.LBB2_10:
0x23e: {  	v0 =	vadd.f32 v13, v34  }
0x23f: {  	v4 =	vadd.f32 v14, v31  }
0x240: {  	v10 =	vadd.f32 v13, v33;
	v11 =	vadd.f32 v13, v35;
	v0 =	vmul.f32 $6.400000000e+01, v0  }
0x241: {  	v12 =	vadd.f32 v14, v17;
	v16 =	vadd.f32 v13, v39  }
0x242: {  	v0 =	vadd.f32 v0, v4;
	v4 =	vmul.f32 $6.400000000e+01, v10;
	v10 =	vadd.f32 v14, v28  }
0x243: {  	v17 =	vadd.f32 v14, v30;
	v19 =	vadd.f32 v14, v15;
	v11 =	vmul.f32 $6.400000000e+01, v11  }
0x244: {  	v4 =	vadd.f32 v4, v10;
	v10 =	vadd.f32 v13, v37  }
0x245: {  	v11 =	vadd.f32 v11, v12;
	v12 =	vmul.f32 $6.400000000e+01, v16;
	v0 =	vtrunc.f32 v0  }
0x246: {  	v30 =	vadd.f32 v13, v36;
	v4 =	vtrunc.f32 v4;
	v10 =	vmul.f32 $6.400000000e+01, v10  }
0x247: {  	v28 =	vadd.f32 v13, v18;
	v16 =	vcvt.f32.s32 v0;
	v15 =	vcvt.f32.s32 v4  }
0x248: {  	s6 =	simm.s32 $0x0;
	v4 =	vtrunc.f32 v11;
	v11 =	vadd.f32 v13, v38;
	v0 =	vadd.f32 v10, v17  }
0x249: {  	v10 =	vadd.f32 v12, v19;
	v17 =	vcvt.f32.s32 v4;
	v4 =	vadd.s32 s6, v1  }
0x24a: {  	v12 =	vadd.f32 v14, v29;
	v11 =	vmul.f32 $6.400000000e+01, v11;
	v4 =	vand.u32 $0x1FF, v4  }
0x24b: {  	v0 =	vtrunc.f32 v0;
	v10 =	vtrunc.f32 v10;
	v29 =	vor.u32 v2, v4  }
0x24c: {  	v13 =	vadd.f32 v13, v32;
	v19 =	vcvt.f32.s32 v0;
	v18 =	vcvt.f32.s32 v10  }
0x24d: {  	_ =	swait.ge [sflag:s29], $0x8000;
	s12 =	simm.s32 $0x3;
	v0 =	vadd.f32 v11, v12;
	v10 =	vmul.f32 $6.400000000e+01, v28;
	v11 =	vor.u32 v5, v4  }
0x24e: {  	[sflag:s29] =	ssyncset.done $0x0;
	v12 =	vadd.f32 v14, v27;
	v27 =	vadd.s32 s12, v1;
	v28 =	vor.u32 v6, v4  }
0x24f: {  	[sflag:s29] =	ssyncadd.s32 $0xFFFF8000;
	v20 =	vadd.f32 v14, v20;
	v4 =	vor.u32 v8, v4;
	v31 =	vand.u32 $0x1FF, v27  }
0x250: {  	s13 =	simm.s32 $0x2;
	v13 =	vmul.f32 $6.400000000e+01, v13;
	v10 =	vadd.f32 v10, v12;
	v12 =	vor.u32 v2, v31;
	v33 =	vld.idx.msk [tilespmem:v29+s26+$0x0], $0xffff  }
0x251: {  	s9 =	simm.s32 $0x5;
	v14 =	vadd.f32 v14, v21;
	v27 =	vmul.f32 $6.400000000e+01, v30;
	v30 =	vadd.s32 s13, v1;
	v54 =	vld.idx.msk [tilespmem:v29+s23+$0x0], $0xffff  }
0x252: {  	v45 =	vadd.s32 s9, v1;
	v30 =	vand.u32 $0x1FF, v30;
	v59 =	vor.u32 v6, v31;
	v11 =	vld.idx.msk [tilespmem:v11+s23+$0x0], $0xffff  }
0x253: {  	s14 =	simm.s32 $0x1;
	v0 =	vtrunc.f32 v0;
	v13 =	vadd.f32 v13, v14;
	v60 =	vor.u32 v2, v30;
	v28 =	vld.idx.msk [tilespmem:v28+s23+$0x0], $0xffff  }
0x254: {  	v21 =	vadd.f32 v27, v20;
	v20 =	vadd.s32 s14, v1;
	v61 =	vor.u32 v5, v30;
	v4 =	vld.idx.msk [tilespmem:v4+s23+$0x0], $0xffff  }
0x255: {  	v47 =	vor.u32 v6, v30;
	v58 =	vor.u32 v8, v30;
	v10 =	vtrunc.f32 v10;
	v41 =	vld.idx.msk [tilespmem:v12+s26+$0x0], $0xffff  }
0x256: {  	v29 =	vor.u32 v5, v31;
	v27 =	vand.u32 $0x1FF, v20;
	v14 =	vcvt.f32.s32 v10;
	v10 =	vld.idx.msk [tilespmem:v12+s23+$0x0], $0xffff  }
0x257: {  	v30 =	vand.u32 $0x1FF, v45;
	v20 =	vcvt.f32.s32 v0;
	v0 =	vor.u32 v2, v27;
	v45 =	vld.idx.msk [tilespmem:v59+s23+$0x0], $0xffff  }
0x258: {  	v63 =	vld.idx.msk [tilespmem:v60+s26+$0x0], $0xffff  }
0x259: {  	v42 =	vimm.f32 $0.0e+00;
	s16 =	simm.s32 $0x6;
	v55 =	vor.u32 v6, v27;
	v12 =	vtrunc.f32 v21;
	v34 =	vld.idx.msk [tilespmem:v60+s23+$0x0], $0xffff  }
0x25a: {  	s7 =	simm.s32 $0x7;
	v56 =	vadd.s32 s16, v1;
	v21 =	vcvt.f32.s32 v12;
	v12 =	vor.u32 v5, v27;
	v35 =	vld.idx.msk [tilespmem:v61+s23+$0x0], $0xffff  }
0x25b: {  	v40 =	vadd.s32 s7, v1;
	v13 =	vtrunc.f32 v13;
	v43 =	vor.u32 v8, v27;
	v62 =	vld.idx.msk [tilespmem:v29+s23+$0x0], $0xffff  }
0x25c: {  	s15 =	simm.s32 $0x4;
	v31 =	vor.u32 v8, v31;
	v13 =	vcvt.f32.s32 v13;
	v27 =	vand.u32 $0x1FF, v56;
	v46 =	vld.idx.msk [tilespmem:v0+s26+$0x0], $0xffff  }
0x25d: {  	v29 =	vadd.s32 s15, v1;
	v32 =	vmul.f32 v54, v33;
	v37 =	vor.u32 v2, v27;
	v0 =	vld.idx.msk [tilespmem:v0+s23+$0x0], $0xffff  }
0x25e: {  	v38 =	vor.u32 v5, v27;
	v44 =	vand.u32 $0x1FF, v29;
	v29 =	vand.u32 $0x1FF, v40;
	v51 =	vld.idx.msk [tilespmem:v55+s23+$0x0], $0xffff  }
0x25f: {  	v11 =	vmul.f32 v11, v33;
	v28 =	vmul.f32 v28, v33;
	v48 =	vor.u32 v2, v44;
	v12 =	vld.idx.msk [tilespmem:v12+s23+$0x0], $0xffff  }
0x260: {  	v43 =	vld.idx.msk [tilespmem:v43+s23+$0x0], $0xffff;
	v4 =	vmul.f32 v4, v33;
	v49 =	vor.u32 v5, v44;
	v50 =	vor.u32 v6, v44  }
0x261: {  	v47 =	vld.idx.msk [tilespmem:v47+s23+$0x0], $0xffff;
	v44 =	vor.u32 v8, v44;
	v52 =	vor.u32 v2, v29;
	v40 =	vor.u32 v5, v29  }
0x262: {  	v53 =	vld.idx.msk [tilespmem:v58+s23+$0x0], $0xffff;
	v60 =	vadd.f32 v32, v42;
	v10 =	vmul.f32 v10, v41;
	v11 =	vadd.f32 v11, v42  }
0x263: {  	v55 =	vld.idx.msk [tilespmem:v31+s23+$0x0], $0xffff;
	v28 =	vadd.f32 v28, v42;
	v34 =	vmul.f32 v34, v63;
	v0 =	vmul.f32 v0, v46  }
0x264: {  	v4 =	vadd.f32 v4, v42;
	v51 =	vmul.f32 v51, v46;
	v31 =	vld.idx.msk [tilespmem:v48+s26+$0x0], $0xffff;
	v12 =	vmul.f32 v12, v46  }
0x265: {  	v35 =	vmul.f32 v35, v63;
	v61 =	vmul.f32 v43, v46;
	v32 =	vld.idx.msk [tilespmem:v48+s23+$0x0], $0xffff;
	v0 =	vadd.f32 v0, v60  }
0x266: {  	v54 =	vmul.f32 v62, v41;
	v33 =	vld.idx.msk [tilespmem:v49+s23+$0x0], $0xffff;
	v62 =	vadd.f32 v51, v28;
	v11 =	vadd.f32 v12, v11  }
0x267: {  	v36 =	vld.idx.msk [tilespmem:v50+s23+$0x0], $0xffff;
	v4 =	vadd.f32 v61, v4;
	v12 =	vmul.f32 v47, v63;
	v63 =	vmul.f32 v53, v63  }
0x268: {  	v42 =	vmul.f32 v45, v41;
	v39 =	vld.idx.msk [tilespmem:v44+s23+$0x0], $0xffff;
	v0 =	vadd.f32 v34, v0;
	v11 =	vadd.f32 v35, v11  }
0x269: {  	v45 =	vmul.f32 v55, v41;
	v41 =	vld.idx.msk [tilespmem:v52+s23+$0x0], $0xffff;
	v46 =	vadd.f32 v12, v62;
	v43 =	vadd.f32 v63, v4  }
0x26a: {  	s6 =	simm.s32 $0x8;
	v44 =	vor.u32 v2, v30;
	v28 =	vld.idx.msk [tilespmem:v52+s26+$0x0], $0xffff;
	v34 =	vadd.f32 v10, v0;
	v35 =	vadd.f32 v54, v11  }
.LBB2_11:
0x26b: {  	p1 =	slt.u32 s6, $0x1FC;
	v0 =	vld.idx.msk [tilespmem:v40+s23+$0x0], $0xffff;
	v4 =	vadd.f32 v42, v46;
	v10 =	vadd.f32 v45, v43;
	v11 =	vmov v29  }
0x26c: {  	v12 =	vor.u32 v5, v30;
	v42 =	vld.idx.msk [tilespmem:v37+s26+$0x0], $0xffff  }
0x26d: {  	v29 =	vadd.s32 s6, v1;
	s7 =	sadd.s32 $0x2, s6;
	s9 =	sadd.s32 $0x3, s6;
	v40 =	vor.u32 v6, v30;
	v43 =	vld.idx.msk [tilespmem:v37+s23+$0x0], $0xffff  }
0x26e: {  	s10 =	sadd.s32 $0x1, s6;
	v46 =	vor.u32 v8, v30;
	v45 =	vadd.s32 s9, v1;
	v37 =	vadd.s32 s7, v1;
	v38 =	vld.idx.msk [tilespmem:v38+s23+$0x0], $0xffff  }
0x26f: {  	v49 =	vor.u32 v6, v27;
	v47 =	vand.u32 $0x1FF, v29;
	v30 =	vadd.s32 s10, v1;
	v48 =	vld.idx.msk [tilespmem:v44+s26+$0x0], $0xffff  }
0x270: {  	v29 =	vand.u32 $0x1FF, v45;
	v45 =	vor.u32 v8, v27;
	v27 =	vand.u32 $0x1FF, v37;
	v44 =	vld.idx.msk [tilespmem:v44+s23+$0x0], $0xffff  }
0x271: {  	v51 =	vor.u32 v6, v11;
	v50 =	vor.u32 v2, v47;
	v30 =	vand.u32 $0x1FF, v30;
	v12 =	vld.idx.msk [tilespmem:v12+s23+$0x0], $0xffff  }
0x272: {  	v11 =	vor.u32 v8, v11;
	v52 =	vor.u32 v5, v47;
	v53 =	vor.u32 v6, v47;
	v54 =	vld.idx.msk [tilespmem:v40+s23+$0x0], $0xffff  }
0x273: {  	v32 =	vmul.f32 v32, v31;
	v33 =	vmul.f32 v33, v31;
	v47 =	vor.u32 v8, v47;
	v46 =	vld.idx.msk [tilespmem:v46+s23+$0x0], $0xffff  }
0x274: {  	v36 =	vmul.f32 v36, v31;
	v39 =	vmul.f32 v39, v31;
	v55 =	vor.u32 v2, v29;
	v49 =	vld.idx.msk [tilespmem:v49+s23+$0x0], $0xffff  }
0x275: {  	v56 =	vmul.f32 v41, v28;
	v0 =	vmul.f32 v0, v28;
	v40 =	vor.u32 v5, v29;
	v45 =	vld.idx.msk [tilespmem:v45+s23+$0x0], $0xffff  }
0x276: {  	v37 =	vor.u32 v2, v27;
	v41 =	vmul.f32 v43, v42;
	v43 =	vmul.f32 v38, v42;
	v51 =	vld.idx.msk [tilespmem:v51+s23+$0x0], $0xffff  }
0x277: {  	v38 =	vor.u32 v5, v27;
	v44 =	vmul.f32 v44, v48;
	v12 =	vmul.f32 v12, v48;
	v11 =	vld.idx.msk [tilespmem:v11+s23+$0x0], $0xffff  }
0x278: {  	v34 =	vadd.f32 v32, v34;
	v35 =	vadd.f32 v33, v35;
	v54 =	vmul.f32 v54, v48;
	v31 =	vld.idx.msk [tilespmem:v50+s26+$0x0], $0xffff  }
0x279: {  	v4 =	vadd.f32 v36, v4;
	v10 =	vadd.f32 v39, v10;
	v39 =	vmul.f32 v46, v48;
	v32 =	vld.idx.msk [tilespmem:v50+s23+$0x0], $0xffff  }
.Ltmp4:
0x27a: {  	v34 =	vadd.f32 v44, v34;
	v12 =	vadd.f32 v12, v35;
	v35 =	vmul.f32 v49, v42;
	v33 =	vld.idx.msk [tilespmem:v52+s23+$0x0], $0xffff;
	(pc) =	sbr.rel @p1 .LBB2_11-.Ltmp4, $4  }
0x27b: {  	v4 =	vadd.f32 v54, v4;
	v10 =	vadd.f32 v39, v10;
	v44 =	vmul.f32 v45, v42;
	v36 =	vld.idx.msk [tilespmem:v53+s23+$0x0], $0xffff  }
0x27c: {  	v34 =	vadd.f32 v41, v34;
	v12 =	vadd.f32 v43, v12;
	v42 =	vmul.f32 v51, v28;
	v39 =	vld.idx.msk [tilespmem:v47+s23+$0x0], $0xffff  }
0x27d: {  	v46 =	vadd.f32 v35, v4;
	v43 =	vadd.f32 v44, v10;
	v45 =	vmul.f32 v11, v28;
	v28 =	vld.idx.msk [tilespmem:v55+s26+$0x0], $0xffff  }
0x27e: {  	s6 =	sadd.s32 $0x4, s6;
	v34 =	vadd.f32 v56, v34;
	v44 =	vor.u32 v2, v30;
	v35 =	vadd.f32 v0, v12;
	v41 =	vld.idx.msk [tilespmem:v55+s23+$0x0], $0xffff  }
0x27f: {  	_ =	sdelay $0x3  }
0x280: {  	v0 =	vld.idx.msk [tilespmem:v40+s23+$0x0], $0xffff  }
0x281: {  	v4 =	vor.u32 v5, v30;
	v10 =	vld.idx.msk [tilespmem:v37+s26+$0x0], $0xffff  }
0x282: {  	v11 =	vor.u32 v6, v30;
	v12 =	vld.idx.msk [tilespmem:v37+s23+$0x0], $0xffff  }
0x283: {  	v61 =	vor.u32 v8, v30;
	v62 =	vld.idx.msk [tilespmem:v38+s23+$0x0], $0xffff  }
0x284: {  	v63 =	vld.idx.msk [tilespmem:v44+s26+$0x0], $0xffff;
	v48 =	vor.u32 v6, v27  }
0x285: {  	v49 =	vld.idx.msk [tilespmem:v44+s23+$0x0], $0xffff;
	v50 =	vor.u32 v8, v27  }
0x286: {  	v47 =	vor.u32 v6, v29;
	v4 =	vld.idx.msk [tilespmem:v4+s23+$0x0], $0xffff  }
0x287: {  	v51 =	vor.u32 v8, v29;
	v32 =	vmul.f32 v32, v31;
	v11 =	vld.idx.msk [tilespmem:v11+s23+$0x0], $0xffff  }
0x288: {  	v33 =	vmul.f32 v33, v31;
	v55 =	vadd.f32 v42, v46;
	v56 =	vadd.f32 v45, v43;
	v30 =	vld.idx.msk [tilespmem:v61+s23+$0x0], $0xffff  }
0x289: {  	v36 =	vmul.f32 v36, v31;
	v52 =	vmul.f32 v39, v31;
	v32 =	vadd.f32 v32, v34;
	v53 =	vld.idx.msk [tilespmem:v48+s23+$0x0], $0xffff  }
0x28a: {  	v33 =	vadd.f32 v33, v35;
	v54 =	vmul.f32 v41, v28;
	v27 =	vld.idx.msk [tilespmem:v50+s23+$0x0], $0xffff;
	v44 =	vmul.f32 v49, v63  }
0x28b: {  	v59 =	vadd.f32 v36, v55;
	v0 =	vmul.f32 v0, v28;
	v12 =	vmul.f32 v12, v10;
	v58 =	vld.idx.msk [tilespmem:v47+s23+$0x0], $0xffff  }
0x28c: {  	v37 =	vmul.f32 v62, v10;
	v29 =	vld.idx.msk [tilespmem:v51+s23+$0x0], $0xffff;
	v32 =	vadd.f32 v44, v32;
	v4 =	vmul.f32 v4, v63  }
0x28d: {  	v31 =	vadd.f32 v52, v56;
	v11 =	vmul.f32 v11, v63;
	v30 =	vmul.f32 v30, v63  }
0x28e: {  	v12 =	vadd.f32 v12, v32;
	v60 =	vmul.f32 v53, v10;
	v4 =	vadd.f32 v4, v33  }
0x28f: {  	v10 =	vmul.f32 v27, v10;
	v11 =	vadd.f32 v11, v59;
	v30 =	vadd.f32 v30, v31  }
0x290: {  	v61 =	vmul.f32 v58, v28;
	v63 =	vadd.f32 v54, v12;
	v4 =	vadd.f32 v37, v4  }
0x291: {  	v62 =	vmul.f32 v29, v28;
	v12 =	vld @!p0 [tilespmem:s2+$0xC00];
	v11 =	vadd.f32 v60, v11;
	v10 =	vadd.f32 v10, v30  }
0x292: {  	v36 =	vadd.f32 v0, v4;
	v4 =	vld @!p0 [tilespmem:s2+$0x1C00]  }
0x293: {  	v37 =	vadd.f32 v61, v11;
	v38 =	vadd.f32 v62, v10;
	v10 =	vmov @!p0 s0;
	v11 =	vld @!p0 [tilespmem:s2+$0x1E00]  }
0x294: {  	v31 =	vor.u32 @!p0 s0, v1;
	v0 =	vld @!p0 [tilespmem:s2+$0xA00];
	v10 =	vshrl.u32 @!p0 v10, $0x6  }
0x295: {  	v32 =	vld @!p0 [tilespmem:s2+$0x2000];
	v31 =	vand.u32 @!p0 $0x3F, v31;
	v10 =	vcvt.s32.f32 @!p0 v10  }
0x296: {  	v33 =	vld @!p0 [tilespmem:s2+$0x2200];
	v31 =	vcvt.s32.f32 @!p0 v31  }
0x297: {  	v34 =	vld @!p0 [tilespmem:s2+$0xE00];
	v4 =	vadd.f32 @!p0 v10, v4  }
0x298: {  	v35 =	vld @!p0 [tilespmem:s2+$0x1000];
	v12 =	vadd.f32 @!p0 v31, v12;
	v11 =	vadd.f32 @!p0 v10, v11  }
0x299: {  	v0 =	vadd.f32 @!p0 v31, v0;
	v4 =	vmul.f32 @!p0 $6.400000000e+01, v4  }
0x29a: {  	v32 =	vadd.f32 @!p0 v10, v32;
	v11 =	vmul.f32 @!p0 $6.400000000e+01, v11  }
0x29b: {  	v0 =	vadd.f32 @!p0 v4, v0;
	v4 =	vadd.f32 @!p0 v10, v33  }
0x29c: {  	v10 =	vadd.f32 @!p0 v11, v12;
	v11 =	vmul.f32 @!p0 $6.400000000e+01, v32;
	v12 =	vadd.f32 @!p0 v31, v34  }
0x29d: {  	v31 =	vadd.f32 @!p0 v31, v35;
	v0 =	vtrunc.f32 @!p0 v0;
	v4 =	vmul.f32 @!p0 $6.400000000e+01, v4  }
0x29e: {  	v11 =	vadd.f32 @!p0 v11, v12;
	v0 =	vcvt.f32.s32 @!p0 v0  }
0x29f: {  	v10 =	vtrunc.f32 @!p0 v10;
	v4 =	vadd.f32 @!p0 v4, v31  }
0x2a0: {  	v10 =	vcvt.f32.s32 @!p0 v10;
	v11 =	vtrunc.f32 @!p0 v11;
	v0 =	vadd.s32 @!p0 v0, v3  }
0x2a1: {  	v11 =	vcvt.f32.s32 @!p0 v11;
	v4 =	vtrunc.f32 @!p0 v4;
	vm0 =	vgt.s32 @!p0 v0, $0x0  }
0x2a2: {  	v10 =	vadd.s32 @!p0 v10, v3;
	v4 =	vcvt.f32.s32 @!p0 v4;
	v0 =	vnsel @!p0 vm0, $0x0, v0  }
0x2a3: {  	vm0 =	vgt.s32 @!p0 v10, $0x0;
	v11 =	vadd.s32 @!p0 v11, v3;
	v0 =	vmin.u32 @!p0 v0, $0x3FFF  }
0x2a4: {  	v10 =	vnsel @!p0 vm0, $0x0, v10;
	vm0 =	vgt.s32 @!p0 v11, $0x0;
	v4 =	vadd.s32 @!p0 v4, v3  }
0x2a5: {  	[tilespmem:$0x18450] =	vst @!p0 v0;
	v0 =	vmin.u32 @!p0 v10, $0x3FFF;
	v10 =	vnsel @!p0 vm0, $0x0, v11;
	vm0 =	vgt.s32 @!p0 v4, $0x0  }
0x2a6: {  	[tilespmem:$0x18460] =	vst @!p0 v0;
	v0 =	vmin.u32 @!p0 v10, $0x3FFF;
	v4 =	vnsel @!p0 vm0, $0x0, v4  }
0x2a7: {  	[tilespmem:$0x18470] =	vst @!p0 v0;
	v0 =	vmin.u32 @!p0 v4, $0x3FFF  }
0x2a8: {  	v4 =	vmul.f32 v25, v7;
	[tilespmem:$0x18480] =	vst @!p0 v0;
	v0 =	vmul.f32 v22, v7  }
0x2a9: {  	v10 =	vmul.f32 v26, v7  }
0x2aa: {  	v11 =	vmul.f32 v24, v7;
	v39 =	vmax.f32 v0, v4  }
0x2ab: {  	v40 =	vmul.f32 v23, v7;
	v12 =	vmax.f32 v39, v10  }
0x2ac: {  	v41 =	vmul.f32 v63, v7;
	v12 =	vmax.f32 v12, v11  }
0x2ad: {  	v42 =	vmul.f32 v36, v7;
	v12 =	vmax.f32 v12, v40  }
0x2ae: {  	v43 =	vmul.f32 v37, v7;
	v12 =	vmax.f32 v12, v41  }
0x2af: {  	v44 =	vmul.f32 v38, v7;
	v12 =	vmax.f32 v12, v42  }
0x2b0: {  	v12 =	vmax.f32 v12, v43  }
0x2b1: {  	v12 =	vmax.f32 v12, v44  }
0x2b2: {  	v0 =	vsub.f32 v0, v12  }
0x2b3: {  	v4 =	vsub.f32 v4, v12  }
0x2b4: {  	v0 =	vmul.f32 $1.442695020e+00, v0  }
0x2b5: {  	v10 =	vsub.f32 v10, v12;
	v4 =	vmul.f32 $1.442695020e+00, v4  }
0x2b6: {  	(erf) = vpow2.f32 v0  }
0x2b7: {  	v0 =	vmul.f32 $1.442695020e+00, v10;
	(erf) = vpow2.f32 v4;
	v4 =	vsub.f32 v11, v12;
	_ =	sdelay $0x1  }
0x2b8: {  	(erf) = vpow2.f32 v0;
	v0 =	vmul.f32 $1.442695020e+00, v4;
	v4 =	vsub.f32 v40, v12  }
0x2b9: {  	v10 =	vsub.f32 v42, v12  }
0x2ba: {  	(erf) = vpow2.f32 v0;
	v0 =	vmul.f32 $1.442695020e+00, v4;
	v4 =	vsub.f32 v41, v12;
	_ =	sdelay $0x1  }
0x2bb: {  	(erf) = vpow2.f32 v0;
	v0 =	vmul.f32 $1.442695020e+00, v4  }
0x2bc: {  	v4 =	vmul.f32 $1.442695020e+00, v10  }
0x2bd: {  	v10 =	vpop (erf);
	(erf) = vpow2.f32 v0;
	v0 =	vsub.f32 v43, v12  }
0x2be: {  	v11 =	vpop (erf);
	(erf) = vpow2.f32 v4  }
0x2bf: {  	v4 =	vsub.f32 v44, v12;
	v0 =	vmul.f32 $1.442695020e+00, v0;
	v45 =	vadd.f32 v11, v10  }
0x2c0: {  	v46 =	vpop (erf)  }
0x2c1: {  	(erf) = vpow2.f32 v0;
	v0 =	vmul.f32 $1.442695020e+00, v4;
	v4 =	vadd.f32 v45, v46;
	_ =	sdelay $0x1  }
0x2c2: {  	v47 =	vpop (erf)  }
0x2c3: {  	(erf) = vpow2.f32 v0;
	v0 =	vadd.f32 v4, v47  }
0x2c4: {  	v4 =	vpop (erf)  }
0x2c5: {  	v0 =	vadd.f32 v0, v4  }
0x2c6: {  	v48 =	vpop (erf)  }
0x2c7: {  	v0 =	vadd.f32 v0, v48  }
0x2c8: {  	v49 =	vpop (erf)  }
0x2c9: {  	v0 =	vadd.f32 v0, v49  }
0x2ca: {  	v50 =	vpop (erf)  }
0x2cb: {  	v0 =	vadd.f32 v0, v50  }
0x2cc: {  	v51 =	vpop (erf)  }
0x2cd: {  	v0 =	vadd.f32 v0, v51;
	_ =	sdelay $0x1  }
0x2ce: {  	(erf) = vrcp.f32 v0;
	_ =	sdelay $0x8  }
0x2cf: {  	v0 =	vpop (erf)  }
0x2d0: {  	v10 =	vmul.f32 v0, v10;
	_ =	sdelay $0x1  }
0x2d1: {  	vm14 =	vlt.f32 v10, $-Inf;
	vm1 =	vgt.f32 v10, $-Inf  }
0x2d2: {  	v11 =	vmul.f32 v0, v11;
	vm10 =	vmor vm1, vm14  }
0x2d3: {  	v52 =	vnsel vm10, $0xFF800000, v10  }
0x2d4: {  	v53 =	vmul.f32 v0, v46;
	vm15 =	vgt.f32 v11, v52  }
0x2d5: {  	v54 =	vsel vm15, v11, v52  }
0x2d6: {  	v12 =	vmul.f32 v0, v47;
	vm2 =	vgt.f32 v53, v54  }
0x2d7: {  	v22 =	vsel vm2, v53, v54  }
0x2d8: {  	v4 =	vmul.f32 v0, v4;
	vm3 =	vgt.f32 v12, v22  }
0x2d9: {  	v22 =	vsel vm3, v12, v22  }
0x2da: {  	v59 =	vmul.f32 v0, v48;
	vm5 =	vgt.f32 v4, v22  }
0x2db: {  	v22 =	vsel vm5, v4, v22  }
0x2dc: {  	v24 =	vmul.f32 v0, v49;
	v61 =	vsel vm15, $0x1, v57;
	vm6 =	vgt.f32 v59, v22  }
0x2dd: {  	v63 =	vsel vm2, $0x2, v61;
	v22 =	vsel vm6, v59, v22  }
0x2de: {  	v32 =	vmul.f32 v0, v50;
	v33 =	vsel vm3, $0x3, v63;
	vm7 =	vgt.f32 v24, v22  }
0x2df: {  	v25 =	vsel vm5, $0x4, v33;
	v35 =	vsel vm7, v24, v22  }
0x2e0: {  	v36 =	vmul.f32 v0, v51;
	v0 =	vsel vm6, $0x5, v25;
	vm9 =	vgt.f32 v32, v35  }
0x2e1: {  	v0 =	vsel vm7, $0x6, v0;
	v37 =	vsel vm9, v32, v35  }
0x2e2: {  	v0 =	vsel vm9, $0x7, v0;
	vm11 =	vgt.f32 v36, v37  }
0x2e3: {  	v0 =	vsel vm11, $0x8, v0  }
0x2e4: {  	vm4 =	vne.s32 v0, $0x0  }
0x2e5: {  	vm12 =	vmand vm10, vm4  }
0x2e6: {  	v55 =	vimm.s32 $0x0;
	v39 =	vnsel vm12, $0xFF800000, v10  }
0x2e7: {  	v60 =	vimm.s32 $0x0;
	v38 =	vimm.s32 $0x0;
	vm0 =	vgt.f32 v11, v39  }
0x2e8: {  	v23 =	vsel vm5, $0xFFFFFFFF, v60;
	vm5 =	veq.s32 v0, $0x1;
	vm0 =	vmneg vm0  }
0x2e9: {  	v56 =	vimm.s32 $0x0;
	v26 =	vsel vm12, $0xFFFFFFFF, v38;
	vm1 =	vmor vm5, vm0  }
0x2ea: {  	v62 =	vimm.s32 $0x0;
	v34 =	vimm.s32 $0x0;
	[tilespmem:$0x1FE50] =	vst v26;
	v26 =	vsel vm1, v39, v11  }
0x2eb: {  	v27 =	vsel vm15, $0xFFFFFFFF, v55;
	v29 =	vsel vm6, $0xFFFFFFFF, v62;
	vm13 =	vgt.f32 v53, v26  }
0x2ec: {  	[tilespmem:$0x1FE20] =	vst v29;
	v29 =	vsel vm7, $0xFFFFFFFF, v34;
	vm7 =	veq.s32 v0, $0x2;
	vm0 =	vmneg vm13  }
0x2ed: {  	[tilespmem:$0x1FDE0] =	vst v27;
	v27 =	vsel vm2, $0xFFFFFFFF, v56;
	vm2 =	vmor vm7, vm0  }
0x2ee: {  	v26 =	vsel vm2, v26, v53  }
0x2ef: {  	vm14 =	vgt.f32 v12, v26  }
0x2f0: {  	vm8 =	veq.s32 v0, $0x3;
	vm0 =	vmneg vm14  }
0x2f1: {  	vm14 =	vmor vm8, vm0  }
0x2f2: {  	v26 =	vsel vm14, v26, v12  }
0x2f3: {  	vm15 =	vgt.f32 v4, v26  }
0x2f4: {  	vm13 =	veq.s32 v0, $0x4;
	vm0 =	vmneg vm15  }
0x2f5: {  	vm15 =	vmor vm13, vm0  }
0x2f6: {  	v42 =	vimm.s32 $0x0;
	v40 =	vimm.s32 $0x0;
	v26 =	vsel vm15, v26, v4  }
0x2f7: {  	v41 =	vimm.s32 $0x0;
	[tilespmem:$0x1FE40] =	vst v29;
	v29 =	vsel vm1, $0xFFFFFFFF, v40;
	vm6 =	vgt.f32 v59, v26  }
0x2f8: {  	vm12 =	veq.s32 v0, $0x5;
	[tilespmem:$0x1FE60] =	vst v29;
	v29 =	vsel vm2, $0xFFFFFFFF, v41;
	vm0 =	vmneg vm6  }
0x2f9: {  	[tilespmem:$0x1FE70] =	vst v29;
	v29 =	vsel vm12, $0xFFFFFFFF, v42;
	vm12 =	vmor vm12, vm0  }
0x2fa: {  	v26 =	vsel vm12, v26, v59  }
0x2fb: {  	vm6 =	vgt.f32 v24, v26  }
0x2fc: {  	vm0 =	vmneg vm6;
	vm6 =	veq.s32 v0, $0x6;
	v0 =	vimm.s32 $0x0  }
0x2fd: {  	v0 =	vsel vm6, $0xFFFFFFFF, v0;
	vm6 =	vmor vm6, vm0;
	vm0 =	vmneg vm1  }
0x2fe: {  	v43 =	vimm.s32 $0x0;
	[tilespmem:$0x1FE80] =	vst v0;
	v0 =	vsel vm0, $0x1, v57;
	v26 =	vsel vm6, v26, v24  }
0x2ff: {  	vm0 =	vmneg vm11;
	v0 =	vnsel vm2, $0x2, v0;
	vm1 =	vgt.f32 v32, v26  }
0x300: {  	vm2 =	vmand vm0, vm9;
	v0 =	vnsel vm14, $0x3, v0;
	vm1 =	vmneg vm1  }
0x301: {  	[tilespmem:$0x1FE30] =	vst v29;
	v29 =	vsel vm2, $0xFFFFFFFF, v43;
	v0 =	vnsel vm15, $0x4, v0;
	vm2 =	vmor vm2, vm1  }
0x302: {  	v0 =	vnsel vm12, $0x5, v0;
	v26 =	vsel vm2, v26, v32  }
0x303: {  	v0 =	vnsel vm6, $0x6, v0;
	vm1 =	vgt.f32 v36, v26  }
0x304: {  	v44 =	vimm.s32 $0x0;
	v0 =	vnsel vm2, $0x7, v0;
	vm0 =	vmand vm1, vm0  }
0x305: {  	v45 =	vimm.s32 $0x0;
	[tilespmem:$0x1FE90] =	vst v29;
	v29 =	vsel vm1, $0xFFFFFFFF, v44;
	v0 =	vsel vm0, $0x8, v0  }
0x306: {  	[tilespmem:$0x1FEB0] =	vst v29;
	v29 =	vsel vm0, $0xFFFFFFFF, v45;
	vm0 =	vne.s32 v0, $0x0  }
0x307: {  	v58 =	vimm.s32 $0x0;
	vm0 =	vmand vm4, vm0  }
0x308: {  	[tilespmem:$0x1FDF0] =	vst v27;
	v27 =	vsel vm3, $0xFFFFFFFF, v58;
	vm3 =	vmand vm10, vm0  }
0x309: {  	v10 =	vnsel vm3, $0xFF800000, v10  }
0x30a: {  	vm0 =	veq.s32 v0, $0x1;
	vm4 =	vgt.f32 v11, v10  }
0x30b: {  	vm0 =	vmor vm0, vm5;
	vm1 =	vmneg vm4  }
0x30c: {  	vm4 =	vmor vm0, vm1  }
0x30d: {  	v10 =	vsel vm4, v10, v11  }
0x30e: {  	vm0 =	veq.s32 v0, $0x2;
	vm5 =	vgt.f32 v53, v10  }
0x30f: {  	vm0 =	vmor vm0, vm7;
	vm1 =	vmneg vm5  }
0x310: {  	vm7 =	vmor vm0, vm1  }
0x311: {  	v10 =	vsel vm7, v10, v53  }
0x312: {  	vm0 =	veq.s32 v0, $0x3;
	vm5 =	vgt.f32 v12, v10  }
0x313: {  	vm0 =	vmor vm0, vm8;
	vm1 =	vmneg vm5  }
0x314: {  	vm8 =	vmor vm0, vm1  }
0x315: {  	v10 =	vsel vm8, v10, v12  }
0x316: {  	v46 =	vld [tilespmem:$0x1FDE0];
	vm0 =	veq.s32 v0, $0x4;
	vm1 =	vgt.f32 v4, v10  }
0x317: {  	v47 =	vld [tilespmem:$0x1FDF0];
	[tilespmem:$0x1FE00] =	vst v27;
	vm0 =	vmor vm0, vm13;
	vm1 =	vmneg vm1  }
0x318: {  	v48 =	vld [tilespmem:$0x1FE00];
	[tilespmem:$0x1FE10] =	vst v23;
	vm5 =	vmor vm0, vm1  }
0x319: {  	v4 =	vsel vm5, v10, v4;
	v10 =	vld [tilespmem:$0x1FE10];
	_ =	sdelay $0x1  }
0x31a: {  	v11 =	vnsel vm10, $0x0, v16;
	vm10 =	vnez.u8 v46  }
0x31b: {  	v11 =	vsel vm10, v15, v11;
	vm10 =	vnez.u8 v47  }
0x31c: {  	v11 =	vsel vm10, v17, v11;
	vm13 =	vnez.u8 v48  }
0x31d: {  	v11 =	vsel vm13, v19, v11;
	vm10 =	vnez.u8 v10  }
0x31e: {  	v10 =	vsel vm10, v18, v11;
	v11 =	vld [tilespmem:$0x1FE20];
	_ =	sdelay $0x4  }
0x31f: {  	vm13 =	vnez.u8 v11;
	v11 =	vld [tilespmem:$0x1FE30];
	_ =	sdelay $0x4  }
0x320: {  	v10 =	vsel vm13, v20, v10;
	vm13 =	vnez.u8 v11;
	v11 =	vld [tilespmem:$0x1FE40];
	_ =	sdelay $0x3  }
0x321: {  	v50 =	vld [tilespmem:$0x1FE70];
	vm0 =	veq.s32 v0, $0x5  }
0x322: {  	vm0 =	vmor vm0, vm13;
	vm13 =	vnez.u8 v11;
	v11 =	vld [tilespmem:$0x1FE50]  }
0x323: {  	v49 =	vld [tilespmem:$0x1FE60];
	v52 =	vnsel vm3, $0x0, v16  }
0x324: {  	v12 =	vsel vm4, v52, v15;
	vm1 =	vgt.f32 v59, v4  }
0x325: {  	v56 =	vsel vm11, v36, v37;
	v12 =	vsel vm7, v12, v17;
	vm1 =	vmneg vm1  }
0x326: {  	v51 =	vld [tilespmem:$0x1FE80];
	v12 =	vsel vm8, v12, v19;
	vm10 =	vnez.u8 v50;
	vm0 =	vmor vm0, vm1  }
0x327: {  	v57 =	vld [tilespmem:$0x1FF90];
	[tilespmem:$0x1FEA0] =	vst v29;
	vm1 =	veq.s32 v0, $0x6;
	v10 =	vsel vm13, v14, v10;
	vm13 =	vnez.u8 v11  }
0x328: {  	v58 =	vld [tilespmem:$0x1FEA0];
	v10 =	vsel vm9, v21, v10;
	vm9 =	vnez.u8 v49;
	v11 =	vnsel vm13, $0x0, v16  }
0x329: {  	v4 =	vsel vm0, v4, v59;
	v59 =	vld [tilespmem:$0x1FEB0];
	v10 =	vsel vm11, v13, v10;
	v11 =	vsel vm9, v11, v15  }
0x32a: {  	v54 =	vand.u32 $0x3F, v10;
	v10 =	vshra.s32 v10, $0x6;
	v11 =	vsel vm10, v11, v17  }
0x32b: {  	v53 =	vld [tilespmem:$0x1FE90];
	vm13 =	vgt.f32 v24, v4;
	v11 =	vsel vm14, v11, v19;
	vm14 =	vnez.u8 v51  }
0x32c: {  	v10 =	vsub.s32 v10, v57;
	vm9 =	vmneg vm13;
	vm1 =	vmor vm1, vm14  }
0x32d: {  	v55 =	vld [tilespmem:$0x1FFA0];
	v10 =	vcvt.s32.f32 v10;
	vm13 =	vnez.u8 v58;
	vm1 =	vmor vm1, vm9  }
0x32e: {  	v11 =	vsel vm15, v11, v18;
	vm14 =	vnez.u8 v59;
	v4 =	vsel vm1, v4, v24  }
0x32f: {  	v11 =	vsel vm12, v11, v20;
	vm9 =	veq.s32 v0, $0x7;
	vm15 =	vgt.f32 v32, v4  }
0x330: {  	vm12 =	vnez.u8 v53;
	v11 =	vsel vm6, v11, v14;
	vm3 =	vmneg vm15  }
0x331: {  	v0 =	vsel vm2, v11, v21;
	v11 =	vsel vm5, v12, v18;
	vm10 =	vmor vm9, vm3  }
0x332: {  	v12 =	vsub.s32 v54, v55;
	v11 =	vsel vm0, v11, v20;
	vm0 =	vmor vm12, vm10  }
0x333: {  	v12 =	vcvt.s32.f32 v12;
	v0 =	vsel vm13, v13, v0;
	v4 =	vsel vm0, v4, v32  }
0x334: {  	v11 =	vsel vm1, v11, v14;
	v60 =	vand.u32 $0x3F, v0;
	vm15 =	vgt.f32 v36, v4  }
0x335: {  	[tilespmem:s23], [sflag:$0x2] =	stream.indirect.gather @!p0 [hbm4b:s5+s21], $0x200, s22, s21, $0xb8;
	v11 =	vsel vm0, v11, v21;
	vm0 =	vmor vm14, vm11;
	vm1 =	vmneg vm15;
	[tilespmem:$0x19690] =	vst v63  }
0x336: {  	[tilespmem:s1+$0x19090] =	vst v56;
	v0 =	vshra.s32 v0, $0x6;
	v61 =	vsub.s32 v60, v55;
	vm0 =	vmor vm0, vm1  }
0x337: {  	[tilespmem:s1+$0x18A90] =	vst v10;
	v0 =	vsub.s32 v0, v57;
	v10 =	vcvt.s32.f32 v61;
	v11 =	vsel vm0, v11, v13  }
0x338: {  	s17 =	sadd.s32 $0x1, s17;
	[tilespmem:s1+$0x18490] =	vst v12;
	v0 =	vcvt.s32.f32 v0;
	v62 =	vand.u32 $0x3F, v11  }
0x339: {  	p0 =	sne.s32 s17, $0x10;
	[tilespmem:s31+$0x18490] =	vst v10;
	v10 =	vshra.s32 v11, $0x6;
	v11 =	vsub.s32 v62, v55  }
.Ltmp5:
0x33a: {  	v63 =	vsel vm13, v36, v26;
	[tilespmem:s31+$0x18A90] =	vst v0;
	v10 =	vsub.s32 v10, v57;
	v0 =	vcvt.s32.f32 v11;
	(pc) =	sbr.rel @p0 .LBB2_2-.Ltmp5, $4  }
0x33b: {  	[tilespmem:s31+$0x19090] =	vst v63;
	v10 =	vcvt.s32.f32 v10  }
0x33c: {  	[tilespmem:s30+$0x18490] =	vst v0  }
0x33d: {  	v0 =	vsel vm0, v4, v36;
	[tilespmem:s30+$0x18A90] =	vst v10  }
0x33e: {  	[tilespmem:s30+$0x19090] =	vst v0  }
0x33f: {  	s0 =	rddreg [dreg:$0x8];
	s2 =	simm.s32 $0x200  }
0x340: {  	s6 =	simm.s32 $0x1000;
	s1 =	simm.s32 $0x18490;
	s9 =	simm.s32 $0x4  }
0x341: {  	[hbm4b:s0+s2] =	stream.strided.scatter [tilespmem:s1], [sflag:$0x4], $0x600, s6, s2, $0x38;
	[tilespmem:$0x19690] =	vst v63  }
0x342: {  	_ =	swait.ge [sflag:s9], $0x600  }
0x343: {  	[sflag:s9] =	ssyncset.done $0x0  }
0x344: {  	s15 =	simm.s32 $0x18A90;
	s14 =	rddreg [dreg:$0x9];
	[sflag:s9] =	ssyncadd.s32 $0xFFFFFA00  }
0x345: {  	[hbm4b:s14+s2] =	stream.strided.scatter [tilespmem:s15], [sflag:$0x4], $0x600, s6, s2, $0x38;
	[tilespmem:$0x19690] =	vst v63  }
0x346: {  	_ =	swait.ge [sflag:s9], $0x600  }
0x347: {  	[sflag:s9] =	ssyncset.done $0x0  }
0x348: {  	s17 =	simm.s32 $0x19090;
	s16 =	rddreg [dreg:$0xa];
	[sflag:s9] =	ssyncadd.s32 $0xFFFFFA00  }
0x349: {  	[hbm4b:s16+s2] =	stream.strided.scatter [tilespmem:s17], [sflag:$0x4], $0x600, s6, s2, $0x38;
	[tilespmem:$0x19690] =	vst v63  }
0x34a: {  	_ =	swait.ge [sflag:s9], $0x600  }
0x34b: {  	s30 =	rddreg [dreg:$0xc]  }
0x34c: {  	s31 =	rddreg [dreg:$0xb];
	s1 =	sadd.s32 $0x1, s30  }
0x34d: {  	p0 =	sne.s32 s1, s31  }
.Ltmp6:
0x34e: {  	_ = 	snop;
	(pc) =	sbr.rel @p0 .LBB2_1-.Ltmp6, $3  }
0x34f: {  	_ =	sdelay $0x1  }
0x350: {  	[sflag:s9] =	ssyncset.done $0x0  }
0x351: {  	[sflag:s9] =	ssyncadd.s32 $0xFFFFFA00  }
0x352: {  	_ =	sfence.sel $0x180000  }
0x353: {  	[bflag:$0x0] =	sbarrier.arrive $0xFFFF  }
0x354: {  	_ =	strace $0x9000004D  }
0x355: {  	s0 =	stileid.u32;
	[bflag:$0x2] =	sbarrier.arrive $0xFFFF  }
0x356: {  	p0 =	sne.s32 s0, $0x0;
	s0 =	rddreg [dreg:$0x4]  }
0x357: {  	s0 =	sadd.s32 @!p0 $0x100000, s0  }
0x358: {  	[sflag:s0] =	ssyncadd.tile.s32 @!p0 $0x1;
	_ =	shalt  }
.Lfunc_end2:
_tile_overlayer_lowered:
.L_overlay_start_2:
0x359: {  	(tag) =	ssettag $0x2  }
0x35a: {  	s0 =	rddreg [dreg:$0x0];
	s2 =	stileid.u32  }
0x35b: {  	s1 =	rddreg [dreg:$0x1];
	p0 =	sne.s32 s2, $0x0  }
0x35c: {  	s3 =	rddreg [dreg:$0x2];
	[bflag:$0x3] =	sbarrier.arrive $0xFFFF;
	s2 =	simm.s32 @!p0 $0x1C04  }
0x35d: {  	[timem:s3], [sflag:s2] =	dma.local @!p0 [hbm:s0], s1  }
0x35e: {  	s0 =	simm.s32 @!p0 $0x4  }
0x35f: {  	_ =	swait.ge @!p0 [sflag:s0], s1  }
0x360: {  	s1 =	ssub.s32 @!p0 $0x0, s1;
	[sflag:s0] =	ssyncset.done @!p0 $0x0  }
0x361: {  	[sflag:s0] =	ssyncadd.s32 @!p0 s1  }
0x362: {  	[bflag:$0x3] =	sbarrier.arrive $0xFFFF  }
0x363: {  	_ =	shalt  }

// kernel: branch_1_fun.3.cloned.1.call-start
scs
__scs_entry_jumppad:
0x0: {  	(pc) =	sbr.rel $0x88, $3  }
0x1: {  	(tag) =	ssettag $0x0;
	lr =	simm.s32 $0x1  }
0x2: {  	[smem:$0x3F9D] =	sst lr;
	_ =	strace $0xD0000000  }
0x3: {  	_ = 	snop  }
0x4: {  	_ = 	snop  }
0x5: {  	_ = 	snop  }
0x6: {  	_ = 	snop  }
0x7: {  	_ = 	snop  }
__scs_overlays_trampoline_lowered:
0x8: {  	[smem:$0x3FAC] =	sst s0  }
0x9: {  	[smem:$0x3FAD] =	sst s1  }
0xa: {  	[smem:$0x3FAE] =	sst s2  }
0xb: {  	[smem:$0x3FAF] =	sst s3  }
0xc: {  	[smem:$0x3FB0] =	sst s4  }
0xd: {  	[smem:$0x3FB1] =	sst s5  }
0xe: {  	[smem:$0x3FB2] =	sst s6  }
0xf: {  	[smem:$0x3FB3] =	sst s7  }
0x10: {  	[smem:$0x3FB4] =	sst s8  }
0x11: {  	[smem:$0x3FB5] =	sst s9;
	s0 =	simm.s32 @!p0 $0x0  }
0x12: {  	s1 =	sld [smem:$0x3F9B];
	s0 =	simm.s32 @p0 $0x1  }
0x13: {  	[smem:$0x3FB6] =	sst s0;
	s0 =	simm.s32 @!p1 $0x0  }
0x14: {  	s2 =	sld [smem:$0x3F9A];
	s0 =	simm.s32 @p1 $0x1  }
0x15: {  	[smem:$0x3FB7] =	sst s0;
	s0 =	simm.s32 @!p2 $0x0  }
0x16: {  	s3 =	sld [smem:$0x3FDB];
	s0 =	simm.s32 @p2 $0x1  }
0x17: {  	s4 =	simm.s32 $0x1BF5;
	[smem:$0x3FB9] =	sst s0  }
0x18: {  	s0 =	sld [smem:$0x3F9C];
	_ =	swait.ge [sflag:s4], $0x0  }
0x19: {  	s7 =	sld [smem:$0x3F9D]  }
0x1a: {  	s8 =	sadd.s32 $0xFFFFE003, lr  }
0x1b: {  	s9 =	sadd.s32 $0xFFFFFEF7, lr;
	s5 =	simm.s32 $0xFFFFFFFF;
	p2 =	slt.u32 s8, $0xFFFFF086  }
0x1c: {  	p1 =	slt.u32 s9, $0xF7A;
	s5 =	simm.s32 @!p2 $0x0  }
0x1d: {  	s5 =	simm.s32 @p1 $0x1;
	p0 =	seq.s32 s7, s2  }
0x1e: {  	s7 =	smul.u32 @!p0 $0xF7A, s2;
	p2 =	seq.s32 @!p0 s5, $0x0  }
0x1f: {  	s9 =	smul.u32 $0xF7A, s1;
	s8 =	simm.s32 @!p0 $0x1BF5;
	p2 =	por !p2, p0  }
0x20: {  	[sflag:s8] =	ssyncset.s32 @!p0 $0xFFFFF086;
	s6 =	sadd.s32 @!p0 s3, s7;
	s7 =	simm.s32 @!p0 $0x108  }
0x21: {  	s3 =	sadd.s32 s3, s9;
	s6 =	sadd.s32 @!p0 $0x88, s6;
	s7 =	simm.s32 @p2 $0x1082  }
0x22: {  	[simem:s7], [sflag:s8] =	dma.local @!p0 [hbm:s6], $0xF7A  }
0x23: {  	s9 =	sor.u32 $0xD0000000, s2;
	s6 =	simm.s32 $0x108;
	_ =	swait.ge @!p0 [sflag:s8], $0x0  }
0x24: {  	s3 =	sadd.s32 $0x88, s3;
	s6 =	simm.s32 @!p1 $0x1082;
	[sflag:s4] =	ssyncset.s32 $0xFFFFF086  }
0x25: {  	[simem:s6], [sflag:s4] =	dma.local [hbm:s3], $0xF7A  }
0x26: {  	[smem:$0x3F9D] =	sst s1;
	(tag) =	ssettag s2;
	_ =	strace s9  }
0x27: {  	s1 =	sld [smem:$0x3FAD]  }
0x28: {  	s2 =	sld [smem:$0x3FAE]  }
0x29: {  	s4 =	sld [smem:$0x3FB0]  }
0x2a: {  	p0 =	seq.s32 s5, $0x0;
	s5 =	sld [smem:$0x3FB1]  }
0x2b: {  	s6 =	sld [smem:$0x3FB2]  }
0x2c: {  	s7 =	sld [smem:$0x3FB3]  }
0x2d: {  	s3 =	simm.s32 $0x108;
	s8 =	sld [smem:$0x3FB4]  }
0x2e: {  	s3 =	simm.s32 @!p0 $0x1082;
	s9 =	sld [smem:$0x3FB5]  }
0x2f: {  	lr =	sadd.s32 s0, s3;
	s0 =	sld [smem:$0x3FAC]  }
0x30: {  	s3 =	sld [smem:$0x3FAF]  }
0x31: {  	[smem:$0x3FB8] =	sst s10  }
0x32: {  	s10 =	sld [smem:$0x3FB6];
	_ =	sdelay $0x3  }
0x33: {  	p0 =	seq.s32 s10, $0x1;
	s10 =	sld [smem:$0x3FB8];
	_ =	sdelay $0x3  }
0x34: {  	[smem:$0x3FB8] =	sst s10  }
0x35: {  	s10 =	sld [smem:$0x3FB7];
	_ =	sdelay $0x3  }
0x36: {  	p1 =	seq.s32 s10, $0x1;
	s10 =	sld [smem:$0x3FB8];
	_ =	sdelay $0x3  }
0x37: {  	[smem:$0x3FB8] =	sst s10  }
0x38: {  	s10 =	sld [smem:$0x3FB9]  }
0x39: {  	_ = 	snop;
	(pc) =	sbr.ind lr, $3  }
0x3a: {  	_ = 	snop  }
0x3b: {  	_ = 	snop  }
0x3c: {  	p2 =	seq.s32 s10, $0x1;
	s10 =	sld [smem:$0x3FB8]  }
0x3d: {  	_ =	shalt  }
0x3e: {  	_ =	shalt  }
0x3f: {  	_ =	shalt  }
0x40: {  	_ =	shalt  }
0x41: {  	_ =	shalt  }
0x42: {  	_ =	shalt  }
0x43: {  	_ =	shalt  }
0x44: {  	_ =	shalt  }
0x45: {  	_ =	shalt  }
0x46: {  	_ =	shalt  }
0x47: {  	_ =	shalt  }
0x48: {  	_ =	shalt  }
0x49: {  	_ =	shalt  }
0x4a: {  	_ =	shalt  }
0x4b: {  	_ =	shalt  }
0x4c: {  	_ =	shalt  }
0x4d: {  	_ =	shalt  }
0x4e: {  	_ =	shalt  }
0x4f: {  	_ =	shalt  }
0x50: {  	_ =	shalt  }
0x51: {  	_ =	shalt  }
0x52: {  	_ =	shalt  }
0x53: {  	_ =	shalt  }
0x54: {  	_ =	shalt  }
0x55: {  	_ =	shalt  }
0x56: {  	_ =	shalt  }
0x57: {  	_ =	shalt  }
0x58: {  	_ =	shalt  }
0x59: {  	_ =	shalt  }
0x5a: {  	_ =	shalt  }
0x5b: {  	_ =	shalt  }
0x5c: {  	_ =	shalt  }
0x5d: {  	_ =	shalt  }
0x5e: {  	_ =	shalt  }
0x5f: {  	_ =	shalt  }
0x60: {  	_ =	shalt  }
0x61: {  	_ =	shalt  }
0x62: {  	_ =	shalt  }
0x63: {  	_ =	shalt  }
0x64: {  	_ =	shalt  }
0x65: {  	_ =	shalt  }
0x66: {  	_ =	shalt  }
0x67: {  	_ =	shalt  }
0x68: {  	_ =	shalt  }
0x69: {  	_ =	shalt  }
0x6a: {  	_ =	shalt  }
0x6b: {  	_ =	shalt  }
0x6c: {  	_ =	shalt  }
0x6d: {  	_ =	shalt  }
0x6e: {  	_ =	shalt  }
0x6f: {  	_ =	shalt  }
0x70: {  	_ =	shalt  }
0x71: {  	_ =	shalt  }
0x72: {  	_ =	shalt  }
0x73: {  	_ =	shalt  }
0x74: {  	_ =	shalt  }
0x75: {  	_ =	shalt  }
0x76: {  	_ =	shalt  }
0x77: {  	_ =	shalt  }
0x78: {  	_ =	shalt  }
0x79: {  	_ =	shalt  }
0x7a: {  	_ =	shalt  }
0x7b: {  	_ =	shalt  }
0x7c: {  	_ =	shalt  }
0x7d: {  	_ =	shalt  }
0x7e: {  	_ =	shalt  }
0x7f: {  	_ =	shalt  }
0x80: {  	_ =	shalt  }
0x81: {  	_ =	shalt  }
0x82: {  	_ =	shalt  }
0x83: {  	_ =	shalt  }
0x84: {  	_ =	shalt  }
0x85: {  	_ =	shalt  }
0x86: {  	_ =	shalt  }
0x87: {  	_ =	shalt  }
.Lfunc_end0:
.L_simem_size_0:
called_computation.2_lowered:
.L_overlay_start_0:
0x88: {  	s2 =	sld [smem:$0x3FD9]  }
0x89: {  	s3 =	sld [smem:$0x3FFE];
	_ =	sdelay $0x1  }
0x8a: {  	s1 =	srdreg.scid  }
0x8b: {  	s0 =	sand.u32 $0x1, s1  }
0x8c: {  	s14 =	sshll.u32 s0, $0xA;
	s2 =	sadd.s32 s3, s2  }
0x8d: {  	s2 =	sadd.s32 s2, s14  }
0x8e: {  	[smem:$0x3FC4] =	sst s2  }
0x8f: {  	_ = 	snop  }
0x90: {  	s2 =	sld [smem:$0x3FD0];
	_ =	sdelay $0x2  }
0x91: {  	s15 =	simm.s32 $0xB;
	s4 =	simm.s32 $0x10  }
0x92: {  	[smem:s4], [sflag:s15] =	dma.local [hbm:s2], $0x1  }
0x93: {  	_ =	swait.eq [sflag:s15], $0x1  }
0x94: {  	s16 =	sld [smem:$0x10];
	[sflag:s15] =	ssyncset.done $0x0  }
0x95: {  	s17 =	sld [smem:$0x11];
	[sflag:s15] =	ssyncadd.s32 $0xFFFFFFFF  }
0x96: {  	s18 =	sld [smem:$0x12];
	(tm) =	ssettm $0x1  }
0x97: {  	s5 =	sld [smem:$0x3FFB];
	_ =	sdelay $0x3  }
0x98: {  	_ =	strace s5  }
0x99: {  	s5 =	sld [smem:$0x3FFC];
	_ =	sdelay $0x3  }
0x9a: {  	_ =	strace s5  }
0x9b: {  	s5 =	sld [smem:$0x3FFD];
	_ =	sdelay $0x3  }
0x9c: {  	_ =	strace s5  }
0x9d: {  	_ =	strace $0x8FFFFFFF  }
0x9e: {  	s19 =	sld [smem:$0x3FDB];
	_ =	sdelay $0x1  }
0x9f: {  	s6 =	simm.s32 $_scs_section_size  }
0xa0: {  	s7 =	simm.s32 $_size__tile_overlayer_lowered;
	s8 =	simm.s32 $_tile_overlayer_lowered  }
0xa1: {  	s22 =	simm.s32 $0x1BFF;
	s21 =	sshll.u32 s8, $0x1;
	s5 =	sadd.s32 s6, s19  }
0xa2: {  	s9 =	simm.s32 $0x0;
	s20 =	sshll.u32 s7, $0x1;
	s7 =	sadd.s32 s21, s5  }
0xa3: {  	[timem:s9], [sflag:s22] =	dma.local [hbm:s7], s20  }
0xa4: {  	_ =	swait.ge [sflag:s22], s20  }
0xa5: {  	s6 =	ssub.s32 $0x0, s20;
	[sflag:s22] =	ssyncset.done $0x0  }
0xa6: {  	[sflag:s22] =	ssyncadd.s32 s6;
	_ =	sdelay $0x1  }
0xa7: {  	s23 =	simm.s32 $0x1B8B  }
0xa8: {  	_ =	swait.ge [sflag:s23], $0x1  }
0xa9: {  	[sflag:s23] =	ssyncset.done $0x0  }
0xaa: {  	s25 =	simm.s32 $0x1B8E;
	s24 =	sld [smem:$0x3FFE];
	[sflag:s23] =	ssyncadd.s32 $0xFFFFFFFF  }
0xab: {  	s26 =	simm.s32 $execute0_lowered;
	[smem:$0x3FD2] =	sst s25  }
0xac: {  	s7 =	sshll.u32 s26, $0x1;
	_ =	strace $0x8000004F;
	[dreg:$0x1] =	wrdreg $0xFFFFFFFF  }
0xad: {  	s28 =	simm.s32 $_size_execute0_lowered;
	s5 =	sadd.s32 s5, s7;
	[dreg:$0x0] =	wrdreg $0x0  }
0xae: {  	s7 =	sshll.u32 s28, $0x1;
	[dreg:$0x2] =	wrdreg s5  }
0xaf: {  	[dreg:$0x3] =	wrdreg s7  }
0xb0: {  	[dreg:$0x4] =	wrdreg $0xC0  }
0xb1: {  	_ =	task [dreg:s9], $0x5FFFF  }
0xb2: {  	[dreg:$0x1] =	wrdreg $0xFFFFFFFF  }
0xb3: {  	[dreg:$0x0] =	wrdreg $0x60  }
0xb4: {  	[dreg:$0x2] =	wrdreg s24  }
0xb5: {  	[dreg:$0x3] =	wrdreg s18  }
0xb6: {  	[dreg:$0x4] =	wrdreg s17  }
0xb7: {  	[dreg:$0x5] =	wrdreg s16  }
0xb8: {  	[dreg:$0x6] =	wrdreg $0x9  }
0xb9: {  	_ =	task.clear_ibuf [dreg:s9], $0x7FFFF;
	_ =	strace $0x9000004F  }
0xba: {  	s29 =	simm.s32 $0x9;
	_ =	strace $0x80000051  }
0xbb: {  	_ =	swait.ge [sflag:s29], $0x1  }
0xbc: {  	[sflag:s29] =	ssyncadd.s32 $0xFFFFFFFF  }
0xbd: {  	_ =	strace $0x90000051  }
0xbe: {  	_ =	sfence  }
0xbf: {  	s30 =	sld [smem:$0x0];
	_ =	sdelay $0x2  }
0xc0: {  	s31 =	sshll.u32 s1, $0xD;
	s1 =	sshrl.u32 s1, $0x2  }
0xc1: {  	s3 =	sand.u32 $0x4000, s31;
	s1 =	sadd.s32 s1, s30  }
0xc2: {  	s0 =	sor.u32 s3, s0;
	s1 =	sshll.u32 s1, $0x11  }
0xc3: {  	s0 =	sor.u32 s1, s0  }
0xc4: {  	s0 =	sadd.s32 $0x8F2B, s0  }
0xc5: {  	[sflag:s0] =	ssyncadd.remote.s32 $0x1  }
0xc6: {  	_ =	sfence.sel $0xFFFF  }
0xc7: {  	[dreg:$0x0] =	wrdreg $0xFFFFFFFF;
	(pc) =	sbr.abs _section_cstart, $3  }
0xc8: {  	[dreg:$0x1] =	wrdreg $0xFFFFFFFF  }
0xc9: {  	_ =	task.clear_ibuf [dreg:s9], $0x2FFFF;
	_ =	strace $0x9FFFFFFF  }
0xca: {  	(tm) =	ssettm $0x7FFFFFFF  }
0xcb: {  	_ =	shalt  }
tec
execute0_lowered:
.L_overlay_start_1:
0x0: {  	(tag) =	ssettag $0x1  }
0x1: {  	s3 =	rddreg [dreg:$0x0]  }
0x2: {  	s5 =	rddreg [dreg:$0x1]  }
0x3: {  	s0 =	stileid.u32;
	s6 =	rddreg [dreg:$0x2]  }
0x4: {  	s1 =	srdreg.scid;
	s8 =	rddreg [dreg:$0x3]  }
0x5: {  	s13 =	simm.s32 $0x400;
	s14 =	simm.s32 $0xA00;
	s15 =	simm.s32 $0x0  }
0x6: {  	s2 =	sshll.u32 s0, $0x1;
	s7 =	sand.u32 $0x1, s1;
	s4 =	sshrl.u32 s0, $0x2  }
0x7: {  	s1 =	rddreg [dreg:$0x4];
	s31 =	sand.u32 $0x3, s0;
	s10 =	smul.u32 $0x9000, s4  }
0x8: {  	s26 =	sand.u32 $0x6, s2;
	s2 =	simm.s32 $0x0;
	s4 =	smul.u32 $0x3000, s4  }
0x9: {  	s11 =	ssub.s32 $0x2, s7;
	s12 =	sshll.u32 s7, $0x9;
	s9 =	sor.u32 s7, s26  }
0xa: {  	[smem:$0x7FF] =	sst s2;
	s28 =	sshrl.u32 s11, $0x1;
	s9 =	sshll.u32 s9, $0x9  }
0xb: {  	_ =	strace $0x80000050;
	s10 =	sor.u32 s10, s9;
	s4 =	sor.u32 s4, s9  }
0xc: {  	s29 =	ssub.s32 s11, s28;
	s10 =	sshrl.u32 s10, $0x3;
	s30 =	sshrl.u32 s4, $0x3  }
0xd: {  	s11 =	simm.s32 $0x200;
	s10 =	sadd.s32 s10, s3;
	s5 =	sadd.s32 s5, s30  }
0xe: {  	s6 =	sadd.s32 s6, s30;
	s7 =	sadd.s32 s8, s30;
	s8 =	smax.u32 s29, $0x1  }
0xf: {  	s3 =	sadd.s32 $0x7A00, s10;
	s4 =	sadd.s32 $0x3200, s10;
	s10 =	sshll.u32 s31, $0xA  }
0x10: {  	v0 =	vlaneseq.u32;
	v1 =	vimm.f32 $1.111111120e-01;
	s9 =	sor.u32 s12, s10;
	s10 =	simm.s32 $0x1;
	s12 =	simm.s32 $0x1000  }
.LBB2_1:
0x11: {  	[tilespmem:s2], [sflag:$0x1] =	stream.linear.gather [hbm4b:s3+s2], $0x200, $0x38;
	[tilespmem:$0x1600] =	vst v63  }
0x12: {  	_ =	swait.ge [sflag:s10], $0x200  }
0x13: {  	[sflag:s10] =	ssyncset.done $0x0  }
0x14: {  	[sflag:s10] =	ssyncadd.s32 $0xFFFFFE00  }
0x15: {  	[tilespmem:s11], [sflag:$0x1] =	stream.linear.gather [hbm4b:s4+s2], $0x200, $0x38;
	[tilespmem:$0x1600] =	vst v63  }
0x16: {  	_ =	swait.ge [sflag:s10], $0x200  }
0x17: {  	[sflag:s10] =	ssyncset.done $0x0  }
0x18: {  	s17 =	simm.s32 $0x0;
	[sflag:s10] =	ssyncadd.s32 $0xFFFFFE00  }
0x19: {  	v2 =	vld [tilespmem:s17+$0x200]  }
0x1a: {  	v3 =	vmov s9  }
0x1b: {  	v4 =	vshrl.u32 v3, $0x6;
	v3 =	vld [tilespmem:s17+$0x0]  }
0x1c: {  	v5 =	vor.u32 s9, v0;
	v6 =	vcvt.s32.f32 v4  }
0x1d: {  	v7 =	vand.u32 $0x3F, v5  }
0x1e: {  	v5 =	vcvt.s32.f32 v7;
	v2 =	vadd.f32 v6, v2  }
0x1f: {  	[tilespmem:s17+$0x1000] =	vst v1  }
0x20: {  	[tilespmem:s17+$0x1200] =	vst v1;
	v3 =	vadd.f32 v5, v3;
	v2 =	vmul.f32 $6.400000000e+01, v2  }
0x21: {  	s16 =	simm.s32 $0x10;
	[tilespmem:s17+$0x1400] =	vst v1  }
0x22: {  	s19 =	sadd.s32 $0x10, s9;
	v5 =	vld [tilespmem:s16+$0x200];
	v3 =	vadd.f32 v2, v3  }
0x23: {  	v2 =	vmov s19  }
0x24: {  	v6 =	vld [tilespmem:s16+$0x0];
	v2 =	vshrl.u32 v2, $0x6;
	v3 =	vtrunc.f32 v3  }
0x25: {  	v9 =	vor.u32 s19, v0;
	v8 =	vcvt.s32.f32 v2;
	v10 =	vcvt.f32.s32 v3  }
0x26: {  	v3 =	vand.u32 $0x3F, v9  }
0x27: {  	v5 =	vadd.f32 v8, v5;
	v8 =	vcvt.s32.f32 v3;
	v63 =	vshra.s32 v10, $0x6  }
0x28: {  	[tilespmem:s16+$0x1000] =	vst v1;
	v10 =	vand.u32 $0x3F, v10;
	v4 =	vsub.s32 v63, v4  }
0x29: {  	[tilespmem:s16+$0x1200] =	vst v1;
	v5 =	vmul.f32 $6.400000000e+01, v5;
	v6 =	vadd.f32 v8, v6;
	v4 =	vcvt.s32.f32 v4  }
0x2a: {  	s18 =	simm.s32 $0x20;
	s20 =	simm.s32 $0xC0;
	[tilespmem:s16+$0x1400] =	vst v1;
	v7 =	vsub.s32 v10, v7  }
.LBB2_2:
0x2b: {  	p0 =	sne.s32 s20, $0x7C0;
	v8 =	vld [tilespmem:s18+$0x200];
	v5 =	vadd.f32 v5, v6;
	s19 =	sadd.s32 $0x10, s19;
	v6 =	vcvt.s32.f32 v7;
	[tilespmem:s17+$0xE00] =	vst v4  }
0x2c: {  	v7 =	vmov s19;
	[tilespmem:s17+$0xA00] =	vst v4  }
0x2d: {  	v7 =	vshrl.u32 v7, $0x6;
	v9 =	vld [tilespmem:s18+$0x0];
	v5 =	vtrunc.f32 v5;
	[tilespmem:s17+$0x400] =	vst v6  }
0x2e: {  	v10 =	vor.u32 s19, v0;
	v11 =	vcvt.s32.f32 v7;
	v5 =	vcvt.f32.s32 v5;
	[tilespmem:s17+$0x600] =	vst v6  }
.Ltmp0:
0x2f: {  	v10 =	vand.u32 $0x3F, v10;
	[tilespmem:s17+$0xC00] =	vst v4;
	(pc) =	sbr.rel @p0 .LBB2_2-.Ltmp0, $4  }
0x30: {  	v4 =	vadd.f32 v11, v8;
	v8 =	vcvt.s32.f32 v10;
	v11 =	vshra.s32 v5, $0x6;
	[tilespmem:s17+$0x800] =	vst v6;
	s17 =	smov.u32 s16;
	s16 =	smov.u32 s18  }
0x31: {  	v12 =	vand.u32 $0x3F, v5;
	[tilespmem:s16+$0x1000] =	vst v1;
	v11 =	vsub.s32 v11, v2;
	v2 =	vmov v7  }
0x32: {  	v5 =	vmul.f32 $6.400000000e+01, v4;
	v6 =	vadd.f32 v8, v9;
	[tilespmem:s16+$0x1200] =	vst v1;
	v4 =	vcvt.s32.f32 v11  }
0x33: {  	s18 =	sshra.s32 s20, $0x2;
	s20 =	sadd.s32 $0x40, s20;
	v7 =	vsub.s32 v12, v3;
	v3 =	vmov v10;
	[tilespmem:s16+$0x1400] =	vst v1  }
0x34: {  	v8 =	vld [tilespmem:s18+$0x200];
	s19 =	sadd.s32 $0x10, s19;
	[tilespmem:s17+$0xE00] =	vst v4  }
0x35: {  	[tilespmem:s17+$0xA00] =	vst v4;
	v9 =	vmov s19  }
0x36: {  	v57 =	vld [tilespmem:s18+$0x0];
	v56 =	vshrl.u32 v9, $0x6  }
0x37: {  	v5 =	vadd.f32 v5, v6;
	v10 =	vor.u32 s19, v0;
	v11 =	vcvt.s32.f32 v56  }
0x38: {  	v7 =	vcvt.s32.f32 v7;
	v10 =	vand.u32 $0x3F, v10  }
0x39: {  	[tilespmem:s17+$0xC00] =	vst v4;
	v5 =	vtrunc.f32 v5;
	v58 =	vcvt.s32.f32 v10;
	v8 =	vadd.f32 v11, v8  }
0x3a: {  	[tilespmem:s17+$0x400] =	vst v7;
	v5 =	vcvt.f32.s32 v5  }
0x3b: {  	[tilespmem:s17+$0x600] =	vst v7;
	v60 =	vadd.f32 v58, v57;
	v59 =	vmul.f32 $6.400000000e+01, v8  }
0x3c: {  	[tilespmem:s17+$0x800] =	vst v7;
	v61 =	vshra.s32 v5, $0x6  }
0x3d: {  	[tilespmem:s18+$0x1000] =	vst v1;
	v2 =	vsub.s32 v61, v2;
	v4 =	vadd.f32 v59, v60  }
0x3e: {  	[tilespmem:s18+$0x1200] =	vst v1;
	v5 =	vand.u32 $0x3F, v5;
	v2 =	vcvt.s32.f32 v2  }
0x3f: {  	[tilespmem:s18+$0x1400] =	vst v1;
	v3 =	vsub.s32 v5, v3;
	v4 =	vtrunc.f32 v4  }
0x40: {  	v3 =	vcvt.s32.f32 v3;
	[tilespmem:s16+$0xE00] =	vst v2;
	v4 =	vcvt.f32.s32 v4  }
0x41: {  	[tilespmem:s16+$0xA00] =	vst v2  }
0x42: {  	[tilespmem:s16+$0x400] =	vst v3;
	v62 =	vshra.s32 v4, $0x6  }
0x43: {  	[tilespmem:s16+$0x600] =	vst v3;
	v5 =	vsub.s32 v62, v56  }
0x44: {  	[tilespmem:s16+$0xC00] =	vst v2;
	v2 =	vand.u32 $0x3F, v4;
	v63 =	vcvt.s32.f32 v5  }
0x45: {  	[tilespmem:s16+$0x800] =	vst v3;
	v2 =	vsub.s32 v2, v10  }
0x46: {  	v2 =	vcvt.s32.f32 v2;
	[tilespmem:s18+$0xE00] =	vst v63  }
0x47: {  	[tilespmem:s18+$0xA00] =	vst v63  }
0x48: {  	[tilespmem:s18+$0x400] =	vst v2  }
0x49: {  	[tilespmem:s18+$0x600] =	vst v2  }
0x4a: {  	[tilespmem:s18+$0xC00] =	vst v63  }
0x4b: {  	[tilespmem:s18+$0x800] =	vst v2  }
0x4c: {  	[hbm4b:s5+s11] =	stream.strided.scatter [tilespmem:s13], [sflag:$0x1], $0x600, s12, s11, $0x38;
	[tilespmem:$0x1600] =	vst v63  }
0x4d: {  	_ =	swait.ge [sflag:s10], $0x600  }
0x4e: {  	[sflag:s10] =	ssyncset.done $0x0  }
0x4f: {  	[sflag:s10] =	ssyncadd.s32 $0xFFFFFA00  }
0x50: {  	[hbm4b:s6+s11] =	stream.strided.scatter [tilespmem:s14], [sflag:$0x1], $0x600, s12, s11, $0x38;
	[tilespmem:$0x1600] =	vst v63  }
0x51: {  	s15 =	sadd.s32 $0x1, s15;
	_ =	swait.ge [sflag:s10], $0x600  }
0x52: {  	p0 =	sne.s32 s15, s8;
	[sflag:s10] =	ssyncset.done $0x0  }
.Ltmp1:
0x53: {  	[sflag:s10] =	ssyncadd.s32 $0xFFFFFA00;
	(pc) =	sbr.rel @p0 .LBB2_1-.Ltmp1, $4  }
0x54: {  	[hbm4b:s7+s11] =	stream.strided.scatter [tilespmem:s12], [sflag:$0x1], $0x600, s12, s11, $0x38;
	[tilespmem:$0x1600] =	vst v63  }
0x55: {  	_ =	swait.ge [sflag:s10], $0x600  }
0x56: {  	[sflag:s10] =	ssyncset.done $0x0  }
0x57: {  	[sflag:s10] =	ssyncadd.s32 $0xFFFFFA00  }
0x58: {  	_ =	sfence.sel $0x180000  }
0x59: {  	[bflag:$0x0] =	sbarrier.arrive $0xFFFF  }
0x5a: {  	p0 =	sne.s32 s0, $0x0;
	_ =	strace $0x90000050  }
0x5b: {  	s0 =	sadd.s32 @!p0 $0x100000, s1;
	[bflag:$0x2] =	sbarrier.arrive $0xFFFF  }
0x5c: {  	[sflag:s0] =	ssyncadd.tile.s32 @!p0 $0x1;
	_ =	shalt  }
.Lfunc_end2:
_tile_overlayer_lowered:
.L_overlay_start_2:
0x5d: {  	(tag) =	ssettag $0x2  }
0x5e: {  	s0 =	rddreg [dreg:$0x0];
	s2 =	stileid.u32  }
0x5f: {  	s1 =	rddreg [dreg:$0x1];
	p0 =	sne.s32 s2, $0x0  }
0x60: {  	s3 =	rddreg [dreg:$0x2];
	[bflag:$0x3] =	sbarrier.arrive $0xFFFF;
	s2 =	simm.s32 @!p0 $0x1C01  }
0x61: {  	[timem:s3], [sflag:s2] =	dma.local @!p0 [hbm:s0], s1  }
0x62: {  	s0 =	simm.s32 @!p0 $0x1  }
0x63: {  	_ =	swait.ge @!p0 [sflag:s0], s1  }
0x64: {  	s1 =	ssub.s32 @!p0 $0x0, s1;
	[sflag:s0] =	ssyncset.done @!p0 $0x0  }
0x65: {  	[sflag:s0] =	ssyncadd.s32 @!p0 s1  }
0x66: {  	[bflag:$0x3] =	sbarrier.arrive $0xFFFF  }
0x67: {  	_ =	shalt  }

// kernel: sparse-core-data-format-call.1.cloned.1.call-start
scs
called_computation.1_lowered:
.L_overlay_start_0:
0x0: {  	s2 =	sld [smem:$0x3FD9]  }
0x1: {  	s3 =	sld [smem:$0x3FFE];
	_ =	sdelay $0x1  }
0x2: {  	s1 =	srdreg.scid  }
0x3: {  	s0 =	sand.u32 $0x1, s1  }
0x4: {  	s18 =	sshll.u32 s0, $0xA;
	s2 =	sadd.s32 s3, s2  }
0x5: {  	s2 =	sadd.s32 s2, s18  }
0x6: {  	[smem:$0x3FC4] =	sst s2  }
0x7: {  	_ = 	snop  }
0x8: {  	(tm) =	ssettm $0x1  }
0x9: {  	s19 =	sld [smem:$0x3FFB];
	_ =	sdelay $0x3  }
0xa: {  	_ =	strace s19  }
0xb: {  	s2 =	sld [smem:$0x3FFC];
	_ =	sdelay $0x3  }
0xc: {  	_ =	strace s2  }
0xd: {  	s2 =	sld [smem:$0x3FFD];
	_ =	sdelay $0x3  }
0xe: {  	_ =	strace s2  }
0xf: {  	_ =	strace $0x8FFFFFFF  }
0x10: {  	s20 =	sld [smem:$0x3FDB];
	_ =	sdelay $0x1  }
0x11: {  	s21 =	simm.s32 $_scs_section_size  }
0x12: {  	s4 =	simm.s32 $_size__tile_overlayer_lowered;
	s5 =	simm.s32 $_tile_overlayer_lowered  }
0x13: {  	s6 =	simm.s32 $0x1BFF;
	s22 =	sshll.u32 s5, $0x1;
	s3 =	sadd.s32 s21, s20  }
0x14: {  	s23 =	simm.s32 $0x0;
	s4 =	sshll.u32 s4, $0x1;
	s5 =	sadd.s32 s22, s3  }
0x15: {  	[timem:s23], [sflag:s6] =	dma.local [hbm:s5], s4  }
0x16: {  	_ =	swait.ge [sflag:s6], s4  }
0x17: {  	s4 =	ssub.s32 $0x0, s4;
	[sflag:s6] =	ssyncset.done $0x0  }
0x18: {  	[sflag:s6] =	ssyncadd.s32 s4;
	_ =	sdelay $0x1  }
0x19: {  	s24 =	simm.s32 $0x1B8B  }
0x1a: {  	_ =	swait.ge [sflag:s24], $0x1  }
0x1b: {  	[sflag:s24] =	ssyncset.done $0x0  }
0x1c: {  	[sflag:s24] =	ssyncadd.s32 $0xFFFFFFFF  }
0x1d: {  	s4 =	sld [smem:$0x0]  }
0x1e: {  	s5 =	sand.u32 $0xFFFFFFFE, s1  }
0x1f: {  	p0 =	sne.s32 s1, s5  }
0x20: {  	s5 =	sshll.u32 @p0 s5, $0xE  }
0x21: {  	s5 =	sadd.s32 @p0 $0x11B8D, s5;
	s6 =	sshll.u32 @p0 s4, $0x11  }
0x22: {  	s5 =	sor.u32 @p0 s6, s5  }
0x23: {  	[sflag:s5] =	ssyncadd.remote.s32 @p0 $0x1;
	_ =	sdelay $0x1  }
0x24: {  	s5 =	simm.s32 @p0 $0x1B8D  }
0x25: {  	_ =	swait.eq @p0 [sflag:s5], $0x1  }
0x26: {  	[sflag:s5] =	ssyncadd.s32 @p0 $0xFFFFFFFF  }
0x27: {  	s6 =	sshll.u32 @!p0 s1, $0xE  }
0x28: {  	s6 =	sor.u32 @!p0 $0x4000, s6;
	s5 =	simm.s32 @!p0 $0x1B8D  }
0x29: {  	s4 =	sshll.u32 @!p0 s4, $0x11;
	s6 =	sadd.s32 @!p0 $0x11B8D, s6;
	_ =	swait.eq @!p0 [sflag:s5], $0x1  }
0x2a: {  	s4 =	sor.u32 @!p0 s4, s6;
	[sflag:s5] =	ssyncadd.s32 @!p0 $0xFFFFFFFF  }
0x2b: {  	s26 =	simm.s32 $0x1B8E;
	s25 =	sld [smem:$0x3FFE];
	[sflag:s4] =	ssyncadd.remote.s32 @!p0 $0x1  }
0x2c: {  	s27 =	simm.s32 $execute0_lowered;
	[smem:$0x3FD2] =	sst s26  }
0x2d: {  	s5 =	sshll.u32 s27, $0x1;
	_ =	strace $0x80000046;
	[dreg:$0x1] =	wrdreg $0xFFFFFFFF  }
0x2e: {  	s28 =	simm.s32 $_size_execute0_lowered;
	s3 =	sadd.s32 s3, s5;
	[dreg:$0x0] =	wrdreg $0x0  }
0x2f: {  	s5 =	sshll.u32 s28, $0x1;
	[dreg:$0x2] =	wrdreg s3  }
0x30: {  	[dreg:$0x3] =	wrdreg s5  }
0x31: {  	[dreg:$0x4] =	wrdreg $0xC0  }
0x32: {  	_ =	task [dreg:s23], $0x5FFFF  }
0x33: {  	[dreg:$0x1] =	wrdreg $0xFFFFFFFF  }
0x34: {  	[dreg:$0x0] =	wrdreg $0x60  }
0x35: {  	[dreg:$0x2] =	wrdreg s25  }
0x36: {  	[dreg:$0x3] =	wrdreg $0xA  }
0x37: {  	_ =	task.clear_ibuf [dreg:s23], $0x4FFFF;
	_ =	strace $0x90000046  }
0x38: {  	s29 =	simm.s32 $0xA;
	_ =	strace $0x80000048  }
0x39: {  	_ =	swait.ge [sflag:s29], $0x1  }
0x3a: {  	[sflag:s29] =	ssyncadd.s32 $0xFFFFFFFF  }
0x3b: {  	_ =	strace $0x90000048  }
0x3c: {  	_ =	sfence  }
0x3d: {  	s30 =	sld [smem:$0x0];
	_ =	sdelay $0x2  }
0x3e: {  	s31 =	sshll.u32 s1, $0xD;
	s1 =	sshrl.u32 s1, $0x2  }
0x3f: {  	s4 =	sand.u32 $0x4000, s31;
	s1 =	sadd.s32 s1, s30  }
0x40: {  	s0 =	sor.u32 s4, s0;
	s1 =	sshll.u32 s1, $0x11  }
0x41: {  	s0 =	sor.u32 s1, s0  }
0x42: {  	s0 =	sadd.s32 $0x8F2B, s0  }
0x43: {  	[sflag:s0] =	ssyncadd.remote.s32 $0x1  }
0x44: {  	_ =	sfence.sel $0xFFFF  }
0x45: {  	[dreg:$0x0] =	wrdreg $0xFFFFFFFF;
	(pc) =	sbr.abs _section_cstart, $3  }
0x46: {  	[dreg:$0x1] =	wrdreg $0xFFFFFFFF  }
0x47: {  	_ =	task.clear_ibuf [dreg:s23], $0x2FFFF;
	_ =	strace $0x9FFFFFFF  }
0x48: {  	(tm) =	ssettm $0x7FFFFFFF  }
0x49: {  	_ =	shalt  }
tec
execute0_lowered:
.L_overlay_start_1:
0x0: {  	(tag) =	ssettag $0x1  }
0x1: {  	s0 =	srdreg.scid  }
0x2: {  	s1 =	sshll.u32 s0, $0x4  }
0x3: {  	s4 =	rddreg [dreg:$0x0];
	s0 =	stileid.u32;
	s1 =	sand.u32 $0x10, s1  }
0x4: {  	s7 =	simm.s32 $0x1;
	s8 =	simm.s32 $0x2;
	s2 =	sor.u32 s0, s1  }
0x5: {  	s9 =	simm.s32 $0x0;
	s12 =	simm.s32 $0x0;
	s2 =	sshll.u32 s2, $0x2  }
0x6: {  	s11 =	simm.s32 $0x0;
	s3 =	sadd.s32 $0x20C200, s4;
	s6 =	ssub.s32 $0x800, s2  }
.Ltmp0:
0x7: {  	s4 =	sadd.s32 $0x30C200, s4;
	s5 =	sand.u32 $0x7C, s6;
	(pc) =	sbr.rel .LBB1_1-.Ltmp0, $4  }
0x8: {  	s1 =	rddreg [dreg:$0x1];
	_ =	strace $0x80000047;
	p0 =	sne.s32 s5, $0x0  }
0x9: {  	s6 =	sshrl.u32 s6, $0x7;
	s5 =	simm.s32 $0x1;
	s7 =	simm.s32 @!p0 $0x0  }
0xa: {  	s10 =	smov.u32 s2;
	[sflag:s5] =	ssyncpa.u1 $0x0;
	s6 =	sadd.s32 s7, s6  }
0xb: {  	[sflag:s8] =	ssyncpa.u1 $0x0;
	s8 =	simm.s32 $0x0;
	s7 =	sadd.s32 $0x1, s6  }
.LBB1_9:
0xc: {  	s14 =	sadd.s32 $0x80, s10  }
0xd: {  	p1 =	sgt.s32 s14, $0x7FF  }
0xe: {  	s14 =	smov.u32 @p1 s2;
	p1 =	sne.s32 s11, s7  }
.Ltmp1:
0xf: {  	p0 =	slt.u32 s11, $0x2;
	(pc) =	sbr.rel @!p1 .LBB1_10-.Ltmp1, $4  }
0x10: {  	s13 =	simm.s32 @!p0 $0x2  }
0x11: {  	s15 =	sadd.s32 $0x1, s11;
	_ =	swait.ge @!p0 [sflag:s13], $0x4000  }
0x12: {  	s12 =	smov.u32 s10;
	s9 =	sadd.s32 $0x4000, s9;
	[sflag:s13] =	ssyncset.done @!p0 $0x0  }
0x13: {  	s11 =	smov.u32 s15;
	s10 =	smov.u32 s14;
	[sflag:s13] =	ssyncadd.s32 @!p0 $0xFFFFC000  }
.LBB1_1:
0x14: {  	p0 =	sge.u32 s11, s6  }
0x15: {  	s13 =	sxor.u32 @!p0 $0xFFFFFFFF, s11  }
0x16: {  	s31 =	sadd.s32 $0xFFFFFFFF, s11;
	s14 =	sshll.u32 @!p0 s10, $0x9;
	s13 =	sshll.u32 @!p0 s13, $0xE  }
0x17: {  	s15 =	simm.s32 @!p0 $0x0;
	s14 =	sadd.s32 @!p0 s3, s14;
	s13 =	sand.u32 @!p0 $0x4000, s13  }
0x18: {  	[tilespmem:s13], [sflag:$0x1] =	stream.linear.gather @!p0 [hbm4b:s14+s15], $0x4000, $0x38;
	[tilespmem:$0x10000] =	vst v63  }
0x19: {  	p0 =	sge.u32 s31, s6  }
.Ltmp2:
0x1a: {  	_ = 	snop;
	(pc) =	sbr.rel @p0 .LBB1_9-.Ltmp2, $1  }
0x1b: {  	_ =	sdelay $0x3  }
0x1c: {  	s14 =	sand.u32 $0x4000, s9  }
0x1d: {  	_ =	swait.ge [sflag:s5], $0x4000;
	s15 =	sshll.u32 s11, $0xE;
	s16 =	simm.s32 $0x0  }
0x1e: {  	s13 =	sor.u32 $0x40, s14;
	[sflag:s5] =	ssyncset.done $0x0;
	s15 =	sand.u32 $0x4000, s15  }
0x1f: {  	s14 =	sor.u32 $0x8040, s14;
	[sflag:s5] =	ssyncadd.s32 $0xFFFFC000;
	s15 =	sor.u32 $0x8000, s15  }
.LBB1_3:
0x20: {  	s17 =	smov.u32 s14;
	s18 =	smov.u32 s13;
	s19 =	simm.s32 $0x0  }
.LBB1_4:
0x21: {  	v0 =	vmov s17;
	v2 =	vld [tilespmem:s18+$0x30]  }
0x22: {  	v4 =	vld [tilespmem:s18+$0xFFFFFFD0]  }
0x23: {  	v6 =	vld [tilespmem:s18+$0xFFFFFFE0]  }
0x24: {  	v7 =	vld [tilespmem:s18+$0xFFFFFFF0]  }
0x25: {  	s20 =	simm.s32 $0x0;
	v1 =	vld [tilespmem:s18+$0x0]  }
0x26: {  	v3 =	vld [tilespmem:s18+$0x10];
	[tilespmem:v0+s20+$0x30 ss:$0x1] =	vst.idx.msk $0xffff, v2  }
0x27: {  	v5 =	vld [tilespmem:s18+$0x20];
	[tilespmem:v0+s20+$0xFFFFFFD0 ss:$0x1] =	vst.idx.msk $0xffff, v4  }
0x28: {  	s21 =	sadd.s32 $0x80, s18;
	v2 =	vld [tilespmem:s18+$0xFFFFFFC0];
	[tilespmem:v0+s20+$0xFFFFFFE0 ss:$0x1] =	vst.idx.msk $0xffff, v6  }
0x29: {  	s22 =	simm.s32 $0x800;
	s23 =	simm.s32 $0x1000;
	v4 =	vld [tilespmem:s21+$0x30];
	[tilespmem:v0+s20+$0xFFFFFFF0 ss:$0x1] =	vst.idx.msk $0xffff, v7  }
.LBB1_5:
0x2a: {  	p0 =	sne.s32 s23, $0x3800;
	v6 =	vld [tilespmem:s21+$0xFFFFFFD0];
	[tilespmem:v0+s20+$0x0 ss:$0x1] =	vst.idx.msk $0xffff, v1  }
0x2b: {  	v7 =	vld [tilespmem:s21+$0xFFFFFFE0];
	[tilespmem:v0+s20+$0x10 ss:$0x1] =	vst.idx.msk $0xffff, v3  }
0x2c: {  	v8 =	vld [tilespmem:s21+$0xFFFFFFF0];
	[tilespmem:v0+s20+$0x20 ss:$0x1] =	vst.idx.msk $0xffff, v5  }
.Ltmp3:
0x2d: {  	v1 =	vld [tilespmem:s21+$0x0];
	[tilespmem:v0+s20+$0xFFFFFFC0 ss:$0x1] =	vst.idx.msk $0xffff, v2;
	s20 =	sshra.s32 s22, $0x2;
	s22 =	smov.u32 s23;
	(pc) =	sbr.rel @p0 .LBB1_5-.Ltmp3, $4  }
0x2e: {  	v3 =	vld [tilespmem:s21+$0x10];
	[tilespmem:v0+s20+$0x30 ss:$0x1] =	vst.idx.msk $0xffff, v4  }
0x2f: {  	[tilespmem:v0+s20+$0xFFFFFFD0 ss:$0x1] =	vst.idx.msk $0xffff, v6;
	v5 =	vld [tilespmem:s21+$0x20]  }
0x30: {  	v2 =	vld [tilespmem:s21+$0xFFFFFFC0];
	[tilespmem:v0+s20+$0xFFFFFFE0 ss:$0x1] =	vst.idx.msk $0xffff, v7;
	s21 =	sadd.s32 $0x80, s21  }
0x31: {  	s23 =	sadd.s32 $0x800, s23;
	v4 =	vld [tilespmem:s21+$0x30];
	[tilespmem:v0+s20+$0xFFFFFFF0 ss:$0x1] =	vst.idx.msk $0xffff, v8  }
0x32: {  	_ =	sdelay $0x3  }
0x33: {  	v6 =	vld [tilespmem:s21+$0xFFFFFFD0];
	[tilespmem:v0+s20+$0x0 ss:$0x1] =	vst.idx.msk $0xffff, v1  }
0x34: {  	v58 =	vld [tilespmem:s21+$0xFFFFFFE0];
	[tilespmem:v0+s20+$0x10 ss:$0x1] =	vst.idx.msk $0xffff, v3  }
0x35: {  	v59 =	vld [tilespmem:s21+$0xFFFFFFF0];
	[tilespmem:v0+s20+$0x20 ss:$0x1] =	vst.idx.msk $0xffff, v5  }
0x36: {  	s22 =	sshra.s32 s22, $0x2;
	v60 =	vld [tilespmem:s21+$0x0];
	[tilespmem:v0+s20+$0xFFFFFFC0 ss:$0x1] =	vst.idx.msk $0xffff, v2  }
0x37: {  	v61 =	vld [tilespmem:s21+$0x10];
	[tilespmem:v0+s22+$0x30 ss:$0x1] =	vst.idx.msk $0xffff, v4  }
0x38: {  	v62 =	vld [tilespmem:s21+$0x20];
	s19 =	sadd.s32 $0x1, s19;
	[tilespmem:v0+s22+$0xFFFFFFD0 ss:$0x1] =	vst.idx.msk $0xffff, v6  }
0x39: {  	v63 =	vld [tilespmem:s21+$0xFFFFFFC0];
	p0 =	sne.s32 s19, $0x4;
	[tilespmem:v0+s22+$0xFFFFFFE0 ss:$0x1] =	vst.idx.msk $0xffff, v58  }
.Ltmp4:
0x3a: {  	[tilespmem:v0+s22+$0xFFFFFFF0 ss:$0x1] =	vst.idx.msk $0xffff, v59;
	(pc) =	sbr.rel @p0 .LBB1_4-.Ltmp4, $4  }
0x3b: {  	[tilespmem:v0+s22+$0x0 ss:$0x1] =	vst.idx.msk $0xffff, v60  }
0x3c: {  	[tilespmem:v0+s22+$0x10 ss:$0x1] =	vst.idx.msk $0xffff, v61  }
0x3d: {  	[tilespmem:v0+s22+$0x20 ss:$0x1] =	vst.idx.msk $0xffff, v62  }
0x3e: {  	s18 =	sadd.s32 $0x400, s18;
	s17 =	sadd.s32 $0x80, s17;
	[tilespmem:v0+s22+$0xFFFFFFC0 ss:$0x1] =	vst.idx.msk $0xffff, v63  }
0x3f: {  	s16 =	sadd.s32 $0x1, s16  }
0x40: {  	p0 =	sne.s32 s16, $0x4  }
.Ltmp5:
0x41: {  	_ = 	snop;
	(pc) =	sbr.rel @p0 .LBB1_3-.Ltmp5, $2  }
0x42: {  	_ =	sdelay $0x2  }
0x43: {  	s13 =	sadd.s32 $0x1000, s13;
	s14 =	sadd.s32 $0x1000, s14  }
.Ltmp6:
0x44: {  	(pc) =	sbr.rel .LBB1_9-.Ltmp6, $4  }
0x45: {  	_ = 	snop  }
0x46: {  	s12 =	sshll.u32 s12, $0x9  }
0x47: {  	s12 =	sadd.s32 s4, s12  }
0x48: {  	[hbm4b:s12+s8] =	stream.linear.scatter [tilespmem:s15], [sflag:$0x2], $0x4000, $0x38;
	[tilespmem:$0x10000] =	vst v63  }
.LBB1_10:
0x49: {  	_ =	sfence.sel $0x180000  }
0x4a: {  	s2 =	simm.s32 $0x1;
	[bflag:$0x0] =	sbarrier.arrive $0xFFFF  }
0x4b: {  	s31 =	simm.s32 $0x2;
	[sflag:s2] =	ssyncpa.u1 $0x1  }
0x4c: {  	[sflag:s31] =	ssyncpa.u1 $0x1  }
0x4d: {  	p0 =	sne.s32 s0, $0x0;
	_ =	strace $0x90000047  }
0x4e: {  	s0 =	sadd.s32 @!p0 $0x100000, s1;
	[bflag:$0x2] =	sbarrier.arrive $0xFFFF  }
0x4f: {  	[sflag:s0] =	ssyncadd.tile.s32 @!p0 $0x1;
	_ =	shalt  }
.Lfunc_end1:
_tile_overlayer_lowered:
.L_overlay_start_2:
0x50: {  	(tag) =	ssettag $0x2  }
0x51: {  	s0 =	rddreg [dreg:$0x0];
	s2 =	stileid.u32  }
0x52: {  	s1 =	rddreg [dreg:$0x1];
	p0 =	sne.s32 s2, $0x0  }
0x53: {  	s3 =	rddreg [dreg:$0x2];
	[bflag:$0x3] =	sbarrier.arrive $0xFFFF;
	s2 =	simm.s32 @!p0 $0x1C01  }
0x54: {  	[timem:s3], [sflag:s2] =	dma.local @!p0 [hbm:s0], s1  }
0x55: {  	s0 =	simm.s32 @!p0 $0x1  }
0x56: {  	_ =	swait.ge @!p0 [sflag:s0], s1  }
0x57: {  	s1 =	ssub.s32 @!p0 $0x0, s1;
	[sflag:s0] =	ssyncset.done @!p0 $0x0  }
0x58: {  	[sflag:s0] =	ssyncadd.s32 @!p0 s1  }
0x59: {  	[bflag:$0x3] =	sbarrier.arrive $0xFFFF  }
0x5a: {  	_ =	shalt  }

// kernel: sparse-core-data-format-call.cloned.1.call-start
scs
called_computation_lowered:
.L_overlay_start_0:
0x0: {  	s1 =	sld [smem:$0x3FD9]  }
0x1: {  	s2 =	sld [smem:$0x3FFE];
	_ =	sdelay $0x1  }
0x2: {  	s3 =	srdreg.scid  }
0x3: {  	s0 =	sand.u32 $0x1, s3  }
0x4: {  	s17 =	sshll.u32 s0, $0xA;
	s1 =	sadd.s32 s2, s1  }
0x5: {  	s1 =	sadd.s32 s1, s17  }
0x6: {  	[smem:$0x3FC4] =	sst s1  }
0x7: {  	_ = 	snop  }
0x8: {  	(tm) =	ssettm $0x1  }
0x9: {  	s18 =	sld [smem:$0x3FFB];
	_ =	sdelay $0x3  }
0xa: {  	_ =	strace s18  }
0xb: {  	s1 =	sld [smem:$0x3FFC];
	_ =	sdelay $0x3  }
0xc: {  	_ =	strace s1  }
0xd: {  	s1 =	sld [smem:$0x3FFD];
	_ =	sdelay $0x3  }
0xe: {  	_ =	strace s1  }
0xf: {  	_ =	strace $0x8FFFFFFF  }
0x10: {  	s19 =	sld [smem:$0x3FDB];
	_ =	sdelay $0x1  }
0x11: {  	s20 =	simm.s32 $_scs_section_size  }
0x12: {  	s4 =	simm.s32 $_size__tile_overlayer_lowered;
	s5 =	simm.s32 $_tile_overlayer_lowered  }
0x13: {  	s23 =	simm.s32 $0x1BFF;
	s22 =	sshll.u32 s5, $0x1;
	s1 =	sadd.s32 s20, s19  }
0x14: {  	s6 =	simm.s32 $0x0;
	s21 =	sshll.u32 s4, $0x1;
	s4 =	sadd.s32 s22, s1  }
0x15: {  	[timem:s6], [sflag:s23] =	dma.local [hbm:s4], s21  }
0x16: {  	_ =	swait.ge [sflag:s23], s21  }
0x17: {  	s2 =	ssub.s32 $0x0, s21;
	[sflag:s23] =	ssyncset.done $0x0  }
0x18: {  	[sflag:s23] =	ssyncadd.s32 s2;
	_ =	sdelay $0x1  }
0x19: {  	s24 =	simm.s32 $0x1B8B  }
0x1a: {  	_ =	swait.ge [sflag:s24], $0x1  }
0x1b: {  	[sflag:s24] =	ssyncset.done $0x0  }
0x1c: {  	s26 =	simm.s32 $0x1B8E;
	s25 =	sld [smem:$0x3FFE];
	[sflag:s24] =	ssyncadd.s32 $0xFFFFFFFF  }
0x1d: {  	s27 =	simm.s32 $execute0_lowered;
	[smem:$0x3FD2] =	sst s26  }
0x1e: {  	s4 =	sshll.u32 s27, $0x1;
	_ =	strace $0x80000049;
	[dreg:$0x1] =	wrdreg $0xFFFFFFFF  }
0x1f: {  	s28 =	simm.s32 $_size_execute0_lowered;
	s1 =	sadd.s32 s1, s4;
	[dreg:$0x0] =	wrdreg $0x0  }
0x20: {  	s4 =	sshll.u32 s28, $0x1;
	[dreg:$0x2] =	wrdreg s1  }
0x21: {  	[dreg:$0x3] =	wrdreg s4  }
0x22: {  	[dreg:$0x4] =	wrdreg $0xC0  }
0x23: {  	_ =	task [dreg:s6], $0x5FFFF  }
0x24: {  	[dreg:$0x1] =	wrdreg $0xFFFFFFFF  }
0x25: {  	[dreg:$0x0] =	wrdreg $0x60  }
0x26: {  	[dreg:$0x2] =	wrdreg s25  }
0x27: {  	[dreg:$0x3] =	wrdreg $0x9  }
0x28: {  	_ =	task.clear_ibuf [dreg:s6], $0x4FFFF;
	_ =	strace $0x90000049  }
0x29: {  	s29 =	simm.s32 $0x9;
	_ =	strace $0x8000004B  }
0x2a: {  	_ =	swait.ge [sflag:s29], $0x1  }
0x2b: {  	[sflag:s29] =	ssyncadd.s32 $0xFFFFFFFF  }
0x2c: {  	_ =	strace $0x9000004B  }
0x2d: {  	_ =	sfence  }
0x2e: {  	s30 =	sld [smem:$0x0];
	_ =	sdelay $0x2  }
0x2f: {  	s31 =	sshll.u32 s3, $0xD;
	s3 =	sshrl.u32 s3, $0x2  }
0x30: {  	s2 =	sand.u32 $0x4000, s31;
	s1 =	sadd.s32 s3, s30  }
0x31: {  	s0 =	sor.u32 s2, s0;
	s1 =	sshll.u32 s1, $0x11  }
0x32: {  	s0 =	sor.u32 s1, s0  }
0x33: {  	s0 =	sadd.s32 $0x8F2B, s0  }
0x34: {  	[sflag:s0] =	ssyncadd.remote.s32 $0x1  }
0x35: {  	_ =	sfence.sel $0xFFFF  }
0x36: {  	[dreg:$0x0] =	wrdreg $0xFFFFFFFF;
	(pc) =	sbr.abs _section_cstart, $3  }
0x37: {  	[dreg:$0x1] =	wrdreg $0xFFFFFFFF  }
0x38: {  	_ =	task.clear_ibuf [dreg:s6], $0x2FFFF;
	_ =	strace $0x9FFFFFFF  }
0x39: {  	(tm) =	ssettm $0x7FFFFFFF  }
tec
execute0_lowered:
.L_overlay_start_1:
0x0: {  	(tag) =	ssettag $0x1  }
0x1: {  	s0 =	srdreg.scid  }
0x2: {  	s1 =	sshll.u32 s0, $0x4  }
0x3: {  	s4 =	rddreg [dreg:$0x0];
	s0 =	stileid.u32;
	s1 =	sand.u32 $0x10, s1  }
0x4: {  	s7 =	simm.s32 $0x1;
	s8 =	simm.s32 $0x2;
	s1 =	sor.u32 s0, s1  }
0x5: {  	s9 =	simm.s32 $0x0;
	s12 =	simm.s32 $0x0;
	s2 =	sshll.u32 s1, $0x2  }
0x6: {  	s11 =	simm.s32 $0x0;
	s3 =	sadd.s32 $0xC200, s4;
	s6 =	ssub.s32 $0x800, s2  }
.Ltmp0:
0x7: {  	s4 =	sadd.s32 $0x10C200, s4;
	s5 =	sand.u32 $0x7C, s6;
	(pc) =	sbr.rel .LBB1_1-.Ltmp0, $4  }
0x8: {  	s1 =	rddreg [dreg:$0x1];
	_ =	strace $0x8000004A;
	p0 =	sne.s32 s5, $0x0  }
0x9: {  	s6 =	sshrl.u32 s6, $0x7;
	s5 =	simm.s32 $0x1;
	s7 =	simm.s32 @!p0 $0x0  }
0xa: {  	s10 =	smov.u32 s2;
	[sflag:s5] =	ssyncpa.u1 $0x0;
	s6 =	sadd.s32 s7, s6  }
0xb: {  	[sflag:s8] =	ssyncpa.u1 $0x0;
	s8 =	simm.s32 $0x0;
	s7 =	sadd.s32 $0x1, s6  }
.LBB1_9:
0xc: {  	s14 =	sadd.s32 $0x80, s10  }
0xd: {  	p1 =	sgt.s32 s14, $0x7FF  }
0xe: {  	s14 =	smov.u32 @p1 s2;
	p1 =	sne.s32 s11, s7  }
.Ltmp1:
0xf: {  	p0 =	slt.u32 s11, $0x2;
	(pc) =	sbr.rel @!p1 .LBB1_10-.Ltmp1, $4  }
0x10: {  	s13 =	simm.s32 @!p0 $0x2  }
0x11: {  	s15 =	sadd.s32 $0x1, s11;
	_ =	swait.ge @!p0 [sflag:s13], $0x4000  }
0x12: {  	s12 =	smov.u32 s10;
	s9 =	sadd.s32 $0x4000, s9;
	[sflag:s13] =	ssyncset.done @!p0 $0x0  }
0x13: {  	s11 =	smov.u32 s15;
	s10 =	smov.u32 s14;
	[sflag:s13] =	ssyncadd.s32 @!p0 $0xFFFFC000  }
.LBB1_1:
0x14: {  	p0 =	sge.u32 s11, s6  }
0x15: {  	s13 =	sxor.u32 @!p0 $0xFFFFFFFF, s11  }
0x16: {  	s31 =	sadd.s32 $0xFFFFFFFF, s11;
	s14 =	sshll.u32 @!p0 s10, $0x9;
	s13 =	sshll.u32 @!p0 s13, $0xE  }
0x17: {  	s15 =	simm.s32 @!p0 $0x0;
	s14 =	sadd.s32 @!p0 s3, s14;
	s13 =	sand.u32 @!p0 $0x4000, s13  }
0x18: {  	[tilespmem:s13], [sflag:$0x1] =	stream.linear.gather @!p0 [hbm4b:s14+s15], $0x4000, $0x38;
	[tilespmem:$0x10000] =	vst v63  }
0x19: {  	p0 =	sge.u32 s31, s6  }
.Ltmp2:
0x1a: {  	_ = 	snop;
	(pc) =	sbr.rel @p0 .LBB1_9-.Ltmp2, $1  }
0x1b: {  	_ =	sdelay $0x3  }
0x1c: {  	s14 =	sand.u32 $0x4000, s9  }
0x1d: {  	_ =	swait.ge [sflag:s5], $0x4000;
	s15 =	sshll.u32 s11, $0xE;
	s16 =	simm.s32 $0x0  }
0x1e: {  	s13 =	sor.u32 $0x40, s14;
	[sflag:s5] =	ssyncset.done $0x0;
	s15 =	sand.u32 $0x4000, s15  }
0x1f: {  	s14 =	sor.u32 $0x8040, s14;
	[sflag:s5] =	ssyncadd.s32 $0xFFFFC000;
	s15 =	sor.u32 $0x8000, s15  }
.LBB1_3:
0x20: {  	s17 =	smov.u32 s14;
	s18 =	smov.u32 s13;
	s19 =	simm.s32 $0x0  }
.LBB1_4:
0x21: {  	v0 =	vmov s17;
	v2 =	vld [tilespmem:s18+$0x30]  }
0x22: {  	v4 =	vld [tilespmem:s18+$0xFFFFFFD0]  }
0x23: {  	v6 =	vld [tilespmem:s18+$0xFFFFFFE0]  }
0x24: {  	v7 =	vld [tilespmem:s18+$0xFFFFFFF0]  }
0x25: {  	s20 =	simm.s32 $0x0;
	v1 =	vld [tilespmem:s18+$0x0]  }
0x26: {  	v3 =	vld [tilespmem:s18+$0x10];
	[tilespmem:v0+s20+$0x30 ss:$0x1] =	vst.idx.msk $0xffff, v2  }
0x27: {  	v5 =	vld [tilespmem:s18+$0x20];
	[tilespmem:v0+s20+$0xFFFFFFD0 ss:$0x1] =	vst.idx.msk $0xffff, v4  }
0x28: {  	s21 =	sadd.s32 $0x80, s18;
	v2 =	vld [tilespmem:s18+$0xFFFFFFC0];
	[tilespmem:v0+s20+$0xFFFFFFE0 ss:$0x1] =	vst.idx.msk $0xffff, v6  }
0x29: {  	s22 =	simm.s32 $0x800;
	s23 =	simm.s32 $0x1000;
	v4 =	vld [tilespmem:s21+$0x30];
	[tilespmem:v0+s20+$0xFFFFFFF0 ss:$0x1] =	vst.idx.msk $0xffff, v7  }
.LBB1_5:
0x2a: {  	p0 =	sne.s32 s23, $0x3800;
	v6 =	vld [tilespmem:s21+$0xFFFFFFD0];
	[tilespmem:v0+s20+$0x0 ss:$0x1] =	vst.idx.msk $0xffff, v1  }
0x2b: {  	v7 =	vld [tilespmem:s21+$0xFFFFFFE0];
	[tilespmem:v0+s20+$0x10 ss:$0x1] =	vst.idx.msk $0xffff, v3  }
0x2c: {  	v8 =	vld [tilespmem:s21+$0xFFFFFFF0];
	[tilespmem:v0+s20+$0x20 ss:$0x1] =	vst.idx.msk $0xffff, v5  }
.Ltmp3:
0x2d: {  	v1 =	vld [tilespmem:s21+$0x0];
	[tilespmem:v0+s20+$0xFFFFFFC0 ss:$0x1] =	vst.idx.msk $0xffff, v2;
	s20 =	sshra.s32 s22, $0x2;
	s22 =	smov.u32 s23;
	(pc) =	sbr.rel @p0 .LBB1_5-.Ltmp3, $4  }
0x2e: {  	v3 =	vld [tilespmem:s21+$0x10];
	[tilespmem:v0+s20+$0x30 ss:$0x1] =	vst.idx.msk $0xffff, v4  }
0x2f: {  	[tilespmem:v0+s20+$0xFFFFFFD0 ss:$0x1] =	vst.idx.msk $0xffff, v6;
	v5 =	vld [tilespmem:s21+$0x20]  }
0x30: {  	v2 =	vld [tilespmem:s21+$0xFFFFFFC0];
	[tilespmem:v0+s20+$0xFFFFFFE0 ss:$0x1] =	vst.idx.msk $0xffff, v7;
	s21 =	sadd.s32 $0x80, s21  }
0x31: {  	s23 =	sadd.s32 $0x800, s23;
	v4 =	vld [tilespmem:s21+$0x30];
	[tilespmem:v0+s20+$0xFFFFFFF0 ss:$0x1] =	vst.idx.msk $0xffff, v8  }
0x32: {  	_ =	sdelay $0x3  }
0x33: {  	v6 =	vld [tilespmem:s21+$0xFFFFFFD0];
	[tilespmem:v0+s20+$0x0 ss:$0x1] =	vst.idx.msk $0xffff, v1  }
0x34: {  	v58 =	vld [tilespmem:s21+$0xFFFFFFE0];
	[tilespmem:v0+s20+$0x10 ss:$0x1] =	vst.idx.msk $0xffff, v3  }
0x35: {  	v59 =	vld [tilespmem:s21+$0xFFFFFFF0];
	[tilespmem:v0+s20+$0x20 ss:$0x1] =	vst.idx.msk $0xffff, v5  }
0x36: {  	s22 =	sshra.s32 s22, $0x2;
	v60 =	vld [tilespmem:s21+$0x0];
	[tilespmem:v0+s20+$0xFFFFFFC0 ss:$0x1] =	vst.idx.msk $0xffff, v2  }
0x37: {  	v61 =	vld [tilespmem:s21+$0x10];
	[tilespmem:v0+s22+$0x30 ss:$0x1] =	vst.idx.msk $0xffff, v4  }
0x38: {  	v62 =	vld [tilespmem:s21+$0x20];
	s19 =	sadd.s32 $0x1, s19;
	[tilespmem:v0+s22+$0xFFFFFFD0 ss:$0x1] =	vst.idx.msk $0xffff, v6  }
0x39: {  	v63 =	vld [tilespmem:s21+$0xFFFFFFC0];
	p0 =	sne.s32 s19, $0x4;
	[tilespmem:v0+s22+$0xFFFFFFE0 ss:$0x1] =	vst.idx.msk $0xffff, v58  }
.Ltmp4:
0x3a: {  	[tilespmem:v0+s22+$0xFFFFFFF0 ss:$0x1] =	vst.idx.msk $0xffff, v59;
	(pc) =	sbr.rel @p0 .LBB1_4-.Ltmp4, $4  }
0x3b: {  	[tilespmem:v0+s22+$0x0 ss:$0x1] =	vst.idx.msk $0xffff, v60  }
0x3c: {  	[tilespmem:v0+s22+$0x10 ss:$0x1] =	vst.idx.msk $0xffff, v61  }
0x3d: {  	[tilespmem:v0+s22+$0x20 ss:$0x1] =	vst.idx.msk $0xffff, v62  }
0x3e: {  	s18 =	sadd.s32 $0x400, s18;
	s17 =	sadd.s32 $0x80, s17;
	[tilespmem:v0+s22+$0xFFFFFFC0 ss:$0x1] =	vst.idx.msk $0xffff, v63  }
0x3f: {  	s16 =	sadd.s32 $0x1, s16  }
0x40: {  	p0 =	sne.s32 s16, $0x4  }
.Ltmp5:
0x41: {  	_ = 	snop;
	(pc) =	sbr.rel @p0 .LBB1_3-.Ltmp5, $2  }
0x42: {  	_ =	sdelay $0x2  }
0x43: {  	s13 =	sadd.s32 $0x1000, s13;
	s14 =	sadd.s32 $0x1000, s14  }
.Ltmp6:
0x44: {  	(pc) =	sbr.rel .LBB1_9-.Ltmp6, $4  }
0x45: {  	_ = 	snop  }
0x46: {  	s12 =	sshll.u32 s12, $0x9  }
0x47: {  	s12 =	sadd.s32 s4, s12  }
0x48: {  	[hbm4b:s12+s8] =	stream.linear.scatter [tilespmem:s15], [sflag:$0x2], $0x4000, $0x38;
	[tilespmem:$0x10000] =	vst v63  }
.LBB1_10:
0x49: {  	_ =	sfence.sel $0x180000  }
0x4a: {  	s2 =	simm.s32 $0x1;
	[bflag:$0x0] =	sbarrier.arrive $0xFFFF  }
0x4b: {  	s31 =	simm.s32 $0x2;
	[sflag:s2] =	ssyncpa.u1 $0x1  }
0x4c: {  	[sflag:s31] =	ssyncpa.u1 $0x1  }
0x4d: {  	p0 =	sne.s32 s0, $0x0;
	_ =	strace $0x9000004A  }
0x4e: {  	s0 =	sadd.s32 @!p0 $0x100000, s1;
	[bflag:$0x2] =	sbarrier.arrive $0xFFFF  }
0x4f: {  	[sflag:s0] =	ssyncadd.tile.s32 @!p0 $0x1;
	_ =	shalt  }
.Lfunc_end1:
_tile_overlayer_lowered:
.L_overlay_start_2:
0x50: {  	(tag) =	ssettag $0x2  }
0x51: {  	s0 =	rddreg [dreg:$0x0];
	s2 =	stileid.u32  }
0x52: {  	s1 =	rddreg [dreg:$0x1];
	p0 =	sne.s32 s2, $0x0  }
0x53: {  	s3 =	rddreg [dreg:$0x2];
	[bflag:$0x3] =	sbarrier.arrive $0xFFFF;
	s2 =	simm.s32 @!p0 $0x1C01  }
0x54: {  	[timem:s3], [sflag:s2] =	dma.local @!p0 [hbm:s0], s1  }
0x55: {  	s0 =	simm.s32 @!p0 $0x1  }
0x56: {  	_ =	swait.ge @!p0 [sflag:s0], s1  }
0x57: {  	s1 =	ssub.s32 @!p0 $0x0, s1;
	[sflag:s0] =	ssyncset.done @!p0 $0x0  }
0x58: {  	[sflag:s0] =	ssyncadd.s32 @!p0 s1  }
0x59: {  	[bflag:$0x3] =	sbarrier.arrive $0xFFFF  }
0x5a: {  	_ =	shalt  }

</sc_bundles>
